<compile_context>
chip_gen: v7x
topology: tpu7x:2x2x1
jax: 0.10.2.dev20260603
libtpu: 0.0.44.dev20260713+nightly
codegen_flags: <defaults>
</compile_context>

<pallas_src>
import functools

import jax
import jax.numpy as jnp
from jax import lax
from jax.experimental import pallas as pl
from jax.experimental.pallas import tpu as pltpu
from jax.experimental.pallas import tpu_sc as plsc

FN, FT = 48, 256
AN, AT = 96, 96
D = 256
H = 256
NB = 16



def _sc_gather(emb, idx_f, idx_a):
    NF = FN * FT
    NA = AN * AT
    info = plsc.get_sparse_core_info()
    NC, NS = info.num_cores, info.num_subcores
    NW = NC * NS
    bf = NF // NW
    ba = NA // NW
    mesh = plsc.VectorSubcoreMesh(core_axis_name="c", subcore_axis_name="s")

    @functools.partial(
        pl.kernel, mesh=mesh,
        out_type=(jax.ShapeDtypeStruct((NF, D), jnp.float32),
                  jax.ShapeDtypeStruct((NA, D), jnp.float32)),
        scratch_types=[
            pltpu.VMEM((bf,), jnp.int32),
            pltpu.VMEM((ba,), jnp.int32),
            pltpu.VMEM((bf, D), jnp.float32),
            pltpu.SemaphoreType.DMA,
        ],
    )
    def k(emb_hbm, idxf_hbm, idxa_hbm, outf_hbm, outa_hbm,
          idxf_v, idxa_v, rows_v, sem):
        wid = lax.axis_index("s") * NC + lax.axis_index("c")
        base_f = wid * bf
        pltpu.sync_copy(idxf_hbm.at[pl.ds(base_f, bf)], idxf_v)
        pltpu.async_copy(emb_hbm.at[idxf_v], rows_v, sem).wait()
        pltpu.sync_copy(rows_v, outf_hbm.at[pl.ds(base_f, bf)])
        base_a = wid * ba
        pltpu.sync_copy(idxa_hbm.at[pl.ds(base_a, ba)], idxa_v)
        pltpu.async_copy(emb_hbm.at[idxa_v], rows_v.at[pl.ds(0, ba)], sem).wait()
        pltpu.sync_copy(rows_v.at[pl.ds(0, ba)], outa_hbm.at[pl.ds(base_a, ba)])

    return k(emb, idx_f, idx_a)



def _sigm(x):
    return jax.nn.sigmoid(x)


def _lstm_step(xp, h, c, acc, Whh, m, mask_state):
    g = xp + jnp.dot(h, Whh, preferred_element_type=jnp.float32)
    i = _sigm(g[:, 0:H])
    f = _sigm(g[:, H:2 * H])
    gg = jnp.tanh(g[:, 2 * H:3 * H])
    o = _sigm(g[:, 3 * H:4 * H])
    c_new = f * c + i * gg
    h_new = o * jnp.tanh(c_new)
    if mask_state:
        h2 = jnp.where(m, h_new.astype(jnp.bfloat16), h)
        c2 = jnp.where(m, c_new, c)
    else:
        h2 = h_new.astype(jnp.bfloat16)
        c2 = c_new
    acc2 = acc + jnp.where(m, h_new, 0.0)
    return h2, c2, acc2


CH = 8
FCH = FT // CH
ACH = AT // CH


def _tc_body(ef_ref, ea_ref, lensf_ref, lensa_ref, fidx_ref, aidx_ref,
             WihFf_ref, WhhFf_ref, bFf_ref, WihFr_ref, WhhFr_ref, bFr_ref,
             WihAf_ref, WhhAf_ref, bAf_ref, WihAr_ref, WhhAr_ref, bAr_ref,
             W1_ref, b1_ref, W2_ref, b2_ref, out_ref,
             XPFfA_ref, XPFfB_ref, XPFrA_ref, XPFrB_ref,
             XPAfA_ref, XPAfB_ref, XPArA_ref, XPArB_ref):
    WhhFf = WhhFf_ref[...]
    WhhFr = WhhFr_ref[...]
    WhhAf = WhhAf_ref[...]
    WhhAr = WhhAr_ref[...]
    lens_f = lensf_ref[...]
    lens_a = lensa_ref[...]

    def pf(c, dstf, dstr):
        xf = ef_ref[pl.ds(c * CH, CH)].reshape(CH * FN, D)
        dstf[...] = (jnp.dot(xf, WihFf_ref[...],
                             preferred_element_type=jnp.float32) + bFf_ref[...])
        xr = ef_ref[pl.ds(FT - CH - c * CH, CH)].reshape(CH * FN, D)
        dstr[...] = (jnp.dot(xr, WihFr_ref[...],
                             preferred_element_type=jnp.float32) + bFr_ref[...])

    def pa(c, dstf, dstr):
        xa = ea_ref[pl.ds(c * CH, CH)].reshape(CH * AN, D)
        dstf[...] = (jnp.dot(xa, WihAf_ref[...],
                             preferred_element_type=jnp.float32) + bAf_ref[...])
        xr = ea_ref[pl.ds(AT - CH - c * CH, CH)].reshape(CH * AN, D)
        dstr[...] = (jnp.dot(xr, WihAr_ref[...],
                             preferred_element_type=jnp.float32) + bAr_ref[...])

    def fsteps(c, st, Ff_ref, Fr_ref):
        hf, cf, af, hr, cr, ar = st
        for j in range(CH):
            s = c * CH + j
            xpf = Ff_ref[pl.ds(j * FN, FN)]
            hf, cf, af = _lstm_step(xpf, hf, cf, af, WhhFf, s < lens_f, False)
            tr = FT - 1 - s
            xpr = Fr_ref[pl.ds((CH - 1 - j) * FN, FN)]
            hr, cr, ar = _lstm_step(xpr, hr, cr, ar, WhhFr, tr < lens_f, True)
        return hf, cf, af, hr, cr, ar

    def asteps(c, st, Af_ref, Ar_ref):
        hf, cf, af, hr, cr, ar = st
        for j in range(CH):
            s = c * CH + j
            xpf = Af_ref[pl.ds(j * AN, AN)]
            hf, cf, af = _lstm_step(xpf, hf, cf, af, WhhAf, s < lens_a, False)
            tr = AT - 1 - s
            xpr = Ar_ref[pl.ds((CH - 1 - j) * AN, AN)]
            hr, cr, ar = _lstm_step(xpr, hr, cr, ar, WhhAr, tr < lens_a, True)
        return hf, cf, af, hr, cr, ar

    zf = jnp.zeros((FN, H), jnp.float32)
    za = jnp.zeros((AN, H), jnp.float32)
    zfh = jnp.zeros((FN, H), jnp.bfloat16)
    zah = jnp.zeros((AN, H), jnp.bfloat16)
    cf0 = (zfh, zf, zf, zfh, zf, zf)
    ca0 = (zah, za, za, zah, za, za)

    def pair_both(p, carry):
        cst, ast_ = carry
        c0 = 2 * p
        pf(c0 + 1, XPFfB_ref, XPFrB_ref)
        pa(jnp.minimum(c0 + 1, ACH - 1), XPAfB_ref, XPArB_ref)
        cst = fsteps(c0, cst, XPFfA_ref, XPFrA_ref)
        ast_ = asteps(c0, ast_, XPAfA_ref, XPArA_ref)
        pf(c0 + 2, XPFfA_ref, XPFrA_ref)
        pa(jnp.minimum(c0 + 2, ACH - 1), XPAfA_ref, XPArA_ref)
        cst = fsteps(c0 + 1, cst, XPFfB_ref, XPFrB_ref)
        ast_ = asteps(c0 + 1, ast_, XPAfB_ref, XPArB_ref)
        return cst, ast_

    def pair_facts(p, carry):
        cst, ast_ = carry
        c0 = 2 * p
        pf(c0 + 1, XPFfB_ref, XPFrB_ref)
        cst = fsteps(c0, cst, XPFfA_ref, XPFrA_ref)
        pf(jnp.minimum(c0 + 2, FCH - 1), XPFfA_ref, XPFrA_ref)
        cst = fsteps(c0 + 1, cst, XPFfB_ref, XPFrB_ref)
        return cst, ast_

    pf(0, XPFfA_ref, XPFrA_ref)
    pa(0, XPAfA_ref, XPArA_ref)
    cf1, ca1 = lax.fori_loop(0, ACH // 2, pair_both, (cf0, ca0))
    cf2, _ = lax.fori_loop(ACH // 2, FCH // 2, pair_facts, (cf1, ca1))
    enc_f = jnp.concatenate([cf2[2], cf2[5]], axis=1)
    enc_a = jnp.concatenate([ca1[2], ca1[5]], axis=1)

    iota_f = lax.broadcasted_iota(jnp.int32, (NB, FN), 1)
    iota_a = lax.broadcasted_iota(jnp.int32, (NB, AN), 1)
    fidx = fidx_ref[...]
    aidx = aidx_ref[...]
    Pf = jnp.zeros((NB, FN), jnp.float32)
    for k in range(fidx.shape[1]):
        Pf = Pf + (iota_f == fidx[:, k:k + 1]).astype(jnp.float32)
    Pa = jnp.zeros((NB, AN), jnp.float32)
    for k in range(aidx.shape[1]):
        Pa = Pa + (iota_a == aidx[:, k:k + 1]).astype(jnp.float32)
    sf = jnp.dot(Pf, enc_f, preferred_element_type=jnp.float32)
    sa = jnp.dot(Pa, enc_a, preferred_element_type=jnp.float32)

    x1 = jnp.tanh(jnp.concatenate([sf, sa], axis=1))
    inter = jnp.dot(x1, W1_ref[...], preferred_element_type=jnp.float32) + b1_ref[...]
    out_ref[...] = (jnp.dot(jnp.tanh(inter), W2_ref[...],
                            preferred_element_type=jnp.float32) + b2_ref[...])


def _tc_forward(ef_tm, ea_tm, lens_f, lens_a, fidx, aidx, *ws):
    return pl.pallas_call(
        _tc_body,
        out_shape=jax.ShapeDtypeStruct((NB, 12), jnp.float32),
        scratch_shapes=(
            [pltpu.VMEM((CH * FN, 4 * H), jnp.float32)] * 4
            + [pltpu.VMEM((CH * AN, 4 * H), jnp.float32)] * 4
        ),
    )(ef_tm, ea_tm, lens_f, lens_a, fidx, aidx, *ws)


def kernel(facts, fact_lens, artis, arti_lens, fact_indices, arti_indices, emb,
           fWih_f, fWhh_f, fbih_f, fbhh_f, fWih_r, fWhh_r, fbih_r, fbhh_r,
           aWih_f, aWhh_f, abih_f, abhh_f, aWih_r, aWhh_r, abih_r, abhh_r,
           W1, b1, W2, b2):
    idx_f = facts.T.reshape(-1).astype(jnp.int32)
    idx_a = artis.T.reshape(-1).astype(jnp.int32)
    ef_flat, ea_flat = _sc_gather(emb, idx_f, idx_a)
    ef_tm = ef_flat.reshape(FT, FN, D).astype(jnp.bfloat16)
    ea_tm = ea_flat.reshape(AT, AN, D).astype(jnp.bfloat16)

    bh = jnp.bfloat16
    ws = (fWih_f.T.astype(bh), fWhh_f.T.astype(bh), (fbih_f + fbhh_f)[None, :],
          fWih_r.T.astype(bh), fWhh_r.T.astype(bh), (fbih_r + fbhh_r)[None, :],
          aWih_f.T.astype(bh), aWhh_f.T.astype(bh), (abih_f + abhh_f)[None, :],
          aWih_r.T.astype(bh), aWhh_r.T.astype(bh), (abih_r + abhh_r)[None, :],
          W1.T, b1[None, :], W2.T, b2[None, :])

    return _tc_forward(
        ef_tm, ea_tm,
        fact_lens.astype(jnp.int32).reshape(FN, 1),
        arti_lens.astype(jnp.int32).reshape(AN, 1),
        fact_indices.astype(jnp.int32), arti_indices.astype(jnp.int32),
        *ws)

# --- scband reference (transcript-rebuilt; emitter-appended) ---
"""Pipeline reference for scband-decision-predictor-55473797595802 (READ-ONLY COPY).

The authoritative reference and input builder live on the scoring server;
editing this copy changes nothing except your own understanding.
"""

import jax, jax.numpy as jnp
import numpy as np

V, D, H = 50000, 256, 256
FN, FT = 48, 256
AN, AT = 96, 96
B, KF, KA = 16, 4, 8
ND = 12


def _lstm_params(k):
    k1, k2, k3, k4 = jax.random.split(k, 4)
    s = 1.0 / np.sqrt(H)
    return (jax.random.uniform(k1, (4 * H, D), minval=-s, maxval=s),
            jax.random.uniform(k2, (4 * H, H), minval=-s, maxval=s),
            jax.random.uniform(k3, (4 * H,), minval=-s, maxval=s),
            jax.random.uniform(k4, (4 * H,), minval=-s, maxval=s))


def setup_inputs(seed: int = 0):
    key = jax.random.key(seed)
    ks = jax.random.split(key, 16)
    inp = {}
    inp["facts"] = jax.random.randint(ks[0], (FN, FT), 0, V)
    inp["fact_lens"] = jax.random.randint(ks[1], (FN,), 1, FT + 1)
    inp["artis"] = jax.random.randint(ks[2], (AN, AT), 0, V)
    inp["arti_lens"] = jnp.sort(jax.random.randint(ks[3], (AN,), 1, AT + 1))[::-1]
    inp["fact_indices"] = jax.random.randint(ks[4], (B, KF), 0, FN)
    inp["arti_indices"] = jax.random.randint(ks[5], (B, KA), 0, AN)
    inp["emb"] = jax.random.normal(ks[6], (V, D)) * 0.1
    names = ["Wih", "Whh", "bih", "bhh"]
    for pre, kk in (("f", 7), ("a", 9)):
        pf = _lstm_params(ks[kk])
        pr = _lstm_params(ks[kk + 1])
        for n, v in zip(names, pf):
            inp[pre + n + "_f"] = v
        for n, v in zip(names, pr):
            inp[pre + n + "_r"] = v
    inp["W1"] = jax.random.normal(ks[11], (64, 4 * H)) * 0.02
    inp["b1"] = jnp.zeros((64,))
    inp["W2"] = jax.random.normal(ks[12], (ND, 64)) * 0.02
    inp["b2"] = jnp.zeros((ND,))
    return inp


def _lstm_dir(x, lens, Wih, Whh, bih, bhh):
    # masked LSTM == pack_padded_sequence semantics; padded outputs are 0
    T = x.shape[1]
    n = x.shape[0]
    xs = jnp.swapaxes(x, 0, 1)
    ts = jnp.arange(T)

    def step(carry, inp):
        h, c = carry
        xt, t = inp
        g = xt @ Wih.T + bih + h @ Whh.T + bhh
        i, f, gg, o = jnp.split(g, 4, axis=-1)
        c_new = jax.nn.sigmoid(f) * c + jax.nn.sigmoid(i) * jnp.tanh(gg)
        h_new = jax.nn.sigmoid(o) * jnp.tanh(c_new)
        m = (t < lens)[:, None]
        return (jnp.where(m, h_new, h), jnp.where(m, c_new, c)), jnp.where(m, h_new, 0.0)

    init = (jnp.zeros((n, H)), jnp.zeros((n, H)))
    _, outs = jax.lax.scan(step, init, (xs, ts))
    return jnp.sum(outs, axis=0)


def _reverse_by_len(x, lens):
    T = x.shape[1]
    t = jnp.arange(T)[None, :]
    idx = jnp.clip(lens[:, None] - 1 - t, 0, T - 1)
    rev = jnp.take_along_axis(x, idx[:, :, None], axis=1)
    return jnp.where((t < lens[:, None])[:, :, None], rev, 0.0)


def _bilstm_sum(x, lens, pf, pr):
    # sum over time of bidirectional LSTM outputs (== torch.sum(pad_packed(...), dim=1))
    fwd = _lstm_dir(x, lens, *pf)
    bwd = _lstm_dir(_reverse_by_len(x, lens), lens, *pr)
    return jnp.concatenate([fwd, bwd], axis=-1)


def reference(facts, fact_lens, artis, arti_lens, fact_indices, arti_indices, emb,
              fWih_f, fWhh_f, fbih_f, fbhh_f, fWih_r, fWhh_r, fbih_r, fbhh_r,
              aWih_f, aWhh_f, abih_f, abhh_f, aWih_r, aWhh_r, abih_r, abhh_r,
              W1, b1, W2, b2):
    ef = jnp.take(emb, facts, axis=0)
    ea = jnp.take(emb, artis, axis=0)
    enc_f = _bilstm_sum(ef, fact_lens, (fWih_f, fWhh_f, fbih_f, fbhh_f),
                        (fWih_r, fWhh_r, fbih_r, fbhh_r))
    enc_a = _bilstm_sum(ea, arti_lens, (aWih_f, aWhh_f, abih_f, abhh_f),
                        (aWih_r, aWhh_r, abih_r, abhh_r))
    sf = jnp.take(enc_f, fact_indices, axis=0).sum(axis=1)
    sa = jnp.take(enc_a, arti_indices, axis=0).sum(axis=1)
    inter = jnp.tanh(jnp.concatenate([sf, sa], axis=-1)) @ W1.T + b1
    return jnp.tanh(inter) @ W2.T + b2

if __name__ == "__main__":
    import jax
    _d = setup_inputs()
    print(jax.jit(kernel)(*tuple(_d.values())))

</pallas_src>

<mosaic_0001>
#map = affine_map<(d0, d1) -> (0, 0)>
#map1 = affine_map<(d0, d1) -> (0)>
module attributes {stable_mosaic.version = 14 : i64} {
  func.func @k(%arg0: i32, %arg1: i32, %arg2: memref<50000x256xf32, #tpu.memory_space<hbm>>, %arg3: memref<12288xi32, #tpu.memory_space<hbm>>, %arg4: memref<9216xi32, #tpu.memory_space<hbm>>, %arg5: memref<12288x256xf32, #tpu.memory_space<hbm>>, %arg6: memref<9216x256xf32, #tpu.memory_space<hbm>>, %arg7: memref<384xi32, #tpu.memory_space<vmem>>, %arg8: memref<288xi32, #tpu.memory_space<vmem>>, %arg9: memref<384x256xf32, #tpu.memory_space<vmem>>, %arg10: memref<!tpu.dma_semaphore, #tpu.memory_space<semaphore_mem>>) attributes {dimension_semantics = [#tpu.dimension_semantics<core_parallel>, #tpu.dimension_semantics<subcore_parallel>], iteration_bounds = array<i64: 2, 16>, scalar_prefetch = 0 : i64, scratch_operands = 4 : i64, tpu.core_type = #tpu.core_type<sc_vector_subcore>, window_params = [{transform_indices = #map}, {transform_indices = #map1}, {transform_indices = #map1}, {transform_indices = #map}, {transform_indices = #map}]} {
    %mul3A = arith.constant 2 : i32
    %mul3A_0 = arith.muli %arg1, %mul3A : i32
    %add3A = arith.addi %mul3A_0, %arg0 : i32
    %mul3A_1 = arith.constant 384 : i32
    %mul3A_2 = arith.muli %add3A, %mul3A_1 : i32
    "tpu.region"() ({
      %run_scoped3A = tpu.sem_alloc : memref<!tpu.dma_semaphore, #tpu.memory_space<semaphore_mem>>
      %dma_start3A_21 = tpu.memref_slice %arg3[%mul3A_2] : memref<12288xi32, #tpu.memory_space<hbm>> -> memref<384xi32, #tpu.memory_space<hbm>>
      %dma_start3A_22 = tpu.memref_slice %arg3[%mul3A_2] : memref<12288xi32, #tpu.memory_space<hbm>> -> memref<384xi32, #tpu.memory_space<hbm>>
      tpu.enqueue_dma source(%dma_start3A_22 : memref<384xi32, #tpu.memory_space<hbm>>) target(%arg7 : memref<384xi32, #tpu.memory_space<vmem>>) target_semaphore(%run_scoped3A : memref<!tpu.dma_semaphore, #tpu.memory_space<semaphore_mem>>)
      %dma_wait3A_23 = tpu.memref_slice %arg3[%mul3A_2] : memref<12288xi32, #tpu.memory_space<hbm>> -> memref<384xi32, #tpu.memory_space<hbm>>
      %dma_wait3A_24 = tpu.memref_slice %arg3[%mul3A_2] : memref<12288xi32, #tpu.memory_space<hbm>> -> memref<384xi32, #tpu.memory_space<hbm>>
      tpu.wait_dma2 semaphore(%run_scoped3A : memref<!tpu.dma_semaphore, #tpu.memory_space<semaphore_mem>>) src(%dma_wait3A_24 : memref<384xi32, #tpu.memory_space<hbm>>) dst(%arg7 : memref<384xi32, #tpu.memory_space<vmem>>)
      tpu.yield
    }) : () -> ()
    %dma_start3A = arith.constant 0 : i32
    %dma_start3A_3 = arith.constant 0 : i32
    %dma_start3A_4 = tpu.memref_slice %arg2[%dma_start3A, %dma_start3A_3] : memref<50000x256xf32, #tpu.memory_space<hbm>> -> memref<50000x256xf32, #tpu.memory_space<hbm>>
    tpu.enqueue_indirect_dma source(%dma_start3A_4 : memref<50000x256xf32, #tpu.memory_space<hbm>>) target(%arg9 : memref<384x256xf32, #tpu.memory_space<vmem>>) offsets(%arg7 : memref<384xi32, #tpu.memory_space<vmem>>) semaphore(%arg10 : memref<!tpu.dma_semaphore, #tpu.memory_space<semaphore_mem>>)
    %dma_wait3A = arith.constant 0 : i32
    %dma_wait3A_5 = arith.constant 0 : i32
    %dma_wait3A_6 = tpu.memref_slice %arg2[%dma_wait3A, %dma_wait3A_5] : memref<50000x256xf32, #tpu.memory_space<hbm>> -> memref<50000x256xf32, #tpu.memory_space<hbm>>
    tpu.wait_indirect_dma semaphore(%arg10 : memref<!tpu.dma_semaphore, #tpu.memory_space<semaphore_mem>>) src(%dma_wait3A_6 : memref<50000x256xf32, #tpu.memory_space<hbm>>) dst(%arg9 : memref<384x256xf32, #tpu.memory_space<vmem>>)
    "tpu.region"() ({
      %run_scoped3A = tpu.sem_alloc : memref<!tpu.dma_semaphore, #tpu.memory_space<semaphore_mem>>
      %dma_start3A_21 = arith.constant 0 : i32
      %dma_start3A_22 = tpu.memref_slice %arg5[%mul3A_2, %dma_start3A_21] : memref<12288x256xf32, #tpu.memory_space<hbm>> -> memref<384x256xf32, #tpu.memory_space<hbm>>
      %dma_start3A_23 = arith.constant 0 : i32
      %dma_start3A_24 = tpu.memref_slice %arg5[%mul3A_2, %dma_start3A_23] : memref<12288x256xf32, #tpu.memory_space<hbm>> -> memref<384x256xf32, #tpu.memory_space<hbm>>
      tpu.enqueue_dma source(%arg9 : memref<384x256xf32, #tpu.memory_space<vmem>>) target(%dma_start3A_24 : memref<384x256xf32, #tpu.memory_space<hbm>>) target_semaphore(%run_scoped3A : memref<!tpu.dma_semaphore, #tpu.memory_space<semaphore_mem>>)
      %dma_wait3A_25 = arith.constant 0 : i32
      %dma_wait3A_26 = tpu.memref_slice %arg5[%mul3A_2, %dma_wait3A_25] : memref<12288x256xf32, #tpu.memory_space<hbm>> -> memref<384x256xf32, #tpu.memory_space<hbm>>
      %dma_wait3A_27 = arith.constant 0 : i32
      %dma_wait3A_28 = tpu.memref_slice %arg5[%mul3A_2, %dma_wait3A_27] : memref<12288x256xf32, #tpu.memory_space<hbm>> -> memref<384x256xf32, #tpu.memory_space<hbm>>
      tpu.wait_dma2 semaphore(%run_scoped3A : memref<!tpu.dma_semaphore, #tpu.memory_space<semaphore_mem>>) src(%arg9 : memref<384x256xf32, #tpu.memory_space<vmem>>) dst(%dma_wait3A_28 : memref<384x256xf32, #tpu.memory_space<hbm>>)
      tpu.yield
    }) : () -> ()
    %mul3A_7 = arith.constant 288 : i32
    %mul3A_8 = arith.muli %add3A, %mul3A_7 : i32
    "tpu.region"() ({
      %run_scoped3A = tpu.sem_alloc : memref<!tpu.dma_semaphore, #tpu.memory_space<semaphore_mem>>
      %dma_start3A_21 = tpu.memref_slice %arg4[%mul3A_8] : memref<9216xi32, #tpu.memory_space<hbm>> -> memref<288xi32, #tpu.memory_space<hbm>>
      %dma_start3A_22 = tpu.memref_slice %arg4[%mul3A_8] : memref<9216xi32, #tpu.memory_space<hbm>> -> memref<288xi32, #tpu.memory_space<hbm>>
      tpu.enqueue_dma source(%dma_start3A_22 : memref<288xi32, #tpu.memory_space<hbm>>) target(%arg8 : memref<288xi32, #tpu.memory_space<vmem>>) target_semaphore(%run_scoped3A : memref<!tpu.dma_semaphore, #tpu.memory_space<semaphore_mem>>)
      %dma_wait3A_23 = tpu.memref_slice %arg4[%mul3A_8] : memref<9216xi32, #tpu.memory_space<hbm>> -> memref<288xi32, #tpu.memory_space<hbm>>
      %dma_wait3A_24 = tpu.memref_slice %arg4[%mul3A_8] : memref<9216xi32, #tpu.memory_space<hbm>> -> memref<288xi32, #tpu.memory_space<hbm>>
      tpu.wait_dma2 semaphore(%run_scoped3A : memref<!tpu.dma_semaphore, #tpu.memory_space<semaphore_mem>>) src(%dma_wait3A_24 : memref<288xi32, #tpu.memory_space<hbm>>) dst(%arg8 : memref<288xi32, #tpu.memory_space<vmem>>)
      tpu.yield
    }) : () -> ()
    %dma_start3A_9 = arith.constant 0 : i32
    %dma_start3A_10 = arith.constant 0 : i32
    %dma_start3A_11 = tpu.memref_slice %arg9[%dma_start3A_9, %dma_start3A_10] : memref<384x256xf32, #tpu.memory_space<vmem>> -> memref<288x256xf32, #tpu.memory_space<vmem>>
    %dma_start3A_12 = arith.constant 0 : i32
    %dma_start3A_13 = arith.constant 0 : i32
    %dma_start3A_14 = tpu.memref_slice %arg2[%dma_start3A_12, %dma_start3A_13] : memref<50000x256xf32, #tpu.memory_space<hbm>> -> memref<50000x256xf32, #tpu.memory_space<hbm>>
    tpu.enqueue_indirect_dma source(%dma_start3A_14 : memref<50000x256xf32, #tpu.memory_space<hbm>>) target(%dma_start3A_11 : memref<288x256xf32, #tpu.memory_space<vmem>>) offsets(%arg8 : memref<288xi32, #tpu.memory_space<vmem>>) semaphore(%arg10 : memref<!tpu.dma_semaphore, #tpu.memory_space<semaphore_mem>>)
    %dma_wait3A_15 = arith.constant 0 : i32
    %dma_wait3A_16 = arith.constant 0 : i32
    %dma_wait3A_17 = tpu.memref_slice %arg9[%dma_wait3A_15, %dma_wait3A_16] : memref<384x256xf32, #tpu.memory_space<vmem>> -> memref<288x256xf32, #tpu.memory_space<vmem>>
    %dma_wait3A_18 = arith.constant 0 : i32
    %dma_wait3A_19 = arith.constant 0 : i32
    %dma_wait3A_20 = tpu.memref_slice %arg2[%dma_wait3A_18, %dma_wait3A_19] : memref<50000x256xf32, #tpu.memory_space<hbm>> -> memref<50000x256xf32, #tpu.memory_space<hbm>>
    tpu.wait_indirect_dma semaphore(%arg10 : memref<!tpu.dma_semaphore, #tpu.memory_space<semaphore_mem>>) src(%dma_wait3A_20 : memref<50000x256xf32, #tpu.memory_space<hbm>>) dst(%dma_wait3A_17 : memref<288x256xf32, #tpu.memory_space<vmem>>)
    "tpu.region"() ({
      %run_scoped3A = tpu.sem_alloc : memref<!tpu.dma_semaphore, #tpu.memory_space<semaphore_mem>>
      %dma_start3A_21 = arith.constant 0 : i32
      %dma_start3A_22 = arith.constant 0 : i32
      %dma_start3A_23 = tpu.memref_slice %arg9[%dma_start3A_21, %dma_start3A_22] : memref<384x256xf32, #tpu.memory_space<vmem>> -> memref<288x256xf32, #tpu.memory_space<vmem>>
      %dma_start3A_24 = arith.constant 0 : i32
      %dma_start3A_25 = tpu.memref_slice %arg6[%mul3A_8, %dma_start3A_24] : memref<9216x256xf32, #tpu.memory_space<hbm>> -> memref<288x256xf32, #tpu.memory_space<hbm>>
      %dma_start3A_26 = arith.constant 0 : i32
      %dma_start3A_27 = tpu.memref_slice %arg6[%mul3A_8, %dma_start3A_26] : memref<9216x256xf32, #tpu.memory_space<hbm>> -> memref<288x256xf32, #tpu.memory_space<hbm>>
      %dma_start3A_28 = arith.constant 0 : i32
      %dma_start3A_29 = arith.constant 0 : i32
      %dma_start3A_30 = tpu.memref_slice %arg9[%dma_start3A_28, %dma_start3A_29] : memref<384x256xf32, #tpu.memory_space<vmem>> -> memref<288x256xf32, #tpu.memory_space<vmem>>
      tpu.enqueue_dma source(%dma_start3A_30 : memref<288x256xf32, #tpu.memory_space<vmem>>) target(%dma_start3A_27 : memref<288x256xf32, #tpu.memory_space<hbm>>) target_semaphore(%run_scoped3A : memref<!tpu.dma_semaphore, #tpu.memory_space<semaphore_mem>>)
      %dma_wait3A_31 = arith.constant 0 : i32
      %dma_wait3A_32 = arith.constant 0 : i32
      %dma_wait3A_33 = tpu.memref_slice %arg9[%dma_wait3A_31, %dma_wait3A_32] : memref<384x256xf32, #tpu.memory_space<vmem>> -> memref<288x256xf32, #tpu.memory_space<vmem>>
      %dma_wait3A_34 = arith.constant 0 : i32
      %dma_wait3A_35 = tpu.memref_slice %arg6[%mul3A_8, %dma_wait3A_34] : memref<9216x256xf32, #tpu.memory_space<hbm>> -> memref<288x256xf32, #tpu.memory_space<hbm>>
      %dma_wait3A_36 = arith.constant 0 : i32
      %dma_wait3A_37 = tpu.memref_slice %arg6[%mul3A_8, %dma_wait3A_36] : memref<9216x256xf32, #tpu.memory_space<hbm>> -> memref<288x256xf32, #tpu.memory_space<hbm>>
      %dma_wait3A_38 = arith.constant 0 : i32
      %dma_wait3A_39 = arith.constant 0 : i32
      %dma_wait3A_40 = tpu.memref_slice %arg9[%dma_wait3A_38, %dma_wait3A_39] : memref<384x256xf32, #tpu.memory_space<vmem>> -> memref<288x256xf32, #tpu.memory_space<vmem>>
      tpu.wait_dma2 semaphore(%run_scoped3A : memref<!tpu.dma_semaphore, #tpu.memory_space<semaphore_mem>>) src(%dma_wait3A_40 : memref<288x256xf32, #tpu.memory_space<vmem>>) dst(%dma_wait3A_37 : memref<288x256xf32, #tpu.memory_space<hbm>>)
      tpu.yield
    }) : () -> ()
    return
  }
}

module attributes {stable_mosaic.version = 14 : i64} {
  func.func @_tc_body(%arg0: memref<256x48x256xbf16, #tpu.memory_space<vmem>>, %arg1: memref<96x96x256xbf16, #tpu.memory_space<vmem>>, %arg2: memref<48x1xi32, #tpu.memory_space<vmem>>, %arg3: memref<96x1xi32, #tpu.memory_space<vmem>>, %arg4: memref<16x4xi32, #tpu.memory_space<vmem>>, %arg5: memref<16x8xi32, #tpu.memory_space<vmem>>, %arg6: memref<256x1024xbf16, #tpu.memory_space<vmem>>, %arg7: memref<256x1024xbf16, #tpu.memory_space<vmem>>, %arg8: memref<1x1024xf32, #tpu.memory_space<vmem>>, %arg9: memref<256x1024xbf16, #tpu.memory_space<vmem>>, %arg10: memref<256x1024xbf16, #tpu.memory_space<vmem>>, %arg11: memref<1x1024xf32, #tpu.memory_space<vmem>>, %arg12: memref<256x1024xbf16, #tpu.memory_space<vmem>>, %arg13: memref<256x1024xbf16, #tpu.memory_space<vmem>>, %arg14: memref<1x1024xf32, #tpu.memory_space<vmem>>, %arg15: memref<256x1024xbf16, #tpu.memory_space<vmem>>, %arg16: memref<256x1024xbf16, #tpu.memory_space<vmem>>, %arg17: memref<1x1024xf32, #tpu.memory_space<vmem>>, %arg18: memref<1024x64xf32, #tpu.memory_space<vmem>>, %arg19: memref<1x64xf32, #tpu.memory_space<vmem>>, %arg20: memref<64x12xf32, #tpu.memory_space<vmem>>, %arg21: memref<1x12xf32, #tpu.memory_space<vmem>>, %arg22: memref<16x12xf32, #tpu.memory_space<vmem>>, %arg23: memref<384x1024xf32, #tpu.memory_space<vmem>>, %arg24: memref<384x1024xf32, #tpu.memory_space<vmem>>, %arg25: memref<384x1024xf32, #tpu.memory_space<vmem>>, %arg26: memref<384x1024xf32, #tpu.memory_space<vmem>>, %arg27: memref<768x1024xf32, #tpu.memory_space<vmem>>, %arg28: memref<768x1024xf32, #tpu.memory_space<vmem>>, %arg29: memref<768x1024xf32, #tpu.memory_space<vmem>>, %arg30: memref<768x1024xf32, #tpu.memory_space<vmem>>) attributes {dimension_semantics = [], scalar_prefetch = 0 : i64, scratch_operands = 8 : i64, tpu.core_type = #tpu.core_type<tc>} {
    %get3A = arith.constant 0 : index
    %get3A_0 = arith.constant 0 : index
    %get3A_1 = vector.load %arg7[%get3A, %get3A_0] : memref<256x1024xbf16, #tpu.memory_space<vmem>>, vector<256x1024xbf16>
    %get3A_2 = arith.constant 0 : index
    %get3A_3 = arith.constant 0 : index
    %get3A_4 = vector.load %arg10[%get3A_2, %get3A_3] : memref<256x1024xbf16, #tpu.memory_space<vmem>>, vector<256x1024xbf16>
    %get3A_5 = arith.constant 0 : index
    %get3A_6 = arith.constant 0 : index
    %get3A_7 = vector.load %arg13[%get3A_5, %get3A_6] : memref<256x1024xbf16, #tpu.memory_space<vmem>>, vector<256x1024xbf16>
    %get3A_8 = arith.constant 0 : index
    %get3A_9 = arith.constant 0 : index
    %get3A_10 = vector.load %arg16[%get3A_8, %get3A_9] : memref<256x1024xbf16, #tpu.memory_space<vmem>>, vector<256x1024xbf16>
    %get3A_11 = arith.constant 0 : index
    %get3A_12 = arith.constant 0 : index
    %get3A_13 = vector.load %arg2[%get3A_11, %get3A_12] : memref<48x1xi32, #tpu.memory_space<vmem>>, vector<48x1xi32>
    %get3A_14 = arith.constant 0 : index
    %get3A_15 = arith.constant 0 : index
    %get3A_16 = vector.load %arg3[%get3A_14, %get3A_15] : memref<96x1xi32, #tpu.memory_space<vmem>>, vector<96x1xi32>
    %broadcast_in_dim3A = arith.constant 0.000000e+00 : f32
    %broadcast_in_dim3A_17 = vector.broadcast %broadcast_in_dim3A : f32 to vector<48x256xf32>
    %broadcast_in_dim3A_18 = arith.constant 0.000000e+00 : f32
    %broadcast_in_dim3A_19 = vector.broadcast %broadcast_in_dim3A_18 : f32 to vector<96x256xf32>
    %broadcast_in_dim3A_20 = arith.constant 0.000000e+00 : bf16
    %broadcast_in_dim3A_21 = vector.broadcast %broadcast_in_dim3A_20 : bf16 to vector<48x256xbf16>
    %broadcast_in_dim3A_22 = arith.constant 0.000000e+00 : bf16
    %broadcast_in_dim3A_23 = vector.broadcast %broadcast_in_dim3A_22 : bf16 to vector<96x256xbf16>
    %get3A_24 = arith.constant 0 : index
    %get3A_25 = arith.constant 0 : index
    %get3A_26 = arith.constant 0 : index
    %get3A_27 = vector.load %arg0[%get3A_24, %get3A_25, %get3A_26] : memref<256x48x256xbf16, #tpu.memory_space<vmem>>, vector<8x48x256xbf16>
    %reshape3A = vector.shape_cast %get3A_27 : vector<8x48x256xbf16> to vector<384x256xbf16>
    %get3A_28 = arith.constant 0 : index
    %get3A_29 = arith.constant 0 : index
    %get3A_30 = vector.load %arg6[%get3A_28, %get3A_29] : memref<256x1024xbf16, #tpu.memory_space<vmem>>, vector<256x1024xbf16>
    %dot_general3A = arith.constant dense<0.000000e+00> : vector<384x1024xf32>
    %dot_general3A_31 = tpu.matmul %reshape3A, %get3A_30, %dot_general3A {dimension_numbers = #tpu.dot_dimension_numbers<[1], [0], [0], [1], [0, 0, 1, 1], [], []>, transpose_lhs_hint = false} : vector<384x256xbf16>, vector<256x1024xbf16>, vector<384x1024xf32> -> vector<384x1024xf32>
    %get3A_32 = arith.constant 0 : index
    %get3A_33 = arith.constant 0 : index
    %get3A_34 = vector.load %arg8[%get3A_32, %get3A_33] : memref<1x1024xf32, #tpu.memory_space<vmem>>, vector<1x1024xf32>
    %add3A = vector.broadcast %get3A_34 : vector<1x1024xf32> to vector<384x1024xf32>
    %add3A_35 = arith.addf %dot_general3A_31, %add3A : vector<384x1024xf32>
    %swap3A = arith.constant 0 : index
    %swap3A_36 = arith.constant 0 : index
    %swap3A_37 = vector.load %arg23[%swap3A, %swap3A_36] : memref<384x1024xf32, #tpu.memory_space<vmem>>, vector<384x1024xf32>
    tpu.vector_store %arg23[%swap3A, %swap3A_36], %add3A_35 {strides = array<i32>} : memref<384x1024xf32, #tpu.memory_space<vmem>>, vector<384x1024xf32>,
    %get3A_38 = arith.constant 248 : index
    %get3A_39 = arith.constant 0 : index
    %get3A_40 = arith.constant 0 : index
    %get3A_41 = vector.load %arg0[%get3A_38, %get3A_39, %get3A_40] : memref<256x48x256xbf16, #tpu.memory_space<vmem>>, vector<8x48x256xbf16>
    %reshape3A_42 = vector.shape_cast %get3A_41 : vector<8x48x256xbf16> to vector<384x256xbf16>
    %get3A_43 = arith.constant 0 : index
    %get3A_44 = arith.constant 0 : index
    %get3A_45 = vector.load %arg9[%get3A_43, %get3A_44] : memref<256x1024xbf16, #tpu.memory_space<vmem>>, vector<256x1024xbf16>
    %dot_general3A_46 = arith.constant dense<0.000000e+00> : vector<384x1024xf32>
    %dot_general3A_47 = tpu.matmul %reshape3A_42, %get3A_45, %dot_general3A_46 {dimension_numbers = #tpu.dot_dimension_numbers<[1], [0], [0], [1], [0, 0, 1, 1], [], []>, transpose_lhs_hint = false} : vector<384x256xbf16>, vector<256x1024xbf16>, vector<384x1024xf32> -> vector<384x1024xf32>
    %get3A_48 = arith.constant 0 : index
    %get3A_49 = arith.constant 0 : index
    %get3A_50 = vector.load %arg11[%get3A_48, %get3A_49] : memref<1x1024xf32, #tpu.memory_space<vmem>>, vector<1x1024xf32>
    %add3A_51 = vector.broadcast %get3A_50 : vector<1x1024xf32> to vector<384x1024xf32>
    %add3A_52 = arith.addf %dot_general3A_47, %add3A_51 : vector<384x1024xf32>
    %swap3A_53 = arith.constant 0 : index
    %swap3A_54 = arith.constant 0 : index
    %swap3A_55 = vector.load %arg25[%swap3A_53, %swap3A_54] : memref<384x1024xf32, #tpu.memory_space<vmem>>, vector<384x1024xf32>
    tpu.vector_store %arg25[%swap3A_53, %swap3A_54], %add3A_52 {strides = array<i32>} : memref<384x1024xf32, #tpu.memory_space<vmem>>, vector<384x1024xf32>,
    %get3A_56 = arith.constant 0 : index
    %get3A_57 = arith.constant 0 : index
    %get3A_58 = arith.constant 0 : index
    %get3A_59 = vector.load %arg1[%get3A_56, %get3A_57, %get3A_58] : memref<96x96x256xbf16, #tpu.memory_space<vmem>>, vector<8x96x256xbf16>
    %reshape3A_60 = vector.shape_cast %get3A_59 : vector<8x96x256xbf16> to vector<768x256xbf16>
    %get3A_61 = arith.constant 0 : index
    %get3A_62 = arith.constant 0 : index
    %get3A_63 = vector.load %arg12[%get3A_61, %get3A_62] : memref<256x1024xbf16, #tpu.memory_space<vmem>>, vector<256x1024xbf16>
    %dot_general3A_64 = arith.constant dense<0.000000e+00> : vector<768x1024xf32>
    %dot_general3A_65 = tpu.matmul %reshape3A_60, %get3A_63, %dot_general3A_64 {dimension_numbers = #tpu.dot_dimension_numbers<[1], [0], [0], [1], [0, 0, 1, 1], [], []>, transpose_lhs_hint = false} : vector<768x256xbf16>, vector<256x1024xbf16>, vector<768x1024xf32> -> vector<768x1024xf32>
    %get3A_66 = arith.constant 0 : index
    %get3A_67 = arith.constant 0 : index
    %get3A_68 = vector.load %arg14[%get3A_66, %get3A_67] : memref<1x1024xf32, #tpu.memory_space<vmem>>, vector<1x1024xf32>
    %add3A_69 = vector.broadcast %get3A_68 : vector<1x1024xf32> to vector<768x1024xf32>
    %add3A_70 = arith.addf %dot_general3A_65, %add3A_69 : vector<768x1024xf32>
    %swap3A_71 = arith.constant 0 : index
    %swap3A_72 = arith.constant 0 : index
    %swap3A_73 = vector.load %arg27[%swap3A_71, %swap3A_72] : memref<768x1024xf32, #tpu.memory_space<vmem>>, vector<768x1024xf32>
    tpu.vector_store %arg27[%swap3A_71, %swap3A_72], %add3A_70 {strides = array<i32>} : memref<768x1024xf32, #tpu.memory_space<vmem>>, vector<768x1024xf32>,
    %get3A_74 = arith.constant 88 : index
    %get3A_75 = arith.constant 0 : index
    %get3A_76 = arith.constant 0 : index
    %get3A_77 = vector.load %arg1[%get3A_74, %get3A_75, %get3A_76] : memref<96x96x256xbf16, #tpu.memory_space<vmem>>, vector<8x96x256xbf16>
    %reshape3A_78 = vector.shape_cast %get3A_77 : vector<8x96x256xbf16> to vector<768x256xbf16>
    %get3A_79 = arith.constant 0 : index
    %get3A_80 = arith.constant 0 : index
    %get3A_81 = vector.load %arg15[%get3A_79, %get3A_80] : memref<256x1024xbf16, #tpu.memory_space<vmem>>, vector<256x1024xbf16>
    %dot_general3A_82 = arith.constant dense<0.000000e+00> : vector<768x1024xf32>
    %dot_general3A_83 = tpu.matmul %reshape3A_78, %get3A_81, %dot_general3A_82 {dimension_numbers = #tpu.dot_dimension_numbers<[1], [0], [0], [1], [0, 0, 1, 1], [], []>, transpose_lhs_hint = false} : vector<768x256xbf16>, vector<256x1024xbf16>, vector<768x1024xf32> -> vector<768x1024xf32>
    %get3A_84 = arith.constant 0 : index
    %get3A_85 = arith.constant 0 : index
    %get3A_86 = vector.load %arg17[%get3A_84, %get3A_85] : memref<1x1024xf32, #tpu.memory_space<vmem>>, vector<1x1024xf32>
    %add3A_87 = vector.broadcast %get3A_86 : vector<1x1024xf32> to vector<768x1024xf32>
    %add3A_88 = arith.addf %dot_general3A_83, %add3A_87 : vector<768x1024xf32>
    %swap3A_89 = arith.constant 0 : index
    %swap3A_90 = arith.constant 0 : index
    %swap3A_91 = vector.load %arg29[%swap3A_89, %swap3A_90] : memref<768x1024xf32, #tpu.memory_space<vmem>>, vector<768x1024xf32>
    tpu.vector_store %arg29[%swap3A_89, %swap3A_90], %add3A_88 {strides = array<i32>} : memref<768x1024xf32, #tpu.memory_space<vmem>>, vector<768x1024xf32>,
    %scan3A = arith.constant 0 : i32
    %scan3A_92 = arith.constant 6 : i32
    %scan3A_93 = arith.addi %scan3A, %scan3A_92 : i32
    %scan3A_94 = arith.constant 1 : i32
    %scan3A_95:12 = scf.for %scan3A_213 = %scan3A to %scan3A_93 step %scan3A_94 iter_args(%scan3A_214 = %broadcast_in_dim3A_21, %scan3A_215 = %broadcast_in_dim3A_17, %scan3A_216 = %broadcast_in_dim3A_17, %scan3A_217 = %broadcast_in_dim3A_21, %scan3A_218 = %broadcast_in_dim3A_17, %scan3A_219 = %broadcast_in_dim3A_17, %scan3A_220 = %broadcast_in_dim3A_23, %scan3A_221 = %broadcast_in_dim3A_19, %scan3A_222 = %broadcast_in_dim3A_19, %scan3A_223 = %broadcast_in_dim3A_23, %scan3A_224 = %broadcast_in_dim3A_19, %scan3A_225 = %broadcast_in_dim3A_19) -> (vector<48x256xbf16>, vector<48x256xf32>, vector<48x256xf32>, vector<48x256xbf16>, vector<48x256xf32>, vector<48x256xf32>, vector<96x256xbf16>, vector<96x256xf32>, vector<96x256xf32>, vector<96x256xbf16>, vector<96x256xf32>, vector<96x256xf32>)  : i32 {
      %mul3A = arith.constant 2 : i32
      %mul3A_226 = arith.muli %mul3A, %scan3A_213 : i32
      %add3A_227 = arith.constant 1 : i32
      %add3A_228 = arith.addi %mul3A_226, %add3A_227 : i32
      %mul3A_229 = arith.constant 8 : i32
      %mul3A_230 = arith.muli %add3A_228, %mul3A_229 : i32
      %get3A_231 = arith.index_cast %mul3A_230 : i32 to index
      %get3A_232 = arith.constant 0 : index
      %get3A_233 = arith.constant 0 : index
      %get3A_234 = vector.load %arg0[%get3A_231, %get3A_232, %get3A_233] : memref<256x48x256xbf16, #tpu.memory_space<vmem>>, vector<8x48x256xbf16>
      %reshape3A_235 = vector.shape_cast %get3A_234 : vector<8x48x256xbf16> to vector<384x256xbf16>
      %get3A_236 = arith.constant 0 : index
      %get3A_237 = arith.constant 0 : index
      %get3A_238 = vector.load %arg6[%get3A_236, %get3A_237] : memref<256x1024xbf16, #tpu.memory_space<vmem>>, vector<256x1024xbf16>
      %dot_general3A_239 = arith.constant dense<0.000000e+00> : vector<384x1024xf32>
      %dot_general3A_240 = tpu.matmul %reshape3A_235, %get3A_238, %dot_general3A_239 {dimension_numbers = #tpu.dot_dimension_numbers<[1], [0], [0], [1], [0, 0, 1, 1], [], []>, transpose_lhs_hint = false} : vector<384x256xbf16>, vector<256x1024xbf16>, vector<384x1024xf32> -> vector<384x1024xf32>
      %get3A_241 = arith.constant 0 : index
      %get3A_242 = arith.constant 0 : index
      %get3A_243 = vector.load %arg8[%get3A_241, %get3A_242] : memref<1x1024xf32, #tpu.memory_space<vmem>>, vector<1x1024xf32>
      %add3A_244 = vector.broadcast %get3A_243 : vector<1x1024xf32> to vector<384x1024xf32>
      %add3A_245 = arith.addf %dot_general3A_240, %add3A_244 : vector<384x1024xf32>
      %swap3A_246 = arith.constant 0 : index
      %swap3A_247 = arith.constant 0 : index
      %swap3A_248 = vector.load %arg24[%swap3A_246, %swap3A_247] : memref<384x1024xf32, #tpu.memory_space<vmem>>, vector<384x1024xf32>
      tpu.vector_store %arg24[%swap3A_246, %swap3A_247], %add3A_245 {strides = array<i32>} : memref<384x1024xf32, #tpu.memory_space<vmem>>, vector<384x1024xf32>,
      %mul3A_249 = arith.constant 8 : i32
      %mul3A_250 = arith.muli %add3A_228, %mul3A_249 : i32
      %sub3A = arith.constant 248 : i32
      %sub3A_251 = arith.subi %sub3A, %mul3A_250 : i32
      %get3A_252 = arith.index_cast %sub3A_251 : i32 to index
      %get3A_253 = arith.constant 0 : index
      %get3A_254 = arith.constant 0 : index
      %get3A_255 = vector.load %arg0[%get3A_252, %get3A_253, %get3A_254] : memref<256x48x256xbf16, #tpu.memory_space<vmem>>, vector<8x48x256xbf16>
      %reshape3A_256 = vector.shape_cast %get3A_255 : vector<8x48x256xbf16> to vector<384x256xbf16>
      %get3A_257 = arith.constant 0 : index
      %get3A_258 = arith.constant 0 : index
      %get3A_259 = vector.load %arg9[%get3A_257, %get3A_258] : memref<256x1024xbf16, #tpu.memory_space<vmem>>, vector<256x1024xbf16>
      %dot_general3A_260 = arith.constant dense<0.000000e+00> : vector<384x1024xf32>
      %dot_general3A_261 = tpu.matmul %reshape3A_256, %get3A_259, %dot_general3A_260 {dimension_numbers = #tpu.dot_dimension_numbers<[1], [0], [0], [1], [0, 0, 1, 1], [], []>, transpose_lhs_hint = false} : vector<384x256xbf16>, vector<256x1024xbf16>, vector<384x1024xf32> -> vector<384x1024xf32>
      %get3A_262 = arith.constant 0 : index
      %get3A_263 = arith.constant 0 : index
      %get3A_264 = vector.load %arg11[%get3A_262, %get3A_263] : memref<1x1024xf32, #tpu.memory_space<vmem>>, vector<1x1024xf32>
      %add3A_265 = vector.broadcast %get3A_264 : vector<1x1024xf32> to vector<384x1024xf32>
      %add3A_266 = arith.addf %dot_general3A_261, %add3A_265 : vector<384x1024xf32>
      %swap3A_267 = arith.constant 0 : index
      %swap3A_268 = arith.constant 0 : index
      %swap3A_269 = vector.load %arg26[%swap3A_267, %swap3A_268] : memref<384x1024xf32, #tpu.memory_space<vmem>>, vector<384x1024xf32>
      tpu.vector_store %arg26[%swap3A_267, %swap3A_268], %add3A_266 {strides = array<i32>} : memref<384x1024xf32, #tpu.memory_space<vmem>>, vector<384x1024xf32>,
      %add3A_270 = arith.constant 1 : i32
      %add3A_271 = arith.addi %mul3A_226, %add3A_270 : i32
      %min3A = arith.constant 11 : i32
      %min3A_272 = arith.minsi %add3A_271, %min3A : i32
      %mul3A_273 = arith.constant 8 : i32
      %mul3A_274 = arith.muli %min3A_272, %mul3A_273 : i32
      %get3A_275 = arith.index_cast %mul3A_274 : i32 to index
      %get3A_276 = arith.constant 0 : index
      %get3A_277 = arith.constant 0 : index
      %get3A_278 = vector.load %arg1[%get3A_275, %get3A_276, %get3A_277] : memref<96x96x256xbf16, #tpu.memory_space<vmem>>, vector<8x96x256xbf16>
      %reshape3A_279 = vector.shape_cast %get3A_278 : vector<8x96x256xbf16> to vector<768x256xbf16>
      %get3A_280 = arith.constant 0 : index
      %get3A_281 = arith.constant 0 : index
      %get3A_282 = vector.load %arg12[%get3A_280, %get3A_281] : memref<256x1024xbf16, #tpu.memory_space<vmem>>, vector<256x1024xbf16>
      %dot_general3A_283 = arith.constant dense<0.000000e+00> : vector<768x1024xf32>
      %dot_general3A_284 = tpu.matmul %reshape3A_279, %get3A_282, %dot_general3A_283 {dimension_numbers = #tpu.dot_dimension_numbers<[1], [0], [0], [1], [0, 0, 1, 1], [], []>, transpose_lhs_hint = false} : vector<768x256xbf16>, vector<256x1024xbf16>, vector<768x1024xf32> -> vector<768x1024xf32>
      %get3A_285 = arith.constant 0 : index
      %get3A_286 = arith.constant 0 : index
      %get3A_287 = vector.load %arg14[%get3A_285, %get3A_286] : memref<1x1024xf32, #tpu.memory_space<vmem>>, vector<1x1024xf32>
      %add3A_288 = vector.broadcast %get3A_287 : vector<1x1024xf32> to vector<768x1024xf32>
      %add3A_289 = arith.addf %dot_general3A_284, %add3A_288 : vector<768x1024xf32>
      %swap3A_290 = arith.constant 0 : index
      %swap3A_291 = arith.constant 0 : index
      %swap3A_292 = vector.load %arg28[%swap3A_290, %swap3A_291] : memref<768x1024xf32, #tpu.memory_space<vmem>>, vector<768x1024xf32>
      tpu.vector_store %arg28[%swap3A_290, %swap3A_291], %add3A_289 {strides = array<i32>} : memref<768x1024xf32, #tpu.memory_space<vmem>>, vector<768x1024xf32>,
      %mul3A_293 = arith.constant 8 : i32
      %mul3A_294 = arith.muli %min3A_272, %mul3A_293 : i32
      %sub3A_295 = arith.constant 88 : i32
      %sub3A_296 = arith.subi %sub3A_295, %mul3A_294 : i32
      %get3A_297 = arith.index_cast %sub3A_296 : i32 to index
      %get3A_298 = arith.constant 0 : index
      %get3A_299 = arith.constant 0 : index
      %get3A_300 = vector.load %arg1[%get3A_297, %get3A_298, %get3A_299] : memref<96x96x256xbf16, #tpu.memory_space<vmem>>, vector<8x96x256xbf16>
      %reshape3A_301 = vector.shape_cast %get3A_300 : vector<8x96x256xbf16> to vector<768x256xbf16>
      %get3A_302 = arith.constant 0 : index
      %get3A_303 = arith.constant 0 : index
      %get3A_304 = vector.load %arg15[%get3A_302, %get3A_303] : memref<256x1024xbf16, #tpu.memory_space<vmem>>, vector<256x1024xbf16>
      %dot_general3A_305 = arith.constant dense<0.000000e+00> : vector<768x1024xf32>
      %dot_general3A_306 = tpu.matmul %reshape3A_301, %get3A_304, %dot_general3A_305 {dimension_numbers = #tpu.dot_dimension_numbers<[1], [0], [0], [1], [0, 0, 1, 1], [], []>, transpose_lhs_hint = false} : vector<768x256xbf16>, vector<256x1024xbf16>, vector<768x1024xf32> -> vector<768x1024xf32>
      %get3A_307 = arith.constant 0 : index
      %get3A_308 = arith.constant 0 : index
      %get3A_309 = vector.load %arg17[%get3A_307, %get3A_308] : memref<1x1024xf32, #tpu.memory_space<vmem>>, vector<1x1024xf32>
      %add3A_310 = vector.broadcast %get3A_309 : vector<1x1024xf32> to vector<768x1024xf32>
      %add3A_311 = arith.addf %dot_general3A_306, %add3A_310 : vector<768x1024xf32>
      %swap3A_312 = arith.constant 0 : index
      %swap3A_313 = arith.constant 0 : index
      %swap3A_314 = vector.load %arg30[%swap3A_312, %swap3A_313] : memref<768x1024xf32, #tpu.memory_space<vmem>>, vector<768x1024xf32>
      tpu.vector_store %arg30[%swap3A_312, %swap3A_313], %add3A_311 {strides = array<i32>} : memref<768x1024xf32, #tpu.memory_space<vmem>>, vector<768x1024xf32>,
      %mul3A_315 = arith.constant 8 : i32
      %mul3A_316 = arith.muli %mul3A_226, %mul3A_315 : i32
      %add3A_317 = arith.constant 0 : i32
      %add3A_318 = arith.addi %mul3A_316, %add3A_317 : i32
      %get3A_319 = arith.constant 0 : index
      %get3A_320 = arith.constant 0 : index
      %get3A_321 = vector.load %arg23[%get3A_319, %get3A_320] : memref<384x1024xf32, #tpu.memory_space<vmem>>, vector<48x1024xf32>
      %lt3A = vector.broadcast %add3A_318 : i32 to vector<48x1xi32>
      %lt3A_322 = arith.cmpi slt, %lt3A, %get3A_13 : vector<48x1xi32>
      %dot_general3A_323 = arith.constant dense<0.000000e+00> : vector<48x1024xf32>
      %dot_general3A_324 = tpu.matmul %scan3A_214, %get3A_1, %dot_general3A_323 {dimension_numbers = #tpu.dot_dimension_numbers<[1], [0], [0], [1], [0, 0, 1, 1], [], []>, transpose_lhs_hint = false} : vector<48x256xbf16>, vector<256x1024xbf16>, vector<48x1024xf32> -> vector<48x1024xf32>
      %add3A_325 = arith.addf %get3A_321, %dot_general3A_324 : vector<48x1024xf32>
      %slice3A_326 = vector.extract_strided_slice %add3A_325 {offsets = [0, 0], sizes = [48, 256], strides = [1, 1]} : vector<48x1024xf32> to vector<48x256xf32>
      %logistic3A = arith.negf %slice3A_326 : vector<48x256xf32>
      %logistic3A_327 = math.exp %logistic3A : vector<48x256xf32>
      %logistic3A_328 = arith.constant 1.000000e+00 : f32
      %logistic3A_329 = vector.broadcast %logistic3A_328 : f32 to vector<48x256xf32>
      %logistic3A_330 = arith.addf %logistic3A_329, %logistic3A_327 : vector<48x256xf32>
      %logistic3A_331 = arith.divf %logistic3A_329, %logistic3A_330 : vector<48x256xf32>
      %slice3A_332 = vector.extract_strided_slice %add3A_325 {offsets = [0, 256], sizes = [48, 256], strides = [1, 1]} : vector<48x1024xf32> to vector<48x256xf32>
      %logistic3A_333 = arith.negf %slice3A_332 : vector<48x256xf32>
      %logistic3A_334 = math.exp %logistic3A_333 : vector<48x256xf32>
      %logistic3A_335 = arith.constant 1.000000e+00 : f32
      %logistic3A_336 = vector.broadcast %logistic3A_335 : f32 to vector<48x256xf32>
      %logistic3A_337 = arith.addf %logistic3A_336, %logistic3A_334 : vector<48x256xf32>
      %logistic3A_338 = arith.divf %logistic3A_336, %logistic3A_337 : vector<48x256xf32>
      %slice3A_339 = vector.extract_strided_slice %add3A_325 {offsets = [0, 512], sizes = [48, 256], strides = [1, 1]} : vector<48x1024xf32> to vector<48x256xf32>
      %tanh3A_340 = math.tanh %slice3A_339 : vector<48x256xf32>
      %slice3A_341 = vector.extract_strided_slice %add3A_325 {offsets = [0, 768], sizes = [48, 256], strides = [1, 1]} : vector<48x1024xf32> to vector<48x256xf32>
      %logistic3A_342 = arith.negf %slice3A_341 : vector<48x256xf32>
      %logistic3A_343 = math.exp %logistic3A_342 : vector<48x256xf32>
      %logistic3A_344 = arith.constant 1.000000e+00 : f32
      %logistic3A_345 = vector.broadcast %logistic3A_344 : f32 to vector<48x256xf32>
      %logistic3A_346 = arith.addf %logistic3A_345, %logistic3A_343 : vector<48x256xf32>
      %logistic3A_347 = arith.divf %logistic3A_345, %logistic3A_346 : vector<48x256xf32>
      %mul3A_348 = arith.mulf %logistic3A_338, %scan3A_215 : vector<48x256xf32>
      %mul3A_349 = arith.mulf %logistic3A_331, %tanh3A_340 : vector<48x256xf32>
      %add3A_350 = arith.addf %mul3A_348, %mul3A_349 : vector<48x256xf32>
      %tanh3A_351 = math.tanh %add3A_350 : vector<48x256xf32>
      %mul3A_352 = arith.mulf %logistic3A_347, %tanh3A_351 : vector<48x256xf32>
      %convert_element_type3A_353 = arith.truncf %mul3A_352 : vector<48x256xf32> to vector<48x256xbf16>
      %jit3A = arith.constant 0.000000e+00 : f32
      %broadcast_in_dim3A_354 = vector.shape_cast %lt3A_322 : vector<48x1xi1> to vector<48x1xi1>
      %broadcast_in_dim3A_355 = vector.broadcast %broadcast_in_dim3A_354 : vector<48x1xi1> to vector<48x256xi1>
      %broadcast_in_dim3A_356 = vector.broadcast %jit3A : f32 to vector<48x256xf32>
      %select_n3A = arith.select %broadcast_in_dim3A_355, %mul3A_352, %broadcast_in_dim3A_356 : vector<48x256xi1>, vector<48x256xf32>
      %add3A_357 = arith.addf %scan3A_216, %select_n3A : vector<48x256xf32>
      %sub3A_358 = arith.constant 255 : i32
      %sub3A_359 = arith.subi %sub3A_358, %add3A_318 : i32
      %get3A_360 = arith.constant 336 : index
      %get3A_361 = arith.constant 0 : index
      %get3A_362 = vector.load %arg25[%get3A_360, %get3A_361] : memref<384x1024xf32, #tpu.memory_space<vmem>>, vector<48x1024xf32>
      %lt3A_363 = vector.broadcast %sub3A_359 : i32 to vector<48x1xi32>
      %lt3A_364 = arith.cmpi slt, %lt3A_363, %get3A_13 : vector<48x1xi32>
      %dot_general3A_365 = arith.constant dense<0.000000e+00> : vector<48x1024xf32>
      %dot_general3A_366 = tpu.matmul %scan3A_217, %get3A_4, %dot_general3A_365 {dimension_numbers = #tpu.dot_dimension_numbers<[1], [0], [0], [1], [0, 0, 1, 1], [], []>, transpose_lhs_hint = false} : vector<48x256xbf16>, vector<256x1024xbf16>, vector<48x1024xf32> -> vector<48x1024xf32>
      %add3A_367 = arith.addf %get3A_362, %dot_general3A_366 : vector<48x1024xf32>
      %slice3A_368 = vector.extract_strided_slice %add3A_367 {offsets = [0, 0], sizes = [48, 256], strides = [1, 1]} : vector<48x1024xf32> to vector<48x256xf32>
      %logistic3A_369 = arith.negf %slice3A_368 : vector<48x256xf32>
      %logistic3A_370 = math.exp %logistic3A_369 : vector<48x256xf32>
      %logistic3A_371 = arith.constant 1.000000e+00 : f32
      %logistic3A_372 = vector.broadcast %logistic3A_371 : f32 to vector<48x256xf32>
      %logistic3A_373 = arith.addf %logistic3A_372, %logistic3A_370 : vector<48x256xf32>
      %logistic3A_374 = arith.divf %logistic3A_372, %logistic3A_373 : vector<48x256xf32>
      %slice3A_375 = vector.extract_strided_slice %add3A_367 {offsets = [0, 256], sizes = [48, 256], strides = [1, 1]} : vector<48x1024xf32> to vector<48x256xf32>
      %logistic3A_376 = arith.negf %slice3A_375 : vector<48x256xf32>
      %logistic3A_377 = math.exp %logistic3A_376 : vector<48x256xf32>
      %logistic3A_378 = arith.constant 1.000000e+00 : f32
      %logistic3A_379 = vector.broadcast %logistic3A_378 : f32 to vector<48x256xf32>
      %logistic3A_380 = arith.addf %logistic3A_379, %logistic3A_377 : vector<48x256xf32>
      %logistic3A_381 = arith.divf %logistic3A_379, %logistic3A_380 : vector<48x256xf32>
      %slice3A_382 = vector.extract_strided_slice %add3A_367 {offsets = [0, 512], sizes = [48, 256], strides = [1, 1]} : vector<48x1024xf32> to vector<48x256xf32>
      %tanh3A_383 = math.tanh %slice3A_382 : vector<48x256xf32>
      %slice3A_384 = vector.extract_strided_slice %add3A_367 {offsets = [0, 768], sizes = [48, 256], strides = [1, 1]} : vector<48x1024xf32> to vector<48x256xf32>
      %logistic3A_385 = arith.negf %slice3A_384 : vector<48x256xf32>
      %logistic3A_386 = math.exp %logistic3A_385 : vector<48x256xf32>
      %logistic3A_387 = arith.constant 1.000000e+00 : f32
      %logistic3A_388 = vector.broadcast %logistic3A_387 : f32 to vector<48x256xf32>
      %logistic3A_389 = arith.addf %logistic3A_388, %logistic3A_386 : vector<48x256xf32>
      %logistic3A_390 = arith.divf %logistic3A_388, %logistic3A_389 : vector<48x256xf32>
      %mul3A_391 = arith.mulf %logistic3A_381, %scan3A_218 : vector<48x256xf32>
      %mul3A_392 = arith.mulf %logistic3A_374, %tanh3A_383 : vector<48x256xf32>
      %add3A_393 = arith.addf %mul3A_391, %mul3A_392 : vector<48x256xf32>
      %tanh3A_394 = math.tanh %add3A_393 : vector<48x256xf32>
      %mul3A_395 = arith.mulf %logistic3A_390, %tanh3A_394 : vector<48x256xf32>
      %convert_element_type3A_396 = arith.truncf %mul3A_395 : vector<48x256xf32> to vector<48x256xbf16>
      %broadcast_in_dim3A_397 = vector.shape_cast %lt3A_364 : vector<48x1xi1> to vector<48x1xi1>
      %broadcast_in_dim3A_398 = vector.broadcast %broadcast_in_dim3A_397 : vector<48x1xi1> to vector<48x256xi1>
      %select_n3A_399 = arith.select %broadcast_in_dim3A_398, %convert_element_type3A_396, %scan3A_217 : vector<48x256xi1>, vector<48x256xbf16>
      %broadcast_in_dim3A_400 = vector.shape_cast %lt3A_364 : vector<48x1xi1> to vector<48x1xi1>
      %broadcast_in_dim3A_401 = vector.broadcast %broadcast_in_dim3A_400 : vector<48x1xi1> to vector<48x256xi1>
      %select_n3A_402 = arith.select %broadcast_in_dim3A_401, %add3A_393, %scan3A_218 : vector<48x256xi1>, vector<48x256xf32>
      %jit3A_403 = arith.constant 0.000000e+00 : f32
      %broadcast_in_dim3A_404 = vector.shape_cast %lt3A_364 : vector<48x1xi1> to vector<48x1xi1>
      %broadcast_in_dim3A_405 = vector.broadcast %broadcast_in_dim3A_404 : vector<48x1xi1> to vector<48x256xi1>
      %broadcast_in_dim3A_406 = vector.broadcast %jit3A_403 : f32 to vector<48x256xf32>
      %select_n3A_407 = arith.select %broadcast_in_dim3A_405, %mul3A_395, %broadcast_in_dim3A_406 : vector<48x256xi1>, vector<48x256xf32>
      %add3A_408 = arith.addf %scan3A_219, %select_n3A_407 : vector<48x256xf32>
      %mul3A_409 = arith.constant 8 : i32
      %mul3A_410 = arith.muli %mul3A_226, %mul3A_409 : i32
      %add3A_411 = arith.constant 1 : i32
      %add3A_412 = arith.addi %mul3A_410, %add3A_411 : i32
      %get3A_413 = arith.constant 48 : index
      %get3A_414 = arith.constant 0 : index
      %get3A_415 = vector.load %arg23[%get3A_413, %get3A_414] : memref<384x1024xf32, #tpu.memory_space<vmem>>, vector<48x1024xf32>
      %lt3A_416 = vector.broadcast %add3A_412 : i32 to vector<48x1xi32>
      %lt3A_417 = arith.cmpi slt, %lt3A_416, %get3A_13 : vector<48x1xi32>
      %dot_general3A_418 = arith.constant dense<0.000000e+00> : vector<48x1024xf32>
      %dot_general3A_419 = tpu.matmul %convert_element_type3A_353, %get3A_1, %dot_general3A_418 {dimension_numbers = #tpu.dot_dimension_numbers<[1], [0], [0], [1], [0, 0, 1, 1], [], []>, transpose_lhs_hint = false} : vector<48x256xbf16>, vector<256x1024xbf16>, vector<48x1024xf32> -> vector<48x1024xf32>
      %add3A_420 = arith.addf %get3A_415, %dot_general3A_419 : vector<48x1024xf32>
      %slice3A_421 = vector.extract_strided_slice %add3A_420 {offsets = [0, 0], sizes = [48, 256], strides = [1, 1]} : vector<48x1024xf32> to vector<48x256xf32>
      %logistic3A_422 = arith.negf %slice3A_421 : vector<48x256xf32>
      %logistic3A_423 = math.exp %logistic3A_422 : vector<48x256xf32>
      %logistic3A_424 = arith.constant 1.000000e+00 : f32
      %logistic3A_425 = vector.broadcast %logistic3A_424 : f32 to vector<48x256xf32>
      %logistic3A_426 = arith.addf %logistic3A_425, %logistic3A_423 : vector<48x256xf32>
      %logistic3A_427 = arith.divf %logistic3A_425, %logistic3A_426 : vector<48x256xf32>
      %slice3A_428 = vector.extract_strided_slice %add3A_420 {offsets = [0, 256], sizes = [48, 256], strides = [1, 1]} : vector<48x1024xf32> to vector<48x256xf32>
      %logistic3A_429 = arith.negf %slice3A_428 : vector<48x256xf32>
      %logistic3A_430 = math.exp %logistic3A_429 : vector<48x256xf32>
      %logistic3A_431 = arith.constant 1.000000e+00 : f32
      %logistic3A_432 = vector.broadcast %logistic3A_431 : f32 to vector<48x256xf32>
      %logistic3A_433 = arith.addf %logistic3A_432, %logistic3A_430 : vector<48x256xf32>
      %logistic3A_434 = arith.divf %logistic3A_432, %logistic3A_433 : vector<48x256xf32>
      %slice3A_435 = vector.extract_strided_slice %add3A_420 {offsets = [0, 512], sizes = [48, 256], strides = [1, 1]} : vector<48x1024xf32> to vector<48x256xf32>
      %tanh3A_436 = math.tanh %slice3A_435 : vector<48x256xf32>
      %slice3A_437 = vector.extract_strided_slice %add3A_420 {offsets = [0, 768], sizes = [48, 256], strides = [1, 1]} : vector<48x1024xf32> to vector<48x256xf32>
      %logistic3A_438 = arith.negf %slice3A_437 : vector<48x256xf32>
      %logistic3A_439 = math.exp %logistic3A_438 : vector<48x256xf32>
      %logistic3A_440 = arith.constant 1.000000e+00 : f32
      %logistic3A_441 = vector.broadcast %logistic3A_440 : f32 to vector<48x256xf32>
      %logistic3A_442 = arith.addf %logistic3A_441, %logistic3A_439 : vector<48x256xf32>
      %logistic3A_443 = arith.divf %logistic3A_441, %logistic3A_442 : vector<48x256xf32>
      %mul3A_444 = arith.mulf %logistic3A_434, %add3A_350 : vector<48x256xf32>
      %mul3A_445 = arith.mulf %logistic3A_427, %tanh3A_436 : vector<48x256xf32>
      %add3A_446 = arith.addf %mul3A_444, %mul3A_445 : vector<48x256xf32>
      %tanh3A_447 = math.tanh %add3A_446 : vector<48x256xf32>
      %mul3A_448 = arith.mulf %logistic3A_443, %tanh3A_447 : vector<48x256xf32>
      %convert_element_type3A_449 = arith.truncf %mul3A_448 : vector<48x256xf32> to vector<48x256xbf16>
      %jit3A_450 = arith.constant 0.000000e+00 : f32
      %broadcast_in_dim3A_451 = vector.shape_cast %lt3A_417 : vector<48x1xi1> to vector<48x1xi1>
      %broadcast_in_dim3A_452 = vector.broadcast %broadcast_in_dim3A_451 : vector<48x1xi1> to vector<48x256xi1>
      %broadcast_in_dim3A_453 = vector.broadcast %jit3A_450 : f32 to vector<48x256xf32>
      %select_n3A_454 = arith.select %broadcast_in_dim3A_452, %mul3A_448, %broadcast_in_dim3A_453 : vector<48x256xi1>, vector<48x256xf32>
      %add3A_455 = arith.addf %add3A_357, %select_n3A_454 : vector<48x256xf32>
      %sub3A_456 = arith.constant 255 : i32
      %sub3A_457 = arith.subi %sub3A_456, %add3A_412 : i32
      %get3A_458 = arith.constant 288 : index
      %get3A_459 = arith.constant 0 : index
      %get3A_460 = vector.load %arg25[%get3A_458, %get3A_459] : memref<384x1024xf32, #tpu.memory_space<vmem>>, vector<48x1024xf32>
      %lt3A_461 = vector.broadcast %sub3A_457 : i32 to vector<48x1xi32>
      %lt3A_462 = arith.cmpi slt, %lt3A_461, %get3A_13 : vector<48x1xi32>
      %dot_general3A_463 = arith.constant dense<0.000000e+00> : vector<48x1024xf32>
      %dot_general3A_464 = tpu.matmul %select_n3A_399, %get3A_4, %dot_general3A_463 {dimension_numbers = #tpu.dot_dimension_numbers<[1], [0], [0], [1], [0, 0, 1, 1], [], []>, transpose_lhs_hint = false} : vector<48x256xbf16>, vector<256x1024xbf16>, vector<48x1024xf32> -> vector<48x1024xf32>
      %add3A_465 = arith.addf %get3A_460, %dot_general3A_464 : vector<48x1024xf32>
      %slice3A_466 = vector.extract_strided_slice %add3A_465 {offsets = [0, 0], sizes = [48, 256], strides = [1, 1]} : vector<48x1024xf32> to vector<48x256xf32>
      %logistic3A_467 = arith.negf %slice3A_466 : vector<48x256xf32>
      %logistic3A_468 = math.exp %logistic3A_467 : vector<48x256xf32>
      %logistic3A_469 = arith.constant 1.000000e+00 : f32
      %logistic3A_470 = vector.broadcast %logistic3A_469 : f32 to vector<48x256xf32>
      %logistic3A_471 = arith.addf %logistic3A_470, %logistic3A_468 : vector<48x256xf32>
      %logistic3A_472 = arith.divf %logistic3A_470, %logistic3A_471 : vector<48x256xf32>
      %slice3A_473 = vector.extract_strided_slice %add3A_465 {offsets = [0, 256], sizes = [48, 256], strides = [1, 1]} : vector<48x1024xf32> to vector<48x256xf32>
      %logistic3A_474 = arith.negf %slice3A_473 : vector<48x256xf32>
      %logistic3A_475 = math.exp %logistic3A_474 : vector<48x256xf32>
      %logistic3A_476 = arith.constant 1.000000e+00 : f32
      %logistic3A_477 = vector.broadcast %logistic3A_476 : f32 to vector<48x256xf32>
      %logistic3A_478 = arith.addf %logistic3A_477, %logistic3A_475 : vector<48x256xf32>
      %logistic3A_479 = arith.divf %logistic3A_477, %logistic3A_478 : vector<48x256xf32>
      %slice3A_480 = vector.extract_strided_slice %add3A_465 {offsets = [0, 512], sizes = [48, 256], strides = [1, 1]} : vector<48x1024xf32> to vector<48x256xf32>
      %tanh3A_481 = math.tanh %slice3A_480 : vector<48x256xf32>
      %slice3A_482 = vector.extract_strided_slice %add3A_465 {offsets = [0, 768], sizes = [48, 256], strides = [1, 1]} : vector<48x1024xf32> to vector<48x256xf32>
      %logistic3A_483 = arith.negf %slice3A_482 : vector<48x256xf32>
      %logistic3A_484 = math.exp %logistic3A_483 : vector<48x256xf32>
      %logistic3A_485 = arith.constant 1.000000e+00 : f32
      %logistic3A_486 = vector.broadcast %logistic3A_485 : f32 to vector<48x256xf32>
      %logistic3A_487 = arith.addf %logistic3A_486, %logistic3A_484 : vector<48x256xf32>
      %logistic3A_488 = arith.divf %logistic3A_486, %logistic3A_487 : vector<48x256xf32>
      %mul3A_489 = arith.mulf %logistic3A_479, %select_n3A_402 : vector<48x256xf32>
      %mul3A_490 = arith.mulf %logistic3A_472, %tanh3A_481 : vector<48x256xf32>
      %add3A_491 = arith.addf %mul3A_489, %mul3A_490 : vector<48x256xf32>
      %tanh3A_492 = math.tanh %add3A_491 : vector<48x256xf32>
      %mul3A_493 = arith.mulf %logistic3A_488, %tanh3A_492 : vector<48x256xf32>
      %convert_element_type3A_494 = arith.truncf %mul3A_493 : vector<48x256xf32> to vector<48x256xbf16>
      %broadcast_in_dim3A_495 = vector.shape_cast %lt3A_462 : vector<48x1xi1> to vector<48x1xi1>
      %broadcast_in_dim3A_496 = vector.broadcast %broadcast_in_dim3A_495 : vector<48x1xi1> to vector<48x256xi1>
      %select_n3A_497 = arith.select %broadcast_in_dim3A_496, %convert_element_type3A_494, %select_n3A_399 : vector<48x256xi1>, vector<48x256xbf16>
      %broadcast_in_dim3A_498 = vector.shape_cast %lt3A_462 : vector<48x1xi1> to vector<48x1xi1>
      %broadcast_in_dim3A_499 = vector.broadcast %broadcast_in_dim3A_498 : vector<48x1xi1> to vector<48x256xi1>
      %select_n3A_500 = arith.select %broadcast_in_dim3A_499, %add3A_491, %select_n3A_402 : vector<48x256xi1>, vector<48x256xf32>
      %jit3A_501 = arith.constant 0.000000e+00 : f32
      %broadcast_in_dim3A_502 = vector.shape_cast %lt3A_462 : vector<48x1xi1> to vector<48x1xi1>
      %broadcast_in_dim3A_503 = vector.broadcast %broadcast_in_dim3A_502 : vector<48x1xi1> to vector<48x256xi1>
      %broadcast_in_dim3A_504 = vector.broadcast %jit3A_501 : f32 to vector<48x256xf32>
      %select_n3A_505 = arith.select %broadcast_in_dim3A_503, %mul3A_493, %broadcast_in_dim3A_504 : vector<48x256xi1>, vector<48x256xf32>
      %add3A_506 = arith.addf %add3A_408, %select_n3A_505 : vector<48x256xf32>
      %mul3A_507 = arith.constant 8 : i32
      %mul3A_508 = arith.muli %mul3A_226, %mul3A_507 : i32
      %add3A_509 = arith.constant 2 : i32
      %add3A_510 = arith.addi %mul3A_508, %add3A_509 : i32
      %get3A_511 = arith.constant 96 : index
      %get3A_512 = arith.constant 0 : index
      %get3A_513 = vector.load %arg23[%get3A_511, %get3A_512] : memref<384x1024xf32, #tpu.memory_space<vmem>>, vector<48x1024xf32>
      %lt3A_514 = vector.broadcast %add3A_510 : i32 to vector<48x1xi32>
      %lt3A_515 = arith.cmpi slt, %lt3A_514, %get3A_13 : vector<48x1xi32>
      %dot_general3A_516 = arith.constant dense<0.000000e+00> : vector<48x1024xf32>
      %dot_general3A_517 = tpu.matmul %convert_element_type3A_449, %get3A_1, %dot_general3A_516 {dimension_numbers = #tpu.dot_dimension_numbers<[1], [0], [0], [1], [0, 0, 1, 1], [], []>, transpose_lhs_hint = false} : vector<48x256xbf16>, vector<256x1024xbf16>, vector<48x1024xf32> -> vector<48x1024xf32>
      %add3A_518 = arith.addf %get3A_513, %dot_general3A_517 : vector<48x1024xf32>
      %slice3A_519 = vector.extract_strided_slice %add3A_518 {offsets = [0, 0], sizes = [48, 256], strides = [1, 1]} : vector<48x1024xf32> to vector<48x256xf32>
      %logistic3A_520 = arith.negf %slice3A_519 : vector<48x256xf32>
      %logistic3A_521 = math.exp %logistic3A_520 : vector<48x256xf32>
      %logistic3A_522 = arith.constant 1.000000e+00 : f32
      %logistic3A_523 = vector.broadcast %logistic3A_522 : f32 to vector<48x256xf32>
      %logistic3A_524 = arith.addf %logistic3A_523, %logistic3A_521 : vector<48x256xf32>
      %logistic3A_525 = arith.divf %logistic3A_523, %logistic3A_524 : vector<48x256xf32>
      %slice3A_526 = vector.extract_strided_slice %add3A_518 {offsets = [0, 256], sizes = [48, 256], strides = [1, 1]} : vector<48x1024xf32> to vector<48x256xf32>
      %logistic3A_527 = arith.negf %slice3A_526 : vector<48x256xf32>
      %logistic3A_528 = math.exp %logistic3A_527 : vector<48x256xf32>
      %logistic3A_529 = arith.constant 1.000000e+00 : f32
      %logistic3A_530 = vector.broadcast %logistic3A_529 : f32 to vector<48x256xf32>
      %logistic3A_531 = arith.addf %logistic3A_530, %logistic3A_528 : vector<48x256xf32>
      %logistic3A_532 = arith.divf %logistic3A_530, %logistic3A_531 : vector<48x256xf32>
      %slice3A_533 = vector.extract_strided_slice %add3A_518 {offsets = [0, 512], sizes = [48, 256], strides = [1, 1]} : vector<48x1024xf32> to vector<48x256xf32>
      %tanh3A_534 = math.tanh %slice3A_533 : vector<48x256xf32>
      %slice3A_535 = vector.extract_strided_slice %add3A_518 {offsets = [0, 768], sizes = [48, 256], strides = [1, 1]} : vector<48x1024xf32> to vector<48x256xf32>
      %logistic3A_536 = arith.negf %slice3A_535 : vector<48x256xf32>
      %logistic3A_537 = math.exp %logistic3A_536 : vector<48x256xf32>
      %logistic3A_538 = arith.constant 1.000000e+00 : f32
      %logistic3A_539 = vector.broadcast %logistic3A_538 : f32 to vector<48x256xf32>
      %logistic3A_540 = arith.addf %logistic3A_539, %logistic3A_537 : vector<48x256xf32>
      %logistic3A_541 = arith.divf %logistic3A_539, %logistic3A_540 : vector<48x256xf32>
      %mul3A_542 = arith.mulf %logistic3A_532, %add3A_446 : vector<48x256xf32>
      %mul3A_543 = arith.mulf %logistic3A_525, %tanh3A_534 : vector<48x256xf32>
      %add3A_544 = arith.addf %mul3A_542, %mul3A_543 : vector<48x256xf32>
      %tanh3A_545 = math.tanh %add3A_544 : vector<48x256xf32>
      %mul3A_546 = arith.mulf %logistic3A_541, %tanh3A_545 : vector<48x256xf32>
      %convert_element_type3A_547 = arith.truncf %mul3A_546 : vector<48x256xf32> to vector<48x256xbf16>
      %jit3A_548 = arith.constant 0.000000e+00 : f32
      %broadcast_in_dim3A_549 = vector.shape_cast %lt3A_515 : vector<48x1xi1> to vector<48x1xi1>
      %broadcast_in_dim3A_550 = vector.broadcast %broadcast_in_dim3A_549 : vector<48x1xi1> to vector<48x256xi1>
      %broadcast_in_dim3A_551 = vector.broadcast %jit3A_548 : f32 to vector<48x256xf32>
      %select_n3A_552 = arith.select %broadcast_in_dim3A_550, %mul3A_546, %broadcast_in_dim3A_551 : vector<48x256xi1>, vector<48x256xf32>
      %add3A_553 = arith.addf %add3A_455, %select_n3A_552 : vector<48x256xf32>
      %sub3A_554 = arith.constant 255 : i32
      %sub3A_555 = arith.subi %sub3A_554, %add3A_510 : i32
      %get3A_556 = arith.constant 240 : index
      %get3A_557 = arith.constant 0 : index
      %get3A_558 = vector.load %arg25[%get3A_556, %get3A_557] : memref<384x1024xf32, #tpu.memory_space<vmem>>, vector<48x1024xf32>
      %lt3A_559 = vector.broadcast %sub3A_555 : i32 to vector<48x1xi32>
      %lt3A_560 = arith.cmpi slt, %lt3A_559, %get3A_13 : vector<48x1xi32>
      %dot_general3A_561 = arith.constant dense<0.000000e+00> : vector<48x1024xf32>
      %dot_general3A_562 = tpu.matmul %select_n3A_497, %get3A_4, %dot_general3A_561 {dimension_numbers = #tpu.dot_dimension_numbers<[1], [0], [0], [1], [0, 0, 1, 1], [], []>, transpose_lhs_hint = false} : vector<48x256xbf16>, vector<256x1024xbf16>, vector<48x1024xf32> -> vector<48x1024xf32>
      %add3A_563 = arith.addf %get3A_558, %dot_general3A_562 : vector<48x1024xf32>
      %slice3A_564 = vector.extract_strided_slice %add3A_563 {offsets = [0, 0], sizes = [48, 256], strides = [1, 1]} : vector<48x1024xf32> to vector<48x256xf32>
      %logistic3A_565 = arith.negf %slice3A_564 : vector<48x256xf32>
      %logistic3A_566 = math.exp %logistic3A_565 : vector<48x256xf32>
      %logistic3A_567 = arith.constant 1.000000e+00 : f32
      %logistic3A_568 = vector.broadcast %logistic3A_567 : f32 to vector<48x256xf32>
      %logistic3A_569 = arith.addf %logistic3A_568, %logistic3A_566 : vector<48x256xf32>
      %logistic3A_570 = arith.divf %logistic3A_568, %logistic3A_569 : vector<48x256xf32>
      %slice3A_571 = vector.extract_strided_slice %add3A_563 {offsets = [0, 256], sizes = [48, 256], strides = [1, 1]} : vector<48x1024xf32> to vector<48x256xf32>
      %logistic3A_572 = arith.negf %slice3A_571 : vector<48x256xf32>
      %logistic3A_573 = math.exp %logistic3A_572 : vector<48x256xf32>
      %logistic3A_574 = arith.constant 1.000000e+00 : f32
      %logistic3A_575 = vector.broadcast %logistic3A_574 : f32 to vector<48x256xf32>
      %logistic3A_576 = arith.addf %logistic3A_575, %logistic3A_573 : vector<48x256xf32>
      %logistic3A_577 = arith.divf %logistic3A_575, %logistic3A_576 : vector<48x256xf32>
      %slice3A_578 = vector.extract_strided_slice %add3A_563 {offsets = [0, 512], sizes = [48, 256], strides = [1, 1]} : vector<48x1024xf32> to vector<48x256xf32>
      %tanh3A_579 = math.tanh %slice3A_578 : vector<48x256xf32>
      %slice3A_580 = vector.extract_strided_slice %add3A_563 {offsets = [0, 768], sizes = [48, 256], strides = [1, 1]} : vector<48x1024xf32> to vector<48x256xf32>
      %logistic3A_581 = arith.negf %slice3A_580 : vector<48x256xf32>
      %logistic3A_582 = math.exp %logistic3A_581 : vector<48x256xf32>
      %logistic3A_583 = arith.constant 1.000000e+00 : f32
      %logistic3A_584 = vector.broadcast %logistic3A_583 : f32 to vector<48x256xf32>
      %logistic3A_585 = arith.addf %logistic3A_584, %logistic3A_582 : vector<48x256xf32>
      %logistic3A_586 = arith.divf %logistic3A_584, %logistic3A_585 : vector<48x256xf32>
      %mul3A_587 = arith.mulf %logistic3A_577, %select_n3A_500 : vector<48x256xf32>
      %mul3A_588 = arith.mulf %logistic3A_570, %tanh3A_579 : vector<48x256xf32>
      %add3A_589 = arith.addf %mul3A_587, %mul3A_588 : vector<48x256xf32>
      %tanh3A_590 = math.tanh %add3A_589 : vector<48x256xf32>
      %mul3A_591 = arith.mulf %logistic3A_586, %tanh3A_590 : vector<48x256xf32>
      %convert_element_type3A_592 = arith.truncf %mul3A_591 : vector<48x256xf32> to vector<48x256xbf16>
      %broadcast_in_dim3A_593 = vector.shape_cast %lt3A_560 : vector<48x1xi1> to vector<48x1xi1>
      %broadcast_in_dim3A_594 = vector.broadcast %broadcast_in_dim3A_593 : vector<48x1xi1> to vector<48x256xi1>
      %select_n3A_595 = arith.select %broadcast_in_dim3A_594, %convert_element_type3A_592, %select_n3A_497 : vector<48x256xi1>, vector<48x256xbf16>
      %broadcast_in_dim3A_596 = vector.shape_cast %lt3A_560 : vector<48x1xi1> to vector<48x1xi1>
      %broadcast_in_dim3A_597 = vector.broadcast %broadcast_in_dim3A_596 : vector<48x1xi1> to vector<48x256xi1>
      %select_n3A_598 = arith.select %broadcast_in_dim3A_597, %add3A_589, %select_n3A_500 : vector<48x256xi1>, vector<48x256xf32>
      %jit3A_599 = arith.constant 0.000000e+00 : f32
      %broadcast_in_dim3A_600 = vector.shape_cast %lt3A_560 : vector<48x1xi1> to vector<48x1xi1>
      %broadcast_in_dim3A_601 = vector.broadcast %broadcast_in_dim3A_600 : vector<48x1xi1> to vector<48x256xi1>
      %broadcast_in_dim3A_602 = vector.broadcast %jit3A_599 : f32 to vector<48x256xf32>
      %select_n3A_603 = arith.select %broadcast_in_dim3A_601, %mul3A_591, %broadcast_in_dim3A_602 : vector<48x256xi1>, vector<48x256xf32>
      %add3A_604 = arith.addf %add3A_506, %select_n3A_603 : vector<48x256xf32>
      %mul3A_605 = arith.constant 8 : i32
      %mul3A_606 = arith.muli %mul3A_226, %mul3A_605 : i32
      %add3A_607 = arith.constant 3 : i32
      %add3A_608 = arith.addi %mul3A_606, %add3A_607 : i32
      %get3A_609 = arith.constant 144 : index
      %get3A_610 = arith.constant 0 : index
      %get3A_611 = vector.load %arg23[%get3A_609, %get3A_610] : memref<384x1024xf32, #tpu.memory_space<vmem>>, vector<48x1024xf32>
      %lt3A_612 = vector.broadcast %add3A_608 : i32 to vector<48x1xi32>
      %lt3A_613 = arith.cmpi slt, %lt3A_612, %get3A_13 : vector<48x1xi32>
      %dot_general3A_614 = arith.constant dense<0.000000e+00> : vector<48x1024xf32>
      %dot_general3A_615 = tpu.matmul %convert_element_type3A_547, %get3A_1, %dot_general3A_614 {dimension_numbers = #tpu.dot_dimension_numbers<[1], [0], [0], [1], [0, 0, 1, 1], [], []>, transpose_lhs_hint = false} : vector<48x256xbf16>, vector<256x1024xbf16>, vector<48x1024xf32> -> vector<48x1024xf32>
      %add3A_616 = arith.addf %get3A_611, %dot_general3A_615 : vector<48x1024xf32>
      %slice3A_617 = vector.extract_strided_slice %add3A_616 {offsets = [0, 0], sizes = [48, 256], strides = [1, 1]} : vector<48x1024xf32> to vector<48x256xf32>
      %logistic3A_618 = arith.negf %slice3A_617 : vector<48x256xf32>
      %logistic3A_619 = math.exp %logistic3A_618 : vector<48x256xf32>
      %logistic3A_620 = arith.constant 1.000000e+00 : f32
      %logistic3A_621 = vector.broadcast %logistic3A_620 : f32 to vector<48x256xf32>
      %logistic3A_622 = arith.addf %logistic3A_621, %logistic3A_619 : vector<48x256xf32>
      %logistic3A_623 = arith.divf %logistic3A_621, %logistic3A_622 : vector<48x256xf32>
      %slice3A_624 = vector.extract_strided_slice %add3A_616 {offsets = [0, 256], sizes = [48, 256], strides = [1, 1]} : vector<48x1024xf32> to vector<48x256xf32>
      %logistic3A_625 = arith.negf %slice3A_624 : vector<48x256xf32>
      %logistic3A_626 = math.exp %logistic3A_625 : vector<48x256xf32>
      %logistic3A_627 = arith.constant 1.000000e+00 : f32
      %logistic3A_628 = vector.broadcast %logistic3A_627 : f32 to vector<48x256xf32>
      %logistic3A_629 = arith.addf %logistic3A_628, %logistic3A_626 : vector<48x256xf32>
      %logistic3A_630 = arith.divf %logistic3A_628, %logistic3A_629 : vector<48x256xf32>
      %slice3A_631 = vector.extract_strided_slice %add3A_616 {offsets = [0, 512], sizes = [48, 256], strides = [1, 1]} : vector<48x1024xf32> to vector<48x256xf32>
      %tanh3A_632 = math.tanh %slice3A_631 : vector<48x256xf32>
      %slice3A_633 = vector.extract_strided_slice %add3A_616 {offsets = [0, 768], sizes = [48, 256], strides = [1, 1]} : vector<48x1024xf32> to vector<48x256xf32>
      %logistic3A_634 = arith.negf %slice3A_633 : vector<48x256xf32>
      %logistic3A_635 = math.exp %logistic3A_634 : vector<48x256xf32>
      %logistic3A_636 = arith.constant 1.000000e+00 : f32
      %logistic3A_637 = vector.broadcast %logistic3A_636 : f32 to vector<48x256xf32>
      %logistic3A_638 = arith.addf %logistic3A_637, %logistic3A_635 : vector<48x256xf32>
      %logistic3A_639 = arith.divf %logistic3A_637, %logistic3A_638 : vector<48x256xf32>
      %mul3A_640 = arith.mulf %logistic3A_630, %add3A_544 : vector<48x256xf32>
      %mul3A_641 = arith.mulf %logistic3A_623, %tanh3A_632 : vector<48x256xf32>
      %add3A_642 = arith.addf %mul3A_640, %mul3A_641 : vector<48x256xf32>
      %tanh3A_643 = math.tanh %add3A_642 : vector<48x256xf32>
      %mul3A_644 = arith.mulf %logistic3A_639, %tanh3A_643 : vector<48x256xf32>
      %convert_element_type3A_645 = arith.truncf %mul3A_644 : vector<48x256xf32> to vector<48x256xbf16>
      %jit3A_646 = arith.constant 0.000000e+00 : f32
      %broadcast_in_dim3A_647 = vector.shape_cast %lt3A_613 : vector<48x1xi1> to vector<48x1xi1>
      %broadcast_in_dim3A_648 = vector.broadcast %broadcast_in_dim3A_647 : vector<48x1xi1> to vector<48x256xi1>
      %broadcast_in_dim3A_649 = vector.broadcast %jit3A_646 : f32 to vector<48x256xf32>
      %select_n3A_650 = arith.select %broadcast_in_dim3A_648, %mul3A_644, %broadcast_in_dim3A_649 : vector<48x256xi1>, vector<48x256xf32>
      %add3A_651 = arith.addf %add3A_553, %select_n3A_650 : vector<48x256xf32>
      %sub3A_652 = arith.constant 255 : i32
      %sub3A_653 = arith.subi %sub3A_652, %add3A_608 : i32
      %get3A_654 = arith.constant 192 : index
      %get3A_655 = arith.constant 0 : index
      %get3A_656 = vector.load %arg25[%get3A_654, %get3A_655] : memref<384x1024xf32, #tpu.memory_space<vmem>>, vector<48x1024xf32>
      %lt3A_657 = vector.broadcast %sub3A_653 : i32 to vector<48x1xi32>
      %lt3A_658 = arith.cmpi slt, %lt3A_657, %get3A_13 : vector<48x1xi32>
      %dot_general3A_659 = arith.constant dense<0.000000e+00> : vector<48x1024xf32>
      %dot_general3A_660 = tpu.matmul %select_n3A_595, %get3A_4, %dot_general3A_659 {dimension_numbers = #tpu.dot_dimension_numbers<[1], [0], [0], [1], [0, 0, 1, 1], [], []>, transpose_lhs_hint = false} : vector<48x256xbf16>, vector<256x1024xbf16>, vector<48x1024xf32> -> vector<48x1024xf32>
      %add3A_661 = arith.addf %get3A_656, %dot_general3A_660 : vector<48x1024xf32>
      %slice3A_662 = vector.extract_strided_slice %add3A_661 {offsets = [0, 0], sizes = [48, 256], strides = [1, 1]} : vector<48x1024xf32> to vector<48x256xf32>
      %logistic3A_663 = arith.negf %slice3A_662 : vector<48x256xf32>
      %logistic3A_664 = math.exp %logistic3A_663 : vector<48x256xf32>
      %logistic3A_665 = arith.constant 1.000000e+00 : f32
      %logistic3A_666 = vector.broadcast %logistic3A_665 : f32 to vector<48x256xf32>
      %logistic3A_667 = arith.addf %logistic3A_666, %logistic3A_664 : vector<48x256xf32>
      %logistic3A_668 = arith.divf %logistic3A_666, %logistic3A_667 : vector<48x256xf32>
      %slice3A_669 = vector.extract_strided_slice %add3A_661 {offsets = [0, 256], sizes = [48, 256], strides = [1, 1]} : vector<48x1024xf32> to vector<48x256xf32>
      %logistic3A_670 = arith.negf %slice3A_669 : vector<48x256xf32>
      %logistic3A_671 = math.exp %logistic3A_670 : vector<48x256xf32>
      %logistic3A_672 = arith.constant 1.000000e+00 : f32
      %logistic3A_673 = vector.broadcast %logistic3A_672 : f32 to vector<48x256xf32>
      %logistic3A_674 = arith.addf %logistic3A_673, %logistic3A_671 : vector<48x256xf32>
      %logistic3A_675 = arith.divf %logistic3A_673, %logistic3A_674 : vector<48x256xf32>
      %slice3A_676 = vector.extract_strided_slice %add3A_661 {offsets = [0, 512], sizes = [48, 256], strides = [1, 1]} : vector<48x1024xf32> to vector<48x256xf32>
      %tanh3A_677 = math.tanh %slice3A_676 : vector<48x256xf32>
      %slice3A_678 = vector.extract_strided_slice %add3A_661 {offsets = [0, 768], sizes = [48, 256], strides = [1, 1]} : vector<48x1024xf32> to vector<48x256xf32>
      %logistic3A_679 = arith.negf %slice3A_678 : vector<48x256xf32>
      %logistic3A_680 = math.exp %logistic3A_679 : vector<48x256xf32>
      %logistic3A_681 = arith.constant 1.000000e+00 : f32
      %logistic3A_682 = vector.broadcast %logistic3A_681 : f32 to vector<48x256xf32>
      %logistic3A_683 = arith.addf %logistic3A_682, %logistic3A_680 : vector<48x256xf32>
      %logistic3A_684 = arith.divf %logistic3A_682, %logistic3A_683 : vector<48x256xf32>
      %mul3A_685 = arith.mulf %logistic3A_675, %select_n3A_598 : vector<48x256xf32>
      %mul3A_686 = arith.mulf %logistic3A_668, %tanh3A_677 : vector<48x256xf32>
      %add3A_687 = arith.addf %mul3A_685, %mul3A_686 : vector<48x256xf32>
      %tanh3A_688 = math.tanh %add3A_687 : vector<48x256xf32>
      %mul3A_689 = arith.mulf %logistic3A_684, %tanh3A_688 : vector<48x256xf32>
      %convert_element_type3A_690 = arith.truncf %mul3A_689 : vector<48x256xf32> to vector<48x256xbf16>
      %broadcast_in_dim3A_691 = vector.shape_cast %lt3A_658 : vector<48x1xi1> to vector<48x1xi1>
      %broadcast_in_dim3A_692 = vector.broadcast %broadcast_in_dim3A_691 : vector<48x1xi1> to vector<48x256xi1>
      %select_n3A_693 = arith.select %broadcast_in_dim3A_692, %convert_element_type3A_690, %select_n3A_595 : vector<48x256xi1>, vector<48x256xbf16>
      %broadcast_in_dim3A_694 = vector.shape_cast %lt3A_658 : vector<48x1xi1> to vector<48x1xi1>
      %broadcast_in_dim3A_695 = vector.broadcast %broadcast_in_dim3A_694 : vector<48x1xi1> to vector<48x256xi1>
      %select_n3A_696 = arith.select %broadcast_in_dim3A_695, %add3A_687, %select_n3A_598 : vector<48x256xi1>, vector<48x256xf32>
      %jit3A_697 = arith.constant 0.000000e+00 : f32
      %broadcast_in_dim3A_698 = vector.shape_cast %lt3A_658 : vector<48x1xi1> to vector<48x1xi1>
      %broadcast_in_dim3A_699 = vector.broadcast %broadcast_in_dim3A_698 : vector<48x1xi1> to vector<48x256xi1>
      %broadcast_in_dim3A_700 = vector.broadcast %jit3A_697 : f32 to vector<48x256xf32>
      %select_n3A_701 = arith.select %broadcast_in_dim3A_699, %mul3A_689, %broadcast_in_dim3A_700 : vector<48x256xi1>, vector<48x256xf32>
      %add3A_702 = arith.addf %add3A_604, %select_n3A_701 : vector<48x256xf32>
      %mul3A_703 = arith.constant 8 : i32
      %mul3A_704 = arith.muli %mul3A_226, %mul3A_703 : i32
      %add3A_705 = arith.constant 4 : i32
      %add3A_706 = arith.addi %mul3A_704, %add3A_705 : i32
      %get3A_707 = arith.constant 192 : index
      %get3A_708 = arith.constant 0 : index
      %get3A_709 = vector.load %arg23[%get3A_707, %get3A_708] : memref<384x1024xf32, #tpu.memory_space<vmem>>, vector<48x1024xf32>
      %lt3A_710 = vector.broadcast %add3A_706 : i32 to vector<48x1xi32>
      %lt3A_711 = arith.cmpi slt, %lt3A_710, %get3A_13 : vector<48x1xi32>
      %dot_general3A_712 = arith.constant dense<0.000000e+00> : vector<48x1024xf32>
      %dot_general3A_713 = tpu.matmul %convert_element_type3A_645, %get3A_1, %dot_general3A_712 {dimension_numbers = #tpu.dot_dimension_numbers<[1], [0], [0], [1], [0, 0, 1, 1], [], []>, transpose_lhs_hint = false} : vector<48x256xbf16>, vector<256x1024xbf16>, vector<48x1024xf32> -> vector<48x1024xf32>
      %add3A_714 = arith.addf %get3A_709, %dot_general3A_713 : vector<48x1024xf32>
      %slice3A_715 = vector.extract_strided_slice %add3A_714 {offsets = [0, 0], sizes = [48, 256], strides = [1, 1]} : vector<48x1024xf32> to vector<48x256xf32>
      %logistic3A_716 = arith.negf %slice3A_715 : vector<48x256xf32>
      %logistic3A_717 = math.exp %logistic3A_716 : vector<48x256xf32>
      %logistic3A_718 = arith.constant 1.000000e+00 : f32
      %logistic3A_719 = vector.broadcast %logistic3A_718 : f32 to vector<48x256xf32>
      %logistic3A_720 = arith.addf %logistic3A_719, %logistic3A_717 : vector<48x256xf32>
      %logistic3A_721 = arith.divf %logistic3A_719, %logistic3A_720 : vector<48x256xf32>
      %slice3A_722 = vector.extract_strided_slice %add3A_714 {offsets = [0, 256], sizes = [48, 256], strides = [1, 1]} : vector<48x1024xf32> to vector<48x256xf32>
      %logistic3A_723 = arith.negf %slice3A_722 : vector<48x256xf32>
      %logistic3A_724 = math.exp %logistic3A_723 : vector<48x256xf32>
      %logistic3A_725 = arith.constant 1.000000e+00 : f32
      %logistic3A_726 = vector.broadcast %logistic3A_725 : f32 to vector<48x256xf32>
      %logistic3A_727 = arith.addf %logistic3A_726, %logistic3A_724 : vector<48x256xf32>
      %logistic3A_728 = arith.divf %logistic3A_726, %logistic3A_727 : vector<48x256xf32>
      %slice3A_729 = vector.extract_strided_slice %add3A_714 {offsets = [0, 512], sizes = [48, 256], strides = [1, 1]} : vector<48x1024xf32> to vector<48x256xf32>
      %tanh3A_730 = math.tanh %slice3A_729 : vector<48x256xf32>
      %slice3A_731 = vector.extract_strided_slice %add3A_714 {offsets = [0, 768], sizes = [48, 256], strides = [1, 1]} : vector<48x1024xf32> to vector<48x256xf32>
      %logistic3A_732 = arith.negf %slice3A_731 : vector<48x256xf32>
      %logistic3A_733 = math.exp %logistic3A_732 : vector<48x256xf32>
      %logistic3A_734 = arith.constant 1.000000e+00 : f32
      %logistic3A_735 = vector.broadcast %logistic3A_734 : f32 to vector<48x256xf32>
      %logistic3A_736 = arith.addf %logistic3A_735, %logistic3A_733 : vector<48x256xf32>
      %logistic3A_737 = arith.divf %logistic3A_735, %logistic3A_736 : vector<48x256xf32>
      %mul3A_738 = arith.mulf %logistic3A_728, %add3A_642 : vector<48x256xf32>
      %mul3A_739 = arith.mulf %logistic3A_721, %tanh3A_730 : vector<48x256xf32>
      %add3A_740 = arith.addf %mul3A_738, %mul3A_739 : vector<48x256xf32>
      %tanh3A_741 = math.tanh %add3A_740 : vector<48x256xf32>
      %mul3A_742 = arith.mulf %logistic3A_737, %tanh3A_741 : vector<48x256xf32>
      %convert_element_type3A_743 = arith.truncf %mul3A_742 : vector<48x256xf32> to vector<48x256xbf16>
      %jit3A_744 = arith.constant 0.000000e+00 : f32
      %broadcast_in_dim3A_745 = vector.shape_cast %lt3A_711 : vector<48x1xi1> to vector<48x1xi1>
      %broadcast_in_dim3A_746 = vector.broadcast %broadcast_in_dim3A_745 : vector<48x1xi1> to vector<48x256xi1>
      %broadcast_in_dim3A_747 = vector.broadcast %jit3A_744 : f32 to vector<48x256xf32>
      %select_n3A_748 = arith.select %broadcast_in_dim3A_746, %mul3A_742, %broadcast_in_dim3A_747 : vector<48x256xi1>, vector<48x256xf32>
      %add3A_749 = arith.addf %add3A_651, %select_n3A_748 : vector<48x256xf32>
      %sub3A_750 = arith.constant 255 : i32
      %sub3A_751 = arith.subi %sub3A_750, %add3A_706 : i32
      %get3A_752 = arith.constant 144 : index
      %get3A_753 = arith.constant 0 : index
      %get3A_754 = vector.load %arg25[%get3A_752, %get3A_753] : memref<384x1024xf32, #tpu.memory_space<vmem>>, vector<48x1024xf32>
      %lt3A_755 = vector.broadcast %sub3A_751 : i32 to vector<48x1xi32>
      %lt3A_756 = arith.cmpi slt, %lt3A_755, %get3A_13 : vector<48x1xi32>
      %dot_general3A_757 = arith.constant dense<0.000000e+00> : vector<48x1024xf32>
      %dot_general3A_758 = tpu.matmul %select_n3A_693, %get3A_4, %dot_general3A_757 {dimension_numbers = #tpu.dot_dimension_numbers<[1], [0], [0], [1], [0, 0, 1, 1], [], []>, transpose_lhs_hint = false} : vector<48x256xbf16>, vector<256x1024xbf16>, vector<48x1024xf32> -> vector<48x1024xf32>
      %add3A_759 = arith.addf %get3A_754, %dot_general3A_758 : vector<48x1024xf32>
      %slice3A_760 = vector.extract_strided_slice %add3A_759 {offsets = [0, 0], sizes = [48, 256], strides = [1, 1]} : vector<48x1024xf32> to vector<48x256xf32>
      %logistic3A_761 = arith.negf %slice3A_760 : vector<48x256xf32>
      %logistic3A_762 = math.exp %logistic3A_761 : vector<48x256xf32>
      %logistic3A_763 = arith.constant 1.000000e+00 : f32
      %logistic3A_764 = vector.broadcast %logistic3A_763 : f32 to vector<48x256xf32>
      %logistic3A_765 = arith.addf %logistic3A_764, %logistic3A_762 : vector<48x256xf32>
      %logistic3A_766 = arith.divf %logistic3A_764, %logistic3A_765 : vector<48x256xf32>
      %slice3A_767 = vector.extract_strided_slice %add3A_759 {offsets = [0, 256], sizes = [48, 256], strides = [1, 1]} : vector<48x1024xf32> to vector<48x256xf32>
      %logistic3A_768 = arith.negf %slice3A_767 : vector<48x256xf32>
      %logistic3A_769 = math.exp %logistic3A_768 : vector<48x256xf32>
      %logistic3A_770 = arith.constant 1.000000e+00 : f32
      %logistic3A_771 = vector.broadcast %logistic3A_770 : f32 to vector<48x256xf32>
      %logistic3A_772 = arith.addf %logistic3A_771, %logistic3A_769 : vector<48x256xf32>
      %logistic3A_773 = arith.divf %logistic3A_771, %logistic3A_772 : vector<48x256xf32>
      %slice3A_774 = vector.extract_strided_slice %add3A_759 {offsets = [0, 512], sizes = [48, 256], strides = [1, 1]} : vector<48x1024xf32> to vector<48x256xf32>
      %tanh3A_775 = math.tanh %slice3A_774 : vector<48x256xf32>
      %slice3A_776 = vector.extract_strided_slice %add3A_759 {offsets = [0, 768], sizes = [48, 256], strides = [1, 1]} : vector<48x1024xf32> to vector<48x256xf32>
      %logistic3A_777 = arith.negf %slice3A_776 : vector<48x256xf32>
      %logistic3A_778 = math.exp %logistic3A_777 : vector<48x256xf32>
      %logistic3A_779 = arith.constant 1.000000e+00 : f32
      %logistic3A_780 = vector.broadcast %logistic3A_779 : f32 to vector<48x256xf32>
      %logistic3A_781 = arith.addf %logistic3A_780, %logistic3A_778 : vector<48x256xf32>
      %logistic3A_782 = arith.divf %logistic3A_780, %logistic3A_781 : vector<48x256xf32>
      %mul3A_783 = arith.mulf %logistic3A_773, %select_n3A_696 : vector<48x256xf32>
      %mul3A_784 = arith.mulf %logistic3A_766, %tanh3A_775 : vector<48x256xf32>
      %add3A_785 = arith.addf %mul3A_783, %mul3A_784 : vector<48x256xf32>
      %tanh3A_786 = math.tanh %add3A_785 : vector<48x256xf32>
      %mul3A_787 = arith.mulf %logistic3A_782, %tanh3A_786 : vector<48x256xf32>
      %convert_element_type3A_788 = arith.truncf %mul3A_787 : vector<48x256xf32> to vector<48x256xbf16>
      %broadcast_in_dim3A_789 = vector.shape_cast %lt3A_756 : vector<48x1xi1> to vector<48x1xi1>
      %broadcast_in_dim3A_790 = vector.broadcast %broadcast_in_dim3A_789 : vector<48x1xi1> to vector<48x256xi1>
      %select_n3A_791 = arith.select %broadcast_in_dim3A_790, %convert_element_type3A_788, %select_n3A_693 : vector<48x256xi1>, vector<48x256xbf16>
      %broadcast_in_dim3A_792 = vector.shape_cast %lt3A_756 : vector<48x1xi1> to vector<48x1xi1>
      %broadcast_in_dim3A_793 = vector.broadcast %broadcast_in_dim3A_792 : vector<48x1xi1> to vector<48x256xi1>
      %select_n3A_794 = arith.select %broadcast_in_dim3A_793, %add3A_785, %select_n3A_696 : vector<48x256xi1>, vector<48x256xf32>
      %jit3A_795 = arith.constant 0.000000e+00 : f32
      %broadcast_in_dim3A_796 = vector.shape_cast %lt3A_756 : vector<48x1xi1> to vector<48x1xi1>
      %broadcast_in_dim3A_797 = vector.broadcast %broadcast_in_dim3A_796 : vector<48x1xi1> to vector<48x256xi1>
      %broadcast_in_dim3A_798 = vector.broadcast %jit3A_795 : f32 to vector<48x256xf32>
      %select_n3A_799 = arith.select %broadcast_in_dim3A_797, %mul3A_787, %broadcast_in_dim3A_798 : vector<48x256xi1>, vector<48x256xf32>
      %add3A_800 = arith.addf %add3A_702, %select_n3A_799 : vector<48x256xf32>
      %mul3A_801 = arith.constant 8 : i32
      %mul3A_802 = arith.muli %mul3A_226, %mul3A_801 : i32
      %add3A_803 = arith.constant 5 : i32
      %add3A_804 = arith.addi %mul3A_802, %add3A_803 : i32
      %get3A_805 = arith.constant 240 : index
      %get3A_806 = arith.constant 0 : index
      %get3A_807 = vector.load %arg23[%get3A_805, %get3A_806] : memref<384x1024xf32, #tpu.memory_space<vmem>>, vector<48x1024xf32>
      %lt3A_808 = vector.broadcast %add3A_804 : i32 to vector<48x1xi32>
      %lt3A_809 = arith.cmpi slt, %lt3A_808, %get3A_13 : vector<48x1xi32>
      %dot_general3A_810 = arith.constant dense<0.000000e+00> : vector<48x1024xf32>
      %dot_general3A_811 = tpu.matmul %convert_element_type3A_743, %get3A_1, %dot_general3A_810 {dimension_numbers = #tpu.dot_dimension_numbers<[1], [0], [0], [1], [0, 0, 1, 1], [], []>, transpose_lhs_hint = false} : vector<48x256xbf16>, vector<256x1024xbf16>, vector<48x1024xf32> -> vector<48x1024xf32>
      %add3A_812 = arith.addf %get3A_807, %dot_general3A_811 : vector<48x1024xf32>
      %slice3A_813 = vector.extract_strided_slice %add3A_812 {offsets = [0, 0], sizes = [48, 256], strides = [1, 1]} : vector<48x1024xf32> to vector<48x256xf32>
      %logistic3A_814 = arith.negf %slice3A_813 : vector<48x256xf32>
      %logistic3A_815 = math.exp %logistic3A_814 : vector<48x256xf32>
      %logistic3A_816 = arith.constant 1.000000e+00 : f32
      %logistic3A_817 = vector.broadcast %logistic3A_816 : f32 to vector<48x256xf32>
      %logistic3A_818 = arith.addf %logistic3A_817, %logistic3A_815 : vector<48x256xf32>
      %logistic3A_819 = arith.divf %logistic3A_817, %logistic3A_818 : vector<48x256xf32>
      %slice3A_820 = vector.extract_strided_slice %add3A_812 {offsets = [0, 256], sizes = [48, 256], strides = [1, 1]} : vector<48x1024xf32> to vector<48x256xf32>
      %logistic3A_821 = arith.negf %slice3A_820 : vector<48x256xf32>
      %logistic3A_822 = math.exp %logistic3A_821 : vector<48x256xf32>
      %logistic3A_823 = arith.constant 1.000000e+00 : f32
      %logistic3A_824 = vector.broadcast %logistic3A_823 : f32 to vector<48x256xf32>
      %logistic3A_825 = arith.addf %logistic3A_824, %logistic3A_822 : vector<48x256xf32>
      %logistic3A_826 = arith.divf %logistic3A_824, %logistic3A_825 : vector<48x256xf32>
      %slice3A_827 = vector.extract_strided_slice %add3A_812 {offsets = [0, 512], sizes = [48, 256], strides = [1, 1]} : vector<48x1024xf32> to vector<48x256xf32>
      %tanh3A_828 = math.tanh %slice3A_827 : vector<48x256xf32>
      %slice3A_829 = vector.extract_strided_slice %add3A_812 {offsets = [0, 768], sizes = [48, 256], strides = [1, 1]} : vector<48x1024xf32> to vector<48x256xf32>
      %logistic3A_830 = arith.negf %slice3A_829 : vector<48x256xf32>
      %logistic3A_831 = math.exp %logistic3A_830 : vector<48x256xf32>
      %logistic3A_832 = arith.constant 1.000000e+00 : f32
      %logistic3A_833 = vector.broadcast %logistic3A_832 : f32 to vector<48x256xf32>
      %logistic3A_834 = arith.addf %logistic3A_833, %logistic3A_831 : vector<48x256xf32>
      %logistic3A_835 = arith.divf %logistic3A_833, %logistic3A_834 : vector<48x256xf32>
      %mul3A_836 = arith.mulf %logistic3A_826, %add3A_740 : vector<48x256xf32>
      %mul3A_837 = arith.mulf %logistic3A_819, %tanh3A_828 : vector<48x256xf32>
      %add3A_838 = arith.addf %mul3A_836, %mul3A_837 : vector<48x256xf32>
      %tanh3A_839 = math.tanh %add3A_838 : vector<48x256xf32>
      %mul3A_840 = arith.mulf %logistic3A_835, %tanh3A_839 : vector<48x256xf32>
      %convert_element_type3A_841 = arith.truncf %mul3A_840 : vector<48x256xf32> to vector<48x256xbf16>
      %jit3A_842 = arith.constant 0.000000e+00 : f32
      %broadcast_in_dim3A_843 = vector.shape_cast %lt3A_809 : vector<48x1xi1> to vector<48x1xi1>
      %broadcast_in_dim3A_844 = vector.broadcast %broadcast_in_dim3A_843 : vector<48x1xi1> to vector<48x256xi1>
      %broadcast_in_dim3A_845 = vector.broadcast %jit3A_842 : f32 to vector<48x256xf32>
      %select_n3A_846 = arith.select %broadcast_in_dim3A_844, %mul3A_840, %broadcast_in_dim3A_845 : vector<48x256xi1>, vector<48x256xf32>
      %add3A_847 = arith.addf %add3A_749, %select_n3A_846 : vector<48x256xf32>
      %sub3A_848 = arith.constant 255 : i32
      %sub3A_849 = arith.subi %sub3A_848, %add3A_804 : i32
      %get3A_850 = arith.constant 96 : index
      %get3A_851 = arith.constant 0 : index
      %get3A_852 = vector.load %arg25[%get3A_850, %get3A_851] : memref<384x1024xf32, #tpu.memory_space<vmem>>, vector<48x1024xf32>
      %lt3A_853 = vector.broadcast %sub3A_849 : i32 to vector<48x1xi32>
      %lt3A_854 = arith.cmpi slt, %lt3A_853, %get3A_13 : vector<48x1xi32>
      %dot_general3A_855 = arith.constant dense<0.000000e+00> : vector<48x1024xf32>
      %dot_general3A_856 = tpu.matmul %select_n3A_791, %get3A_4, %dot_general3A_855 {dimension_numbers = #tpu.dot_dimension_numbers<[1], [0], [0], [1], [0, 0, 1, 1], [], []>, transpose_lhs_hint = false} : vector<48x256xbf16>, vector<256x1024xbf16>, vector<48x1024xf32> -> vector<48x1024xf32>
      %add3A_857 = arith.addf %get3A_852, %dot_general3A_856 : vector<48x1024xf32>
      %slice3A_858 = vector.extract_strided_slice %add3A_857 {offsets = [0, 0], sizes = [48, 256], strides = [1, 1]} : vector<48x1024xf32> to vector<48x256xf32>
      %logistic3A_859 = arith.negf %slice3A_858 : vector<48x256xf32>
      %logistic3A_860 = math.exp %logistic3A_859 : vector<48x256xf32>
      %logistic3A_861 = arith.constant 1.000000e+00 : f32
      %logistic3A_862 = vector.broadcast %logistic3A_861 : f32 to vector<48x256xf32>
      %logistic3A_863 = arith.addf %logistic3A_862, %logistic3A_860 : vector<48x256xf32>
      %logistic3A_864 = arith.divf %logistic3A_862, %logistic3A_863 : vector<48x256xf32>
      %slice3A_865 = vector.extract_strided_slice %add3A_857 {offsets = [0, 256], sizes = [48, 256], strides = [1, 1]} : vector<48x1024xf32> to vector<48x256xf32>
      %logistic3A_866 = arith.negf %slice3A_865 : vector<48x256xf32>
      %logistic3A_867 = math.exp %logistic3A_866 : vector<48x256xf32>
      %logistic3A_868 = arith.constant 1.000000e+00 : f32
      %logistic3A_869 = vector.broadcast %logistic3A_868 : f32 to vector<48x256xf32>
      %logistic3A_870 = arith.addf %logistic3A_869, %logistic3A_867 : vector<48x256xf32>
      %logistic3A_871 = arith.divf %logistic3A_869, %logistic3A_870 : vector<48x256xf32>
      %slice3A_872 = vector.extract_strided_slice %add3A_857 {offsets = [0, 512], sizes = [48, 256], strides = [1, 1]} : vector<48x1024xf32> to vector<48x256xf32>
      %tanh3A_873 = math.tanh %slice3A_872 : vector<48x256xf32>
      %slice3A_874 = vector.extract_strided_slice %add3A_857 {offsets = [0, 768], sizes = [48, 256], strides = [1, 1]} : vector<48x1024xf32> to vector<48x256xf32>
      %logistic3A_875 = arith.negf %slice3A_874 : vector<48x256xf32>
      %logistic3A_876 = math.exp %logistic3A_875 : vector<48x256xf32>
      %logistic3A_877 = arith.constant 1.000000e+00 : f32
      %logistic3A_878 = vector.broadcast %logistic3A_877 : f32 to vector<48x256xf32>
      %logistic3A_879 = arith.addf %logistic3A_878, %logistic3A_876 : vector<48x256xf32>
      %logistic3A_880 = arith.divf %logistic3A_878, %logistic3A_879 : vector<48x256xf32>
      %mul3A_881 = arith.mulf %logistic3A_871, %select_n3A_794 : vector<48x256xf32>
      %mul3A_882 = arith.mulf %logistic3A_864, %tanh3A_873 : vector<48x256xf32>
      %add3A_883 = arith.addf %mul3A_881, %mul3A_882 : vector<48x256xf32>
      %tanh3A_884 = math.tanh %add3A_883 : vector<48x256xf32>
      %mul3A_885 = arith.mulf %logistic3A_880, %tanh3A_884 : vector<48x256xf32>
      %convert_element_type3A_886 = arith.truncf %mul3A_885 : vector<48x256xf32> to vector<48x256xbf16>
      %broadcast_in_dim3A_887 = vector.shape_cast %lt3A_854 : vector<48x1xi1> to vector<48x1xi1>
      %broadcast_in_dim3A_888 = vector.broadcast %broadcast_in_dim3A_887 : vector<48x1xi1> to vector<48x256xi1>
      %select_n3A_889 = arith.select %broadcast_in_dim3A_888, %convert_element_type3A_886, %select_n3A_791 : vector<48x256xi1>, vector<48x256xbf16>
      %broadcast_in_dim3A_890 = vector.shape_cast %lt3A_854 : vector<48x1xi1> to vector<48x1xi1>
      %broadcast_in_dim3A_891 = vector.broadcast %broadcast_in_dim3A_890 : vector<48x1xi1> to vector<48x256xi1>
      %select_n3A_892 = arith.select %broadcast_in_dim3A_891, %add3A_883, %select_n3A_794 : vector<48x256xi1>, vector<48x256xf32>
      %jit3A_893 = arith.constant 0.000000e+00 : f32
      %broadcast_in_dim3A_894 = vector.shape_cast %lt3A_854 : vector<48x1xi1> to vector<48x1xi1>
      %broadcast_in_dim3A_895 = vector.broadcast %broadcast_in_dim3A_894 : vector<48x1xi1> to vector<48x256xi1>
      %broadcast_in_dim3A_896 = vector.broadcast %jit3A_893 : f32 to vector<48x256xf32>
      %select_n3A_897 = arith.select %broadcast_in_dim3A_895, %mul3A_885, %broadcast_in_dim3A_896 : vector<48x256xi1>, vector<48x256xf32>
      %add3A_898 = arith.addf %add3A_800, %select_n3A_897 : vector<48x256xf32>
      %mul3A_899 = arith.constant 8 : i32
      %mul3A_900 = arith.muli %mul3A_226, %mul3A_899 : i32
      %add3A_901 = arith.constant 6 : i32
      %add3A_902 = arith.addi %mul3A_900, %add3A_901 : i32
      %get3A_903 = arith.constant 288 : index
      %get3A_904 = arith.constant 0 : index
      %get3A_905 = vector.load %arg23[%get3A_903, %get3A_904] : memref<384x1024xf32, #tpu.memory_space<vmem>>, vector<48x1024xf32>
      %lt3A_906 = vector.broadcast %add3A_902 : i32 to vector<48x1xi32>
      %lt3A_907 = arith.cmpi slt, %lt3A_906, %get3A_13 : vector<48x1xi32>
      %dot_general3A_908 = arith.constant dense<0.000000e+00> : vector<48x1024xf32>
      %dot_general3A_909 = tpu.matmul %convert_element_type3A_841, %get3A_1, %dot_general3A_908 {dimension_numbers = #tpu.dot_dimension_numbers<[1], [0], [0], [1], [0, 0, 1, 1], [], []>, transpose_lhs_hint = false} : vector<48x256xbf16>, vector<256x1024xbf16>, vector<48x1024xf32> -> vector<48x1024xf32>
      %add3A_910 = arith.addf %get3A_905, %dot_general3A_909 : vector<48x1024xf32>
      %slice3A_911 = vector.extract_strided_slice %add3A_910 {offsets = [0, 0], sizes = [48, 256], strides = [1, 1]} : vector<48x1024xf32> to vector<48x256xf32>
      %logistic3A_912 = arith.negf %slice3A_911 : vector<48x256xf32>
      %logistic3A_913 = math.exp %logistic3A_912 : vector<48x256xf32>
      %logistic3A_914 = arith.constant 1.000000e+00 : f32
      %logistic3A_915 = vector.broadcast %logistic3A_914 : f32 to vector<48x256xf32>
      %logistic3A_916 = arith.addf %logistic3A_915, %logistic3A_913 : vector<48x256xf32>
      %logistic3A_917 = arith.divf %logistic3A_915, %logistic3A_916 : vector<48x256xf32>
      %slice3A_918 = vector.extract_strided_slice %add3A_910 {offsets = [0, 256], sizes = [48, 256], strides = [1, 1]} : vector<48x1024xf32> to vector<48x256xf32>
      %logistic3A_919 = arith.negf %slice3A_918 : vector<48x256xf32>
      %logistic3A_920 = math.exp %logistic3A_919 : vector<48x256xf32>
      %logistic3A_921 = arith.constant 1.000000e+00 : f32
      %logistic3A_922 = vector.broadcast %logistic3A_921 : f32 to vector<48x256xf32>
      %logistic3A_923 = arith.addf %logistic3A_922, %logistic3A_920 : vector<48x256xf32>
      %logistic3A_924 = arith.divf %logistic3A_922, %logistic3A_923 : vector<48x256xf32>
      %slice3A_925 = vector.extract_strided_slice %add3A_910 {offsets = [0, 512], sizes = [48, 256], strides = [1, 1]} : vector<48x1024xf32> to vector<48x256xf32>
      %tanh3A_926 = math.tanh %slice3A_925 : vector<48x256xf32>
      %slice3A_927 = vector.extract_strided_slice %add3A_910 {offsets = [0, 768], sizes = [48, 256], strides = [1, 1]} : vector<48x1024xf32> to vector<48x256xf32>
      %logistic3A_928 = arith.negf %slice3A_927 : vector<48x256xf32>
      %logistic3A_929 = math.exp %logistic3A_928 : vector<48x256xf32>
      %logistic3A_930 = arith.constant 1.000000e+00 : f32
      %logistic3A_931 = vector.broadcast %logistic3A_930 : f32 to vector<48x256xf32>
      %logistic3A_932 = arith.addf %logistic3A_931, %logistic3A_929 : vector<48x256xf32>
      %logistic3A_933 = arith.divf %logistic3A_931, %logistic3A_932 : vector<48x256xf32>
      %mul3A_934 = arith.mulf %logistic3A_924, %add3A_838 : vector<48x256xf32>
      %mul3A_935 = arith.mulf %logistic3A_917, %tanh3A_926 : vector<48x256xf32>
      %add3A_936 = arith.addf %mul3A_934, %mul3A_935 : vector<48x256xf32>
      %tanh3A_937 = math.tanh %add3A_936 : vector<48x256xf32>
      %mul3A_938 = arith.mulf %logistic3A_933, %tanh3A_937 : vector<48x256xf32>
      %convert_element_type3A_939 = arith.truncf %mul3A_938 : vector<48x256xf32> to vector<48x256xbf16>
      %jit3A_940 = arith.constant 0.000000e+00 : f32
      %broadcast_in_dim3A_941 = vector.shape_cast %lt3A_907 : vector<48x1xi1> to vector<48x1xi1>
      %broadcast_in_dim3A_942 = vector.broadcast %broadcast_in_dim3A_941 : vector<48x1xi1> to vector<48x256xi1>
      %broadcast_in_dim3A_943 = vector.broadcast %jit3A_940 : f32 to vector<48x256xf32>
      %select_n3A_944 = arith.select %broadcast_in_dim3A_942, %mul3A_938, %broadcast_in_dim3A_943 : vector<48x256xi1>, vector<48x256xf32>
      %add3A_945 = arith.addf %add3A_847, %select_n3A_944 : vector<48x256xf32>
      %sub3A_946 = arith.constant 255 : i32
      %sub3A_947 = arith.subi %sub3A_946, %add3A_902 : i32
      %get3A_948 = arith.constant 48 : index
      %get3A_949 = arith.constant 0 : index
      %get3A_950 = vector.load %arg25[%get3A_948, %get3A_949] : memref<384x1024xf32, #tpu.memory_space<vmem>>, vector<48x1024xf32>
      %lt3A_951 = vector.broadcast %sub3A_947 : i32 to vector<48x1xi32>
      %lt3A_952 = arith.cmpi slt, %lt3A_951, %get3A_13 : vector<48x1xi32>
      %dot_general3A_953 = arith.constant dense<0.000000e+00> : vector<48x1024xf32>
      %dot_general3A_954 = tpu.matmul %select_n3A_889, %get3A_4, %dot_general3A_953 {dimension_numbers = #tpu.dot_dimension_numbers<[1], [0], [0], [1], [0, 0, 1, 1], [], []>, transpose_lhs_hint = false} : vector<48x256xbf16>, vector<256x1024xbf16>, vector<48x1024xf32> -> vector<48x1024xf32>
      %add3A_955 = arith.addf %get3A_950, %dot_general3A_954 : vector<48x1024xf32>
      %slice3A_956 = vector.extract_strided_slice %add3A_955 {offsets = [0, 0], sizes = [48, 256], strides = [1, 1]} : vector<48x1024xf32> to vector<48x256xf32>
      %logistic3A_957 = arith.negf %slice3A_956 : vector<48x256xf32>
      %logistic3A_958 = math.exp %logistic3A_957 : vector<48x256xf32>
      %logistic3A_959 = arith.constant 1.000000e+00 : f32
      %logistic3A_960 = vector.broadcast %logistic3A_959 : f32 to vector<48x256xf32>
      %logistic3A_961 = arith.addf %logistic3A_960, %logistic3A_958 : vector<48x256xf32>
      %logistic3A_962 = arith.divf %logistic3A_960, %logistic3A_961 : vector<48x256xf32>
      %slice3A_963 = vector.extract_strided_slice %add3A_955 {offsets = [0, 256], sizes = [48, 256], strides = [1, 1]} : vector<48x1024xf32> to vector<48x256xf32>
      %logistic3A_964 = arith.negf %slice3A_963 : vector<48x256xf32>
      %logistic3A_965 = math.exp %logistic3A_964 : vector<48x256xf32>
      %logistic3A_966 = arith.constant 1.000000e+00 : f32
      %logistic3A_967 = vector.broadcast %logistic3A_966 : f32 to vector<48x256xf32>
      %logistic3A_968 = arith.addf %logistic3A_967, %logistic3A_965 : vector<48x256xf32>
      %logistic3A_969 = arith.divf %logistic3A_967, %logistic3A_968 : vector<48x256xf32>
      %slice3A_970 = vector.extract_strided_slice %add3A_955 {offsets = [0, 512], sizes = [48, 256], strides = [1, 1]} : vector<48x1024xf32> to vector<48x256xf32>
      %tanh3A_971 = math.tanh %slice3A_970 : vector<48x256xf32>
      %slice3A_972 = vector.extract_strided_slice %add3A_955 {offsets = [0, 768], sizes = [48, 256], strides = [1, 1]} : vector<48x1024xf32> to vector<48x256xf32>
      %logistic3A_973 = arith.negf %slice3A_972 : vector<48x256xf32>
      %logistic3A_974 = math.exp %logistic3A_973 : vector<48x256xf32>
      %logistic3A_975 = arith.constant 1.000000e+00 : f32
      %logistic3A_976 = vector.broadcast %logistic3A_975 : f32 to vector<48x256xf32>
      %logistic3A_977 = arith.addf %logistic3A_976, %logistic3A_974 : vector<48x256xf32>
      %logistic3A_978 = arith.divf %logistic3A_976, %logistic3A_977 : vector<48x256xf32>
      %mul3A_979 = arith.mulf %logistic3A_969, %select_n3A_892 : vector<48x256xf32>
      %mul3A_980 = arith.mulf %logistic3A_962, %tanh3A_971 : vector<48x256xf32>
      %add3A_981 = arith.addf %mul3A_979, %mul3A_980 : vector<48x256xf32>
      %tanh3A_982 = math.tanh %add3A_981 : vector<48x256xf32>
      %mul3A_983 = arith.mulf %logistic3A_978, %tanh3A_982 : vector<48x256xf32>
      %convert_element_type3A_984 = arith.truncf %mul3A_983 : vector<48x256xf32> to vector<48x256xbf16>
      %broadcast_in_dim3A_985 = vector.shape_cast %lt3A_952 : vector<48x1xi1> to vector<48x1xi1>
      %broadcast_in_dim3A_986 = vector.broadcast %broadcast_in_dim3A_985 : vector<48x1xi1> to vector<48x256xi1>
      %select_n3A_987 = arith.select %broadcast_in_dim3A_986, %convert_element_type3A_984, %select_n3A_889 : vector<48x256xi1>, vector<48x256xbf16>
      %broadcast_in_dim3A_988 = vector.shape_cast %lt3A_952 : vector<48x1xi1> to vector<48x1xi1>
      %broadcast_in_dim3A_989 = vector.broadcast %broadcast_in_dim3A_988 : vector<48x1xi1> to vector<48x256xi1>
      %select_n3A_990 = arith.select %broadcast_in_dim3A_989, %add3A_981, %select_n3A_892 : vector<48x256xi1>, vector<48x256xf32>
      %jit3A_991 = arith.constant 0.000000e+00 : f32
      %broadcast_in_dim3A_992 = vector.shape_cast %lt3A_952 : vector<48x1xi1> to vector<48x1xi1>
      %broadcast_in_dim3A_993 = vector.broadcast %broadcast_in_dim3A_992 : vector<48x1xi1> to vector<48x256xi1>
      %broadcast_in_dim3A_994 = vector.broadcast %jit3A_991 : f32 to vector<48x256xf32>
      %select_n3A_995 = arith.select %broadcast_in_dim3A_993, %mul3A_983, %broadcast_in_dim3A_994 : vector<48x256xi1>, vector<48x256xf32>
      %add3A_996 = arith.addf %add3A_898, %select_n3A_995 : vector<48x256xf32>
      %mul3A_997 = arith.constant 8 : i32
      %mul3A_998 = arith.muli %mul3A_226, %mul3A_997 : i32
      %add3A_999 = arith.constant 7 : i32
      %add3A_1000 = arith.addi %mul3A_998, %add3A_999 : i32
      %get3A_1001 = arith.constant 336 : index
      %get3A_1002 = arith.constant 0 : index
      %get3A_1003 = vector.load %arg23[%get3A_1001, %get3A_1002] : memref<384x1024xf32, #tpu.memory_space<vmem>>, vector<48x1024xf32>
      %lt3A_1004 = vector.broadcast %add3A_1000 : i32 to vector<48x1xi32>
      %lt3A_1005 = arith.cmpi slt, %lt3A_1004, %get3A_13 : vector<48x1xi32>
      %dot_general3A_1006 = arith.constant dense<0.000000e+00> : vector<48x1024xf32>
      %dot_general3A_1007 = tpu.matmul %convert_element_type3A_939, %get3A_1, %dot_general3A_1006 {dimension_numbers = #tpu.dot_dimension_numbers<[1], [0], [0], [1], [0, 0, 1, 1], [], []>, transpose_lhs_hint = false} : vector<48x256xbf16>, vector<256x1024xbf16>, vector<48x1024xf32> -> vector<48x1024xf32>
      %add3A_1008 = arith.addf %get3A_1003, %dot_general3A_1007 : vector<48x1024xf32>
      %slice3A_1009 = vector.extract_strided_slice %add3A_1008 {offsets = [0, 0], sizes = [48, 256], strides = [1, 1]} : vector<48x1024xf32> to vector<48x256xf32>
      %logistic3A_1010 = arith.negf %slice3A_1009 : vector<48x256xf32>
      %logistic3A_1011 = math.exp %logistic3A_1010 : vector<48x256xf32>
      %logistic3A_1012 = arith.constant 1.000000e+00 : f32
      %logistic3A_1013 = vector.broadcast %logistic3A_1012 : f32 to vector<48x256xf32>
      %logistic3A_1014 = arith.addf %logistic3A_1013, %logistic3A_1011 : vector<48x256xf32>
      %logistic3A_1015 = arith.divf %logistic3A_1013, %logistic3A_1014 : vector<48x256xf32>
      %slice3A_1016 = vector.extract_strided_slice %add3A_1008 {offsets = [0, 256], sizes = [48, 256], strides = [1, 1]} : vector<48x1024xf32> to vector<48x256xf32>
      %logistic3A_1017 = arith.negf %slice3A_1016 : vector<48x256xf32>
      %logistic3A_1018 = math.exp %logistic3A_1017 : vector<48x256xf32>
      %logistic3A_1019 = arith.constant 1.000000e+00 : f32
      %logistic3A_1020 = vector.broadcast %logistic3A_1019 : f32 to vector<48x256xf32>
      %logistic3A_1021 = arith.addf %logistic3A_1020, %logistic3A_1018 : vector<48x256xf32>
      %logistic3A_1022 = arith.divf %logistic3A_1020, %logistic3A_1021 : vector<48x256xf32>
      %slice3A_1023 = vector.extract_strided_slice %add3A_1008 {offsets = [0, 512], sizes = [48, 256], strides = [1, 1]} : vector<48x1024xf32> to vector<48x256xf32>
      %tanh3A_1024 = math.tanh %slice3A_1023 : vector<48x256xf32>
      %slice3A_1025 = vector.extract_strided_slice %add3A_1008 {offsets = [0, 768], sizes = [48, 256], strides = [1, 1]} : vector<48x1024xf32> to vector<48x256xf32>
      %logistic3A_1026 = arith.negf %slice3A_1025 : vector<48x256xf32>
      %logistic3A_1027 = math.exp %logistic3A_1026 : vector<48x256xf32>
      %logistic3A_1028 = arith.constant 1.000000e+00 : f32
      %logistic3A_1029 = vector.broadcast %logistic3A_1028 : f32 to vector<48x256xf32>
      %logistic3A_1030 = arith.addf %logistic3A_1029, %logistic3A_1027 : vector<48x256xf32>
      %logistic3A_1031 = arith.divf %logistic3A_1029, %logistic3A_1030 : vector<48x256xf32>
      %mul3A_1032 = arith.mulf %logistic3A_1022, %add3A_936 : vector<48x256xf32>
      %mul3A_1033 = arith.mulf %logistic3A_1015, %tanh3A_1024 : vector<48x256xf32>
      %add3A_1034 = arith.addf %mul3A_1032, %mul3A_1033 : vector<48x256xf32>
      %tanh3A_1035 = math.tanh %add3A_1034 : vector<48x256xf32>
      %mul3A_1036 = arith.mulf %logistic3A_1031, %tanh3A_1035 : vector<48x256xf32>
      %convert_element_type3A_1037 = arith.truncf %mul3A_1036 : vector<48x256xf32> to vector<48x256xbf16>
      %jit3A_1038 = arith.constant 0.000000e+00 : f32
      %broadcast_in_dim3A_1039 = vector.shape_cast %lt3A_1005 : vector<48x1xi1> to vector<48x1xi1>
      %broadcast_in_dim3A_1040 = vector.broadcast %broadcast_in_dim3A_1039 : vector<48x1xi1> to vector<48x256xi1>
      %broadcast_in_dim3A_1041 = vector.broadcast %jit3A_1038 : f32 to vector<48x256xf32>
      %select_n3A_1042 = arith.select %broadcast_in_dim3A_1040, %mul3A_1036, %broadcast_in_dim3A_1041 : vector<48x256xi1>, vector<48x256xf32>
      %add3A_1043 = arith.addf %add3A_945, %select_n3A_1042 : vector<48x256xf32>
      %sub3A_1044 = arith.constant 255 : i32
      %sub3A_1045 = arith.subi %sub3A_1044, %add3A_1000 : i32
      %get3A_1046 = arith.constant 0 : index
      %get3A_1047 = arith.constant 0 : index
      %get3A_1048 = vector.load %arg25[%get3A_1046, %get3A_1047] : memref<384x1024xf32, #tpu.memory_space<vmem>>, vector<48x1024xf32>
      %lt3A_1049 = vector.broadcast %sub3A_1045 : i32 to vector<48x1xi32>
      %lt3A_1050 = arith.cmpi slt, %lt3A_1049, %get3A_13 : vector<48x1xi32>
      %dot_general3A_1051 = arith.constant dense<0.000000e+00> : vector<48x1024xf32>
      %dot_general3A_1052 = tpu.matmul %select_n3A_987, %get3A_4, %dot_general3A_1051 {dimension_numbers = #tpu.dot_dimension_numbers<[1], [0], [0], [1], [0, 0, 1, 1], [], []>, transpose_lhs_hint = false} : vector<48x256xbf16>, vector<256x1024xbf16>, vector<48x1024xf32> -> vector<48x1024xf32>
      %add3A_1053 = arith.addf %get3A_1048, %dot_general3A_1052 : vector<48x1024xf32>
      %slice3A_1054 = vector.extract_strided_slice %add3A_1053 {offsets = [0, 0], sizes = [48, 256], strides = [1, 1]} : vector<48x1024xf32> to vector<48x256xf32>
      %logistic3A_1055 = arith.negf %slice3A_1054 : vector<48x256xf32>
      %logistic3A_1056 = math.exp %logistic3A_1055 : vector<48x256xf32>
      %logistic3A_1057 = arith.constant 1.000000e+00 : f32
      %logistic3A_1058 = vector.broadcast %logistic3A_1057 : f32 to vector<48x256xf32>
      %logistic3A_1059 = arith.addf %logistic3A_1058, %logistic3A_1056 : vector<48x256xf32>
      %logistic3A_1060 = arith.divf %logistic3A_1058, %logistic3A_1059 : vector<48x256xf32>
      %slice3A_1061 = vector.extract_strided_slice %add3A_1053 {offsets = [0, 256], sizes = [48, 256], strides = [1, 1]} : vector<48x1024xf32> to vector<48x256xf32>
      %logistic3A_1062 = arith.negf %slice3A_1061 : vector<48x256xf32>
      %logistic3A_1063 = math.exp %logistic3A_1062 : vector<48x256xf32>
      %logistic3A_1064 = arith.constant 1.000000e+00 : f32
      %logistic3A_1065 = vector.broadcast %logistic3A_1064 : f32 to vector<48x256xf32>
      %logistic3A_1066 = arith.addf %logistic3A_1065, %logistic3A_1063 : vector<48x256xf32>
      %logistic3A_1067 = arith.divf %logistic3A_1065, %logistic3A_1066 : vector<48x256xf32>
      %slice3A_1068 = vector.extract_strided_slice %add3A_1053 {offsets = [0, 512], sizes = [48, 256], strides = [1, 1]} : vector<48x1024xf32> to vector<48x256xf32>
      %tanh3A_1069 = math.tanh %slice3A_1068 : vector<48x256xf32>
      %slice3A_1070 = vector.extract_strided_slice %add3A_1053 {offsets = [0, 768], sizes = [48, 256], strides = [1, 1]} : vector<48x1024xf32> to vector<48x256xf32>
      %logistic3A_1071 = arith.negf %slice3A_1070 : vector<48x256xf32>
      %logistic3A_1072 = math.exp %logistic3A_1071 : vector<48x256xf32>
      %logistic3A_1073 = arith.constant 1.000000e+00 : f32
      %logistic3A_1074 = vector.broadcast %logistic3A_1073 : f32 to vector<48x256xf32>
      %logistic3A_1075 = arith.addf %logistic3A_1074, %logistic3A_1072 : vector<48x256xf32>
      %logistic3A_1076 = arith.divf %logistic3A_1074, %logistic3A_1075 : vector<48x256xf32>
      %mul3A_1077 = arith.mulf %logistic3A_1067, %select_n3A_990 : vector<48x256xf32>
      %mul3A_1078 = arith.mulf %logistic3A_1060, %tanh3A_1069 : vector<48x256xf32>
      %add3A_1079 = arith.addf %mul3A_1077, %mul3A_1078 : vector<48x256xf32>
      %tanh3A_1080 = math.tanh %add3A_1079 : vector<48x256xf32>
      %mul3A_1081 = arith.mulf %logistic3A_1076, %tanh3A_1080 : vector<48x256xf32>
      %convert_element_type3A_1082 = arith.truncf %mul3A_1081 : vector<48x256xf32> to vector<48x256xbf16>
      %broadcast_in_dim3A_1083 = vector.shape_cast %lt3A_1050 : vector<48x1xi1> to vector<48x1xi1>
      %broadcast_in_dim3A_1084 = vector.broadcast %broadcast_in_dim3A_1083 : vector<48x1xi1> to vector<48x256xi1>
      %select_n3A_1085 = arith.select %broadcast_in_dim3A_1084, %convert_element_type3A_1082, %select_n3A_987 : vector<48x256xi1>, vector<48x256xbf16>
      %broadcast_in_dim3A_1086 = vector.shape_cast %lt3A_1050 : vector<48x1xi1> to vector<48x1xi1>
      %broadcast_in_dim3A_1087 = vector.broadcast %broadcast_in_dim3A_1086 : vector<48x1xi1> to vector<48x256xi1>
      %select_n3A_1088 = arith.select %broadcast_in_dim3A_1087, %add3A_1079, %select_n3A_990 : vector<48x256xi1>, vector<48x256xf32>
      %jit3A_1089 = arith.constant 0.000000e+00 : f32
      %broadcast_in_dim3A_1090 = vector.shape_cast %lt3A_1050 : vector<48x1xi1> to vector<48x1xi1>
      %broadcast_in_dim3A_1091 = vector.broadcast %broadcast_in_dim3A_1090 : vector<48x1xi1> to vector<48x256xi1>
      %broadcast_in_dim3A_1092 = vector.broadcast %jit3A_1089 : f32 to vector<48x256xf32>
      %select_n3A_1093 = arith.select %broadcast_in_dim3A_1091, %mul3A_1081, %broadcast_in_dim3A_1092 : vector<48x256xi1>, vector<48x256xf32>
      %add3A_1094 = arith.addf %add3A_996, %select_n3A_1093 : vector<48x256xf32>
      %mul3A_1095 = arith.constant 8 : i32
      %mul3A_1096 = arith.muli %mul3A_226, %mul3A_1095 : i32
      %add3A_1097 = arith.constant 0 : i32
      %add3A_1098 = arith.addi %mul3A_1096, %add3A_1097 : i32
      %get3A_1099 = arith.constant 0 : index
      %get3A_1100 = arith.constant 0 : index
      %get3A_1101 = vector.load %arg27[%get3A_1099, %get3A_1100] : memref<768x1024xf32, #tpu.memory_space<vmem>>, vector<96x1024xf32>
      %lt3A_1102 = vector.broadcast %add3A_1098 : i32 to vector<96x1xi32>
      %lt3A_1103 = arith.cmpi slt, %lt3A_1102, %get3A_16 : vector<96x1xi32>
      %dot_general3A_1104 = arith.constant dense<0.000000e+00> : vector<96x1024xf32>
      %dot_general3A_1105 = tpu.matmul %scan3A_220, %get3A_7, %dot_general3A_1104 {dimension_numbers = #tpu.dot_dimension_numbers<[1], [0], [0], [1], [0, 0, 1, 1], [], []>, transpose_lhs_hint = false} : vector<96x256xbf16>, vector<256x1024xbf16>, vector<96x1024xf32> -> vector<96x1024xf32>
      %add3A_1106 = arith.addf %get3A_1101, %dot_general3A_1105 : vector<96x1024xf32>
      %slice3A_1107 = vector.extract_strided_slice %add3A_1106 {offsets = [0, 0], sizes = [96, 256], strides = [1, 1]} : vector<96x1024xf32> to vector<96x256xf32>
      %logistic3A_1108 = arith.negf %slice3A_1107 : vector<96x256xf32>
      %logistic3A_1109 = math.exp %logistic3A_1108 : vector<96x256xf32>
      %logistic3A_1110 = arith.constant 1.000000e+00 : f32
      %logistic3A_1111 = vector.broadcast %logistic3A_1110 : f32 to vector<96x256xf32>
      %logistic3A_1112 = arith.addf %logistic3A_1111, %logistic3A_1109 : vector<96x256xf32>
      %logistic3A_1113 = arith.divf %logistic3A_1111, %logistic3A_1112 : vector<96x256xf32>
      %slice3A_1114 = vector.extract_strided_slice %add3A_1106 {offsets = [0, 256], sizes = [96, 256], strides = [1, 1]} : vector<96x1024xf32> to vector<96x256xf32>
      %logistic3A_1115 = arith.negf %slice3A_1114 : vector<96x256xf32>
      %logistic3A_1116 = math.exp %logistic3A_1115 : vector<96x256xf32>
      %logistic3A_1117 = arith.constant 1.000000e+00 : f32
      %logistic3A_1118 = vector.broadcast %logistic3A_1117 : f32 to vector<96x256xf32>
      %logistic3A_1119 = arith.addf %logistic3A_1118, %logistic3A_1116 : vector<96x256xf32>
      %logistic3A_1120 = arith.divf %logistic3A_1118, %logistic3A_1119 : vector<96x256xf32>
      %slice3A_1121 = vector.extract_strided_slice %add3A_1106 {offsets = [0, 512], sizes = [96, 256], strides = [1, 1]} : vector<96x1024xf32> to vector<96x256xf32>
      %tanh3A_1122 = math.tanh %slice3A_1121 : vector<96x256xf32>
      %slice3A_1123 = vector.extract_strided_slice %add3A_1106 {offsets = [0, 768], sizes = [96, 256], strides = [1, 1]} : vector<96x1024xf32> to vector<96x256xf32>
      %logistic3A_1124 = arith.negf %slice3A_1123 : vector<96x256xf32>
      %logistic3A_1125 = math.exp %logistic3A_1124 : vector<96x256xf32>
      %logistic3A_1126 = arith.constant 1.000000e+00 : f32
      %logistic3A_1127 = vector.broadcast %logistic3A_1126 : f32 to vector<96x256xf32>
      %logistic3A_1128 = arith.addf %logistic3A_1127, %logistic3A_1125 : vector<96x256xf32>
      %logistic3A_1129 = arith.divf %logistic3A_1127, %logistic3A_1128 : vector<96x256xf32>
      %mul3A_1130 = arith.mulf %logistic3A_1120, %scan3A_221 : vector<96x256xf32>
      %mul3A_1131 = arith.mulf %logistic3A_1113, %tanh3A_1122 : vector<96x256xf32>
      %add3A_1132 = arith.addf %mul3A_1130, %mul3A_1131 : vector<96x256xf32>
      %tanh3A_1133 = math.tanh %add3A_1132 : vector<96x256xf32>
      %mul3A_1134 = arith.mulf %logistic3A_1129, %tanh3A_1133 : vector<96x256xf32>
      %convert_element_type3A_1135 = arith.truncf %mul3A_1134 : vector<96x256xf32> to vector<96x256xbf16>
      %jit3A_1136 = arith.constant 0.000000e+00 : f32
      %broadcast_in_dim3A_1137 = vector.shape_cast %lt3A_1103 : vector<96x1xi1> to vector<96x1xi1>
      %broadcast_in_dim3A_1138 = vector.broadcast %broadcast_in_dim3A_1137 : vector<96x1xi1> to vector<96x256xi1>
      %broadcast_in_dim3A_1139 = vector.broadcast %jit3A_1136 : f32 to vector<96x256xf32>
      %select_n3A_1140 = arith.select %broadcast_in_dim3A_1138, %mul3A_1134, %broadcast_in_dim3A_1139 : vector<96x256xi1>, vector<96x256xf32>
      %add3A_1141 = arith.addf %scan3A_222, %select_n3A_1140 : vector<96x256xf32>
      %sub3A_1142 = arith.constant 95 : i32
      %sub3A_1143 = arith.subi %sub3A_1142, %add3A_1098 : i32
      %get3A_1144 = arith.constant 672 : index
      %get3A_1145 = arith.constant 0 : index
      %get3A_1146 = vector.load %arg29[%get3A_1144, %get3A_1145] : memref<768x1024xf32, #tpu.memory_space<vmem>>, vector<96x1024xf32>
      %lt3A_1147 = vector.broadcast %sub3A_1143 : i32 to vector<96x1xi32>
      %lt3A_1148 = arith.cmpi slt, %lt3A_1147, %get3A_16 : vector<96x1xi32>
      %dot_general3A_1149 = arith.constant dense<0.000000e+00> : vector<96x1024xf32>
      %dot_general3A_1150 = tpu.matmul %scan3A_223, %get3A_10, %dot_general3A_1149 {dimension_numbers = #tpu.dot_dimension_numbers<[1], [0], [0], [1], [0, 0, 1, 1], [], []>, transpose_lhs_hint = false} : vector<96x256xbf16>, vector<256x1024xbf16>, vector<96x1024xf32> -> vector<96x1024xf32>
      %add3A_1151 = arith.addf %get3A_1146, %dot_general3A_1150 : vector<96x1024xf32>
      %slice3A_1152 = vector.extract_strided_slice %add3A_1151 {offsets = [0, 0], sizes = [96, 256], strides = [1, 1]} : vector<96x1024xf32> to vector<96x256xf32>
      %logistic3A_1153 = arith.negf %slice3A_1152 : vector<96x256xf32>
      %logistic3A_1154 = math.exp %logistic3A_1153 : vector<96x256xf32>
      %logistic3A_1155 = arith.constant 1.000000e+00 : f32
      %logistic3A_1156 = vector.broadcast %logistic3A_1155 : f32 to vector<96x256xf32>
      %logistic3A_1157 = arith.addf %logistic3A_1156, %logistic3A_1154 : vector<96x256xf32>
      %logistic3A_1158 = arith.divf %logistic3A_1156, %logistic3A_1157 : vector<96x256xf32>
      %slice3A_1159 = vector.extract_strided_slice %add3A_1151 {offsets = [0, 256], sizes = [96, 256], strides = [1, 1]} : vector<96x1024xf32> to vector<96x256xf32>
      %logistic3A_1160 = arith.negf %slice3A_1159 : vector<96x256xf32>
      %logistic3A_1161 = math.exp %logistic3A_1160 : vector<96x256xf32>
      %logistic3A_1162 = arith.constant 1.000000e+00 : f32
      %logistic3A_1163 = vector.broadcast %logistic3A_1162 : f32 to vector<96x256xf32>
      %logistic3A_1164 = arith.addf %logistic3A_1163, %logistic3A_1161 : vector<96x256xf32>
      %logistic3A_1165 = arith.divf %logistic3A_1163, %logistic3A_1164 : vector<96x256xf32>
      %slice3A_1166 = vector.extract_strided_slice %add3A_1151 {offsets = [0, 512], sizes = [96, 256], strides = [1, 1]} : vector<96x1024xf32> to vector<96x256xf32>
      %tanh3A_1167 = math.tanh %slice3A_1166 : vector<96x256xf32>
      %slice3A_1168 = vector.extract_strided_slice %add3A_1151 {offsets = [0, 768], sizes = [96, 256], strides = [1, 1]} : vector<96x1024xf32> to vector<96x256xf32>
      %logistic3A_1169 = arith.negf %slice3A_1168 : vector<96x256xf32>
      %logistic3A_1170 = math.exp %logistic3A_1169 : vector<96x256xf32>
      %logistic3A_1171 = arith.constant 1.000000e+00 : f32
      %logistic3A_1172 = vector.broadcast %logistic3A_1171 : f32 to vector<96x256xf32>
      %logistic3A_1173 = arith.addf %logistic3A_1172, %logistic3A_1170 : vector<96x256xf32>
      %logistic3A_1174 = arith.divf %logistic3A_1172, %logistic3A_1173 : vector<96x256xf32>
      %mul3A_1175 = arith.mulf %logistic3A_1165, %scan3A_224 : vector<96x256xf32>
      %mul3A_1176 = arith.mulf %logistic3A_1158, %tanh3A_1167 : vector<96x256xf32>
      %add3A_1177 = arith.addf %mul3A_1175, %mul3A_1176 : vector<96x256xf32>
      %tanh3A_1178 = math.tanh %add3A_1177 : vector<96x256xf32>
      %mul3A_1179 = arith.mulf %logistic3A_1174, %tanh3A_1178 : vector<96x256xf32>
      %convert_element_type3A_1180 = arith.truncf %mul3A_1179 : vector<96x256xf32> to vector<96x256xbf16>
      %broadcast_in_dim3A_1181 = vector.shape_cast %lt3A_1148 : vector<96x1xi1> to vector<96x1xi1>
      %broadcast_in_dim3A_1182 = vector.broadcast %broadcast_in_dim3A_1181 : vector<96x1xi1> to vector<96x256xi1>
      %select_n3A_1183 = arith.select %broadcast_in_dim3A_1182, %convert_element_type3A_1180, %scan3A_223 : vector<96x256xi1>, vector<96x256xbf16>
      %broadcast_in_dim3A_1184 = vector.shape_cast %lt3A_1148 : vector<96x1xi1> to vector<96x1xi1>
      %broadcast_in_dim3A_1185 = vector.broadcast %broadcast_in_dim3A_1184 : vector<96x1xi1> to vector<96x256xi1>
      %select_n3A_1186 = arith.select %broadcast_in_dim3A_1185, %add3A_1177, %scan3A_224 : vector<96x256xi1>, vector<96x256xf32>
      %jit3A_1187 = arith.constant 0.000000e+00 : f32
      %broadcast_in_dim3A_1188 = vector.shape_cast %lt3A_1148 : vector<96x1xi1> to vector<96x1xi1>
      %broadcast_in_dim3A_1189 = vector.broadcast %broadcast_in_dim3A_1188 : vector<96x1xi1> to vector<96x256xi1>
      %broadcast_in_dim3A_1190 = vector.broadcast %jit3A_1187 : f32 to vector<96x256xf32>
      %select_n3A_1191 = arith.select %broadcast_in_dim3A_1189, %mul3A_1179, %broadcast_in_dim3A_1190 : vector<96x256xi1>, vector<96x256xf32>
      %add3A_1192 = arith.addf %scan3A_225, %select_n3A_1191 : vector<96x256xf32>
      %mul3A_1193 = arith.constant 8 : i32
      %mul3A_1194 = arith.muli %mul3A_226, %mul3A_1193 : i32
      %add3A_1195 = arith.constant 1 : i32
      %add3A_1196 = arith.addi %mul3A_1194, %add3A_1195 : i32
      %get3A_1197 = arith.constant 96 : index
      %get3A_1198 = arith.constant 0 : index
      %get3A_1199 = vector.load %arg27[%get3A_1197, %get3A_1198] : memref<768x1024xf32, #tpu.memory_space<vmem>>, vector<96x1024xf32>
      %lt3A_1200 = vector.broadcast %add3A_1196 : i32 to vector<96x1xi32>
      %lt3A_1201 = arith.cmpi slt, %lt3A_1200, %get3A_16 : vector<96x1xi32>
      %dot_general3A_1202 = arith.constant dense<0.000000e+00> : vector<96x1024xf32>
      %dot_general3A_1203 = tpu.matmul %convert_element_type3A_1135, %get3A_7, %dot_general3A_1202 {dimension_numbers = #tpu.dot_dimension_numbers<[1], [0], [0], [1], [0, 0, 1, 1], [], []>, transpose_lhs_hint = false} : vector<96x256xbf16>, vector<256x1024xbf16>, vector<96x1024xf32> -> vector<96x1024xf32>
      %add3A_1204 = arith.addf %get3A_1199, %dot_general3A_1203 : vector<96x1024xf32>
      %slice3A_1205 = vector.extract_strided_slice %add3A_1204 {offsets = [0, 0], sizes = [96, 256], strides = [1, 1]} : vector<96x1024xf32> to vector<96x256xf32>
      %logistic3A_1206 = arith.negf %slice3A_1205 : vector<96x256xf32>
      %logistic3A_1207 = math.exp %logistic3A_1206 : vector<96x256xf32>
      %logistic3A_1208 = arith.constant 1.000000e+00 : f32
      %logistic3A_1209 = vector.broadcast %logistic3A_1208 : f32 to vector<96x256xf32>
      %logistic3A_1210 = arith.addf %logistic3A_1209, %logistic3A_1207 : vector<96x256xf32>
      %logistic3A_1211 = arith.divf %logistic3A_1209, %logistic3A_1210 : vector<96x256xf32>
      %slice3A_1212 = vector.extract_strided_slice %add3A_1204 {offsets = [0, 256], sizes = [96, 256], strides = [1, 1]} : vector<96x1024xf32> to vector<96x256xf32>
      %logistic3A_1213 = arith.negf %slice3A_1212 : vector<96x256xf32>
      %logistic3A_1214 = math.exp %logistic3A_1213 : vector<96x256xf32>
      %logistic3A_1215 = arith.constant 1.000000e+00 : f32
      %logistic3A_1216 = vector.broadcast %logistic3A_1215 : f32 to vector<96x256xf32>
      %logistic3A_1217 = arith.addf %logistic3A_1216, %logistic3A_1214 : vector<96x256xf32>
      %logistic3A_1218 = arith.divf %logistic3A_1216, %logistic3A_1217 : vector<96x256xf32>
      %slice3A_1219 = vector.extract_strided_slice %add3A_1204 {offsets = [0, 512], sizes = [96, 256], strides = [1, 1]} : vector<96x1024xf32> to vector<96x256xf32>
      %tanh3A_1220 = math.tanh %slice3A_1219 : vector<96x256xf32>
      %slice3A_1221 = vector.extract_strided_slice %add3A_1204 {offsets = [0, 768], sizes = [96, 256], strides = [1, 1]} : vector<96x1024xf32> to vector<96x256xf32>
      %logistic3A_1222 = arith.negf %slice3A_1221 : vector<96x256xf32>
      %logistic3A_1223 = math.exp %logistic3A_1222 : vector<96x256xf32>
      %logistic3A_1224 = arith.constant 1.000000e+00 : f32
      %logistic3A_1225 = vector.broadcast %logistic3A_1224 : f32 to vector<96x256xf32>
      %logistic3A_1226 = arith.addf %logistic3A_1225, %logistic3A_1223 : vector<96x256xf32>
      %logistic3A_1227 = arith.divf %logistic3A_1225, %logistic3A_1226 : vector<96x256xf32>
      %mul3A_1228 = arith.mulf %logistic3A_1218, %add3A_1132 : vector<96x256xf32>
      %mul3A_1229 = arith.mulf %logistic3A_1211, %tanh3A_1220 : vector<96x256xf32>
      %add3A_1230 = arith.addf %mul3A_1228, %mul3A_1229 : vector<96x256xf32>
      %tanh3A_1231 = math.tanh %add3A_1230 : vector<96x256xf32>
      %mul3A_1232 = arith.mulf %logistic3A_1227, %tanh3A_1231 : vector<96x256xf32>
      %convert_element_type3A_1233 = arith.truncf %mul3A_1232 : vector<96x256xf32> to vector<96x256xbf16>
      %jit3A_1234 = arith.constant 0.000000e+00 : f32
      %broadcast_in_dim3A_1235 = vector.shape_cast %lt3A_1201 : vector<96x1xi1> to vector<96x1xi1>
      %broadcast_in_dim3A_1236 = vector.broadcast %broadcast_in_dim3A_1235 : vector<96x1xi1> to vector<96x256xi1>
      %broadcast_in_dim3A_1237 = vector.broadcast %jit3A_1234 : f32 to vector<96x256xf32>
      %select_n3A_1238 = arith.select %broadcast_in_dim3A_1236, %mul3A_1232, %broadcast_in_dim3A_1237 : vector<96x256xi1>, vector<96x256xf32>
      %add3A_1239 = arith.addf %add3A_1141, %select_n3A_1238 : vector<96x256xf32>
      %sub3A_1240 = arith.constant 95 : i32
      %sub3A_1241 = arith.subi %sub3A_1240, %add3A_1196 : i32
      %get3A_1242 = arith.constant 576 : index
      %get3A_1243 = arith.constant 0 : index
      %get3A_1244 = vector.load %arg29[%get3A_1242, %get3A_1243] : memref<768x1024xf32, #tpu.memory_space<vmem>>, vector<96x1024xf32>
      %lt3A_1245 = vector.broadcast %sub3A_1241 : i32 to vector<96x1xi32>
      %lt3A_1246 = arith.cmpi slt, %lt3A_1245, %get3A_16 : vector<96x1xi32>
      %dot_general3A_1247 = arith.constant dense<0.000000e+00> : vector<96x1024xf32>
      %dot_general3A_1248 = tpu.matmul %select_n3A_1183, %get3A_10, %dot_general3A_1247 {dimension_numbers = #tpu.dot_dimension_numbers<[1], [0], [0], [1], [0, 0, 1, 1], [], []>, transpose_lhs_hint = false} : vector<96x256xbf16>, vector<256x1024xbf16>, vector<96x1024xf32> -> vector<96x1024xf32>
      %add3A_1249 = arith.addf %get3A_1244, %dot_general3A_1248 : vector<96x1024xf32>
      %slice3A_1250 = vector.extract_strided_slice %add3A_1249 {offsets = [0, 0], sizes = [96, 256], strides = [1, 1]} : vector<96x1024xf32> to vector<96x256xf32>
      %logistic3A_1251 = arith.negf %slice3A_1250 : vector<96x256xf32>
      %logistic3A_1252 = math.exp %logistic3A_1251 : vector<96x256xf32>
      %logistic3A_1253 = arith.constant 1.000000e+00 : f32
      %logistic3A_1254 = vector.broadcast %logistic3A_1253 : f32 to vector<96x256xf32>
      %logistic3A_1255 = arith.addf %logistic3A_1254, %logistic3A_1252 : vector<96x256xf32>
      %logistic3A_1256 = arith.divf %logistic3A_1254, %logistic3A_1255 : vector<96x256xf32>
      %slice3A_1257 = vector.extract_strided_slice %add3A_1249 {offsets = [0, 256], sizes = [96, 256], strides = [1, 1]} : vector<96x1024xf32> to vector<96x256xf32>
      %logistic3A_1258 = arith.negf %slice3A_1257 : vector<96x256xf32>
      %logistic3A_1259 = math.exp %logistic3A_1258 : vector<96x256xf32>
      %logistic3A_1260 = arith.constant 1.000000e+00 : f32
      %logistic3A_1261 = vector.broadcast %logistic3A_1260 : f32 to vector<96x256xf32>
      %logistic3A_1262 = arith.addf %logistic3A_1261, %logistic3A_1259 : vector<96x256xf32>
      %logistic3A_1263 = arith.divf %logistic3A_1261, %logistic3A_1262 : vector<96x256xf32>
      %slice3A_1264 = vector.extract_strided_slice %add3A_1249 {offsets = [0, 512], sizes = [96, 256], strides = [1, 1]} : vector<96x1024xf32> to vector<96x256xf32>
      %tanh3A_1265 = math.tanh %slice3A_1264 : vector<96x256xf32>
      %slice3A_1266 = vector.extract_strided_slice %add3A_1249 {offsets = [0, 768], sizes = [96, 256], strides = [1, 1]} : vector<96x1024xf32> to vector<96x256xf32>
      %logistic3A_1267 = arith.negf %slice3A_1266 : vector<96x256xf32>
      %logistic3A_1268 = math.exp %logistic3A_1267 : vector<96x256xf32>
      %logistic3A_1269 = arith.constant 1.000000e+00 : f32
      %logistic3A_1270 = vector.broadcast %logistic3A_1269 : f32 to vector<96x256xf32>
      %logistic3A_1271 = arith.addf %logistic3A_1270, %logistic3A_1268 : vector<96x256xf32>
      %logistic3A_1272 = arith.divf %logistic3A_1270, %logistic3A_1271 : vector<96x256xf32>
      %mul3A_1273 = arith.mulf %logistic3A_1263, %select_n3A_1186 : vector<96x256xf32>
      %mul3A_1274 = arith.mulf %logistic3A_1256, %tanh3A_1265 : vector<96x256xf32>
      %add3A_1275 = arith.addf %mul3A_1273, %mul3A_1274 : vector<96x256xf32>
      %tanh3A_1276 = math.tanh %add3A_1275 : vector<96x256xf32>
      %mul3A_1277 = arith.mulf %logistic3A_1272, %tanh3A_1276 : vector<96x256xf32>
      %convert_element_type3A_1278 = arith.truncf %mul3A_1277 : vector<96x256xf32> to vector<96x256xbf16>
      %broadcast_in_dim3A_1279 = vector.shape_cast %lt3A_1246 : vector<96x1xi1> to vector<96x1xi1>
      %broadcast_in_dim3A_1280 = vector.broadcast %broadcast_in_dim3A_1279 : vector<96x1xi1> to vector<96x256xi1>
      %select_n3A_1281 = arith.select %broadcast_in_dim3A_1280, %convert_element_type3A_1278, %select_n3A_1183 : vector<96x256xi1>, vector<96x256xbf16>
      %broadcast_in_dim3A_1282 = vector.shape_cast %lt3A_1246 : vector<96x1xi1> to vector<96x1xi1>
      %broadcast_in_dim3A_1283 = vector.broadcast %broadcast_in_dim3A_1282 : vector<96x1xi1> to vector<96x256xi1>
      %select_n3A_1284 = arith.select %broadcast_in_dim3A_1283, %add3A_1275, %select_n3A_1186 : vector<96x256xi1>, vector<96x256xf32>
      %jit3A_1285 = arith.constant 0.000000e+00 : f32
      %broadcast_in_dim3A_1286 = vector.shape_cast %lt3A_1246 : vector<96x1xi1> to vector<96x1xi1>
      %broadcast_in_dim3A_1287 = vector.broadcast %broadcast_in_dim3A_1286 : vector<96x1xi1> to vector<96x256xi1>
      %broadcast_in_dim3A_1288 = vector.broadcast %jit3A_1285 : f32 to vector<96x256xf32>
      %select_n3A_1289 = arith.select %broadcast_in_dim3A_1287, %mul3A_1277, %broadcast_in_dim3A_1288 : vector<96x256xi1>, vector<96x256xf32>
      %add3A_1290 = arith.addf %add3A_1192, %select_n3A_1289 : vector<96x256xf32>
      %mul3A_1291 = arith.constant 8 : i32
      %mul3A_1292 = arith.muli %mul3A_226, %mul3A_1291 : i32
      %add3A_1293 = arith.constant 2 : i32
      %add3A_1294 = arith.addi %mul3A_1292, %add3A_1293 : i32
      %get3A_1295 = arith.constant 192 : index
      %get3A_1296 = arith.constant 0 : index
      %get3A_1297 = vector.load %arg27[%get3A_1295, %get3A_1296] : memref<768x1024xf32, #tpu.memory_space<vmem>>, vector<96x1024xf32>
      %lt3A_1298 = vector.broadcast %add3A_1294 : i32 to vector<96x1xi32>
      %lt3A_1299 = arith.cmpi slt, %lt3A_1298, %get3A_16 : vector<96x1xi32>
      %dot_general3A_1300 = arith.constant dense<0.000000e+00> : vector<96x1024xf32>
      %dot_general3A_1301 = tpu.matmul %convert_element_type3A_1233, %get3A_7, %dot_general3A_1300 {dimension_numbers = #tpu.dot_dimension_numbers<[1], [0], [0], [1], [0, 0, 1, 1], [], []>, transpose_lhs_hint = false} : vector<96x256xbf16>, vector<256x1024xbf16>, vector<96x1024xf32> -> vector<96x1024xf32>
      %add3A_1302 = arith.addf %get3A_1297, %dot_general3A_1301 : vector<96x1024xf32>
      %slice3A_1303 = vector.extract_strided_slice %add3A_1302 {offsets = [0, 0], sizes = [96, 256], strides = [1, 1]} : vector<96x1024xf32> to vector<96x256xf32>
      %logistic3A_1304 = arith.negf %slice3A_1303 : vector<96x256xf32>
      %logistic3A_1305 = math.exp %logistic3A_1304 : vector<96x256xf32>
      %logistic3A_1306 = arith.constant 1.000000e+00 : f32
      %logistic3A_1307 = vector.broadcast %logistic3A_1306 : f32 to vector<96x256xf32>
      %logistic3A_1308 = arith.addf %logistic3A_1307, %logistic3A_1305 : vector<96x256xf32>
      %logistic3A_1309 = arith.divf %logistic3A_1307, %logistic3A_1308 : vector<96x256xf32>
      %slice3A_1310 = vector.extract_strided_slice %add3A_1302 {offsets = [0, 256], sizes = [96, 256], strides = [1, 1]} : vector<96x1024xf32> to vector<96x256xf32>
      %logistic3A_1311 = arith.negf %slice3A_1310 : vector<96x256xf32>
      %logistic3A_1312 = math.exp %logistic3A_1311 : vector<96x256xf32>
      %logistic3A_1313 = arith.constant 1.000000e+00 : f32
      %logistic3A_1314 = vector.broadcast %logistic3A_1313 : f32 to vector<96x256xf32>
      %logistic3A_1315 = arith.addf %logistic3A_1314, %logistic3A_1312 : vector<96x256xf32>
      %logistic3A_1316 = arith.divf %logistic3A_1314, %logistic3A_1315 : vector<96x256xf32>
      %slice3A_1317 = vector.extract_strided_slice %add3A_1302 {offsets = [0, 512], sizes = [96, 256], strides = [1, 1]} : vector<96x1024xf32> to vector<96x256xf32>
      %tanh3A_1318 = math.tanh %slice3A_1317 : vector<96x256xf32>
      %slice3A_1319 = vector.extract_strided_slice %add3A_1302 {offsets = [0, 768], sizes = [96, 256], strides = [1, 1]} : vector<96x1024xf32> to vector<96x256xf32>
      %logistic3A_1320 = arith.negf %slice3A_1319 : vector<96x256xf32>
      %logistic3A_1321 = math.exp %logistic3A_1320 : vector<96x256xf32>
      %logistic3A_1322 = arith.constant 1.000000e+00 : f32
      %logistic3A_1323 = vector.broadcast %logistic3A_1322 : f32 to vector<96x256xf32>
      %logistic3A_1324 = arith.addf %logistic3A_1323, %logistic3A_1321 : vector<96x256xf32>
      %logistic3A_1325 = arith.divf %logistic3A_1323, %logistic3A_1324 : vector<96x256xf32>
      %mul3A_1326 = arith.mulf %logistic3A_1316, %add3A_1230 : vector<96x256xf32>
      %mul3A_1327 = arith.mulf %logistic3A_1309, %tanh3A_1318 : vector<96x256xf32>
      %add3A_1328 = arith.addf %mul3A_1326, %mul3A_1327 : vector<96x256xf32>
      %tanh3A_1329 = math.tanh %add3A_1328 : vector<96x256xf32>
      %mul3A_1330 = arith.mulf %logistic3A_1325, %tanh3A_1329 : vector<96x256xf32>
      %convert_element_type3A_1331 = arith.truncf %mul3A_1330 : vector<96x256xf32> to vector<96x256xbf16>
      %jit3A_1332 = arith.constant 0.000000e+00 : f32
      %broadcast_in_dim3A_1333 = vector.shape_cast %lt3A_1299 : vector<96x1xi1> to vector<96x1xi1>
      %broadcast_in_dim3A_1334 = vector.broadcast %broadcast_in_dim3A_1333 : vector<96x1xi1> to vector<96x256xi1>
      %broadcast_in_dim3A_1335 = vector.broadcast %jit3A_1332 : f32 to vector<96x256xf32>
      %select_n3A_1336 = arith.select %broadcast_in_dim3A_1334, %mul3A_1330, %broadcast_in_dim3A_1335 : vector<96x256xi1>, vector<96x256xf32>
      %add3A_1337 = arith.addf %add3A_1239, %select_n3A_1336 : vector<96x256xf32>
      %sub3A_1338 = arith.constant 95 : i32
      %sub3A_1339 = arith.subi %sub3A_1338, %add3A_1294 : i32
      %get3A_1340 = arith.constant 480 : index
      %get3A_1341 = arith.constant 0 : index
      %get3A_1342 = vector.load %arg29[%get3A_1340, %get3A_1341] : memref<768x1024xf32, #tpu.memory_space<vmem>>, vector<96x1024xf32>
      %lt3A_1343 = vector.broadcast %sub3A_1339 : i32 to vector<96x1xi32>
      %lt3A_1344 = arith.cmpi slt, %lt3A_1343, %get3A_16 : vector<96x1xi32>
      %dot_general3A_1345 = arith.constant dense<0.000000e+00> : vector<96x1024xf32>
      %dot_general3A_1346 = tpu.matmul %select_n3A_1281, %get3A_10, %dot_general3A_1345 {dimension_numbers = #tpu.dot_dimension_numbers<[1], [0], [0], [1], [0, 0, 1, 1], [], []>, transpose_lhs_hint = false} : vector<96x256xbf16>, vector<256x1024xbf16>, vector<96x1024xf32> -> vector<96x1024xf32>
      %add3A_1347 = arith.addf %get3A_1342, %dot_general3A_1346 : vector<96x1024xf32>
      %slice3A_1348 = vector.extract_strided_slice %add3A_1347 {offsets = [0, 0], sizes = [96, 256], strides = [1, 1]} : vector<96x1024xf32> to vector<96x256xf32>
      %logistic3A_1349 = arith.negf %slice3A_1348 : vector<96x256xf32>
      %logistic3A_1350 = math.exp %logistic3A_1349 : vector<96x256xf32>
      %logistic3A_1351 = arith.constant 1.000000e+00 : f32
      %logistic3A_1352 = vector.broadcast %logistic3A_1351 : f32 to vector<96x256xf32>
      %logistic3A_1353 = arith.addf %logistic3A_1352, %logistic3A_1350 : vector<96x256xf32>
      %logistic3A_1354 = arith.divf %logistic3A_1352, %logistic3A_1353 : vector<96x256xf32>
      %slice3A_1355 = vector.extract_strided_slice %add3A_1347 {offsets = [0, 256], sizes = [96, 256], strides = [1, 1]} : vector<96x1024xf32> to vector<96x256xf32>
      %logistic3A_1356 = arith.negf %slice3A_1355 : vector<96x256xf32>
      %logistic3A_1357 = math.exp %logistic3A_1356 : vector<96x256xf32>
      %logistic3A_1358 = arith.constant 1.000000e+00 : f32
      %logistic3A_1359 = vector.broadcast %logistic3A_1358 : f32 to vector<96x256xf32>
      %logistic3A_1360 = arith.addf %logistic3A_1359, %logistic3A_1357 : vector<96x256xf32>
      %logistic3A_1361 = arith.divf %logistic3A_1359, %logistic3A_1360 : vector<96x256xf32>
      %slice3A_1362 = vector.extract_strided_slice %add3A_1347 {offsets = [0, 512], sizes = [96, 256], strides = [1, 1]} : vector<96x1024xf32> to vector<96x256xf32>
      %tanh3A_1363 = math.tanh %slice3A_1362 : vector<96x256xf32>
      %slice3A_1364 = vector.extract_strided_slice %add3A_1347 {offsets = [0, 768], sizes = [96, 256], strides = [1, 1]} : vector<96x1024xf32> to vector<96x256xf32>
      %logistic3A_1365 = arith.negf %slice3A_1364 : vector<96x256xf32>
      %logistic3A_1366 = math.exp %logistic3A_1365 : vector<96x256xf32>
      %logistic3A_1367 = arith.constant 1.000000e+00 : f32
      %logistic3A_1368 = vector.broadcast %logistic3A_1367 : f32 to vector<96x256xf32>
      %logistic3A_1369 = arith.addf %logistic3A_1368, %logistic3A_1366 : vector<96x256xf32>
      %logistic3A_1370 = arith.divf %logistic3A_1368, %logistic3A_1369 : vector<96x256xf32>
      %mul3A_1371 = arith.mulf %logistic3A_1361, %select_n3A_1284 : vector<96x256xf32>
      %mul3A_1372 = arith.mulf %logistic3A_1354, %tanh3A_1363 : vector<96x256xf32>
      %add3A_1373 = arith.addf %mul3A_1371, %mul3A_1372 : vector<96x256xf32>
      %tanh3A_1374 = math.tanh %add3A_1373 : vector<96x256xf32>
      %mul3A_1375 = arith.mulf %logistic3A_1370, %tanh3A_1374 : vector<96x256xf32>
      %convert_element_type3A_1376 = arith.truncf %mul3A_1375 : vector<96x256xf32> to vector<96x256xbf16>
      %broadcast_in_dim3A_1377 = vector.shape_cast %lt3A_1344 : vector<96x1xi1> to vector<96x1xi1>
      %broadcast_in_dim3A_1378 = vector.broadcast %broadcast_in_dim3A_1377 : vector<96x1xi1> to vector<96x256xi1>
      %select_n3A_1379 = arith.select %broadcast_in_dim3A_1378, %convert_element_type3A_1376, %select_n3A_1281 : vector<96x256xi1>, vector<96x256xbf16>
      %broadcast_in_dim3A_1380 = vector.shape_cast %lt3A_1344 : vector<96x1xi1> to vector<96x1xi1>
      %broadcast_in_dim3A_1381 = vector.broadcast %broadcast_in_dim3A_1380 : vector<96x1xi1> to vector<96x256xi1>
      %select_n3A_1382 = arith.select %broadcast_in_dim3A_1381, %add3A_1373, %select_n3A_1284 : vector<96x256xi1>, vector<96x256xf32>
      %jit3A_1383 = arith.constant 0.000000e+00 : f32
      %broadcast_in_dim3A_1384 = vector.shape_cast %lt3A_1344 : vector<96x1xi1> to vector<96x1xi1>
      %broadcast_in_dim3A_1385 = vector.broadcast %broadcast_in_dim3A_1384 : vector<96x1xi1> to vector<96x256xi1>
      %broadcast_in_dim3A_1386 = vector.broadcast %jit3A_1383 : f32 to vector<96x256xf32>
      %select_n3A_1387 = arith.select %broadcast_in_dim3A_1385, %mul3A_1375, %broadcast_in_dim3A_1386 : vector<96x256xi1>, vector<96x256xf32>
      %add3A_1388 = arith.addf %add3A_1290, %select_n3A_1387 : vector<96x256xf32>
      %mul3A_1389 = arith.constant 8 : i32
      %mul3A_1390 = arith.muli %mul3A_226, %mul3A_1389 : i32
      %add3A_1391 = arith.constant 3 : i32
      %add3A_1392 = arith.addi %mul3A_1390, %add3A_1391 : i32
      %get3A_1393 = arith.constant 288 : index
      %get3A_1394 = arith.constant 0 : index
      %get3A_1395 = vector.load %arg27[%get3A_1393, %get3A_1394] : memref<768x1024xf32, #tpu.memory_space<vmem>>, vector<96x1024xf32>
      %lt3A_1396 = vector.broadcast %add3A_1392 : i32 to vector<96x1xi32>
      %lt3A_1397 = arith.cmpi slt, %lt3A_1396, %get3A_16 : vector<96x1xi32>
      %dot_general3A_1398 = arith.constant dense<0.000000e+00> : vector<96x1024xf32>
      %dot_general3A_1399 = tpu.matmul %convert_element_type3A_1331, %get3A_7, %dot_general3A_1398 {dimension_numbers = #tpu.dot_dimension_numbers<[1], [0], [0], [1], [0, 0, 1, 1], [], []>, transpose_lhs_hint = false} : vector<96x256xbf16>, vector<256x1024xbf16>, vector<96x1024xf32> -> vector<96x1024xf32>
      %add3A_1400 = arith.addf %get3A_1395, %dot_general3A_1399 : vector<96x1024xf32>
      %slice3A_1401 = vector.extract_strided_slice %add3A_1400 {offsets = [0, 0], sizes = [96, 256], strides = [1, 1]} : vector<96x1024xf32> to vector<96x256xf32>
      %logistic3A_1402 = arith.negf %slice3A_1401 : vector<96x256xf32>
      %logistic3A_1403 = math.exp %logistic3A_1402 : vector<96x256xf32>
      %logistic3A_1404 = arith.constant 1.000000e+00 : f32
      %logistic3A_1405 = vector.broadcast %logistic3A_1404 : f32 to vector<96x256xf32>
      %logistic3A_1406 = arith.addf %logistic3A_1405, %logistic3A_1403 : vector<96x256xf32>
      %logistic3A_1407 = arith.divf %logistic3A_1405, %logistic3A_1406 : vector<96x256xf32>
      %slice3A_1408 = vector.extract_strided_slice %add3A_1400 {offsets = [0, 256], sizes = [96, 256], strides = [1, 1]} : vector<96x1024xf32> to vector<96x256xf32>
      %logistic3A_1409 = arith.negf %slice3A_1408 : vector<96x256xf32>
      %logistic3A_1410 = math.exp %logistic3A_1409 : vector<96x256xf32>
      %logistic3A_1411 = arith.constant 1.000000e+00 : f32
      %logistic3A_1412 = vector.broadcast %logistic3A_1411 : f32 to vector<96x256xf32>
      %logistic3A_1413 = arith.addf %logistic3A_1412, %logistic3A_1410 : vector<96x256xf32>
      %logistic3A_1414 = arith.divf %logistic3A_1412, %logistic3A_1413 : vector<96x256xf32>
      %slice3A_1415 = vector.extract_strided_slice %add3A_1400 {offsets = [0, 512], sizes = [96, 256], strides = [1, 1]} : vector<96x1024xf32> to vector<96x256xf32>
      %tanh3A_1416 = math.tanh %slice3A_1415 : vector<96x256xf32>
      %slice3A_1417 = vector.extract_strided_slice %add3A_1400 {offsets = [0, 768], sizes = [96, 256], strides = [1, 1]} : vector<96x1024xf32> to vector<96x256xf32>
      %logistic3A_1418 = arith.negf %slice3A_1417 : vector<96x256xf32>
      %logistic3A_1419 = math.exp %logistic3A_1418 : vector<96x256xf32>
      %logistic3A_1420 = arith.constant 1.000000e+00 : f32
      %logistic3A_1421 = vector.broadcast %logistic3A_1420 : f32 to vector<96x256xf32>
      %logistic3A_1422 = arith.addf %logistic3A_1421, %logistic3A_1419 : vector<96x256xf32>
      %logistic3A_1423 = arith.divf %logistic3A_1421, %logistic3A_1422 : vector<96x256xf32>
      %mul3A_1424 = arith.mulf %logistic3A_1414, %add3A_1328 : vector<96x256xf32>
      %mul3A_1425 = arith.mulf %logistic3A_1407, %tanh3A_1416 : vector<96x256xf32>
      %add3A_1426 = arith.addf %mul3A_1424, %mul3A_1425 : vector<96x256xf32>
      %tanh3A_1427 = math.tanh %add3A_1426 : vector<96x256xf32>
      %mul3A_1428 = arith.mulf %logistic3A_1423, %tanh3A_1427 : vector<96x256xf32>
      %convert_element_type3A_1429 = arith.truncf %mul3A_1428 : vector<96x256xf32> to vector<96x256xbf16>
      %jit3A_1430 = arith.constant 0.000000e+00 : f32
      %broadcast_in_dim3A_1431 = vector.shape_cast %lt3A_1397 : vector<96x1xi1> to vector<96x1xi1>
      %broadcast_in_dim3A_1432 = vector.broadcast %broadcast_in_dim3A_1431 : vector<96x1xi1> to vector<96x256xi1>
      %broadcast_in_dim3A_1433 = vector.broadcast %jit3A_1430 : f32 to vector<96x256xf32>
      %select_n3A_1434 = arith.select %broadcast_in_dim3A_1432, %mul3A_1428, %broadcast_in_dim3A_1433 : vector<96x256xi1>, vector<96x256xf32>
      %add3A_1435 = arith.addf %add3A_1337, %select_n3A_1434 : vector<96x256xf32>
      %sub3A_1436 = arith.constant 95 : i32
      %sub3A_1437 = arith.subi %sub3A_1436, %add3A_1392 : i32
      %get3A_1438 = arith.constant 384 : index
      %get3A_1439 = arith.constant 0 : index
      %get3A_1440 = vector.load %arg29[%get3A_1438, %get3A_1439] : memref<768x1024xf32, #tpu.memory_space<vmem>>, vector<96x1024xf32>
      %lt3A_1441 = vector.broadcast %sub3A_1437 : i32 to vector<96x1xi32>
      %lt3A_1442 = arith.cmpi slt, %lt3A_1441, %get3A_16 : vector<96x1xi32>
      %dot_general3A_1443 = arith.constant dense<0.000000e+00> : vector<96x1024xf32>
      %dot_general3A_1444 = tpu.matmul %select_n3A_1379, %get3A_10, %dot_general3A_1443 {dimension_numbers = #tpu.dot_dimension_numbers<[1], [0], [0], [1], [0, 0, 1, 1], [], []>, transpose_lhs_hint = false} : vector<96x256xbf16>, vector<256x1024xbf16>, vector<96x1024xf32> -> vector<96x1024xf32>
      %add3A_1445 = arith.addf %get3A_1440, %dot_general3A_1444 : vector<96x1024xf32>
      %slice3A_1446 = vector.extract_strided_slice %add3A_1445 {offsets = [0, 0], sizes = [96, 256], strides = [1, 1]} : vector<96x1024xf32> to vector<96x256xf32>
      %logistic3A_1447 = arith.negf %slice3A_1446 : vector<96x256xf32>
      %logistic3A_1448 = math.exp %logistic3A_1447 : vector<96x256xf32>
      %logistic3A_1449 = arith.constant 1.000000e+00 : f32
      %logistic3A_1450 = vector.broadcast %logistic3A_1449 : f32 to vector<96x256xf32>
      %logistic3A_1451 = arith.addf %logistic3A_1450, %logistic3A_1448 : vector<96x256xf32>
      %logistic3A_1452 = arith.divf %logistic3A_1450, %logistic3A_1451 : vector<96x256xf32>
      %slice3A_1453 = vector.extract_strided_slice %add3A_1445 {offsets = [0, 256], sizes = [96, 256], strides = [1, 1]} : vector<96x1024xf32> to vector<96x256xf32>
      %logistic3A_1454 = arith.negf %slice3A_1453 : vector<96x256xf32>
      %logistic3A_1455 = math.exp %logistic3A_1454 : vector<96x256xf32>
      %logistic3A_1456 = arith.constant 1.000000e+00 : f32
      %logistic3A_1457 = vector.broadcast %logistic3A_1456 : f32 to vector<96x256xf32>
      %logistic3A_1458 = arith.addf %logistic3A_1457, %logistic3A_1455 : vector<96x256xf32>
      %logistic3A_1459 = arith.divf %logistic3A_1457, %logistic3A_1458 : vector<96x256xf32>
      %slice3A_1460 = vector.extract_strided_slice %add3A_1445 {offsets = [0, 512], sizes = [96, 256], strides = [1, 1]} : vector<96x1024xf32> to vector<96x256xf32>
      %tanh3A_1461 = math.tanh %slice3A_1460 : vector<96x256xf32>
      %slice3A_1462 = vector.extract_strided_slice %add3A_1445 {offsets = [0, 768], sizes = [96, 256], strides = [1, 1]} : vector<96x1024xf32> to vector<96x256xf32>
      %logistic3A_1463 = arith.negf %slice3A_1462 : vector<96x256xf32>
      %logistic3A_1464 = math.exp %logistic3A_1463 : vector<96x256xf32>
      %logistic3A_1465 = arith.constant 1.000000e+00 : f32
      %logistic3A_1466 = vector.broadcast %logistic3A_1465 : f32 to vector<96x256xf32>
      %logistic3A_1467 = arith.addf %logistic3A_1466, %logistic3A_1464 : vector<96x256xf32>
      %logistic3A_1468 = arith.divf %logistic3A_1466, %logistic3A_1467 : vector<96x256xf32>
      %mul3A_1469 = arith.mulf %logistic3A_1459, %select_n3A_1382 : vector<96x256xf32>
      %mul3A_1470 = arith.mulf %logistic3A_1452, %tanh3A_1461 : vector<96x256xf32>
      %add3A_1471 = arith.addf %mul3A_1469, %mul3A_1470 : vector<96x256xf32>
      %tanh3A_1472 = math.tanh %add3A_1471 : vector<96x256xf32>
      %mul3A_1473 = arith.mulf %logistic3A_1468, %tanh3A_1472 : vector<96x256xf32>
      %convert_element_type3A_1474 = arith.truncf %mul3A_1473 : vector<96x256xf32> to vector<96x256xbf16>
      %broadcast_in_dim3A_1475 = vector.shape_cast %lt3A_1442 : vector<96x1xi1> to vector<96x1xi1>
      %broadcast_in_dim3A_1476 = vector.broadcast %broadcast_in_dim3A_1475 : vector<96x1xi1> to vector<96x256xi1>
      %select_n3A_1477 = arith.select %broadcast_in_dim3A_1476, %convert_element_type3A_1474, %select_n3A_1379 : vector<96x256xi1>, vector<96x256xbf16>
      %broadcast_in_dim3A_1478 = vector.shape_cast %lt3A_1442 : vector<96x1xi1> to vector<96x1xi1>
      %broadcast_in_dim3A_1479 = vector.broadcast %broadcast_in_dim3A_1478 : vector<96x1xi1> to vector<96x256xi1>
      %select_n3A_1480 = arith.select %broadcast_in_dim3A_1479, %add3A_1471, %select_n3A_1382 : vector<96x256xi1>, vector<96x256xf32>
      %jit3A_1481 = arith.constant 0.000000e+00 : f32
      %broadcast_in_dim3A_1482 = vector.shape_cast %lt3A_1442 : vector<96x1xi1> to vector<96x1xi1>
      %broadcast_in_dim3A_1483 = vector.broadcast %broadcast_in_dim3A_1482 : vector<96x1xi1> to vector<96x256xi1>
      %broadcast_in_dim3A_1484 = vector.broadcast %jit3A_1481 : f32 to vector<96x256xf32>
      %select_n3A_1485 = arith.select %broadcast_in_dim3A_1483, %mul3A_1473, %broadcast_in_dim3A_1484 : vector<96x256xi1>, vector<96x256xf32>
      %add3A_1486 = arith.addf %add3A_1388, %select_n3A_1485 : vector<96x256xf32>
      %mul3A_1487 = arith.constant 8 : i32
      %mul3A_1488 = arith.muli %mul3A_226, %mul3A_1487 : i32
      %add3A_1489 = arith.constant 4 : i32
      %add3A_1490 = arith.addi %mul3A_1488, %add3A_1489 : i32
      %get3A_1491 = arith.constant 384 : index
      %get3A_1492 = arith.constant 0 : index
      %get3A_1493 = vector.load %arg27[%get3A_1491, %get3A_1492] : memref<768x1024xf32, #tpu.memory_space<vmem>>, vector<96x1024xf32>
      %lt3A_1494 = vector.broadcast %add3A_1490 : i32 to vector<96x1xi32>
      %lt3A_1495 = arith.cmpi slt, %lt3A_1494, %get3A_16 : vector<96x1xi32>
      %dot_general3A_1496 = arith.constant dense<0.000000e+00> : vector<96x1024xf32>
      %dot_general3A_1497 = tpu.matmul %convert_element_type3A_1429, %get3A_7, %dot_general3A_1496 {dimension_numbers = #tpu.dot_dimension_numbers<[1], [0], [0], [1], [0, 0, 1, 1], [], []>, transpose_lhs_hint = false} : vector<96x256xbf16>, vector<256x1024xbf16>, vector<96x1024xf32> -> vector<96x1024xf32>
      %add3A_1498 = arith.addf %get3A_1493, %dot_general3A_1497 : vector<96x1024xf32>
      %slice3A_1499 = vector.extract_strided_slice %add3A_1498 {offsets = [0, 0], sizes = [96, 256], strides = [1, 1]} : vector<96x1024xf32> to vector<96x256xf32>
      %logistic3A_1500 = arith.negf %slice3A_1499 : vector<96x256xf32>
      %logistic3A_1501 = math.exp %logistic3A_1500 : vector<96x256xf32>
      %logistic3A_1502 = arith.constant 1.000000e+00 : f32
      %logistic3A_1503 = vector.broadcast %logistic3A_1502 : f32 to vector<96x256xf32>
      %logistic3A_1504 = arith.addf %logistic3A_1503, %logistic3A_1501 : vector<96x256xf32>
      %logistic3A_1505 = arith.divf %logistic3A_1503, %logistic3A_1504 : vector<96x256xf32>
      %slice3A_1506 = vector.extract_strided_slice %add3A_1498 {offsets = [0, 256], sizes = [96, 256], strides = [1, 1]} : vector<96x1024xf32> to vector<96x256xf32>
      %logistic3A_1507 = arith.negf %slice3A_1506 : vector<96x256xf32>
      %logistic3A_1508 = math.exp %logistic3A_1507 : vector<96x256xf32>
      %logistic3A_1509 = arith.constant 1.000000e+00 : f32
      %logistic3A_1510 = vector.broadcast %logistic3A_1509 : f32 to vector<96x256xf32>
      %logistic3A_1511 = arith.addf %logistic3A_1510, %logistic3A_1508 : vector<96x256xf32>
      %logistic3A_1512 = arith.divf %logistic3A_1510, %logistic3A_1511 : vector<96x256xf32>
      %slice3A_1513 = vector.extract_strided_slice %add3A_1498 {offsets = [0, 512], sizes = [96, 256], strides = [1, 1]} : vector<96x1024xf32> to vector<96x256xf32>
      %tanh3A_1514 = math.tanh %slice3A_1513 : vector<96x256xf32>
      %slice3A_1515 = vector.extract_strided_slice %add3A_1498 {offsets = [0, 768], sizes = [96, 256], strides = [1, 1]} : vector<96x1024xf32> to vector<96x256xf32>
      %logistic3A_1516 = arith.negf %slice3A_1515 : vector<96x256xf32>
      %logistic3A_1517 = math.exp %logistic3A_1516 : vector<96x256xf32>
      %logistic3A_1518 = arith.constant 1.000000e+00 : f32
      %logistic3A_1519 = vector.broadcast %logistic3A_1518 : f32 to vector<96x256xf32>
      %logistic3A_1520 = arith.addf %logistic3A_1519, %logistic3A_1517 : vector<96x256xf32>
      %logistic3A_1521 = arith.divf %logistic3A_1519, %logistic3A_1520 : vector<96x256xf32>
      %mul3A_1522 = arith.mulf %logistic3A_1512, %add3A_1426 : vector<96x256xf32>
      %mul3A_1523 = arith.mulf %logistic3A_1505, %tanh3A_1514 : vector<96x256xf32>
      %add3A_1524 = arith.addf %mul3A_1522, %mul3A_1523 : vector<96x256xf32>
      %tanh3A_1525 = math.tanh %add3A_1524 : vector<96x256xf32>
      %mul3A_1526 = arith.mulf %logistic3A_1521, %tanh3A_1525 : vector<96x256xf32>
      %convert_element_type3A_1527 = arith.truncf %mul3A_1526 : vector<96x256xf32> to vector<96x256xbf16>
      %jit3A_1528 = arith.constant 0.000000e+00 : f32
      %broadcast_in_dim3A_1529 = vector.shape_cast %lt3A_1495 : vector<96x1xi1> to vector<96x1xi1>
      %broadcast_in_dim3A_1530 = vector.broadcast %broadcast_in_dim3A_1529 : vector<96x1xi1> to vector<96x256xi1>
      %broadcast_in_dim3A_1531 = vector.broadcast %jit3A_1528 : f32 to vector<96x256xf32>
      %select_n3A_1532 = arith.select %broadcast_in_dim3A_1530, %mul3A_1526, %broadcast_in_dim3A_1531 : vector<96x256xi1>, vector<96x256xf32>
      %add3A_1533 = arith.addf %add3A_1435, %select_n3A_1532 : vector<96x256xf32>
      %sub3A_1534 = arith.constant 95 : i32
      %sub3A_1535 = arith.subi %sub3A_1534, %add3A_1490 : i32
      %get3A_1536 = arith.constant 288 : index
      %get3A_1537 = arith.constant 0 : index
      %get3A_1538 = vector.load %arg29[%get3A_1536, %get3A_1537] : memref<768x1024xf32, #tpu.memory_space<vmem>>, vector<96x1024xf32>
      %lt3A_1539 = vector.broadcast %sub3A_1535 : i32 to vector<96x1xi32>
      %lt3A_1540 = arith.cmpi slt, %lt3A_1539, %get3A_16 : vector<96x1xi32>
      %dot_general3A_1541 = arith.constant dense<0.000000e+00> : vector<96x1024xf32>
      %dot_general3A_1542 = tpu.matmul %select_n3A_1477, %get3A_10, %dot_general3A_1541 {dimension_numbers = #tpu.dot_dimension_numbers<[1], [0], [0], [1], [0, 0, 1, 1], [], []>, transpose_lhs_hint = false} : vector<96x256xbf16>, vector<256x1024xbf16>, vector<96x1024xf32> -> vector<96x1024xf32>
      %add3A_1543 = arith.addf %get3A_1538, %dot_general3A_1542 : vector<96x1024xf32>
      %slice3A_1544 = vector.extract_strided_slice %add3A_1543 {offsets = [0, 0], sizes = [96, 256], strides = [1, 1]} : vector<96x1024xf32> to vector<96x256xf32>
      %logistic3A_1545 = arith.negf %slice3A_1544 : vector<96x256xf32>
      %logistic3A_1546 = math.exp %logistic3A_1545 : vector<96x256xf32>
      %logistic3A_1547 = arith.constant 1.000000e+00 : f32
      %logistic3A_1548 = vector.broadcast %logistic3A_1547 : f32 to vector<96x256xf32>
      %logistic3A_1549 = arith.addf %logistic3A_1548, %logistic3A_1546 : vector<96x256xf32>
      %logistic3A_1550 = arith.divf %logistic3A_1548, %logistic3A_1549 : vector<96x256xf32>
      %slice3A_1551 = vector.extract_strided_slice %add3A_1543 {offsets = [0, 256], sizes = [96, 256], strides = [1, 1]} : vector<96x1024xf32> to vector<96x256xf32>
      %logistic3A_1552 = arith.negf %slice3A_1551 : vector<96x256xf32>
      %logistic3A_1553 = math.exp %logistic3A_1552 : vector<96x256xf32>
      %logistic3A_1554 = arith.constant 1.000000e+00 : f32
      %logistic3A_1555 = vector.broadcast %logistic3A_1554 : f32 to vector<96x256xf32>
      %logistic3A_1556 = arith.addf %logistic3A_1555, %logistic3A_1553 : vector<96x256xf32>
      %logistic3A_1557 = arith.divf %logistic3A_1555, %logistic3A_1556 : vector<96x256xf32>
      %slice3A_1558 = vector.extract_strided_slice %add3A_1543 {offsets = [0, 512], sizes = [96, 256], strides = [1, 1]} : vector<96x1024xf32> to vector<96x256xf32>
      %tanh3A_1559 = math.tanh %slice3A_1558 : vector<96x256xf32>
      %slice3A_1560 = vector.extract_strided_slice %add3A_1543 {offsets = [0, 768], sizes = [96, 256], strides = [1, 1]} : vector<96x1024xf32> to vector<96x256xf32>
      %logistic3A_1561 = arith.negf %slice3A_1560 : vector<96x256xf32>
      %logistic3A_1562 = math.exp %logistic3A_1561 : vector<96x256xf32>
      %logistic3A_1563 = arith.constant 1.000000e+00 : f32
      %logistic3A_1564 = vector.broadcast %logistic3A_1563 : f32 to vector<96x256xf32>
      %logistic3A_1565 = arith.addf %logistic3A_1564, %logistic3A_1562 : vector<96x256xf32>
      %logistic3A_1566 = arith.divf %logistic3A_1564, %logistic3A_1565 : vector<96x256xf32>
      %mul3A_1567 = arith.mulf %logistic3A_1557, %select_n3A_1480 : vector<96x256xf32>
      %mul3A_1568 = arith.mulf %logistic3A_1550, %tanh3A_1559 : vector<96x256xf32>
      %add3A_1569 = arith.addf %mul3A_1567, %mul3A_1568 : vector<96x256xf32>
      %tanh3A_1570 = math.tanh %add3A_1569 : vector<96x256xf32>
      %mul3A_1571 = arith.mulf %logistic3A_1566, %tanh3A_1570 : vector<96x256xf32>
      %convert_element_type3A_1572 = arith.truncf %mul3A_1571 : vector<96x256xf32> to vector<96x256xbf16>
      %broadcast_in_dim3A_1573 = vector.shape_cast %lt3A_1540 : vector<96x1xi1> to vector<96x1xi1>
      %broadcast_in_dim3A_1574 = vector.broadcast %broadcast_in_dim3A_1573 : vector<96x1xi1> to vector<96x256xi1>
      %select_n3A_1575 = arith.select %broadcast_in_dim3A_1574, %convert_element_type3A_1572, %select_n3A_1477 : vector<96x256xi1>, vector<96x256xbf16>
      %broadcast_in_dim3A_1576 = vector.shape_cast %lt3A_1540 : vector<96x1xi1> to vector<96x1xi1>
      %broadcast_in_dim3A_1577 = vector.broadcast %broadcast_in_dim3A_1576 : vector<96x1xi1> to vector<96x256xi1>
      %select_n3A_1578 = arith.select %broadcast_in_dim3A_1577, %add3A_1569, %select_n3A_1480 : vector<96x256xi1>, vector<96x256xf32>
      %jit3A_1579 = arith.constant 0.000000e+00 : f32
      %broadcast_in_dim3A_1580 = vector.shape_cast %lt3A_1540 : vector<96x1xi1> to vector<96x1xi1>
      %broadcast_in_dim3A_1581 = vector.broadcast %broadcast_in_dim3A_1580 : vector<96x1xi1> to vector<96x256xi1>
      %broadcast_in_dim3A_1582 = vector.broadcast %jit3A_1579 : f32 to vector<96x256xf32>
      %select_n3A_1583 = arith.select %broadcast_in_dim3A_1581, %mul3A_1571, %broadcast_in_dim3A_1582 : vector<96x256xi1>, vector<96x256xf32>
      %add3A_1584 = arith.addf %add3A_1486, %select_n3A_1583 : vector<96x256xf32>
      %mul3A_1585 = arith.constant 8 : i32
      %mul3A_1586 = arith.muli %mul3A_226, %mul3A_1585 : i32
      %add3A_1587 = arith.constant 5 : i32
      %add3A_1588 = arith.addi %mul3A_1586, %add3A_1587 : i32
      %get3A_1589 = arith.constant 480 : index
      %get3A_1590 = arith.constant 0 : index
      %get3A_1591 = vector.load %arg27[%get3A_1589, %get3A_1590] : memref<768x1024xf32, #tpu.memory_space<vmem>>, vector<96x1024xf32>
      %lt3A_1592 = vector.broadcast %add3A_1588 : i32 to vector<96x1xi32>
      %lt3A_1593 = arith.cmpi slt, %lt3A_1592, %get3A_16 : vector<96x1xi32>
      %dot_general3A_1594 = arith.constant dense<0.000000e+00> : vector<96x1024xf32>
      %dot_general3A_1595 = tpu.matmul %convert_element_type3A_1527, %get3A_7, %dot_general3A_1594 {dimension_numbers = #tpu.dot_dimension_numbers<[1], [0], [0], [1], [0, 0, 1, 1], [], []>, transpose_lhs_hint = false} : vector<96x256xbf16>, vector<256x1024xbf16>, vector<96x1024xf32> -> vector<96x1024xf32>
      %add3A_1596 = arith.addf %get3A_1591, %dot_general3A_1595 : vector<96x1024xf32>
      %slice3A_1597 = vector.extract_strided_slice %add3A_1596 {offsets = [0, 0], sizes = [96, 256], strides = [1, 1]} : vector<96x1024xf32> to vector<96x256xf32>
      %logistic3A_1598 = arith.negf %slice3A_1597 : vector<96x256xf32>
      %logistic3A_1599 = math.exp %logistic3A_1598 : vector<96x256xf32>
      %logistic3A_1600 = arith.constant 1.000000e+00 : f32
      %logistic3A_1601 = vector.broadcast %logistic3A_1600 : f32 to vector<96x256xf32>
      %logistic3A_1602 = arith.addf %logistic3A_1601, %logistic3A_1599 : vector<96x256xf32>
      %logistic3A_1603 = arith.divf %logistic3A_1601, %logistic3A_1602 : vector<96x256xf32>
      %slice3A_1604 = vector.extract_strided_slice %add3A_1596 {offsets = [0, 256], sizes = [96, 256], strides = [1, 1]} : vector<96x1024xf32> to vector<96x256xf32>
      %logistic3A_1605 = arith.negf %slice3A_1604 : vector<96x256xf32>
      %logistic3A_1606 = math.exp %logistic3A_1605 : vector<96x256xf32>
      %logistic3A_1607 = arith.constant 1.000000e+00 : f32
      %logistic3A_1608 = vector.broadcast %logistic3A_1607 : f32 to vector<96x256xf32>
      %logistic3A_1609 = arith.addf %logistic3A_1608, %logistic3A_1606 : vector<96x256xf32>
      %logistic3A_1610 = arith.divf %logistic3A_1608, %logistic3A_1609 : vector<96x256xf32>
      %slice3A_1611 = vector.extract_strided_slice %add3A_1596 {offsets = [0, 512], sizes = [96, 256], strides = [1, 1]} : vector<96x1024xf32> to vector<96x256xf32>
      %tanh3A_1612 = math.tanh %slice3A_1611 : vector<96x256xf32>
      %slice3A_1613 = vector.extract_strided_slice %add3A_1596 {offsets = [0, 768], sizes = [96, 256], strides = [1, 1]} : vector<96x1024xf32> to vector<96x256xf32>
      %logistic3A_1614 = arith.negf %slice3A_1613 : vector<96x256xf32>
      %logistic3A_1615 = math.exp %logistic3A_1614 : vector<96x256xf32>
      %logistic3A_1616 = arith.constant 1.000000e+00 : f32
      %logistic3A_1617 = vector.broadcast %logistic3A_1616 : f32 to vector<96x256xf32>
      %logistic3A_1618 = arith.addf %logistic3A_1617, %logistic3A_1615 : vector<96x256xf32>
      %logistic3A_1619 = arith.divf %logistic3A_1617, %logistic3A_1618 : vector<96x256xf32>
      %mul3A_1620 = arith.mulf %logistic3A_1610, %add3A_1524 : vector<96x256xf32>
      %mul3A_1621 = arith.mulf %logistic3A_1603, %tanh3A_1612 : vector<96x256xf32>
      %add3A_1622 = arith.addf %mul3A_1620, %mul3A_1621 : vector<96x256xf32>
      %tanh3A_1623 = math.tanh %add3A_1622 : vector<96x256xf32>
      %mul3A_1624 = arith.mulf %logistic3A_1619, %tanh3A_1623 : vector<96x256xf32>
      %convert_element_type3A_1625 = arith.truncf %mul3A_1624 : vector<96x256xf32> to vector<96x256xbf16>
      %jit3A_1626 = arith.constant 0.000000e+00 : f32
      %broadcast_in_dim3A_1627 = vector.shape_cast %lt3A_1593 : vector<96x1xi1> to vector<96x1xi1>
      %broadcast_in_dim3A_1628 = vector.broadcast %broadcast_in_dim3A_1627 : vector<96x1xi1> to vector<96x256xi1>
      %broadcast_in_dim3A_1629 = vector.broadcast %jit3A_1626 : f32 to vector<96x256xf32>
      %select_n3A_1630 = arith.select %broadcast_in_dim3A_1628, %mul3A_1624, %broadcast_in_dim3A_1629 : vector<96x256xi1>, vector<96x256xf32>
      %add3A_1631 = arith.addf %add3A_1533, %select_n3A_1630 : vector<96x256xf32>
      %sub3A_1632 = arith.constant 95 : i32
      %sub3A_1633 = arith.subi %sub3A_1632, %add3A_1588 : i32
      %get3A_1634 = arith.constant 192 : index
      %get3A_1635 = arith.constant 0 : index
      %get3A_1636 = vector.load %arg29[%get3A_1634, %get3A_1635] : memref<768x1024xf32, #tpu.memory_space<vmem>>, vector<96x1024xf32>
      %lt3A_1637 = vector.broadcast %sub3A_1633 : i32 to vector<96x1xi32>
      %lt3A_1638 = arith.cmpi slt, %lt3A_1637, %get3A_16 : vector<96x1xi32>
      %dot_general3A_1639 = arith.constant dense<0.000000e+00> : vector<96x1024xf32>
      %dot_general3A_1640 = tpu.matmul %select_n3A_1575, %get3A_10, %dot_general3A_1639 {dimension_numbers = #tpu.dot_dimension_numbers<[1], [0], [0], [1], [0, 0, 1, 1], [], []>, transpose_lhs_hint = false} : vector<96x256xbf16>, vector<256x1024xbf16>, vector<96x1024xf32> -> vector<96x1024xf32>
      %add3A_1641 = arith.addf %get3A_1636, %dot_general3A_1640 : vector<96x1024xf32>
      %slice3A_1642 = vector.extract_strided_slice %add3A_1641 {offsets = [0, 0], sizes = [96, 256], strides = [1, 1]} : vector<96x1024xf32> to vector<96x256xf32>
      %logistic3A_1643 = arith.negf %slice3A_1642 : vector<96x256xf32>
      %logistic3A_1644 = math.exp %logistic3A_1643 : vector<96x256xf32>
      %logistic3A_1645 = arith.constant 1.000000e+00 : f32
      %logistic3A_1646 = vector.broadcast %logistic3A_1645 : f32 to vector<96x256xf32>
      %logistic3A_1647 = arith.addf %logistic3A_1646, %logistic3A_1644 : vector<96x256xf32>
      %logistic3A_1648 = arith.divf %logistic3A_1646, %logistic3A_1647 : vector<96x256xf32>
      %slice3A_1649 = vector.extract_strided_slice %add3A_1641 {offsets = [0, 256], sizes = [96, 256], strides = [1, 1]} : vector<96x1024xf32> to vector<96x256xf32>
      %logistic3A_1650 = arith.negf %slice3A_1649 : vector<96x256xf32>
      %logistic3A_1651 = math.exp %logistic3A_1650 : vector<96x256xf32>
      %logistic3A_1652 = arith.constant 1.000000e+00 : f32
      %logistic3A_1653 = vector.broadcast %logistic3A_1652 : f32 to vector<96x256xf32>
      %logistic3A_1654 = arith.addf %logistic3A_1653, %logistic3A_1651 : vector<96x256xf32>
      %logistic3A_1655 = arith.divf %logistic3A_1653, %logistic3A_1654 : vector<96x256xf32>
      %slice3A_1656 = vector.extract_strided_slice %add3A_1641 {offsets = [0, 512], sizes = [96, 256], strides = [1, 1]} : vector<96x1024xf32> to vector<96x256xf32>
      %tanh3A_1657 = math.tanh %slice3A_1656 : vector<96x256xf32>
      %slice3A_1658 = vector.extract_strided_slice %add3A_1641 {offsets = [0, 768], sizes = [96, 256], strides = [1, 1]} : vector<96x1024xf32> to vector<96x256xf32>
      %logistic3A_1659 = arith.negf %slice3A_1658 : vector<96x256xf32>
      %logistic3A_1660 = math.exp %logistic3A_1659 : vector<96x256xf32>
      %logistic3A_1661 = arith.constant 1.000000e+00 : f32
      %logistic3A_1662 = vector.broadcast %logistic3A_1661 : f32 to vector<96x256xf32>
      %logistic3A_1663 = arith.addf %logistic3A_1662, %logistic3A_1660 : vector<96x256xf32>
      %logistic3A_1664 = arith.divf %logistic3A_1662, %logistic3A_1663 : vector<96x256xf32>
      %mul3A_1665 = arith.mulf %logistic3A_1655, %select_n3A_1578 : vector<96x256xf32>
      %mul3A_1666 = arith.mulf %logistic3A_1648, %tanh3A_1657 : vector<96x256xf32>
      %add3A_1667 = arith.addf %mul3A_1665, %mul3A_1666 : vector<96x256xf32>
      %tanh3A_1668 = math.tanh %add3A_1667 : vector<96x256xf32>
      %mul3A_1669 = arith.mulf %logistic3A_1664, %tanh3A_1668 : vector<96x256xf32>
      %convert_element_type3A_1670 = arith.truncf %mul3A_1669 : vector<96x256xf32> to vector<96x256xbf16>
      %broadcast_in_dim3A_1671 = vector.shape_cast %lt3A_1638 : vector<96x1xi1> to vector<96x1xi1>
      %broadcast_in_dim3A_1672 = vector.broadcast %broadcast_in_dim3A_1671 : vector<96x1xi1> to vector<96x256xi1>
      %select_n3A_1673 = arith.select %broadcast_in_dim3A_1672, %convert_element_type3A_1670, %select_n3A_1575 : vector<96x256xi1>, vector<96x256xbf16>
      %broadcast_in_dim3A_1674 = vector.shape_cast %lt3A_1638 : vector<96x1xi1> to vector<96x1xi1>
      %broadcast_in_dim3A_1675 = vector.broadcast %broadcast_in_dim3A_1674 : vector<96x1xi1> to vector<96x256xi1>
      %select_n3A_1676 = arith.select %broadcast_in_dim3A_1675, %add3A_1667, %select_n3A_1578 : vector<96x256xi1>, vector<96x256xf32>
      %jit3A_1677 = arith.constant 0.000000e+00 : f32
      %broadcast_in_dim3A_1678 = vector.shape_cast %lt3A_1638 : vector<96x1xi1> to vector<96x1xi1>
      %broadcast_in_dim3A_1679 = vector.broadcast %broadcast_in_dim3A_1678 : vector<96x1xi1> to vector<96x256xi1>
      %broadcast_in_dim3A_1680 = vector.broadcast %jit3A_1677 : f32 to vector<96x256xf32>
      %select_n3A_1681 = arith.select %broadcast_in_dim3A_1679, %mul3A_1669, %broadcast_in_dim3A_1680 : vector<96x256xi1>, vector<96x256xf32>
      %add3A_1682 = arith.addf %add3A_1584, %select_n3A_1681 : vector<96x256xf32>
      %mul3A_1683 = arith.constant 8 : i32
      %mul3A_1684 = arith.muli %mul3A_226, %mul3A_1683 : i32
      %add3A_1685 = arith.constant 6 : i32
      %add3A_1686 = arith.addi %mul3A_1684, %add3A_1685 : i32
      %get3A_1687 = arith.constant 576 : index
      %get3A_1688 = arith.constant 0 : index
      %get3A_1689 = vector.load %arg27[%get3A_1687, %get3A_1688] : memref<768x1024xf32, #tpu.memory_space<vmem>>, vector<96x1024xf32>
      %lt3A_1690 = vector.broadcast %add3A_1686 : i32 to vector<96x1xi32>
      %lt3A_1691 = arith.cmpi slt, %lt3A_1690, %get3A_16 : vector<96x1xi32>
      %dot_general3A_1692 = arith.constant dense<0.000000e+00> : vector<96x1024xf32>
      %dot_general3A_1693 = tpu.matmul %convert_element_type3A_1625, %get3A_7, %dot_general3A_1692 {dimension_numbers = #tpu.dot_dimension_numbers<[1], [0], [0], [1], [0, 0, 1, 1], [], []>, transpose_lhs_hint = false} : vector<96x256xbf16>, vector<256x1024xbf16>, vector<96x1024xf32> -> vector<96x1024xf32>
      %add3A_1694 = arith.addf %get3A_1689, %dot_general3A_1693 : vector<96x1024xf32>
      %slice3A_1695 = vector.extract_strided_slice %add3A_1694 {offsets = [0, 0], sizes = [96, 256], strides = [1, 1]} : vector<96x1024xf32> to vector<96x256xf32>
      %logistic3A_1696 = arith.negf %slice3A_1695 : vector<96x256xf32>
      %logistic3A_1697 = math.exp %logistic3A_1696 : vector<96x256xf32>
      %logistic3A_1698 = arith.constant 1.000000e+00 : f32
      %logistic3A_1699 = vector.broadcast %logistic3A_1698 : f32 to vector<96x256xf32>
      %logistic3A_1700 = arith.addf %logistic3A_1699, %logistic3A_1697 : vector<96x256xf32>
      %logistic3A_1701 = arith.divf %logistic3A_1699, %logistic3A_1700 : vector<96x256xf32>
      %slice3A_1702 = vector.extract_strided_slice %add3A_1694 {offsets = [0, 256], sizes = [96, 256], strides = [1, 1]} : vector<96x1024xf32> to vector<96x256xf32>
      %logistic3A_1703 = arith.negf %slice3A_1702 : vector<96x256xf32>
      %logistic3A_1704 = math.exp %logistic3A_1703 : vector<96x256xf32>
      %logistic3A_1705 = arith.constant 1.000000e+00 : f32
      %logistic3A_1706 = vector.broadcast %logistic3A_1705 : f32 to vector<96x256xf32>
      %logistic3A_1707 = arith.addf %logistic3A_1706, %logistic3A_1704 : vector<96x256xf32>
      %logistic3A_1708 = arith.divf %logistic3A_1706, %logistic3A_1707 : vector<96x256xf32>
      %slice3A_1709 = vector.extract_strided_slice %add3A_1694 {offsets = [0, 512], sizes = [96, 256], strides = [1, 1]} : vector<96x1024xf32> to vector<96x256xf32>
      %tanh3A_1710 = math.tanh %slice3A_1709 : vector<96x256xf32>
      %slice3A_1711 = vector.extract_strided_slice %add3A_1694 {offsets = [0, 768], sizes = [96, 256], strides = [1, 1]} : vector<96x1024xf32> to vector<96x256xf32>
      %logistic3A_1712 = arith.negf %slice3A_1711 : vector<96x256xf32>
      %logistic3A_1713 = math.exp %logistic3A_1712 : vector<96x256xf32>
      %logistic3A_1714 = arith.constant 1.000000e+00 : f32
      %logistic3A_1715 = vector.broadcast %logistic3A_1714 : f32 to vector<96x256xf32>
      %logistic3A_1716 = arith.addf %logistic3A_1715, %logistic3A_1713 : vector<96x256xf32>
      %logistic3A_1717 = arith.divf %logistic3A_1715, %logistic3A_1716 : vector<96x256xf32>
      %mul3A_1718 = arith.mulf %logistic3A_1708, %add3A_1622 : vector<96x256xf32>
      %mul3A_1719 = arith.mulf %logistic3A_1701, %tanh3A_1710 : vector<96x256xf32>
      %add3A_1720 = arith.addf %mul3A_1718, %mul3A_1719 : vector<96x256xf32>
      %tanh3A_1721 = math.tanh %add3A_1720 : vector<96x256xf32>
      %mul3A_1722 = arith.mulf %logistic3A_1717, %tanh3A_1721 : vector<96x256xf32>
      %convert_element_type3A_1723 = arith.truncf %mul3A_1722 : vector<96x256xf32> to vector<96x256xbf16>
      %jit3A_1724 = arith.constant 0.000000e+00 : f32
      %broadcast_in_dim3A_1725 = vector.shape_cast %lt3A_1691 : vector<96x1xi1> to vector<96x1xi1>
      %broadcast_in_dim3A_1726 = vector.broadcast %broadcast_in_dim3A_1725 : vector<96x1xi1> to vector<96x256xi1>
      %broadcast_in_dim3A_1727 = vector.broadcast %jit3A_1724 : f32 to vector<96x256xf32>
      %select_n3A_1728 = arith.select %broadcast_in_dim3A_1726, %mul3A_1722, %broadcast_in_dim3A_1727 : vector<96x256xi1>, vector<96x256xf32>
      %add3A_1729 = arith.addf %add3A_1631, %select_n3A_1728 : vector<96x256xf32>
      %sub3A_1730 = arith.constant 95 : i32
      %sub3A_1731 = arith.subi %sub3A_1730, %add3A_1686 : i32
      %get3A_1732 = arith.constant 96 : index
      %get3A_1733 = arith.constant 0 : index
      %get3A_1734 = vector.load %arg29[%get3A_1732, %get3A_1733] : memref<768x1024xf32, #tpu.memory_space<vmem>>, vector<96x1024xf32>
      %lt3A_1735 = vector.broadcast %sub3A_1731 : i32 to vector<96x1xi32>
      %lt3A_1736 = arith.cmpi slt, %lt3A_1735, %get3A_16 : vector<96x1xi32>
      %dot_general3A_1737 = arith.constant dense<0.000000e+00> : vector<96x1024xf32>
      %dot_general3A_1738 = tpu.matmul %select_n3A_1673, %get3A_10, %dot_general3A_1737 {dimension_numbers = #tpu.dot_dimension_numbers<[1], [0], [0], [1], [0, 0, 1, 1], [], []>, transpose_lhs_hint = false} : vector<96x256xbf16>, vector<256x1024xbf16>, vector<96x1024xf32> -> vector<96x1024xf32>
      %add3A_1739 = arith.addf %get3A_1734, %dot_general3A_1738 : vector<96x1024xf32>
      %slice3A_1740 = vector.extract_strided_slice %add3A_1739 {offsets = [0, 0], sizes = [96, 256], strides = [1, 1]} : vector<96x1024xf32> to vector<96x256xf32>
      %logistic3A_1741 = arith.negf %slice3A_1740 : vector<96x256xf32>
      %logistic3A_1742 = math.exp %logistic3A_1741 : vector<96x256xf32>
      %logistic3A_1743 = arith.constant 1.000000e+00 : f32
      %logistic3A_1744 = vector.broadcast %logistic3A_1743 : f32 to vector<96x256xf32>
      %logistic3A_1745 = arith.addf %logistic3A_1744, %logistic3A_1742 : vector<96x256xf32>
      %logistic3A_1746 = arith.divf %logistic3A_1744, %logistic3A_1745 : vector<96x256xf32>
      %slice3A_1747 = vector.extract_strided_slice %add3A_1739 {offsets = [0, 256], sizes = [96, 256], strides = [1, 1]} : vector<96x1024xf32> to vector<96x256xf32>
      %logistic3A_1748 = arith.negf %slice3A_1747 : vector<96x256xf32>
      %logistic3A_1749 = math.exp %logistic3A_1748 : vector<96x256xf32>
      %logistic3A_1750 = arith.constant 1.000000e+00 : f32
      %logistic3A_1751 = vector.broadcast %logistic3A_1750 : f32 to vector<96x256xf32>
      %logistic3A_1752 = arith.addf %logistic3A_1751, %logistic3A_1749 : vector<96x256xf32>
      %logistic3A_1753 = arith.divf %logistic3A_1751, %logistic3A_1752 : vector<96x256xf32>
      %slice3A_1754 = vector.extract_strided_slice %add3A_1739 {offsets = [0, 512], sizes = [96, 256], strides = [1, 1]} : vector<96x1024xf32> to vector<96x256xf32>
      %tanh3A_1755 = math.tanh %slice3A_1754 : vector<96x256xf32>
      %slice3A_1756 = vector.extract_strided_slice %add3A_1739 {offsets = [0, 768], sizes = [96, 256], strides = [1, 1]} : vector<96x1024xf32> to vector<96x256xf32>
      %logistic3A_1757 = arith.negf %slice3A_1756 : vector<96x256xf32>
      %logistic3A_1758 = math.exp %logistic3A_1757 : vector<96x256xf32>
      %logistic3A_1759 = arith.constant 1.000000e+00 : f32
      %logistic3A_1760 = vector.broadcast %logistic3A_1759 : f32 to vector<96x256xf32>
      %logistic3A_1761 = arith.addf %logistic3A_1760, %logistic3A_1758 : vector<96x256xf32>
      %logistic3A_1762 = arith.divf %logistic3A_1760, %logistic3A_1761 : vector<96x256xf32>
      %mul3A_1763 = arith.mulf %logistic3A_1753, %select_n3A_1676 : vector<96x256xf32>
      %mul3A_1764 = arith.mulf %logistic3A_1746, %tanh3A_1755 : vector<96x256xf32>
      %add3A_1765 = arith.addf %mul3A_1763, %mul3A_1764 : vector<96x256xf32>
      %tanh3A_1766 = math.tanh %add3A_1765 : vector<96x256xf32>
      %mul3A_1767 = arith.mulf %logistic3A_1762, %tanh3A_1766 : vector<96x256xf32>
      %convert_element_type3A_1768 = arith.truncf %mul3A_1767 : vector<96x256xf32> to vector<96x256xbf16>
      %broadcast_in_dim3A_1769 = vector.shape_cast %lt3A_1736 : vector<96x1xi1> to vector<96x1xi1>
      %broadcast_in_dim3A_1770 = vector.broadcast %broadcast_in_dim3A_1769 : vector<96x1xi1> to vector<96x256xi1>
      %select_n3A_1771 = arith.select %broadcast_in_dim3A_1770, %convert_element_type3A_1768, %select_n3A_1673 : vector<96x256xi1>, vector<96x256xbf16>
      %broadcast_in_dim3A_1772 = vector.shape_cast %lt3A_1736 : vector<96x1xi1> to vector<96x1xi1>
      %broadcast_in_dim3A_1773 = vector.broadcast %broadcast_in_dim3A_1772 : vector<96x1xi1> to vector<96x256xi1>
      %select_n3A_1774 = arith.select %broadcast_in_dim3A_1773, %add3A_1765, %select_n3A_1676 : vector<96x256xi1>, vector<96x256xf32>
      %jit3A_1775 = arith.constant 0.000000e+00 : f32
      %broadcast_in_dim3A_1776 = vector.shape_cast %lt3A_1736 : vector<96x1xi1> to vector<96x1xi1>
      %broadcast_in_dim3A_1777 = vector.broadcast %broadcast_in_dim3A_1776 : vector<96x1xi1> to vector<96x256xi1>
      %broadcast_in_dim3A_1778 = vector.broadcast %jit3A_1775 : f32 to vector<96x256xf32>
      %select_n3A_1779 = arith.select %broadcast_in_dim3A_1777, %mul3A_1767, %broadcast_in_dim3A_1778 : vector<96x256xi1>, vector<96x256xf32>
      %add3A_1780 = arith.addf %add3A_1682, %select_n3A_1779 : vector<96x256xf32>
      %mul3A_1781 = arith.constant 8 : i32
      %mul3A_1782 = arith.muli %mul3A_226, %mul3A_1781 : i32
      %add3A_1783 = arith.constant 7 : i32
      %add3A_1784 = arith.addi %mul3A_1782, %add3A_1783 : i32
      %get3A_1785 = arith.constant 672 : index
      %get3A_1786 = arith.constant 0 : index
      %get3A_1787 = vector.load %arg27[%get3A_1785, %get3A_1786] : memref<768x1024xf32, #tpu.memory_space<vmem>>, vector<96x1024xf32>
      %lt3A_1788 = vector.broadcast %add3A_1784 : i32 to vector<96x1xi32>
      %lt3A_1789 = arith.cmpi slt, %lt3A_1788, %get3A_16 : vector<96x1xi32>
      %dot_general3A_1790 = arith.constant dense<0.000000e+00> : vector<96x1024xf32>
      %dot_general3A_1791 = tpu.matmul %convert_element_type3A_1723, %get3A_7, %dot_general3A_1790 {dimension_numbers = #tpu.dot_dimension_numbers<[1], [0], [0], [1], [0, 0, 1, 1], [], []>, transpose_lhs_hint = false} : vector<96x256xbf16>, vector<256x1024xbf16>, vector<96x1024xf32> -> vector<96x1024xf32>
      %add3A_1792 = arith.addf %get3A_1787, %dot_general3A_1791 : vector<96x1024xf32>
      %slice3A_1793 = vector.extract_strided_slice %add3A_1792 {offsets = [0, 0], sizes = [96, 256], strides = [1, 1]} : vector<96x1024xf32> to vector<96x256xf32>
      %logistic3A_1794 = arith.negf %slice3A_1793 : vector<96x256xf32>
      %logistic3A_1795 = math.exp %logistic3A_1794 : vector<96x256xf32>
      %logistic3A_1796 = arith.constant 1.000000e+00 : f32
      %logistic3A_1797 = vector.broadcast %logistic3A_1796 : f32 to vector<96x256xf32>
      %logistic3A_1798 = arith.addf %logistic3A_1797, %logistic3A_1795 : vector<96x256xf32>
      %logistic3A_1799 = arith.divf %logistic3A_1797, %logistic3A_1798 : vector<96x256xf32>
      %slice3A_1800 = vector.extract_strided_slice %add3A_1792 {offsets = [0, 256], sizes = [96, 256], strides = [1, 1]} : vector<96x1024xf32> to vector<96x256xf32>
      %logistic3A_1801 = arith.negf %slice3A_1800 : vector<96x256xf32>
      %logistic3A_1802 = math.exp %logistic3A_1801 : vector<96x256xf32>
      %logistic3A_1803 = arith.constant 1.000000e+00 : f32
      %logistic3A_1804 = vector.broadcast %logistic3A_1803 : f32 to vector<96x256xf32>
      %logistic3A_1805 = arith.addf %logistic3A_1804, %logistic3A_1802 : vector<96x256xf32>
      %logistic3A_1806 = arith.divf %logistic3A_1804, %logistic3A_1805 : vector<96x256xf32>
      %slice3A_1807 = vector.extract_strided_slice %add3A_1792 {offsets = [0, 512], sizes = [96, 256], strides = [1, 1]} : vector<96x1024xf32> to vector<96x256xf32>
      %tanh3A_1808 = math.tanh %slice3A_1807 : vector<96x256xf32>
      %slice3A_1809 = vector.extract_strided_slice %add3A_1792 {offsets = [0, 768], sizes = [96, 256], strides = [1, 1]} : vector<96x1024xf32> to vector<96x256xf32>
      %logistic3A_1810 = arith.negf %slice3A_1809 : vector<96x256xf32>
      %logistic3A_1811 = math.exp %logistic3A_1810 : vector<96x256xf32>
      %logistic3A_1812 = arith.constant 1.000000e+00 : f32
      %logistic3A_1813 = vector.broadcast %logistic3A_1812 : f32 to vector<96x256xf32>
      %logistic3A_1814 = arith.addf %logistic3A_1813, %logistic3A_1811 : vector<96x256xf32>
      %logistic3A_1815 = arith.divf %logistic3A_1813, %logistic3A_1814 : vector<96x256xf32>
      %mul3A_1816 = arith.mulf %logistic3A_1806, %add3A_1720 : vector<96x256xf32>
      %mul3A_1817 = arith.mulf %logistic3A_1799, %tanh3A_1808 : vector<96x256xf32>
      %add3A_1818 = arith.addf %mul3A_1816, %mul3A_1817 : vector<96x256xf32>
      %tanh3A_1819 = math.tanh %add3A_1818 : vector<96x256xf32>
      %mul3A_1820 = arith.mulf %logistic3A_1815, %tanh3A_1819 : vector<96x256xf32>
      %convert_element_type3A_1821 = arith.truncf %mul3A_1820 : vector<96x256xf32> to vector<96x256xbf16>
      %jit3A_1822 = arith.constant 0.000000e+00 : f32
      %broadcast_in_dim3A_1823 = vector.shape_cast %lt3A_1789 : vector<96x1xi1> to vector<96x1xi1>
      %broadcast_in_dim3A_1824 = vector.broadcast %broadcast_in_dim3A_1823 : vector<96x1xi1> to vector<96x256xi1>
      %broadcast_in_dim3A_1825 = vector.broadcast %jit3A_1822 : f32 to vector<96x256xf32>
      %select_n3A_1826 = arith.select %broadcast_in_dim3A_1824, %mul3A_1820, %broadcast_in_dim3A_1825 : vector<96x256xi1>, vector<96x256xf32>
      %add3A_1827 = arith.addf %add3A_1729, %select_n3A_1826 : vector<96x256xf32>
      %sub3A_1828 = arith.constant 95 : i32
      %sub3A_1829 = arith.subi %sub3A_1828, %add3A_1784 : i32
      %get3A_1830 = arith.constant 0 : index
      %get3A_1831 = arith.constant 0 : index
      %get3A_1832 = vector.load %arg29[%get3A_1830, %get3A_1831] : memref<768x1024xf32, #tpu.memory_space<vmem>>, vector<96x1024xf32>
      %lt3A_1833 = vector.broadcast %sub3A_1829 : i32 to vector<96x1xi32>
      %lt3A_1834 = arith.cmpi slt, %lt3A_1833, %get3A_16 : vector<96x1xi32>
      %dot_general3A_1835 = arith.constant dense<0.000000e+00> : vector<96x1024xf32>
      %dot_general3A_1836 = tpu.matmul %select_n3A_1771, %get3A_10, %dot_general3A_1835 {dimension_numbers = #tpu.dot_dimension_numbers<[1], [0], [0], [1], [0, 0, 1, 1], [], []>, transpose_lhs_hint = false} : vector<96x256xbf16>, vector<256x1024xbf16>, vector<96x1024xf32> -> vector<96x1024xf32>
      %add3A_1837 = arith.addf %get3A_1832, %dot_general3A_1836 : vector<96x1024xf32>
      %slice3A_1838 = vector.extract_strided_slice %add3A_1837 {offsets = [0, 0], sizes = [96, 256], strides = [1, 1]} : vector<96x1024xf32> to vector<96x256xf32>
      %logistic3A_1839 = arith.negf %slice3A_1838 : vector<96x256xf32>
      %logistic3A_1840 = math.exp %logistic3A_1839 : vector<96x256xf32>
      %logistic3A_1841 = arith.constant 1.000000e+00 : f32
      %logistic3A_1842 = vector.broadcast %logistic3A_1841 : f32 to vector<96x256xf32>
      %logistic3A_1843 = arith.addf %logistic3A_1842, %logistic3A_1840 : vector<96x256xf32>
      %logistic3A_1844 = arith.divf %logistic3A_1842, %logistic3A_1843 : vector<96x256xf32>
      %slice3A_1845 = vector.extract_strided_slice %add3A_1837 {offsets = [0, 256], sizes = [96, 256], strides = [1, 1]} : vector<96x1024xf32> to vector<96x256xf32>
      %logistic3A_1846 = arith.negf %slice3A_1845 : vector<96x256xf32>
      %logistic3A_1847 = math.exp %logistic3A_1846 : vector<96x256xf32>
      %logistic3A_1848 = arith.constant 1.000000e+00 : f32
      %logistic3A_1849 = vector.broadcast %logistic3A_1848 : f32 to vector<96x256xf32>
      %logistic3A_1850 = arith.addf %logistic3A_1849, %logistic3A_1847 : vector<96x256xf32>
      %logistic3A_1851 = arith.divf %logistic3A_1849, %logistic3A_1850 : vector<96x256xf32>
      %slice3A_1852 = vector.extract_strided_slice %add3A_1837 {offsets = [0, 512], sizes = [96, 256], strides = [1, 1]} : vector<96x1024xf32> to vector<96x256xf32>
      %tanh3A_1853 = math.tanh %slice3A_1852 : vector<96x256xf32>
      %slice3A_1854 = vector.extract_strided_slice %add3A_1837 {offsets = [0, 768], sizes = [96, 256], strides = [1, 1]} : vector<96x1024xf32> to vector<96x256xf32>
      %logistic3A_1855 = arith.negf %slice3A_1854 : vector<96x256xf32>
      %logistic3A_1856 = math.exp %logistic3A_1855 : vector<96x256xf32>
      %logistic3A_1857 = arith.constant 1.000000e+00 : f32
      %logistic3A_1858 = vector.broadcast %logistic3A_1857 : f32 to vector<96x256xf32>
      %logistic3A_1859 = arith.addf %logistic3A_1858, %logistic3A_1856 : vector<96x256xf32>
      %logistic3A_1860 = arith.divf %logistic3A_1858, %logistic3A_1859 : vector<96x256xf32>
      %mul3A_1861 = arith.mulf %logistic3A_1851, %select_n3A_1774 : vector<96x256xf32>
      %mul3A_1862 = arith.mulf %logistic3A_1844, %tanh3A_1853 : vector<96x256xf32>
      %add3A_1863 = arith.addf %mul3A_1861, %mul3A_1862 : vector<96x256xf32>
      %tanh3A_1864 = math.tanh %add3A_1863 : vector<96x256xf32>
      %mul3A_1865 = arith.mulf %logistic3A_1860, %tanh3A_1864 : vector<96x256xf32>
      %convert_element_type3A_1866 = arith.truncf %mul3A_1865 : vector<96x256xf32> to vector<96x256xbf16>
      %broadcast_in_dim3A_1867 = vector.shape_cast %lt3A_1834 : vector<96x1xi1> to vector<96x1xi1>
      %broadcast_in_dim3A_1868 = vector.broadcast %broadcast_in_dim3A_1867 : vector<96x1xi1> to vector<96x256xi1>
      %select_n3A_1869 = arith.select %broadcast_in_dim3A_1868, %convert_element_type3A_1866, %select_n3A_1771 : vector<96x256xi1>, vector<96x256xbf16>
      %broadcast_in_dim3A_1870 = vector.shape_cast %lt3A_1834 : vector<96x1xi1> to vector<96x1xi1>
      %broadcast_in_dim3A_1871 = vector.broadcast %broadcast_in_dim3A_1870 : vector<96x1xi1> to vector<96x256xi1>
      %select_n3A_1872 = arith.select %broadcast_in_dim3A_1871, %add3A_1863, %select_n3A_1774 : vector<96x256xi1>, vector<96x256xf32>
      %jit3A_1873 = arith.constant 0.000000e+00 : f32
      %broadcast_in_dim3A_1874 = vector.shape_cast %lt3A_1834 : vector<96x1xi1> to vector<96x1xi1>
      %broadcast_in_dim3A_1875 = vector.broadcast %broadcast_in_dim3A_1874 : vector<96x1xi1> to vector<96x256xi1>
      %broadcast_in_dim3A_1876 = vector.broadcast %jit3A_1873 : f32 to vector<96x256xf32>
      %select_n3A_1877 = arith.select %broadcast_in_dim3A_1875, %mul3A_1865, %broadcast_in_dim3A_1876 : vector<96x256xi1>, vector<96x256xf32>
      %add3A_1878 = arith.addf %add3A_1780, %select_n3A_1877 : vector<96x256xf32>
      %add3A_1879 = arith.constant 2 : i32
      %add3A_1880 = arith.addi %mul3A_226, %add3A_1879 : i32
      %mul3A_1881 = arith.constant 8 : i32
      %mul3A_1882 = arith.muli %add3A_1880, %mul3A_1881 : i32
      %get3A_1883 = arith.index_cast %mul3A_1882 : i32 to index
      %get3A_1884 = arith.constant 0 : index
      %get3A_1885 = arith.constant 0 : index
      %get3A_1886 = vector.load %arg0[%get3A_1883, %get3A_1884, %get3A_1885] : memref<256x48x256xbf16, #tpu.memory_space<vmem>>, vector<8x48x256xbf16>
      %reshape3A_1887 = vector.shape_cast %get3A_1886 : vector<8x48x256xbf16> to vector<384x256xbf16>
      %get3A_1888 = arith.constant 0 : index
      %get3A_1889 = arith.constant 0 : index
      %get3A_1890 = vector.load %arg6[%get3A_1888, %get3A_1889] : memref<256x1024xbf16, #tpu.memory_space<vmem>>, vector<256x1024xbf16>
      %dot_general3A_1891 = arith.constant dense<0.000000e+00> : vector<384x1024xf32>
      %dot_general3A_1892 = tpu.matmul %reshape3A_1887, %get3A_1890, %dot_general3A_1891 {dimension_numbers = #tpu.dot_dimension_numbers<[1], [0], [0], [1], [0, 0, 1, 1], [], []>, transpose_lhs_hint = false} : vector<384x256xbf16>, vector<256x1024xbf16>, vector<384x1024xf32> -> vector<384x1024xf32>
      %get3A_1893 = arith.constant 0 : index
      %get3A_1894 = arith.constant 0 : index
      %get3A_1895 = vector.load %arg8[%get3A_1893, %get3A_1894] : memref<1x1024xf32, #tpu.memory_space<vmem>>, vector<1x1024xf32>
      %add3A_1896 = vector.broadcast %get3A_1895 : vector<1x1024xf32> to vector<384x1024xf32>
      %add3A_1897 = arith.addf %dot_general3A_1892, %add3A_1896 : vector<384x1024xf32>
      %swap3A_1898 = arith.constant 0 : index
      %swap3A_1899 = arith.constant 0 : index
      %swap3A_1900 = vector.load %arg23[%swap3A_1898, %swap3A_1899] : memref<384x1024xf32, #tpu.memory_space<vmem>>, vector<384x1024xf32>
      tpu.vector_store %arg23[%swap3A_1898, %swap3A_1899], %add3A_1897 {strides = array<i32>} : memref<384x1024xf32, #tpu.memory_space<vmem>>, vector<384x1024xf32>,
      %mul3A_1901 = arith.constant 8 : i32
      %mul3A_1902 = arith.muli %add3A_1880, %mul3A_1901 : i32
      %sub3A_1903 = arith.constant 248 : i32
      %sub3A_1904 = arith.subi %sub3A_1903, %mul3A_1902 : i32
      %get3A_1905 = arith.index_cast %sub3A_1904 : i32 to index
      %get3A_1906 = arith.constant 0 : index
      %get3A_1907 = arith.constant 0 : index
      %get3A_1908 = vector.load %arg0[%get3A_1905, %get3A_1906, %get3A_1907] : memref<256x48x256xbf16, #tpu.memory_space<vmem>>, vector<8x48x256xbf16>
      %reshape3A_1909 = vector.shape_cast %get3A_1908 : vector<8x48x256xbf16> to vector<384x256xbf16>
      %get3A_1910 = arith.constant 0 : index
      %get3A_1911 = arith.constant 0 : index
      %get3A_1912 = vector.load %arg9[%get3A_1910, %get3A_1911] : memref<256x1024xbf16, #tpu.memory_space<vmem>>, vector<256x1024xbf16>
      %dot_general3A_1913 = arith.constant dense<0.000000e+00> : vector<384x1024xf32>
      %dot_general3A_1914 = tpu.matmul %reshape3A_1909, %get3A_1912, %dot_general3A_1913 {dimension_numbers = #tpu.dot_dimension_numbers<[1], [0], [0], [1], [0, 0, 1, 1], [], []>, transpose_lhs_hint = false} : vector<384x256xbf16>, vector<256x1024xbf16>, vector<384x1024xf32> -> vector<384x1024xf32>
      %get3A_1915 = arith.constant 0 : index
      %get3A_1916 = arith.constant 0 : index
      %get3A_1917 = vector.load %arg11[%get3A_1915, %get3A_1916] : memref<1x1024xf32, #tpu.memory_space<vmem>>, vector<1x1024xf32>
      %add3A_1918 = vector.broadcast %get3A_1917 : vector<1x1024xf32> to vector<384x1024xf32>
      %add3A_1919 = arith.addf %dot_general3A_1914, %add3A_1918 : vector<384x1024xf32>
      %swap3A_1920 = arith.constant 0 : index
      %swap3A_1921 = arith.constant 0 : index
      %swap3A_1922 = vector.load %arg25[%swap3A_1920, %swap3A_1921] : memref<384x1024xf32, #tpu.memory_space<vmem>>, vector<384x1024xf32>
      tpu.vector_store %arg25[%swap3A_1920, %swap3A_1921], %add3A_1919 {strides = array<i32>} : memref<384x1024xf32, #tpu.memory_space<vmem>>, vector<384x1024xf32>,
      %add3A_1923 = arith.constant 2 : i32
      %add3A_1924 = arith.addi %mul3A_226, %add3A_1923 : i32
      %min3A_1925 = arith.constant 11 : i32
      %min3A_1926 = arith.minsi %add3A_1924, %min3A_1925 : i32
      %mul3A_1927 = arith.constant 8 : i32
      %mul3A_1928 = arith.muli %min3A_1926, %mul3A_1927 : i32
      %get3A_1929 = arith.index_cast %mul3A_1928 : i32 to index
      %get3A_1930 = arith.constant 0 : index
      %get3A_1931 = arith.constant 0 : index
      %get3A_1932 = vector.load %arg1[%get3A_1929, %get3A_1930, %get3A_1931] : memref<96x96x256xbf16, #tpu.memory_space<vmem>>, vector<8x96x256xbf16>
      %reshape3A_1933 = vector.shape_cast %get3A_1932 : vector<8x96x256xbf16> to vector<768x256xbf16>
      %get3A_1934 = arith.constant 0 : index
      %get3A_1935 = arith.constant 0 : index
      %get3A_1936 = vector.load %arg12[%get3A_1934, %get3A_1935] : memref<256x1024xbf16, #tpu.memory_space<vmem>>, vector<256x1024xbf16>
      %dot_general3A_1937 = arith.constant dense<0.000000e+00> : vector<768x1024xf32>
      %dot_general3A_1938 = tpu.matmul %reshape3A_1933, %get3A_1936, %dot_general3A_1937 {dimension_numbers = #tpu.dot_dimension_numbers<[1], [0], [0], [1], [0, 0, 1, 1], [], []>, transpose_lhs_hint = false} : vector<768x256xbf16>, vector<256x1024xbf16>, vector<768x1024xf32> -> vector<768x1024xf32>
      %get3A_1939 = arith.constant 0 : index
      %get3A_1940 = arith.constant 0 : index
      %get3A_1941 = vector.load %arg14[%get3A_1939, %get3A_1940] : memref<1x1024xf32, #tpu.memory_space<vmem>>, vector<1x1024xf32>
      %add3A_1942 = vector.broadcast %get3A_1941 : vector<1x1024xf32> to vector<768x1024xf32>
      %add3A_1943 = arith.addf %dot_general3A_1938, %add3A_1942 : vector<768x1024xf32>
      %swap3A_1944 = arith.constant 0 : index
      %swap3A_1945 = arith.constant 0 : index
      %swap3A_1946 = vector.load %arg27[%swap3A_1944, %swap3A_1945] : memref<768x1024xf32, #tpu.memory_space<vmem>>, vector<768x1024xf32>
      tpu.vector_store %arg27[%swap3A_1944, %swap3A_1945], %add3A_1943 {strides = array<i32>} : memref<768x1024xf32, #tpu.memory_space<vmem>>, vector<768x1024xf32>,
      %mul3A_1947 = arith.constant 8 : i32
      %mul3A_1948 = arith.muli %min3A_1926, %mul3A_1947 : i32
      %sub3A_1949 = arith.constant 88 : i32
      %sub3A_1950 = arith.subi %sub3A_1949, %mul3A_1948 : i32
      %get3A_1951 = arith.index_cast %sub3A_1950 : i32 to index
      %get3A_1952 = arith.constant 0 : index
      %get3A_1953 = arith.constant 0 : index
      %get3A_1954 = vector.load %arg1[%get3A_1951, %get3A_1952, %get3A_1953] : memref<96x96x256xbf16, #tpu.memory_space<vmem>>, vector<8x96x256xbf16>
      %reshape3A_1955 = vector.shape_cast %get3A_1954 : vector<8x96x256xbf16> to vector<768x256xbf16>
      %get3A_1956 = arith.constant 0 : index
      %get3A_1957 = arith.constant 0 : index
      %get3A_1958 = vector.load %arg15[%get3A_1956, %get3A_1957] : memref<256x1024xbf16, #tpu.memory_space<vmem>>, vector<256x1024xbf16>
      %dot_general3A_1959 = arith.constant dense<0.000000e+00> : vector<768x1024xf32>
      %dot_general3A_1960 = tpu.matmul %reshape3A_1955, %get3A_1958, %dot_general3A_1959 {dimension_numbers = #tpu.dot_dimension_numbers<[1], [0], [0], [1], [0, 0, 1, 1], [], []>, transpose_lhs_hint = false} : vector<768x256xbf16>, vector<256x1024xbf16>, vector<768x1024xf32> -> vector<768x1024xf32>
      %get3A_1961 = arith.constant 0 : index
      %get3A_1962 = arith.constant 0 : index
      %get3A_1963 = vector.load %arg17[%get3A_1961, %get3A_1962] : memref<1x1024xf32, #tpu.memory_space<vmem>>, vector<1x1024xf32>
      %add3A_1964 = vector.broadcast %get3A_1963 : vector<1x1024xf32> to vector<768x1024xf32>
      %add3A_1965 = arith.addf %dot_general3A_1960, %add3A_1964 : vector<768x1024xf32>
      %swap3A_1966 = arith.constant 0 : index
      %swap3A_1967 = arith.constant 0 : index
      %swap3A_1968 = vector.load %arg29[%swap3A_1966, %swap3A_1967] : memref<768x1024xf32, #tpu.memory_space<vmem>>, vector<768x1024xf32>
      tpu.vector_store %arg29[%swap3A_1966, %swap3A_1967], %add3A_1965 {strides = array<i32>} : memref<768x1024xf32, #tpu.memory_space<vmem>>, vector<768x1024xf32>,
      %add3A_1969 = arith.constant 1 : i32
      %add3A_1970 = arith.addi %mul3A_226, %add3A_1969 : i32
      %mul3A_1971 = arith.constant 8 : i32
      %mul3A_1972 = arith.muli %add3A_1970, %mul3A_1971 : i32
      %add3A_1973 = arith.constant 0 : i32
      %add3A_1974 = arith.addi %mul3A_1972, %add3A_1973 : i32
      %get3A_1975 = arith.constant 0 : index
      %get3A_1976 = arith.constant 0 : index
      %get3A_1977 = vector.load %arg24[%get3A_1975, %get3A_1976] : memref<384x1024xf32, #tpu.memory_space<vmem>>, vector<48x1024xf32>
      %lt3A_1978 = vector.broadcast %add3A_1974 : i32 to vector<48x1xi32>
      %lt3A_1979 = arith.cmpi slt, %lt3A_1978, %get3A_13 : vector<48x1xi32>
      %dot_general3A_1980 = arith.constant dense<0.000000e+00> : vector<48x1024xf32>
      %dot_general3A_1981 = tpu.matmul %convert_element_type3A_1037, %get3A_1, %dot_general3A_1980 {dimension_numbers = #tpu.dot_dimension_numbers<[1], [0], [0], [1], [0, 0, 1, 1], [], []>, transpose_lhs_hint = false} : vector<48x256xbf16>, vector<256x1024xbf16>, vector<48x1024xf32> -> vector<48x1024xf32>
      %add3A_1982 = arith.addf %get3A_1977, %dot_general3A_1981 : vector<48x1024xf32>
      %slice3A_1983 = vector.extract_strided_slice %add3A_1982 {offsets = [0, 0], sizes = [48, 256], strides = [1, 1]} : vector<48x1024xf32> to vector<48x256xf32>
      %logistic3A_1984 = arith.negf %slice3A_1983 : vector<48x256xf32>
      %logistic3A_1985 = math.exp %logistic3A_1984 : vector<48x256xf32>
      %logistic3A_1986 = arith.constant 1.000000e+00 : f32
      %logistic3A_1987 = vector.broadcast %logistic3A_1986 : f32 to vector<48x256xf32>
      %logistic3A_1988 = arith.addf %logistic3A_1987, %logistic3A_1985 : vector<48x256xf32>
      %logistic3A_1989 = arith.divf %logistic3A_1987, %logistic3A_1988 : vector<48x256xf32>
      %slice3A_1990 = vector.extract_strided_slice %add3A_1982 {offsets = [0, 256], sizes = [48, 256], strides = [1, 1]} : vector<48x1024xf32> to vector<48x256xf32>
      %logistic3A_1991 = arith.negf %slice3A_1990 : vector<48x256xf32>
      %logistic3A_1992 = math.exp %logistic3A_1991 : vector<48x256xf32>
      %logistic3A_1993 = arith.constant 1.000000e+00 : f32
      %logistic3A_1994 = vector.broadcast %logistic3A_1993 : f32 to vector<48x256xf32>
      %logistic3A_1995 = arith.addf %logistic3A_1994, %logistic3A_1992 : vector<48x256xf32>
      %logistic3A_1996 = arith.divf %logistic3A_1994, %logistic3A_1995 : vector<48x256xf32>
      %slice3A_1997 = vector.extract_strided_slice %add3A_1982 {offsets = [0, 512], sizes = [48, 256], strides = [1, 1]} : vector<48x1024xf32> to vector<48x256xf32>
      %tanh3A_1998 = math.tanh %slice3A_1997 : vector<48x256xf32>
      %slice3A_1999 = vector.extract_strided_slice %add3A_1982 {offsets = [0, 768], sizes = [48, 256], strides = [1, 1]} : vector<48x1024xf32> to vector<48x256xf32>
      %logistic3A_2000 = arith.negf %slice3A_1999 : vector<48x256xf32>
      %logistic3A_2001 = math.exp %logistic3A_2000 : vector<48x256xf32>
      %logistic3A_2002 = arith.constant 1.000000e+00 : f32
      %logistic3A_2003 = vector.broadcast %logistic3A_2002 : f32 to vector<48x256xf32>
      %logistic3A_2004 = arith.addf %logistic3A_2003, %logistic3A_2001 : vector<48x256xf32>
      %logistic3A_2005 = arith.divf %logistic3A_2003, %logistic3A_2004 : vector<48x256xf32>
      %mul3A_2006 = arith.mulf %logistic3A_1996, %add3A_1034 : vector<48x256xf32>
      %mul3A_2007 = arith.mulf %logistic3A_1989, %tanh3A_1998 : vector<48x256xf32>
      %add3A_2008 = arith.addf %mul3A_2006, %mul3A_2007 : vector<48x256xf32>
      %tanh3A_2009 = math.tanh %add3A_2008 : vector<48x256xf32>
      %mul3A_2010 = arith.mulf %logistic3A_2005, %tanh3A_2009 : vector<48x256xf32>
      %convert_element_type3A_2011 = arith.truncf %mul3A_2010 : vector<48x256xf32> to vector<48x256xbf16>
      %jit3A_2012 = arith.constant 0.000000e+00 : f32
      %broadcast_in_dim3A_2013 = vector.shape_cast %lt3A_1979 : vector<48x1xi1> to vector<48x1xi1>
      %broadcast_in_dim3A_2014 = vector.broadcast %broadcast_in_dim3A_2013 : vector<48x1xi1> to vector<48x256xi1>
      %broadcast_in_dim3A_2015 = vector.broadcast %jit3A_2012 : f32 to vector<48x256xf32>
      %select_n3A_2016 = arith.select %broadcast_in_dim3A_2014, %mul3A_2010, %broadcast_in_dim3A_2015 : vector<48x256xi1>, vector<48x256xf32>
      %add3A_2017 = arith.addf %add3A_1043, %select_n3A_2016 : vector<48x256xf32>
      %sub3A_2018 = arith.constant 255 : i32
      %sub3A_2019 = arith.subi %sub3A_2018, %add3A_1974 : i32
      %get3A_2020 = arith.constant 336 : index
      %get3A_2021 = arith.constant 0 : index
      %get3A_2022 = vector.load %arg26[%get3A_2020, %get3A_2021] : memref<384x1024xf32, #tpu.memory_space<vmem>>, vector<48x1024xf32>
      %lt3A_2023 = vector.broadcast %sub3A_2019 : i32 to vector<48x1xi32>
      %lt3A_2024 = arith.cmpi slt, %lt3A_2023, %get3A_13 : vector<48x1xi32>
      %dot_general3A_2025 = arith.constant dense<0.000000e+00> : vector<48x1024xf32>
      %dot_general3A_2026 = tpu.matmul %select_n3A_1085, %get3A_4, %dot_general3A_2025 {dimension_numbers = #tpu.dot_dimension_numbers<[1], [0], [0], [1], [0, 0, 1, 1], [], []>, transpose_lhs_hint = false} : vector<48x256xbf16>, vector<256x1024xbf16>, vector<48x1024xf32> -> vector<48x1024xf32>
      %add3A_2027 = arith.addf %get3A_2022, %dot_general3A_2026 : vector<48x1024xf32>
      %slice3A_2028 = vector.extract_strided_slice %add3A_2027 {offsets = [0, 0], sizes = [48, 256], strides = [1, 1]} : vector<48x1024xf32> to vector<48x256xf32>
      %logistic3A_2029 = arith.negf %slice3A_2028 : vector<48x256xf32>
      %logistic3A_2030 = math.exp %logistic3A_2029 : vector<48x256xf32>
      %logistic3A_2031 = arith.constant 1.000000e+00 : f32
      %logistic3A_2032 = vector.broadcast %logistic3A_2031 : f32 to vector<48x256xf32>
      %logistic3A_2033 = arith.addf %logistic3A_2032, %logistic3A_2030 : vector<48x256xf32>
      %logistic3A_2034 = arith.divf %logistic3A_2032, %logistic3A_2033 : vector<48x256xf32>
      %slice3A_2035 = vector.extract_strided_slice %add3A_2027 {offsets = [0, 256], sizes = [48, 256], strides = [1, 1]} : vector<48x1024xf32> to vector<48x256xf32>
      %logistic3A_2036 = arith.negf %slice3A_2035 : vector<48x256xf32>
      %logistic3A_2037 = math.exp %logistic3A_2036 : vector<48x256xf32>
      %logistic3A_2038 = arith.constant 1.000000e+00 : f32
      %logistic3A_2039 = vector.broadcast %logistic3A_2038 : f32 to vector<48x256xf32>
      %logistic3A_2040 = arith.addf %logistic3A_2039, %logistic3A_2037 : vector<48x256xf32>
      %logistic3A_2041 = arith.divf %logistic3A_2039, %logistic3A_2040 : vector<48x256xf32>
      %slice3A_2042 = vector.extract_strided_slice %add3A_2027 {offsets = [0, 512], sizes = [48, 256], strides = [1, 1]} : vector<48x1024xf32> to vector<48x256xf32>
      %tanh3A_2043 = math.tanh %slice3A_2042 : vector<48x256xf32>
      %slice3A_2044 = vector.extract_strided_slice %add3A_2027 {offsets = [0, 768], sizes = [48, 256], strides = [1, 1]} : vector<48x1024xf32> to vector<48x256xf32>
      %logistic3A_2045 = arith.negf %slice3A_2044 : vector<48x256xf32>
      %logistic3A_2046 = math.exp %logistic3A_2045 : vector<48x256xf32>
      %logistic3A_2047 = arith.constant 1.000000e+00 : f32
      %logistic3A_2048 = vector.broadcast %logistic3A_2047 : f32 to vector<48x256xf32>
      %logistic3A_2049 = arith.addf %logistic3A_2048, %logistic3A_2046 : vector<48x256xf32>
      %logistic3A_2050 = arith.divf %logistic3A_2048, %logistic3A_2049 : vector<48x256xf32>
      %mul3A_2051 = arith.mulf %logistic3A_2041, %select_n3A_1088 : vector<48x256xf32>
      %mul3A_2052 = arith.mulf %logistic3A_2034, %tanh3A_2043 : vector<48x256xf32>
      %add3A_2053 = arith.addf %mul3A_2051, %mul3A_2052 : vector<48x256xf32>
      %tanh3A_2054 = math.tanh %add3A_2053 : vector<48x256xf32>
      %mul3A_2055 = arith.mulf %logistic3A_2050, %tanh3A_2054 : vector<48x256xf32>
      %convert_element_type3A_2056 = arith.truncf %mul3A_2055 : vector<48x256xf32> to vector<48x256xbf16>
      %broadcast_in_dim3A_2057 = vector.shape_cast %lt3A_2024 : vector<48x1xi1> to vector<48x1xi1>
      %broadcast_in_dim3A_2058 = vector.broadcast %broadcast_in_dim3A_2057 : vector<48x1xi1> to vector<48x256xi1>
      %select_n3A_2059 = arith.select %broadcast_in_dim3A_2058, %convert_element_type3A_2056, %select_n3A_1085 : vector<48x256xi1>, vector<48x256xbf16>
      %broadcast_in_dim3A_2060 = vector.shape_cast %lt3A_2024 : vector<48x1xi1> to vector<48x1xi1>
      %broadcast_in_dim3A_2061 = vector.broadcast %broadcast_in_dim3A_2060 : vector<48x1xi1> to vector<48x256xi1>
      %select_n3A_2062 = arith.select %broadcast_in_dim3A_2061, %add3A_2053, %select_n3A_1088 : vector<48x256xi1>, vector<48x256xf32>
      %jit3A_2063 = arith.constant 0.000000e+00 : f32
      %broadcast_in_dim3A_2064 = vector.shape_cast %lt3A_2024 : vector<48x1xi1> to vector<48x1xi1>
      %broadcast_in_dim3A_2065 = vector.broadcast %broadcast_in_dim3A_2064 : vector<48x1xi1> to vector<48x256xi1>
      %broadcast_in_dim3A_2066 = vector.broadcast %jit3A_2063 : f32 to vector<48x256xf32>
      %select_n3A_2067 = arith.select %broadcast_in_dim3A_2065, %mul3A_2055, %broadcast_in_dim3A_2066 : vector<48x256xi1>, vector<48x256xf32>
      %add3A_2068 = arith.addf %add3A_1094, %select_n3A_2067 : vector<48x256xf32>
      %mul3A_2069 = arith.constant 8 : i32
      %mul3A_2070 = arith.muli %add3A_1970, %mul3A_2069 : i32
      %add3A_2071 = arith.constant 1 : i32
      %add3A_2072 = arith.addi %mul3A_2070, %add3A_2071 : i32
      %get3A_2073 = arith.constant 48 : index
      %get3A_2074 = arith.constant 0 : index
      %get3A_2075 = vector.load %arg24[%get3A_2073, %get3A_2074] : memref<384x1024xf32, #tpu.memory_space<vmem>>, vector<48x1024xf32>
      %lt3A_2076 = vector.broadcast %add3A_2072 : i32 to vector<48x1xi32>
      %lt3A_2077 = arith.cmpi slt, %lt3A_2076, %get3A_13 : vector<48x1xi32>
      %dot_general3A_2078 = arith.constant dense<0.000000e+00> : vector<48x1024xf32>
      %dot_general3A_2079 = tpu.matmul %convert_element_type3A_2011, %get3A_1, %dot_general3A_2078 {dimension_numbers = #tpu.dot_dimension_numbers<[1], [0], [0], [1], [0, 0, 1, 1], [], []>, transpose_lhs_hint = false} : vector<48x256xbf16>, vector<256x1024xbf16>, vector<48x1024xf32> -> vector<48x1024xf32>
      %add3A_2080 = arith.addf %get3A_2075, %dot_general3A_2079 : vector<48x1024xf32>
      %slice3A_2081 = vector.extract_strided_slice %add3A_2080 {offsets = [0, 0], sizes = [48, 256], strides = [1, 1]} : vector<48x1024xf32> to vector<48x256xf32>
      %logistic3A_2082 = arith.negf %slice3A_2081 : vector<48x256xf32>
      %logistic3A_2083 = math.exp %logistic3A_2082 : vector<48x256xf32>
      %logistic3A_2084 = arith.constant 1.000000e+00 : f32
      %logistic3A_2085 = vector.broadcast %logistic3A_2084 : f32 to vector<48x256xf32>
      %logistic3A_2086 = arith.addf %logistic3A_2085, %logistic3A_2083 : vector<48x256xf32>
      %logistic3A_2087 = arith.divf %logistic3A_2085, %logistic3A_2086 : vector<48x256xf32>
      %slice3A_2088 = vector.extract_strided_slice %add3A_2080 {offsets = [0, 256], sizes = [48, 256], strides = [1, 1]} : vector<48x1024xf32> to vector<48x256xf32>
      %logistic3A_2089 = arith.negf %slice3A_2088 : vector<48x256xf32>
      %logistic3A_2090 = math.exp %logistic3A_2089 : vector<48x256xf32>
      %logistic3A_2091 = arith.constant 1.000000e+00 : f32
      %logistic3A_2092 = vector.broadcast %logistic3A_2091 : f32 to vector<48x256xf32>
      %logistic3A_2093 = arith.addf %logistic3A_2092, %logistic3A_2090 : vector<48x256xf32>
      %logistic3A_2094 = arith.divf %logistic3A_2092, %logistic3A_2093 : vector<48x256xf32>
      %slice3A_2095 = vector.extract_strided_slice %add3A_2080 {offsets = [0, 512], sizes = [48, 256], strides = [1, 1]} : vector<48x1024xf32> to vector<48x256xf32>
      %tanh3A_2096 = math.tanh %slice3A_2095 : vector<48x256xf32>
      %slice3A_2097 = vector.extract_strided_slice %add3A_2080 {offsets = [0, 768], sizes = [48, 256], strides = [1, 1]} : vector<48x1024xf32> to vector<48x256xf32>
      %logistic3A_2098 = arith.negf %slice3A_2097 : vector<48x256xf32>
      %logistic3A_2099 = math.exp %logistic3A_2098 : vector<48x256xf32>
      %logistic3A_2100 = arith.constant 1.000000e+00 : f32
      %logistic3A_2101 = vector.broadcast %logistic3A_2100 : f32 to vector<48x256xf32>
      %logistic3A_2102 = arith.addf %logistic3A_2101, %logistic3A_2099 : vector<48x256xf32>
      %logistic3A_2103 = arith.divf %logistic3A_2101, %logistic3A_2102 : vector<48x256xf32>
      %mul3A_2104 = arith.mulf %logistic3A_2094, %add3A_2008 : vector<48x256xf32>
      %mul3A_2105 = arith.mulf %logistic3A_2087, %tanh3A_2096 : vector<48x256xf32>
      %add3A_2106 = arith.addf %mul3A_2104, %mul3A_2105 : vector<48x256xf32>
      %tanh3A_2107 = math.tanh %add3A_2106 : vector<48x256xf32>
      %mul3A_2108 = arith.mulf %logistic3A_2103, %tanh3A_2107 : vector<48x256xf32>
      %convert_element_type3A_2109 = arith.truncf %mul3A_2108 : vector<48x256xf32> to vector<48x256xbf16>
      %jit3A_2110 = arith.constant 0.000000e+00 : f32
      %broadcast_in_dim3A_2111 = vector.shape_cast %lt3A_2077 : vector<48x1xi1> to vector<48x1xi1>
      %broadcast_in_dim3A_2112 = vector.broadcast %broadcast_in_dim3A_2111 : vector<48x1xi1> to vector<48x256xi1>
      %broadcast_in_dim3A_2113 = vector.broadcast %jit3A_2110 : f32 to vector<48x256xf32>
      %select_n3A_2114 = arith.select %broadcast_in_dim3A_2112, %mul3A_2108, %broadcast_in_dim3A_2113 : vector<48x256xi1>, vector<48x256xf32>
      %add3A_2115 = arith.addf %add3A_2017, %select_n3A_2114 : vector<48x256xf32>
      %sub3A_2116 = arith.constant 255 : i32
      %sub3A_2117 = arith.subi %sub3A_2116, %add3A_2072 : i32
      %get3A_2118 = arith.constant 288 : index
      %get3A_2119 = arith.constant 0 : index
      %get3A_2120 = vector.load %arg26[%get3A_2118, %get3A_2119] : memref<384x1024xf32, #tpu.memory_space<vmem>>, vector<48x1024xf32>
      %lt3A_2121 = vector.broadcast %sub3A_2117 : i32 to vector<48x1xi32>
      %lt3A_2122 = arith.cmpi slt, %lt3A_2121, %get3A_13 : vector<48x1xi32>
      %dot_general3A_2123 = arith.constant dense<0.000000e+00> : vector<48x1024xf32>
      %dot_general3A_2124 = tpu.matmul %select_n3A_2059, %get3A_4, %dot_general3A_2123 {dimension_numbers = #tpu.dot_dimension_numbers<[1], [0], [0], [1], [0, 0, 1, 1], [], []>, transpose_lhs_hint = false} : vector<48x256xbf16>, vector<256x1024xbf16>, vector<48x1024xf32> -> vector<48x1024xf32>
      %add3A_2125 = arith.addf %get3A_2120, %dot_general3A_2124 : vector<48x1024xf32>
      %slice3A_2126 = vector.extract_strided_slice %add3A_2125 {offsets = [0, 0], sizes = [48, 256], strides = [1, 1]} : vector<48x1024xf32> to vector<48x256xf32>
      %logistic3A_2127 = arith.negf %slice3A_2126 : vector<48x256xf32>
      %logistic3A_2128 = math.exp %logistic3A_2127 : vector<48x256xf32>
      %logistic3A_2129 = arith.constant 1.000000e+00 : f32
      %logistic3A_2130 = vector.broadcast %logistic3A_2129 : f32 to vector<48x256xf32>
      %logistic3A_2131 = arith.addf %logistic3A_2130, %logistic3A_2128 : vector<48x256xf32>
      %logistic3A_2132 = arith.divf %logistic3A_2130, %logistic3A_2131 : vector<48x256xf32>
      %slice3A_2133 = vector.extract_strided_slice %add3A_2125 {offsets = [0, 256], sizes = [48, 256], strides = [1, 1]} : vector<48x1024xf32> to vector<48x256xf32>
      %logistic3A_2134 = arith.negf %slice3A_2133 : vector<48x256xf32>
      %logistic3A_2135 = math.exp %logistic3A_2134 : vector<48x256xf32>
      %logistic3A_2136 = arith.constant 1.000000e+00 : f32
      %logistic3A_2137 = vector.broadcast %logistic3A_2136 : f32 to vector<48x256xf32>
      %logistic3A_2138 = arith.addf %logistic3A_2137, %logistic3A_2135 : vector<48x256xf32>
      %logistic3A_2139 = arith.divf %logistic3A_2137, %logistic3A_2138 : vector<48x256xf32>
      %slice3A_2140 = vector.extract_strided_slice %add3A_2125 {offsets = [0, 512], sizes = [48, 256], strides = [1, 1]} : vector<48x1024xf32> to vector<48x256xf32>
      %tanh3A_2141 = math.tanh %slice3A_2140 : vector<48x256xf32>
      %slice3A_2142 = vector.extract_strided_slice %add3A_2125 {offsets = [0, 768], sizes = [48, 256], strides = [1, 1]} : vector<48x1024xf32> to vector<48x256xf32>
      %logistic3A_2143 = arith.negf %slice3A_2142 : vector<48x256xf32>
      %logistic3A_2144 = math.exp %logistic3A_2143 : vector<48x256xf32>
      %logistic3A_2145 = arith.constant 1.000000e+00 : f32
      %logistic3A_2146 = vector.broadcast %logistic3A_2145 : f32 to vector<48x256xf32>
      %logistic3A_2147 = arith.addf %logistic3A_2146, %logistic3A_2144 : vector<48x256xf32>
      %logistic3A_2148 = arith.divf %logistic3A_2146, %logistic3A_2147 : vector<48x256xf32>
      %mul3A_2149 = arith.mulf %logistic3A_2139, %select_n3A_2062 : vector<48x256xf32>
      %mul3A_2150 = arith.mulf %logistic3A_2132, %tanh3A_2141 : vector<48x256xf32>
      %add3A_2151 = arith.addf %mul3A_2149, %mul3A_2150 : vector<48x256xf32>
      %tanh3A_2152 = math.tanh %add3A_2151 : vector<48x256xf32>
      %mul3A_2153 = arith.mulf %logistic3A_2148, %tanh3A_2152 : vector<48x256xf32>
      %convert_element_type3A_2154 = arith.truncf %mul3A_2153 : vector<48x256xf32> to vector<48x256xbf16>
      %broadcast_in_dim3A_2155 = vector.shape_cast %lt3A_2122 : vector<48x1xi1> to vector<48x1xi1>
      %broadcast_in_dim3A_2156 = vector.broadcast %broadcast_in_dim3A_2155 : vector<48x1xi1> to vector<48x256xi1>
      %select_n3A_2157 = arith.select %broadcast_in_dim3A_2156, %convert_element_type3A_2154, %select_n3A_2059 : vector<48x256xi1>, vector<48x256xbf16>
      %broadcast_in_dim3A_2158 = vector.shape_cast %lt3A_2122 : vector<48x1xi1> to vector<48x1xi1>
      %broadcast_in_dim3A_2159 = vector.broadcast %broadcast_in_dim3A_2158 : vector<48x1xi1> to vector<48x256xi1>
      %select_n3A_2160 = arith.select %broadcast_in_dim3A_2159, %add3A_2151, %select_n3A_2062 : vector<48x256xi1>, vector<48x256xf32>
      %jit3A_2161 = arith.constant 0.000000e+00 : f32
      %broadcast_in_dim3A_2162 = vector.shape_cast %lt3A_2122 : vector<48x1xi1> to vector<48x1xi1>
      %broadcast_in_dim3A_2163 = vector.broadcast %broadcast_in_dim3A_2162 : vector<48x1xi1> to vector<48x256xi1>
      %broadcast_in_dim3A_2164 = vector.broadcast %jit3A_2161 : f32 to vector<48x256xf32>
      %select_n3A_2165 = arith.select %broadcast_in_dim3A_2163, %mul3A_2153, %broadcast_in_dim3A_2164 : vector<48x256xi1>, vector<48x256xf32>
      %add3A_2166 = arith.addf %add3A_2068, %select_n3A_2165 : vector<48x256xf32>
      %mul3A_2167 = arith.constant 8 : i32
      %mul3A_2168 = arith.muli %add3A_1970, %mul3A_2167 : i32
      %add3A_2169 = arith.constant 2 : i32
      %add3A_2170 = arith.addi %mul3A_2168, %add3A_2169 : i32
      %get3A_2171 = arith.constant 96 : index
      %get3A_2172 = arith.constant 0 : index
      %get3A_2173 = vector.load %arg24[%get3A_2171, %get3A_2172] : memref<384x1024xf32, #tpu.memory_space<vmem>>, vector<48x1024xf32>
      %lt3A_2174 = vector.broadcast %add3A_2170 : i32 to vector<48x1xi32>
      %lt3A_2175 = arith.cmpi slt, %lt3A_2174, %get3A_13 : vector<48x1xi32>
      %dot_general3A_2176 = arith.constant dense<0.000000e+00> : vector<48x1024xf32>
      %dot_general3A_2177 = tpu.matmul %convert_element_type3A_2109, %get3A_1, %dot_general3A_2176 {dimension_numbers = #tpu.dot_dimension_numbers<[1], [0], [0], [1], [0, 0, 1, 1], [], []>, transpose_lhs_hint = false} : vector<48x256xbf16>, vector<256x1024xbf16>, vector<48x1024xf32> -> vector<48x1024xf32>
      %add3A_2178 = arith.addf %get3A_2173, %dot_general3A_2177 : vector<48x1024xf32>
      %slice3A_2179 = vector.extract_strided_slice %add3A_2178 {offsets = [0, 0], sizes = [48, 256], strides = [1, 1]} : vector<48x1024xf32> to vector<48x256xf32>
      %logistic3A_2180 = arith.negf %slice3A_2179 : vector<48x256xf32>
      %logistic3A_2181 = math.exp %logistic3A_2180 : vector<48x256xf32>
      %logistic3A_2182 = arith.constant 1.000000e+00 : f32
      %logistic3A_2183 = vector.broadcast %logistic3A_2182 : f32 to vector<48x256xf32>
      %logistic3A_2184 = arith.addf %logistic3A_2183, %logistic3A_2181 : vector<48x256xf32>
      %logistic3A_2185 = arith.divf %logistic3A_2183, %logistic3A_2184 : vector<48x256xf32>
      %slice3A_2186 = vector.extract_strided_slice %add3A_2178 {offsets = [0, 256], sizes = [48, 256], strides = [1, 1]} : vector<48x1024xf32> to vector<48x256xf32>
      %logistic3A_2187 = arith.negf %slice3A_2186 : vector<48x256xf32>
      %logistic3A_2188 = math.exp %logistic3A_2187 : vector<48x256xf32>
      %logistic3A_2189 = arith.constant 1.000000e+00 : f32
      %logistic3A_2190 = vector.broadcast %logistic3A_2189 : f32 to vector<48x256xf32>
      %logistic3A_2191 = arith.addf %logistic3A_2190, %logistic3A_2188 : vector<48x256xf32>
      %logistic3A_2192 = arith.divf %logistic3A_2190, %logistic3A_2191 : vector<48x256xf32>
      %slice3A_2193 = vector.extract_strided_slice %add3A_2178 {offsets = [0, 512], sizes = [48, 256], strides = [1, 1]} : vector<48x1024xf32> to vector<48x256xf32>
      %tanh3A_2194 = math.tanh %slice3A_2193 : vector<48x256xf32>
      %slice3A_2195 = vector.extract_strided_slice %add3A_2178 {offsets = [0, 768], sizes = [48, 256], strides = [1, 1]} : vector<48x1024xf32> to vector<48x256xf32>
      %logistic3A_2196 = arith.negf %slice3A_2195 : vector<48x256xf32>
      %logistic3A_2197 = math.exp %logistic3A_2196 : vector<48x256xf32>
      %logistic3A_2198 = arith.constant 1.000000e+00 : f32
      %logistic3A_2199 = vector.broadcast %logistic3A_2198 : f32 to vector<48x256xf32>
      %logistic3A_2200 = arith.addf %logistic3A_2199, %logistic3A_2197 : vector<48x256xf32>
      %logistic3A_2201 = arith.divf %logistic3A_2199, %logistic3A_2200 : vector<48x256xf32>
      %mul3A_2202 = arith.mulf %logistic3A_2192, %add3A_2106 : vector<48x256xf32>
      %mul3A_2203 = arith.mulf %logistic3A_2185, %tanh3A_2194 : vector<48x256xf32>
      %add3A_2204 = arith.addf %mul3A_2202, %mul3A_2203 : vector<48x256xf32>
      %tanh3A_2205 = math.tanh %add3A_2204 : vector<48x256xf32>
      %mul3A_2206 = arith.mulf %logistic3A_2201, %tanh3A_2205 : vector<48x256xf32>
      %convert_element_type3A_2207 = arith.truncf %mul3A_2206 : vector<48x256xf32> to vector<48x256xbf16>
      %jit3A_2208 = arith.constant 0.000000e+00 : f32
      %broadcast_in_dim3A_2209 = vector.shape_cast %lt3A_2175 : vector<48x1xi1> to vector<48x1xi1>
      %broadcast_in_dim3A_2210 = vector.broadcast %broadcast_in_dim3A_2209 : vector<48x1xi1> to vector<48x256xi1>
      %broadcast_in_dim3A_2211 = vector.broadcast %jit3A_2208 : f32 to vector<48x256xf32>
      %select_n3A_2212 = arith.select %broadcast_in_dim3A_2210, %mul3A_2206, %broadcast_in_dim3A_2211 : vector<48x256xi1>, vector<48x256xf32>
      %add3A_2213 = arith.addf %add3A_2115, %select_n3A_2212 : vector<48x256xf32>
      %sub3A_2214 = arith.constant 255 : i32
      %sub3A_2215 = arith.subi %sub3A_2214, %add3A_2170 : i32
      %get3A_2216 = arith.constant 240 : index
      %get3A_2217 = arith.constant 0 : index
      %get3A_2218 = vector.load %arg26[%get3A_2216, %get3A_2217] : memref<384x1024xf32, #tpu.memory_space<vmem>>, vector<48x1024xf32>
      %lt3A_2219 = vector.broadcast %sub3A_2215 : i32 to vector<48x1xi32>
      %lt3A_2220 = arith.cmpi slt, %lt3A_2219, %get3A_13 : vector<48x1xi32>
      %dot_general3A_2221 = arith.constant dense<0.000000e+00> : vector<48x1024xf32>
      %dot_general3A_2222 = tpu.matmul %select_n3A_2157, %get3A_4, %dot_general3A_2221 {dimension_numbers = #tpu.dot_dimension_numbers<[1], [0], [0], [1], [0, 0, 1, 1], [], []>, transpose_lhs_hint = false} : vector<48x256xbf16>, vector<256x1024xbf16>, vector<48x1024xf32> -> vector<48x1024xf32>
      %add3A_2223 = arith.addf %get3A_2218, %dot_general3A_2222 : vector<48x1024xf32>
      %slice3A_2224 = vector.extract_strided_slice %add3A_2223 {offsets = [0, 0], sizes = [48, 256], strides = [1, 1]} : vector<48x1024xf32> to vector<48x256xf32>
      %logistic3A_2225 = arith.negf %slice3A_2224 : vector<48x256xf32>
      %logistic3A_2226 = math.exp %logistic3A_2225 : vector<48x256xf32>
      %logistic3A_2227 = arith.constant 1.000000e+00 : f32
      %logistic3A_2228 = vector.broadcast %logistic3A_2227 : f32 to vector<48x256xf32>
      %logistic3A_2229 = arith.addf %logistic3A_2228, %logistic3A_2226 : vector<48x256xf32>
      %logistic3A_2230 = arith.divf %logistic3A_2228, %logistic3A_2229 : vector<48x256xf32>
      %slice3A_2231 = vector.extract_strided_slice %add3A_2223 {offsets = [0, 256], sizes = [48, 256], strides = [1, 1]} : vector<48x1024xf32> to vector<48x256xf32>
      %logistic3A_2232 = arith.negf %slice3A_2231 : vector<48x256xf32>
      %logistic3A_2233 = math.exp %logistic3A_2232 : vector<48x256xf32>
      %logistic3A_2234 = arith.constant 1.000000e+00 : f32
      %logistic3A_2235 = vector.broadcast %logistic3A_2234 : f32 to vector<48x256xf32>
      %logistic3A_2236 = arith.addf %logistic3A_2235, %logistic3A_2233 : vector<48x256xf32>
      %logistic3A_2237 = arith.divf %logistic3A_2235, %logistic3A_2236 : vector<48x256xf32>
      %slice3A_2238 = vector.extract_strided_slice %add3A_2223 {offsets = [0, 512], sizes = [48, 256], strides = [1, 1]} : vector<48x1024xf32> to vector<48x256xf32>
      %tanh3A_2239 = math.tanh %slice3A_2238 : vector<48x256xf32>
      %slice3A_2240 = vector.extract_strided_slice %add3A_2223 {offsets = [0, 768], sizes = [48, 256], strides = [1, 1]} : vector<48x1024xf32> to vector<48x256xf32>
      %logistic3A_2241 = arith.negf %slice3A_2240 : vector<48x256xf32>
      %logistic3A_2242 = math.exp %logistic3A_2241 : vector<48x256xf32>
      %logistic3A_2243 = arith.constant 1.000000e+00 : f32
      %logistic3A_2244 = vector.broadcast %logistic3A_2243 : f32 to vector<48x256xf32>
      %logistic3A_2245 = arith.addf %logistic3A_2244, %logistic3A_2242 : vector<48x256xf32>
      %logistic3A_2246 = arith.divf %logistic3A_2244, %logistic3A_2245 : vector<48x256xf32>
      %mul3A_2247 = arith.mulf %logistic3A_2237, %select_n3A_2160 : vector<48x256xf32>
      %mul3A_2248 = arith.mulf %logistic3A_2230, %tanh3A_2239 : vector<48x256xf32>
      %add3A_2249 = arith.addf %mul3A_2247, %mul3A_2248 : vector<48x256xf32>
      %tanh3A_2250 = math.tanh %add3A_2249 : vector<48x256xf32>
      %mul3A_2251 = arith.mulf %logistic3A_2246, %tanh3A_2250 : vector<48x256xf32>
      %convert_element_type3A_2252 = arith.truncf %mul3A_2251 : vector<48x256xf32> to vector<48x256xbf16>
      %broadcast_in_dim3A_2253 = vector.shape_cast %lt3A_2220 : vector<48x1xi1> to vector<48x1xi1>
      %broadcast_in_dim3A_2254 = vector.broadcast %broadcast_in_dim3A_2253 : vector<48x1xi1> to vector<48x256xi1>
      %select_n3A_2255 = arith.select %broadcast_in_dim3A_2254, %convert_element_type3A_2252, %select_n3A_2157 : vector<48x256xi1>, vector<48x256xbf16>
      %broadcast_in_dim3A_2256 = vector.shape_cast %lt3A_2220 : vector<48x1xi1> to vector<48x1xi1>
      %broadcast_in_dim3A_2257 = vector.broadcast %broadcast_in_dim3A_2256 : vector<48x1xi1> to vector<48x256xi1>
      %select_n3A_2258 = arith.select %broadcast_in_dim3A_2257, %add3A_2249, %select_n3A_2160 : vector<48x256xi1>, vector<48x256xf32>
      %jit3A_2259 = arith.constant 0.000000e+00 : f32
      %broadcast_in_dim3A_2260 = vector.shape_cast %lt3A_2220 : vector<48x1xi1> to vector<48x1xi1>
      %broadcast_in_dim3A_2261 = vector.broadcast %broadcast_in_dim3A_2260 : vector<48x1xi1> to vector<48x256xi1>
      %broadcast_in_dim3A_2262 = vector.broadcast %jit3A_2259 : f32 to vector<48x256xf32>
      %select_n3A_2263 = arith.select %broadcast_in_dim3A_2261, %mul3A_2251, %broadcast_in_dim3A_2262 : vector<48x256xi1>, vector<48x256xf32>
      %add3A_2264 = arith.addf %add3A_2166, %select_n3A_2263 : vector<48x256xf32>
      %mul3A_2265 = arith.constant 8 : i32
      %mul3A_2266 = arith.muli %add3A_1970, %mul3A_2265 : i32
      %add3A_2267 = arith.constant 3 : i32
      %add3A_2268 = arith.addi %mul3A_2266, %add3A_2267 : i32
      %get3A_2269 = arith.constant 144 : index
      %get3A_2270 = arith.constant 0 : index
      %get3A_2271 = vector.load %arg24[%get3A_2269, %get3A_2270] : memref<384x1024xf32, #tpu.memory_space<vmem>>, vector<48x1024xf32>
      %lt3A_2272 = vector.broadcast %add3A_2268 : i32 to vector<48x1xi32>
      %lt3A_2273 = arith.cmpi slt, %lt3A_2272, %get3A_13 : vector<48x1xi32>
      %dot_general3A_2274 = arith.constant dense<0.000000e+00> : vector<48x1024xf32>
      %dot_general3A_2275 = tpu.matmul %convert_element_type3A_2207, %get3A_1, %dot_general3A_2274 {dimension_numbers = #tpu.dot_dimension_numbers<[1], [0], [0], [1], [0, 0, 1, 1], [], []>, transpose_lhs_hint = false} : vector<48x256xbf16>, vector<256x1024xbf16>, vector<48x1024xf32> -> vector<48x1024xf32>
      %add3A_2276 = arith.addf %get3A_2271, %dot_general3A_2275 : vector<48x1024xf32>
      %slice3A_2277 = vector.extract_strided_slice %add3A_2276 {offsets = [0, 0], sizes = [48, 256], strides = [1, 1]} : vector<48x1024xf32> to vector<48x256xf32>
      %logistic3A_2278 = arith.negf %slice3A_2277 : vector<48x256xf32>
      %logistic3A_2279 = math.exp %logistic3A_2278 : vector<48x256xf32>
      %logistic3A_2280 = arith.constant 1.000000e+00 : f32
      %logistic3A_2281 = vector.broadcast %logistic3A_2280 : f32 to vector<48x256xf32>
      %logistic3A_2282 = arith.addf %logistic3A_2281, %logistic3A_2279 : vector<48x256xf32>
      %logistic3A_2283 = arith.divf %logistic3A_2281, %logistic3A_2282 : vector<48x256xf32>
      %slice3A_2284 = vector.extract_strided_slice %add3A_2276 {offsets = [0, 256], sizes = [48, 256], strides = [1, 1]} : vector<48x1024xf32> to vector<48x256xf32>
      %logistic3A_2285 = arith.negf %slice3A_2284 : vector<48x256xf32>
      %logistic3A_2286 = math.exp %logistic3A_2285 : vector<48x256xf32>
      %logistic3A_2287 = arith.constant 1.000000e+00 : f32
      %logistic3A_2288 = vector.broadcast %logistic3A_2287 : f32 to vector<48x256xf32>
      %logistic3A_2289 = arith.addf %logistic3A_2288, %logistic3A_2286 : vector<48x256xf32>
      %logistic3A_2290 = arith.divf %logistic3A_2288, %logistic3A_2289 : vector<48x256xf32>
      %slice3A_2291 = vector.extract_strided_slice %add3A_2276 {offsets = [0, 512], sizes = [48, 256], strides = [1, 1]} : vector<48x1024xf32> to vector<48x256xf32>
      %tanh3A_2292 = math.tanh %slice3A_2291 : vector<48x256xf32>
      %slice3A_2293 = vector.extract_strided_slice %add3A_2276 {offsets = [0, 768], sizes = [48, 256], strides = [1, 1]} : vector<48x1024xf32> to vector<48x256xf32>
      %logistic3A_2294 = arith.negf %slice3A_2293 : vector<48x256xf32>
      %logistic3A_2295 = math.exp %logistic3A_2294 : vector<48x256xf32>
      %logistic3A_2296 = arith.constant 1.000000e+00 : f32
      %logistic3A_2297 = vector.broadcast %logistic3A_2296 : f32 to vector<48x256xf32>
      %logistic3A_2298 = arith.addf %logistic3A_2297, %logistic3A_2295 : vector<48x256xf32>
      %logistic3A_2299 = arith.divf %logistic3A_2297, %logistic3A_2298 : vector<48x256xf32>
      %mul3A_2300 = arith.mulf %logistic3A_2290, %add3A_2204 : vector<48x256xf32>
      %mul3A_2301 = arith.mulf %logistic3A_2283, %tanh3A_2292 : vector<48x256xf32>
      %add3A_2302 = arith.addf %mul3A_2300, %mul3A_2301 : vector<48x256xf32>
      %tanh3A_2303 = math.tanh %add3A_2302 : vector<48x256xf32>
      %mul3A_2304 = arith.mulf %logistic3A_2299, %tanh3A_2303 : vector<48x256xf32>
      %convert_element_type3A_2305 = arith.truncf %mul3A_2304 : vector<48x256xf32> to vector<48x256xbf16>
      %jit3A_2306 = arith.constant 0.000000e+00 : f32
      %broadcast_in_dim3A_2307 = vector.shape_cast %lt3A_2273 : vector<48x1xi1> to vector<48x1xi1>
      %broadcast_in_dim3A_2308 = vector.broadcast %broadcast_in_dim3A_2307 : vector<48x1xi1> to vector<48x256xi1>
      %broadcast_in_dim3A_2309 = vector.broadcast %jit3A_2306 : f32 to vector<48x256xf32>
      %select_n3A_2310 = arith.select %broadcast_in_dim3A_2308, %mul3A_2304, %broadcast_in_dim3A_2309 : vector<48x256xi1>, vector<48x256xf32>
      %add3A_2311 = arith.addf %add3A_2213, %select_n3A_2310 : vector<48x256xf32>
      %sub3A_2312 = arith.constant 255 : i32
      %sub3A_2313 = arith.subi %sub3A_2312, %add3A_2268 : i32
      %get3A_2314 = arith.constant 192 : index
      %get3A_2315 = arith.constant 0 : index
      %get3A_2316 = vector.load %arg26[%get3A_2314, %get3A_2315] : memref<384x1024xf32, #tpu.memory_space<vmem>>, vector<48x1024xf32>
      %lt3A_2317 = vector.broadcast %sub3A_2313 : i32 to vector<48x1xi32>
      %lt3A_2318 = arith.cmpi slt, %lt3A_2317, %get3A_13 : vector<48x1xi32>
      %dot_general3A_2319 = arith.constant dense<0.000000e+00> : vector<48x1024xf32>
      %dot_general3A_2320 = tpu.matmul %select_n3A_2255, %get3A_4, %dot_general3A_2319 {dimension_numbers = #tpu.dot_dimension_numbers<[1], [0], [0], [1], [0, 0, 1, 1], [], []>, transpose_lhs_hint = false} : vector<48x256xbf16>, vector<256x1024xbf16>, vector<48x1024xf32> -> vector<48x1024xf32>
      %add3A_2321 = arith.addf %get3A_2316, %dot_general3A_2320 : vector<48x1024xf32>
      %slice3A_2322 = vector.extract_strided_slice %add3A_2321 {offsets = [0, 0], sizes = [48, 256], strides = [1, 1]} : vector<48x1024xf32> to vector<48x256xf32>
      %logistic3A_2323 = arith.negf %slice3A_2322 : vector<48x256xf32>
      %logistic3A_2324 = math.exp %logistic3A_2323 : vector<48x256xf32>
      %logistic3A_2325 = arith.constant 1.000000e+00 : f32
      %logistic3A_2326 = vector.broadcast %logistic3A_2325 : f32 to vector<48x256xf32>
      %logistic3A_2327 = arith.addf %logistic3A_2326, %logistic3A_2324 : vector<48x256xf32>
      %logistic3A_2328 = arith.divf %logistic3A_2326, %logistic3A_2327 : vector<48x256xf32>
      %slice3A_2329 = vector.extract_strided_slice %add3A_2321 {offsets = [0, 256], sizes = [48, 256], strides = [1, 1]} : vector<48x1024xf32> to vector<48x256xf32>
      %logistic3A_2330 = arith.negf %slice3A_2329 : vector<48x256xf32>
      %logistic3A_2331 = math.exp %logistic3A_2330 : vector<48x256xf32>
      %logistic3A_2332 = arith.constant 1.000000e+00 : f32
      %logistic3A_2333 = vector.broadcast %logistic3A_2332 : f32 to vector<48x256xf32>
      %logistic3A_2334 = arith.addf %logistic3A_2333, %logistic3A_2331 : vector<48x256xf32>
      %logistic3A_2335 = arith.divf %logistic3A_2333, %logistic3A_2334 : vector<48x256xf32>
      %slice3A_2336 = vector.extract_strided_slice %add3A_2321 {offsets = [0, 512], sizes = [48, 256], strides = [1, 1]} : vector<48x1024xf32> to vector<48x256xf32>
      %tanh3A_2337 = math.tanh %slice3A_2336 : vector<48x256xf32>
      %slice3A_2338 = vector.extract_strided_slice %add3A_2321 {offsets = [0, 768], sizes = [48, 256], strides = [1, 1]} : vector<48x1024xf32> to vector<48x256xf32>
      %logistic3A_2339 = arith.negf %slice3A_2338 : vector<48x256xf32>
      %logistic3A_2340 = math.exp %logistic3A_2339 : vector<48x256xf32>
      %logistic3A_2341 = arith.constant 1.000000e+00 : f32
      %logistic3A_2342 = vector.broadcast %logistic3A_2341 : f32 to vector<48x256xf32>
      %logistic3A_2343 = arith.addf %logistic3A_2342, %logistic3A_2340 : vector<48x256xf32>
      %logistic3A_2344 = arith.divf %logistic3A_2342, %logistic3A_2343 : vector<48x256xf32>
      %mul3A_2345 = arith.mulf %logistic3A_2335, %select_n3A_2258 : vector<48x256xf32>
      %mul3A_2346 = arith.mulf %logistic3A_2328, %tanh3A_2337 : vector<48x256xf32>
      %add3A_2347 = arith.addf %mul3A_2345, %mul3A_2346 : vector<48x256xf32>
      %tanh3A_2348 = math.tanh %add3A_2347 : vector<48x256xf32>
      %mul3A_2349 = arith.mulf %logistic3A_2344, %tanh3A_2348 : vector<48x256xf32>
      %convert_element_type3A_2350 = arith.truncf %mul3A_2349 : vector<48x256xf32> to vector<48x256xbf16>
      %broadcast_in_dim3A_2351 = vector.shape_cast %lt3A_2318 : vector<48x1xi1> to vector<48x1xi1>
      %broadcast_in_dim3A_2352 = vector.broadcast %broadcast_in_dim3A_2351 : vector<48x1xi1> to vector<48x256xi1>
      %select_n3A_2353 = arith.select %broadcast_in_dim3A_2352, %convert_element_type3A_2350, %select_n3A_2255 : vector<48x256xi1>, vector<48x256xbf16>
      %broadcast_in_dim3A_2354 = vector.shape_cast %lt3A_2318 : vector<48x1xi1> to vector<48x1xi1>
      %broadcast_in_dim3A_2355 = vector.broadcast %broadcast_in_dim3A_2354 : vector<48x1xi1> to vector<48x256xi1>
      %select_n3A_2356 = arith.select %broadcast_in_dim3A_2355, %add3A_2347, %select_n3A_2258 : vector<48x256xi1>, vector<48x256xf32>
      %jit3A_2357 = arith.constant 0.000000e+00 : f32
      %broadcast_in_dim3A_2358 = vector.shape_cast %lt3A_2318 : vector<48x1xi1> to vector<48x1xi1>
      %broadcast_in_dim3A_2359 = vector.broadcast %broadcast_in_dim3A_2358 : vector<48x1xi1> to vector<48x256xi1>
      %broadcast_in_dim3A_2360 = vector.broadcast %jit3A_2357 : f32 to vector<48x256xf32>
      %select_n3A_2361 = arith.select %broadcast_in_dim3A_2359, %mul3A_2349, %broadcast_in_dim3A_2360 : vector<48x256xi1>, vector<48x256xf32>
      %add3A_2362 = arith.addf %add3A_2264, %select_n3A_2361 : vector<48x256xf32>
      %mul3A_2363 = arith.constant 8 : i32
      %mul3A_2364 = arith.muli %add3A_1970, %mul3A_2363 : i32
      %add3A_2365 = arith.constant 4 : i32
      %add3A_2366 = arith.addi %mul3A_2364, %add3A_2365 : i32
      %get3A_2367 = arith.constant 192 : index
      %get3A_2368 = arith.constant 0 : index
      %get3A_2369 = vector.load %arg24[%get3A_2367, %get3A_2368] : memref<384x1024xf32, #tpu.memory_space<vmem>>, vector<48x1024xf32>
      %lt3A_2370 = vector.broadcast %add3A_2366 : i32 to vector<48x1xi32>
      %lt3A_2371 = arith.cmpi slt, %lt3A_2370, %get3A_13 : vector<48x1xi32>
      %dot_general3A_2372 = arith.constant dense<0.000000e+00> : vector<48x1024xf32>
      %dot_general3A_2373 = tpu.matmul %convert_element_type3A_2305, %get3A_1, %dot_general3A_2372 {dimension_numbers = #tpu.dot_dimension_numbers<[1], [0], [0], [1], [0, 0, 1, 1], [], []>, transpose_lhs_hint = false} : vector<48x256xbf16>, vector<256x1024xbf16>, vector<48x1024xf32> -> vector<48x1024xf32>
      %add3A_2374 = arith.addf %get3A_2369, %dot_general3A_2373 : vector<48x1024xf32>
      %slice3A_2375 = vector.extract_strided_slice %add3A_2374 {offsets = [0, 0], sizes = [48, 256], strides = [1, 1]} : vector<48x1024xf32> to vector<48x256xf32>
      %logistic3A_2376 = arith.negf %slice3A_2375 : vector<48x256xf32>
      %logistic3A_2377 = math.exp %logistic3A_2376 : vector<48x256xf32>
      %logistic3A_2378 = arith.constant 1.000000e+00 : f32
      %logistic3A_2379 = vector.broadcast %logistic3A_2378 : f32 to vector<48x256xf32>
      %logistic3A_2380 = arith.addf %logistic3A_2379, %logistic3A_2377 : vector<48x256xf32>
      %logistic3A_2381 = arith.divf %logistic3A_2379, %logistic3A_2380 : vector<48x256xf32>
      %slice3A_2382 = vector.extract_strided_slice %add3A_2374 {offsets = [0, 256], sizes = [48, 256], strides = [1, 1]} : vector<48x1024xf32> to vector<48x256xf32>
      %logistic3A_2383 = arith.negf %slice3A_2382 : vector<48x256xf32>
      %logistic3A_2384 = math.exp %logistic3A_2383 : vector<48x256xf32>
      %logistic3A_2385 = arith.constant 1.000000e+00 : f32
      %logistic3A_2386 = vector.broadcast %logistic3A_2385 : f32 to vector<48x256xf32>
      %logistic3A_2387 = arith.addf %logistic3A_2386, %logistic3A_2384 : vector<48x256xf32>
      %logistic3A_2388 = arith.divf %logistic3A_2386, %logistic3A_2387 : vector<48x256xf32>
      %slice3A_2389 = vector.extract_strided_slice %add3A_2374 {offsets = [0, 512], sizes = [48, 256], strides = [1, 1]} : vector<48x1024xf32> to vector<48x256xf32>
      %tanh3A_2390 = math.tanh %slice3A_2389 : vector<48x256xf32>
      %slice3A_2391 = vector.extract_strided_slice %add3A_2374 {offsets = [0, 768], sizes = [48, 256], strides = [1, 1]} : vector<48x1024xf32> to vector<48x256xf32>
      %logistic3A_2392 = arith.negf %slice3A_2391 : vector<48x256xf32>
      %logistic3A_2393 = math.exp %logistic3A_2392 : vector<48x256xf32>
      %logistic3A_2394 = arith.constant 1.000000e+00 : f32
      %logistic3A_2395 = vector.broadcast %logistic3A_2394 : f32 to vector<48x256xf32>
      %logistic3A_2396 = arith.addf %logistic3A_2395, %logistic3A_2393 : vector<48x256xf32>
      %logistic3A_2397 = arith.divf %logistic3A_2395, %logistic3A_2396 : vector<48x256xf32>
      %mul3A_2398 = arith.mulf %logistic3A_2388, %add3A_2302 : vector<48x256xf32>
      %mul3A_2399 = arith.mulf %logistic3A_2381, %tanh3A_2390 : vector<48x256xf32>
      %add3A_2400 = arith.addf %mul3A_2398, %mul3A_2399 : vector<48x256xf32>
      %tanh3A_2401 = math.tanh %add3A_2400 : vector<48x256xf32>
      %mul3A_2402 = arith.mulf %logistic3A_2397, %tanh3A_2401 : vector<48x256xf32>
      %convert_element_type3A_2403 = arith.truncf %mul3A_2402 : vector<48x256xf32> to vector<48x256xbf16>
      %jit3A_2404 = arith.constant 0.000000e+00 : f32
      %broadcast_in_dim3A_2405 = vector.shape_cast %lt3A_2371 : vector<48x1xi1> to vector<48x1xi1>
      %broadcast_in_dim3A_2406 = vector.broadcast %broadcast_in_dim3A_2405 : vector<48x1xi1> to vector<48x256xi1>
      %broadcast_in_dim3A_2407 = vector.broadcast %jit3A_2404 : f32 to vector<48x256xf32>
      %select_n3A_2408 = arith.select %broadcast_in_dim3A_2406, %mul3A_2402, %broadcast_in_dim3A_2407 : vector<48x256xi1>, vector<48x256xf32>
      %add3A_2409 = arith.addf %add3A_2311, %select_n3A_2408 : vector<48x256xf32>
      %sub3A_2410 = arith.constant 255 : i32
      %sub3A_2411 = arith.subi %sub3A_2410, %add3A_2366 : i32
      %get3A_2412 = arith.constant 144 : index
      %get3A_2413 = arith.constant 0 : index
      %get3A_2414 = vector.load %arg26[%get3A_2412, %get3A_2413] : memref<384x1024xf32, #tpu.memory_space<vmem>>, vector<48x1024xf32>
      %lt3A_2415 = vector.broadcast %sub3A_2411 : i32 to vector<48x1xi32>
      %lt3A_2416 = arith.cmpi slt, %lt3A_2415, %get3A_13 : vector<48x1xi32>
      %dot_general3A_2417 = arith.constant dense<0.000000e+00> : vector<48x1024xf32>
      %dot_general3A_2418 = tpu.matmul %select_n3A_2353, %get3A_4, %dot_general3A_2417 {dimension_numbers = #tpu.dot_dimension_numbers<[1], [0], [0], [1], [0, 0, 1, 1], [], []>, transpose_lhs_hint = false} : vector<48x256xbf16>, vector<256x1024xbf16>, vector<48x1024xf32> -> vector<48x1024xf32>
      %add3A_2419 = arith.addf %get3A_2414, %dot_general3A_2418 : vector<48x1024xf32>
      %slice3A_2420 = vector.extract_strided_slice %add3A_2419 {offsets = [0, 0], sizes = [48, 256], strides = [1, 1]} : vector<48x1024xf32> to vector<48x256xf32>
      %logistic3A_2421 = arith.negf %slice3A_2420 : vector<48x256xf32>
      %logistic3A_2422 = math.exp %logistic3A_2421 : vector<48x256xf32>
      %logistic3A_2423 = arith.constant 1.000000e+00 : f32
      %logistic3A_2424 = vector.broadcast %logistic3A_2423 : f32 to vector<48x256xf32>
      %logistic3A_2425 = arith.addf %logistic3A_2424, %logistic3A_2422 : vector<48x256xf32>
      %logistic3A_2426 = arith.divf %logistic3A_2424, %logistic3A_2425 : vector<48x256xf32>
      %slice3A_2427 = vector.extract_strided_slice %add3A_2419 {offsets = [0, 256], sizes = [48, 256], strides = [1, 1]} : vector<48x1024xf32> to vector<48x256xf32>
      %logistic3A_2428 = arith.negf %slice3A_2427 : vector<48x256xf32>
      %logistic3A_2429 = math.exp %logistic3A_2428 : vector<48x256xf32>
      %logistic3A_2430 = arith.constant 1.000000e+00 : f32
      %logistic3A_2431 = vector.broadcast %logistic3A_2430 : f32 to vector<48x256xf32>
      %logistic3A_2432 = arith.addf %logistic3A_2431, %logistic3A_2429 : vector<48x256xf32>
      %logistic3A_2433 = arith.divf %logistic3A_2431, %logistic3A_2432 : vector<48x256xf32>
      %slice3A_2434 = vector.extract_strided_slice %add3A_2419 {offsets = [0, 512], sizes = [48, 256], strides = [1, 1]} : vector<48x1024xf32> to vector<48x256xf32>
      %tanh3A_2435 = math.tanh %slice3A_2434 : vector<48x256xf32>
      %slice3A_2436 = vector.extract_strided_slice %add3A_2419 {offsets = [0, 768], sizes = [48, 256], strides = [1, 1]} : vector<48x1024xf32> to vector<48x256xf32>
      %logistic3A_2437 = arith.negf %slice3A_2436 : vector<48x256xf32>
      %logistic3A_2438 = math.exp %logistic3A_2437 : vector<48x256xf32>
      %logistic3A_2439 = arith.constant 1.000000e+00 : f32
      %logistic3A_2440 = vector.broadcast %logistic3A_2439 : f32 to vector<48x256xf32>
      %logistic3A_2441 = arith.addf %logistic3A_2440, %logistic3A_2438 : vector<48x256xf32>
      %logistic3A_2442 = arith.divf %logistic3A_2440, %logistic3A_2441 : vector<48x256xf32>
      %mul3A_2443 = arith.mulf %logistic3A_2433, %select_n3A_2356 : vector<48x256xf32>
      %mul3A_2444 = arith.mulf %logistic3A_2426, %tanh3A_2435 : vector<48x256xf32>
      %add3A_2445 = arith.addf %mul3A_2443, %mul3A_2444 : vector<48x256xf32>
      %tanh3A_2446 = math.tanh %add3A_2445 : vector<48x256xf32>
      %mul3A_2447 = arith.mulf %logistic3A_2442, %tanh3A_2446 : vector<48x256xf32>
      %convert_element_type3A_2448 = arith.truncf %mul3A_2447 : vector<48x256xf32> to vector<48x256xbf16>
      %broadcast_in_dim3A_2449 = vector.shape_cast %lt3A_2416 : vector<48x1xi1> to vector<48x1xi1>
      %broadcast_in_dim3A_2450 = vector.broadcast %broadcast_in_dim3A_2449 : vector<48x1xi1> to vector<48x256xi1>
      %select_n3A_2451 = arith.select %broadcast_in_dim3A_2450, %convert_element_type3A_2448, %select_n3A_2353 : vector<48x256xi1>, vector<48x256xbf16>
      %broadcast_in_dim3A_2452 = vector.shape_cast %lt3A_2416 : vector<48x1xi1> to vector<48x1xi1>
      %broadcast_in_dim3A_2453 = vector.broadcast %broadcast_in_dim3A_2452 : vector<48x1xi1> to vector<48x256xi1>
      %select_n3A_2454 = arith.select %broadcast_in_dim3A_2453, %add3A_2445, %select_n3A_2356 : vector<48x256xi1>, vector<48x256xf32>
      %jit3A_2455 = arith.constant 0.000000e+00 : f32
      %broadcast_in_dim3A_2456 = vector.shape_cast %lt3A_2416 : vector<48x1xi1> to vector<48x1xi1>
      %broadcast_in_dim3A_2457 = vector.broadcast %broadcast_in_dim3A_2456 : vector<48x1xi1> to vector<48x256xi1>
      %broadcast_in_dim3A_2458 = vector.broadcast %jit3A_2455 : f32 to vector<48x256xf32>
      %select_n3A_2459 = arith.select %broadcast_in_dim3A_2457, %mul3A_2447, %broadcast_in_dim3A_2458 : vector<48x256xi1>, vector<48x256xf32>
      %add3A_2460 = arith.addf %add3A_2362, %select_n3A_2459 : vector<48x256xf32>
      %mul3A_2461 = arith.constant 8 : i32
      %mul3A_2462 = arith.muli %add3A_1970, %mul3A_2461 : i32
      %add3A_2463 = arith.constant 5 : i32
      %add3A_2464 = arith.addi %mul3A_2462, %add3A_2463 : i32
      %get3A_2465 = arith.constant 240 : index
      %get3A_2466 = arith.constant 0 : index
      %get3A_2467 = vector.load %arg24[%get3A_2465, %get3A_2466] : memref<384x1024xf32, #tpu.memory_space<vmem>>, vector<48x1024xf32>
      %lt3A_2468 = vector.broadcast %add3A_2464 : i32 to vector<48x1xi32>
      %lt3A_2469 = arith.cmpi slt, %lt3A_2468, %get3A_13 : vector<48x1xi32>
      %dot_general3A_2470 = arith.constant dense<0.000000e+00> : vector<48x1024xf32>
      %dot_general3A_2471 = tpu.matmul %convert_element_type3A_2403, %get3A_1, %dot_general3A_2470 {dimension_numbers = #tpu.dot_dimension_numbers<[1], [0], [0], [1], [0, 0, 1, 1], [], []>, transpose_lhs_hint = false} : vector<48x256xbf16>, vector<256x1024xbf16>, vector<48x1024xf32> -> vector<48x1024xf32>
      %add3A_2472 = arith.addf %get3A_2467, %dot_general3A_2471 : vector<48x1024xf32>
      %slice3A_2473 = vector.extract_strided_slice %add3A_2472 {offsets = [0, 0], sizes = [48, 256], strides = [1, 1]} : vector<48x1024xf32> to vector<48x256xf32>
      %logistic3A_2474 = arith.negf %slice3A_2473 : vector<48x256xf32>
      %logistic3A_2475 = math.exp %logistic3A_2474 : vector<48x256xf32>
      %logistic3A_2476 = arith.constant 1.000000e+00 : f32
      %logistic3A_2477 = vector.broadcast %logistic3A_2476 : f32 to vector<48x256xf32>
      %logistic3A_2478 = arith.addf %logistic3A_2477, %logistic3A_2475 : vector<48x256xf32>
      %logistic3A_2479 = arith.divf %logistic3A_2477, %logistic3A_2478 : vector<48x256xf32>
      %slice3A_2480 = vector.extract_strided_slice %add3A_2472 {offsets = [0, 256], sizes = [48, 256], strides = [1, 1]} : vector<48x1024xf32> to vector<48x256xf32>
      %logistic3A_2481 = arith.negf %slice3A_2480 : vector<48x256xf32>
      %logistic3A_2482 = math.exp %logistic3A_2481 : vector<48x256xf32>
      %logistic3A_2483 = arith.constant 1.000000e+00 : f32
      %logistic3A_2484 = vector.broadcast %logistic3A_2483 : f32 to vector<48x256xf32>
      %logistic3A_2485 = arith.addf %logistic3A_2484, %logistic3A_2482 : vector<48x256xf32>
      %logistic3A_2486 = arith.divf %logistic3A_2484, %logistic3A_2485 : vector<48x256xf32>
      %slice3A_2487 = vector.extract_strided_slice %add3A_2472 {offsets = [0, 512], sizes = [48, 256], strides = [1, 1]} : vector<48x1024xf32> to vector<48x256xf32>
      %tanh3A_2488 = math.tanh %slice3A_2487 : vector<48x256xf32>
      %slice3A_2489 = vector.extract_strided_slice %add3A_2472 {offsets = [0, 768], sizes = [48, 256], strides = [1, 1]} : vector<48x1024xf32> to vector<48x256xf32>
      %logistic3A_2490 = arith.negf %slice3A_2489 : vector<48x256xf32>
      %logistic3A_2491 = math.exp %logistic3A_2490 : vector<48x256xf32>
      %logistic3A_2492 = arith.constant 1.000000e+00 : f32
      %logistic3A_2493 = vector.broadcast %logistic3A_2492 : f32 to vector<48x256xf32>
      %logistic3A_2494 = arith.addf %logistic3A_2493, %logistic3A_2491 : vector<48x256xf32>
      %logistic3A_2495 = arith.divf %logistic3A_2493, %logistic3A_2494 : vector<48x256xf32>
      %mul3A_2496 = arith.mulf %logistic3A_2486, %add3A_2400 : vector<48x256xf32>
      %mul3A_2497 = arith.mulf %logistic3A_2479, %tanh3A_2488 : vector<48x256xf32>
      %add3A_2498 = arith.addf %mul3A_2496, %mul3A_2497 : vector<48x256xf32>
      %tanh3A_2499 = math.tanh %add3A_2498 : vector<48x256xf32>
      %mul3A_2500 = arith.mulf %logistic3A_2495, %tanh3A_2499 : vector<48x256xf32>
      %convert_element_type3A_2501 = arith.truncf %mul3A_2500 : vector<48x256xf32> to vector<48x256xbf16>
      %jit3A_2502 = arith.constant 0.000000e+00 : f32
      %broadcast_in_dim3A_2503 = vector.shape_cast %lt3A_2469 : vector<48x1xi1> to vector<48x1xi1>
      %broadcast_in_dim3A_2504 = vector.broadcast %broadcast_in_dim3A_2503 : vector<48x1xi1> to vector<48x256xi1>
      %broadcast_in_dim3A_2505 = vector.broadcast %jit3A_2502 : f32 to vector<48x256xf32>
      %select_n3A_2506 = arith.select %broadcast_in_dim3A_2504, %mul3A_2500, %broadcast_in_dim3A_2505 : vector<48x256xi1>, vector<48x256xf32>
      %add3A_2507 = arith.addf %add3A_2409, %select_n3A_2506 : vector<48x256xf32>
      %sub3A_2508 = arith.constant 255 : i32
      %sub3A_2509 = arith.subi %sub3A_2508, %add3A_2464 : i32
      %get3A_2510 = arith.constant 96 : index
      %get3A_2511 = arith.constant 0 : index
      %get3A_2512 = vector.load %arg26[%get3A_2510, %get3A_2511] : memref<384x1024xf32, #tpu.memory_space<vmem>>, vector<48x1024xf32>
      %lt3A_2513 = vector.broadcast %sub3A_2509 : i32 to vector<48x1xi32>
      %lt3A_2514 = arith.cmpi slt, %lt3A_2513, %get3A_13 : vector<48x1xi32>
      %dot_general3A_2515 = arith.constant dense<0.000000e+00> : vector<48x1024xf32>
      %dot_general3A_2516 = tpu.matmul %select_n3A_2451, %get3A_4, %dot_general3A_2515 {dimension_numbers = #tpu.dot_dimension_numbers<[1], [0], [0], [1], [0, 0, 1, 1], [], []>, transpose_lhs_hint = false} : vector<48x256xbf16>, vector<256x1024xbf16>, vector<48x1024xf32> -> vector<48x1024xf32>
      %add3A_2517 = arith.addf %get3A_2512, %dot_general3A_2516 : vector<48x1024xf32>
      %slice3A_2518 = vector.extract_strided_slice %add3A_2517 {offsets = [0, 0], sizes = [48, 256], strides = [1, 1]} : vector<48x1024xf32> to vector<48x256xf32>
      %logistic3A_2519 = arith.negf %slice3A_2518 : vector<48x256xf32>
      %logistic3A_2520 = math.exp %logistic3A_2519 : vector<48x256xf32>
      %logistic3A_2521 = arith.constant 1.000000e+00 : f32
      %logistic3A_2522 = vector.broadcast %logistic3A_2521 : f32 to vector<48x256xf32>
      %logistic3A_2523 = arith.addf %logistic3A_2522, %logistic3A_2520 : vector<48x256xf32>
      %logistic3A_2524 = arith.divf %logistic3A_2522, %logistic3A_2523 : vector<48x256xf32>
      %slice3A_2525 = vector.extract_strided_slice %add3A_2517 {offsets = [0, 256], sizes = [48, 256], strides = [1, 1]} : vector<48x1024xf32> to vector<48x256xf32>
      %logistic3A_2526 = arith.negf %slice3A_2525 : vector<48x256xf32>
      %logistic3A_2527 = math.exp %logistic3A_2526 : vector<48x256xf32>
      %logistic3A_2528 = arith.constant 1.000000e+00 : f32
      %logistic3A_2529 = vector.broadcast %logistic3A_2528 : f32 to vector<48x256xf32>
      %logistic3A_2530 = arith.addf %logistic3A_2529, %logistic3A_2527 : vector<48x256xf32>
      %logistic3A_2531 = arith.divf %logistic3A_2529, %logistic3A_2530 : vector<48x256xf32>
      %slice3A_2532 = vector.extract_strided_slice %add3A_2517 {offsets = [0, 512], sizes = [48, 256], strides = [1, 1]} : vector<48x1024xf32> to vector<48x256xf32>
      %tanh3A_2533 = math.tanh %slice3A_2532 : vector<48x256xf32>
      %slice3A_2534 = vector.extract_strided_slice %add3A_2517 {offsets = [0, 768], sizes = [48, 256], strides = [1, 1]} : vector<48x1024xf32> to vector<48x256xf32>
      %logistic3A_2535 = arith.negf %slice3A_2534 : vector<48x256xf32>
      %logistic3A_2536 = math.exp %logistic3A_2535 : vector<48x256xf32>
      %logistic3A_2537 = arith.constant 1.000000e+00 : f32
      %logistic3A_2538 = vector.broadcast %logistic3A_2537 : f32 to vector<48x256xf32>
      %logistic3A_2539 = arith.addf %logistic3A_2538, %logistic3A_2536 : vector<48x256xf32>
      %logistic3A_2540 = arith.divf %logistic3A_2538, %logistic3A_2539 : vector<48x256xf32>
      %mul3A_2541 = arith.mulf %logistic3A_2531, %select_n3A_2454 : vector<48x256xf32>
      %mul3A_2542 = arith.mulf %logistic3A_2524, %tanh3A_2533 : vector<48x256xf32>
      %add3A_2543 = arith.addf %mul3A_2541, %mul3A_2542 : vector<48x256xf32>
      %tanh3A_2544 = math.tanh %add3A_2543 : vector<48x256xf32>
      %mul3A_2545 = arith.mulf %logistic3A_2540, %tanh3A_2544 : vector<48x256xf32>
      %convert_element_type3A_2546 = arith.truncf %mul3A_2545 : vector<48x256xf32> to vector<48x256xbf16>
      %broadcast_in_dim3A_2547 = vector.shape_cast %lt3A_2514 : vector<48x1xi1> to vector<48x1xi1>
      %broadcast_in_dim3A_2548 = vector.broadcast %broadcast_in_dim3A_2547 : vector<48x1xi1> to vector<48x256xi1>
      %select_n3A_2549 = arith.select %broadcast_in_dim3A_2548, %convert_element_type3A_2546, %select_n3A_2451 : vector<48x256xi1>, vector<48x256xbf16>
      %broadcast_in_dim3A_2550 = vector.shape_cast %lt3A_2514 : vector<48x1xi1> to vector<48x1xi1>
      %broadcast_in_dim3A_2551 = vector.broadcast %broadcast_in_dim3A_2550 : vector<48x1xi1> to vector<48x256xi1>
      %select_n3A_2552 = arith.select %broadcast_in_dim3A_2551, %add3A_2543, %select_n3A_2454 : vector<48x256xi1>, vector<48x256xf32>
      %jit3A_2553 = arith.constant 0.000000e+00 : f32
      %broadcast_in_dim3A_2554 = vector.shape_cast %lt3A_2514 : vector<48x1xi1> to vector<48x1xi1>
      %broadcast_in_dim3A_2555 = vector.broadcast %broadcast_in_dim3A_2554 : vector<48x1xi1> to vector<48x256xi1>
      %broadcast_in_dim3A_2556 = vector.broadcast %jit3A_2553 : f32 to vector<48x256xf32>
      %select_n3A_2557 = arith.select %broadcast_in_dim3A_2555, %mul3A_2545, %broadcast_in_dim3A_2556 : vector<48x256xi1>, vector<48x256xf32>
      %add3A_2558 = arith.addf %add3A_2460, %select_n3A_2557 : vector<48x256xf32>
      %mul3A_2559 = arith.constant 8 : i32
      %mul3A_2560 = arith.muli %add3A_1970, %mul3A_2559 : i32
      %add3A_2561 = arith.constant 6 : i32
      %add3A_2562 = arith.addi %mul3A_2560, %add3A_2561 : i32
      %get3A_2563 = arith.constant 288 : index
      %get3A_2564 = arith.constant 0 : index
      %get3A_2565 = vector.load %arg24[%get3A_2563, %get3A_2564] : memref<384x1024xf32, #tpu.memory_space<vmem>>, vector<48x1024xf32>
      %lt3A_2566 = vector.broadcast %add3A_2562 : i32 to vector<48x1xi32>
      %lt3A_2567 = arith.cmpi slt, %lt3A_2566, %get3A_13 : vector<48x1xi32>
      %dot_general3A_2568 = arith.constant dense<0.000000e+00> : vector<48x1024xf32>
      %dot_general3A_2569 = tpu.matmul %convert_element_type3A_2501, %get3A_1, %dot_general3A_2568 {dimension_numbers = #tpu.dot_dimension_numbers<[1], [0], [0], [1], [0, 0, 1, 1], [], []>, transpose_lhs_hint = false} : vector<48x256xbf16>, vector<256x1024xbf16>, vector<48x1024xf32> -> vector<48x1024xf32>
      %add3A_2570 = arith.addf %get3A_2565, %dot_general3A_2569 : vector<48x1024xf32>
      %slice3A_2571 = vector.extract_strided_slice %add3A_2570 {offsets = [0, 0], sizes = [48, 256], strides = [1, 1]} : vector<48x1024xf32> to vector<48x256xf32>
      %logistic3A_2572 = arith.negf %slice3A_2571 : vector<48x256xf32>
      %logistic3A_2573 = math.exp %logistic3A_2572 : vector<48x256xf32>
      %logistic3A_2574 = arith.constant 1.000000e+00 : f32
      %logistic3A_2575 = vector.broadcast %logistic3A_2574 : f32 to vector<48x256xf32>
      %logistic3A_2576 = arith.addf %logistic3A_2575, %logistic3A_2573 : vector<48x256xf32>
      %logistic3A_2577 = arith.divf %logistic3A_2575, %logistic3A_2576 : vector<48x256xf32>
      %slice3A_2578 = vector.extract_strided_slice %add3A_2570 {offsets = [0, 256], sizes = [48, 256], strides = [1, 1]} : vector<48x1024xf32> to vector<48x256xf32>
      %logistic3A_2579 = arith.negf %slice3A_2578 : vector<48x256xf32>
      %logistic3A_2580 = math.exp %logistic3A_2579 : vector<48x256xf32>
      %logistic3A_2581 = arith.constant 1.000000e+00 : f32
      %logistic3A_2582 = vector.broadcast %logistic3A_2581 : f32 to vector<48x256xf32>
      %logistic3A_2583 = arith.addf %logistic3A_2582, %logistic3A_2580 : vector<48x256xf32>
      %logistic3A_2584 = arith.divf %logistic3A_2582, %logistic3A_2583 : vector<48x256xf32>
      %slice3A_2585 = vector.extract_strided_slice %add3A_2570 {offsets = [0, 512], sizes = [48, 256], strides = [1, 1]} : vector<48x1024xf32> to vector<48x256xf32>
      %tanh3A_2586 = math.tanh %slice3A_2585 : vector<48x256xf32>
      %slice3A_2587 = vector.extract_strided_slice %add3A_2570 {offsets = [0, 768], sizes = [48, 256], strides = [1, 1]} : vector<48x1024xf32> to vector<48x256xf32>
      %logistic3A_2588 = arith.negf %slice3A_2587 : vector<48x256xf32>
      %logistic3A_2589 = math.exp %logistic3A_2588 : vector<48x256xf32>
      %logistic3A_2590 = arith.constant 1.000000e+00 : f32
      %logistic3A_2591 = vector.broadcast %logistic3A_2590 : f32 to vector<48x256xf32>
      %logistic3A_2592 = arith.addf %logistic3A_2591, %logistic3A_2589 : vector<48x256xf32>
      %logistic3A_2593 = arith.divf %logistic3A_2591, %logistic3A_2592 : vector<48x256xf32>
      %mul3A_2594 = arith.mulf %logistic3A_2584, %add3A_2498 : vector<48x256xf32>
      %mul3A_2595 = arith.mulf %logistic3A_2577, %tanh3A_2586 : vector<48x256xf32>
      %add3A_2596 = arith.addf %mul3A_2594, %mul3A_2595 : vector<48x256xf32>
      %tanh3A_2597 = math.tanh %add3A_2596 : vector<48x256xf32>
      %mul3A_2598 = arith.mulf %logistic3A_2593, %tanh3A_2597 : vector<48x256xf32>
      %convert_element_type3A_2599 = arith.truncf %mul3A_2598 : vector<48x256xf32> to vector<48x256xbf16>
      %jit3A_2600 = arith.constant 0.000000e+00 : f32
      %broadcast_in_dim3A_2601 = vector.shape_cast %lt3A_2567 : vector<48x1xi1> to vector<48x1xi1>
      %broadcast_in_dim3A_2602 = vector.broadcast %broadcast_in_dim3A_2601 : vector<48x1xi1> to vector<48x256xi1>
      %broadcast_in_dim3A_2603 = vector.broadcast %jit3A_2600 : f32 to vector<48x256xf32>
      %select_n3A_2604 = arith.select %broadcast_in_dim3A_2602, %mul3A_2598, %broadcast_in_dim3A_2603 : vector<48x256xi1>, vector<48x256xf32>
      %add3A_2605 = arith.addf %add3A_2507, %select_n3A_2604 : vector<48x256xf32>
      %sub3A_2606 = arith.constant 255 : i32
      %sub3A_2607 = arith.subi %sub3A_2606, %add3A_2562 : i32
      %get3A_2608 = arith.constant 48 : index
      %get3A_2609 = arith.constant 0 : index
      %get3A_2610 = vector.load %arg26[%get3A_2608, %get3A_2609] : memref<384x1024xf32, #tpu.memory_space<vmem>>, vector<48x1024xf32>
      %lt3A_2611 = vector.broadcast %sub3A_2607 : i32 to vector<48x1xi32>
      %lt3A_2612 = arith.cmpi slt, %lt3A_2611, %get3A_13 : vector<48x1xi32>
      %dot_general3A_2613 = arith.constant dense<0.000000e+00> : vector<48x1024xf32>
      %dot_general3A_2614 = tpu.matmul %select_n3A_2549, %get3A_4, %dot_general3A_2613 {dimension_numbers = #tpu.dot_dimension_numbers<[1], [0], [0], [1], [0, 0, 1, 1], [], []>, transpose_lhs_hint = false} : vector<48x256xbf16>, vector<256x1024xbf16>, vector<48x1024xf32> -> vector<48x1024xf32>
      %add3A_2615 = arith.addf %get3A_2610, %dot_general3A_2614 : vector<48x1024xf32>
      %slice3A_2616 = vector.extract_strided_slice %add3A_2615 {offsets = [0, 0], sizes = [48, 256], strides = [1, 1]} : vector<48x1024xf32> to vector<48x256xf32>
      %logistic3A_2617 = arith.negf %slice3A_2616 : vector<48x256xf32>
      %logistic3A_2618 = math.exp %logistic3A_2617 : vector<48x256xf32>
      %logistic3A_2619 = arith.constant 1.000000e+00 : f32
      %logistic3A_2620 = vector.broadcast %logistic3A_2619 : f32 to vector<48x256xf32>
      %logistic3A_2621 = arith.addf %logistic3A_2620, %logistic3A_2618 : vector<48x256xf32>
      %logistic3A_2622 = arith.divf %logistic3A_2620, %logistic3A_2621 : vector<48x256xf32>
      %slice3A_2623 = vector.extract_strided_slice %add3A_2615 {offsets = [0, 256], sizes = [48, 256], strides = [1, 1]} : vector<48x1024xf32> to vector<48x256xf32>
      %logistic3A_2624 = arith.negf %slice3A_2623 : vector<48x256xf32>
      %logistic3A_2625 = math.exp %logistic3A_2624 : vector<48x256xf32>
      %logistic3A_2626 = arith.constant 1.000000e+00 : f32
      %logistic3A_2627 = vector.broadcast %logistic3A_2626 : f32 to vector<48x256xf32>
      %logistic3A_2628 = arith.addf %logistic3A_2627, %logistic3A_2625 : vector<48x256xf32>
      %logistic3A_2629 = arith.divf %logistic3A_2627, %logistic3A_2628 : vector<48x256xf32>
      %slice3A_2630 = vector.extract_strided_slice %add3A_2615 {offsets = [0, 512], sizes = [48, 256], strides = [1, 1]} : vector<48x1024xf32> to vector<48x256xf32>
      %tanh3A_2631 = math.tanh %slice3A_2630 : vector<48x256xf32>
      %slice3A_2632 = vector.extract_strided_slice %add3A_2615 {offsets = [0, 768], sizes = [48, 256], strides = [1, 1]} : vector<48x1024xf32> to vector<48x256xf32>
      %logistic3A_2633 = arith.negf %slice3A_2632 : vector<48x256xf32>
      %logistic3A_2634 = math.exp %logistic3A_2633 : vector<48x256xf32>
      %logistic3A_2635 = arith.constant 1.000000e+00 : f32
      %logistic3A_2636 = vector.broadcast %logistic3A_2635 : f32 to vector<48x256xf32>
      %logistic3A_2637 = arith.addf %logistic3A_2636, %logistic3A_2634 : vector<48x256xf32>
      %logistic3A_2638 = arith.divf %logistic3A_2636, %logistic3A_2637 : vector<48x256xf32>
      %mul3A_2639 = arith.mulf %logistic3A_2629, %select_n3A_2552 : vector<48x256xf32>
      %mul3A_2640 = arith.mulf %logistic3A_2622, %tanh3A_2631 : vector<48x256xf32>
      %add3A_2641 = arith.addf %mul3A_2639, %mul3A_2640 : vector<48x256xf32>
      %tanh3A_2642 = math.tanh %add3A_2641 : vector<48x256xf32>
      %mul3A_2643 = arith.mulf %logistic3A_2638, %tanh3A_2642 : vector<48x256xf32>
      %convert_element_type3A_2644 = arith.truncf %mul3A_2643 : vector<48x256xf32> to vector<48x256xbf16>
      %broadcast_in_dim3A_2645 = vector.shape_cast %lt3A_2612 : vector<48x1xi1> to vector<48x1xi1>
      %broadcast_in_dim3A_2646 = vector.broadcast %broadcast_in_dim3A_2645 : vector<48x1xi1> to vector<48x256xi1>
      %select_n3A_2647 = arith.select %broadcast_in_dim3A_2646, %convert_element_type3A_2644, %select_n3A_2549 : vector<48x256xi1>, vector<48x256xbf16>
      %broadcast_in_dim3A_2648 = vector.shape_cast %lt3A_2612 : vector<48x1xi1> to vector<48x1xi1>
      %broadcast_in_dim3A_2649 = vector.broadcast %broadcast_in_dim3A_2648 : vector<48x1xi1> to vector<48x256xi1>
      %select_n3A_2650 = arith.select %broadcast_in_dim3A_2649, %add3A_2641, %select_n3A_2552 : vector<48x256xi1>, vector<48x256xf32>
      %jit3A_2651 = arith.constant 0.000000e+00 : f32
      %broadcast_in_dim3A_2652 = vector.shape_cast %lt3A_2612 : vector<48x1xi1> to vector<48x1xi1>
      %broadcast_in_dim3A_2653 = vector.broadcast %broadcast_in_dim3A_2652 : vector<48x1xi1> to vector<48x256xi1>
      %broadcast_in_dim3A_2654 = vector.broadcast %jit3A_2651 : f32 to vector<48x256xf32>
      %select_n3A_2655 = arith.select %broadcast_in_dim3A_2653, %mul3A_2643, %broadcast_in_dim3A_2654 : vector<48x256xi1>, vector<48x256xf32>
      %add3A_2656 = arith.addf %add3A_2558, %select_n3A_2655 : vector<48x256xf32>
      %mul3A_2657 = arith.constant 8 : i32
      %mul3A_2658 = arith.muli %add3A_1970, %mul3A_2657 : i32
      %add3A_2659 = arith.constant 7 : i32
      %add3A_2660 = arith.addi %mul3A_2658, %add3A_2659 : i32
      %get3A_2661 = arith.constant 336 : index
      %get3A_2662 = arith.constant 0 : index
      %get3A_2663 = vector.load %arg24[%get3A_2661, %get3A_2662] : memref<384x1024xf32, #tpu.memory_space<vmem>>, vector<48x1024xf32>
      %lt3A_2664 = vector.broadcast %add3A_2660 : i32 to vector<48x1xi32>
      %lt3A_2665 = arith.cmpi slt, %lt3A_2664, %get3A_13 : vector<48x1xi32>
      %dot_general3A_2666 = arith.constant dense<0.000000e+00> : vector<48x1024xf32>
      %dot_general3A_2667 = tpu.matmul %convert_element_type3A_2599, %get3A_1, %dot_general3A_2666 {dimension_numbers = #tpu.dot_dimension_numbers<[1], [0], [0], [1], [0, 0, 1, 1], [], []>, transpose_lhs_hint = false} : vector<48x256xbf16>, vector<256x1024xbf16>, vector<48x1024xf32> -> vector<48x1024xf32>
      %add3A_2668 = arith.addf %get3A_2663, %dot_general3A_2667 : vector<48x1024xf32>
      %slice3A_2669 = vector.extract_strided_slice %add3A_2668 {offsets = [0, 0], sizes = [48, 256], strides = [1, 1]} : vector<48x1024xf32> to vector<48x256xf32>
      %logistic3A_2670 = arith.negf %slice3A_2669 : vector<48x256xf32>
      %logistic3A_2671 = math.exp %logistic3A_2670 : vector<48x256xf32>
      %logistic3A_2672 = arith.constant 1.000000e+00 : f32
      %logistic3A_2673 = vector.broadcast %logistic3A_2672 : f32 to vector<48x256xf32>
      %logistic3A_2674 = arith.addf %logistic3A_2673, %logistic3A_2671 : vector<48x256xf32>
      %logistic3A_2675 = arith.divf %logistic3A_2673, %logistic3A_2674 : vector<48x256xf32>
      %slice3A_2676 = vector.extract_strided_slice %add3A_2668 {offsets = [0, 256], sizes = [48, 256], strides = [1, 1]} : vector<48x1024xf32> to vector<48x256xf32>
      %logistic3A_2677 = arith.negf %slice3A_2676 : vector<48x256xf32>
      %logistic3A_2678 = math.exp %logistic3A_2677 : vector<48x256xf32>
      %logistic3A_2679 = arith.constant 1.000000e+00 : f32
      %logistic3A_2680 = vector.broadcast %logistic3A_2679 : f32 to vector<48x256xf32>
      %logistic3A_2681 = arith.addf %logistic3A_2680, %logistic3A_2678 : vector<48x256xf32>
      %logistic3A_2682 = arith.divf %logistic3A_2680, %logistic3A_2681 : vector<48x256xf32>
      %slice3A_2683 = vector.extract_strided_slice %add3A_2668 {offsets = [0, 512], sizes = [48, 256], strides = [1, 1]} : vector<48x1024xf32> to vector<48x256xf32>
      %tanh3A_2684 = math.tanh %slice3A_2683 : vector<48x256xf32>
      %slice3A_2685 = vector.extract_strided_slice %add3A_2668 {offsets = [0, 768], sizes = [48, 256], strides = [1, 1]} : vector<48x1024xf32> to vector<48x256xf32>
      %logistic3A_2686 = arith.negf %slice3A_2685 : vector<48x256xf32>
      %logistic3A_2687 = math.exp %logistic3A_2686 : vector<48x256xf32>
      %logistic3A_2688 = arith.constant 1.000000e+00 : f32
      %logistic3A_2689 = vector.broadcast %logistic3A_2688 : f32 to vector<48x256xf32>
      %logistic3A_2690 = arith.addf %logistic3A_2689, %logistic3A_2687 : vector<48x256xf32>
      %logistic3A_2691 = arith.divf %logistic3A_2689, %logistic3A_2690 : vector<48x256xf32>
      %mul3A_2692 = arith.mulf %logistic3A_2682, %add3A_2596 : vector<48x256xf32>
      %mul3A_2693 = arith.mulf %logistic3A_2675, %tanh3A_2684 : vector<48x256xf32>
      %add3A_2694 = arith.addf %mul3A_2692, %mul3A_2693 : vector<48x256xf32>
      %tanh3A_2695 = math.tanh %add3A_2694 : vector<48x256xf32>
      %mul3A_2696 = arith.mulf %logistic3A_2691, %tanh3A_2695 : vector<48x256xf32>
      %convert_element_type3A_2697 = arith.truncf %mul3A_2696 : vector<48x256xf32> to vector<48x256xbf16>
      %jit3A_2698 = arith.constant 0.000000e+00 : f32
      %broadcast_in_dim3A_2699 = vector.shape_cast %lt3A_2665 : vector<48x1xi1> to vector<48x1xi1>
      %broadcast_in_dim3A_2700 = vector.broadcast %broadcast_in_dim3A_2699 : vector<48x1xi1> to vector<48x256xi1>
      %broadcast_in_dim3A_2701 = vector.broadcast %jit3A_2698 : f32 to vector<48x256xf32>
      %select_n3A_2702 = arith.select %broadcast_in_dim3A_2700, %mul3A_2696, %broadcast_in_dim3A_2701 : vector<48x256xi1>, vector<48x256xf32>
      %add3A_2703 = arith.addf %add3A_2605, %select_n3A_2702 : vector<48x256xf32>
      %sub3A_2704 = arith.constant 255 : i32
      %sub3A_2705 = arith.subi %sub3A_2704, %add3A_2660 : i32
      %get3A_2706 = arith.constant 0 : index
      %get3A_2707 = arith.constant 0 : index
      %get3A_2708 = vector.load %arg26[%get3A_2706, %get3A_2707] : memref<384x1024xf32, #tpu.memory_space<vmem>>, vector<48x1024xf32>
      %lt3A_2709 = vector.broadcast %sub3A_2705 : i32 to vector<48x1xi32>
      %lt3A_2710 = arith.cmpi slt, %lt3A_2709, %get3A_13 : vector<48x1xi32>
      %dot_general3A_2711 = arith.constant dense<0.000000e+00> : vector<48x1024xf32>
      %dot_general3A_2712 = tpu.matmul %select_n3A_2647, %get3A_4, %dot_general3A_2711 {dimension_numbers = #tpu.dot_dimension_numbers<[1], [0], [0], [1], [0, 0, 1, 1], [], []>, transpose_lhs_hint = false} : vector<48x256xbf16>, vector<256x1024xbf16>, vector<48x1024xf32> -> vector<48x1024xf32>
      %add3A_2713 = arith.addf %get3A_2708, %dot_general3A_2712 : vector<48x1024xf32>
      %slice3A_2714 = vector.extract_strided_slice %add3A_2713 {offsets = [0, 0], sizes = [48, 256], strides = [1, 1]} : vector<48x1024xf32> to vector<48x256xf32>
      %logistic3A_2715 = arith.negf %slice3A_2714 : vector<48x256xf32>
      %logistic3A_2716 = math.exp %logistic3A_2715 : vector<48x256xf32>
      %logistic3A_2717 = arith.constant 1.000000e+00 : f32
      %logistic3A_2718 = vector.broadcast %logistic3A_2717 : f32 to vector<48x256xf32>
      %logistic3A_2719 = arith.addf %logistic3A_2718, %logistic3A_2716 : vector<48x256xf32>
      %logistic3A_2720 = arith.divf %logistic3A_2718, %logistic3A_2719 : vector<48x256xf32>
      %slice3A_2721 = vector.extract_strided_slice %add3A_2713 {offsets = [0, 256], sizes = [48, 256], strides = [1, 1]} : vector<48x1024xf32> to vector<48x256xf32>
      %logistic3A_2722 = arith.negf %slice3A_2721 : vector<48x256xf32>
      %logistic3A_2723 = math.exp %logistic3A_2722 : vector<48x256xf32>
      %logistic3A_2724 = arith.constant 1.000000e+00 : f32
      %logistic3A_2725 = vector.broadcast %logistic3A_2724 : f32 to vector<48x256xf32>
      %logistic3A_2726 = arith.addf %logistic3A_2725, %logistic3A_2723 : vector<48x256xf32>
      %logistic3A_2727 = arith.divf %logistic3A_2725, %logistic3A_2726 : vector<48x256xf32>
      %slice3A_2728 = vector.extract_strided_slice %add3A_2713 {offsets = [0, 512], sizes = [48, 256], strides = [1, 1]} : vector<48x1024xf32> to vector<48x256xf32>
      %tanh3A_2729 = math.tanh %slice3A_2728 : vector<48x256xf32>
      %slice3A_2730 = vector.extract_strided_slice %add3A_2713 {offsets = [0, 768], sizes = [48, 256], strides = [1, 1]} : vector<48x1024xf32> to vector<48x256xf32>
      %logistic3A_2731 = arith.negf %slice3A_2730 : vector<48x256xf32>
      %logistic3A_2732 = math.exp %logistic3A_2731 : vector<48x256xf32>
      %logistic3A_2733 = arith.constant 1.000000e+00 : f32
      %logistic3A_2734 = vector.broadcast %logistic3A_2733 : f32 to vector<48x256xf32>
      %logistic3A_2735 = arith.addf %logistic3A_2734, %logistic3A_2732 : vector<48x256xf32>
      %logistic3A_2736 = arith.divf %logistic3A_2734, %logistic3A_2735 : vector<48x256xf32>
      %mul3A_2737 = arith.mulf %logistic3A_2727, %select_n3A_2650 : vector<48x256xf32>
      %mul3A_2738 = arith.mulf %logistic3A_2720, %tanh3A_2729 : vector<48x256xf32>
      %add3A_2739 = arith.addf %mul3A_2737, %mul3A_2738 : vector<48x256xf32>
      %tanh3A_2740 = math.tanh %add3A_2739 : vector<48x256xf32>
      %mul3A_2741 = arith.mulf %logistic3A_2736, %tanh3A_2740 : vector<48x256xf32>
      %convert_element_type3A_2742 = arith.truncf %mul3A_2741 : vector<48x256xf32> to vector<48x256xbf16>
      %broadcast_in_dim3A_2743 = vector.shape_cast %lt3A_2710 : vector<48x1xi1> to vector<48x1xi1>
      %broadcast_in_dim3A_2744 = vector.broadcast %broadcast_in_dim3A_2743 : vector<48x1xi1> to vector<48x256xi1>
      %select_n3A_2745 = arith.select %broadcast_in_dim3A_2744, %convert_element_type3A_2742, %select_n3A_2647 : vector<48x256xi1>, vector<48x256xbf16>
      %broadcast_in_dim3A_2746 = vector.shape_cast %lt3A_2710 : vector<48x1xi1> to vector<48x1xi1>
      %broadcast_in_dim3A_2747 = vector.broadcast %broadcast_in_dim3A_2746 : vector<48x1xi1> to vector<48x256xi1>
      %select_n3A_2748 = arith.select %broadcast_in_dim3A_2747, %add3A_2739, %select_n3A_2650 : vector<48x256xi1>, vector<48x256xf32>
      %jit3A_2749 = arith.constant 0.000000e+00 : f32
      %broadcast_in_dim3A_2750 = vector.shape_cast %lt3A_2710 : vector<48x1xi1> to vector<48x1xi1>
      %broadcast_in_dim3A_2751 = vector.broadcast %broadcast_in_dim3A_2750 : vector<48x1xi1> to vector<48x256xi1>
      %broadcast_in_dim3A_2752 = vector.broadcast %jit3A_2749 : f32 to vector<48x256xf32>
      %select_n3A_2753 = arith.select %broadcast_in_dim3A_2751, %mul3A_2741, %broadcast_in_dim3A_2752 : vector<48x256xi1>, vector<48x256xf32>
      %add3A_2754 = arith.addf %add3A_2656, %select_n3A_2753 : vector<48x256xf32>
      %add3A_2755 = arith.constant 1 : i32
      %add3A_2756 = arith.addi %mul3A_226, %add3A_2755 : i32
      %mul3A_2757 = arith.constant 8 : i32
      %mul3A_2758 = arith.muli %add3A_2756, %mul3A_2757 : i32
      %add3A_2759 = arith.constant 0 : i32
      %add3A_2760 = arith.addi %mul3A_2758, %add3A_2759 : i32
      %get3A_2761 = arith.constant 0 : index
      %get3A_2762 = arith.constant 0 : index
      %get3A_2763 = vector.load %arg28[%get3A_2761, %get3A_2762] : memref<768x1024xf32, #tpu.memory_space<vmem>>, vector<96x1024xf32>
      %lt3A_2764 = vector.broadcast %add3A_2760 : i32 to vector<96x1xi32>
      %lt3A_2765 = arith.cmpi slt, %lt3A_2764, %get3A_16 : vector<96x1xi32>
      %dot_general3A_2766 = arith.constant dense<0.000000e+00> : vector<96x1024xf32>
      %dot_general3A_2767 = tpu.matmul %convert_element_type3A_1821, %get3A_7, %dot_general3A_2766 {dimension_numbers = #tpu.dot_dimension_numbers<[1], [0], [0], [1], [0, 0, 1, 1], [], []>, transpose_lhs_hint = false} : vector<96x256xbf16>, vector<256x1024xbf16>, vector<96x1024xf32> -> vector<96x1024xf32>
      %add3A_2768 = arith.addf %get3A_2763, %dot_general3A_2767 : vector<96x1024xf32>
      %slice3A_2769 = vector.extract_strided_slice %add3A_2768 {offsets = [0, 0], sizes = [96, 256], strides = [1, 1]} : vector<96x1024xf32> to vector<96x256xf32>
      %logistic3A_2770 = arith.negf %slice3A_2769 : vector<96x256xf32>
      %logistic3A_2771 = math.exp %logistic3A_2770 : vector<96x256xf32>
      %logistic3A_2772 = arith.constant 1.000000e+00 : f32
      %logistic3A_2773 = vector.broadcast %logistic3A_2772 : f32 to vector<96x256xf32>
      %logistic3A_2774 = arith.addf %logistic3A_2773, %logistic3A_2771 : vector<96x256xf32>
      %logistic3A_2775 = arith.divf %logistic3A_2773, %logistic3A_2774 : vector<96x256xf32>
      %slice3A_2776 = vector.extract_strided_slice %add3A_2768 {offsets = [0, 256], sizes = [96, 256], strides = [1, 1]} : vector<96x1024xf32> to vector<96x256xf32>
      %logistic3A_2777 = arith.negf %slice3A_2776 : vector<96x256xf32>
      %logistic3A_2778 = math.exp %logistic3A_2777 : vector<96x256xf32>
      %logistic3A_2779 = arith.constant 1.000000e+00 : f32
      %logistic3A_2780 = vector.broadcast %logistic3A_2779 : f32 to vector<96x256xf32>
      %logistic3A_2781 = arith.addf %logistic3A_2780, %logistic3A_2778 : vector<96x256xf32>
      %logistic3A_2782 = arith.divf %logistic3A_2780, %logistic3A_2781 : vector<96x256xf32>
      %slice3A_2783 = vector.extract_strided_slice %add3A_2768 {offsets = [0, 512], sizes = [96, 256], strides = [1, 1]} : vector<96x1024xf32> to vector<96x256xf32>
      %tanh3A_2784 = math.tanh %slice3A_2783 : vector<96x256xf32>
      %slice3A_2785 = vector.extract_strided_slice %add3A_2768 {offsets = [0, 768], sizes = [96, 256], strides = [1, 1]} : vector<96x1024xf32> to vector<96x256xf32>
      %logistic3A_2786 = arith.negf %slice3A_2785 : vector<96x256xf32>
      %logistic3A_2787 = math.exp %logistic3A_2786 : vector<96x256xf32>
      %logistic3A_2788 = arith.constant 1.000000e+00 : f32
      %logistic3A_2789 = vector.broadcast %logistic3A_2788 : f32 to vector<96x256xf32>
      %logistic3A_2790 = arith.addf %logistic3A_2789, %logistic3A_2787 : vector<96x256xf32>
      %logistic3A_2791 = arith.divf %logistic3A_2789, %logistic3A_2790 : vector<96x256xf32>
      %mul3A_2792 = arith.mulf %logistic3A_2782, %add3A_1818 : vector<96x256xf32>
      %mul3A_2793 = arith.mulf %logistic3A_2775, %tanh3A_2784 : vector<96x256xf32>
      %add3A_2794 = arith.addf %mul3A_2792, %mul3A_2793 : vector<96x256xf32>
      %tanh3A_2795 = math.tanh %add3A_2794 : vector<96x256xf32>
      %mul3A_2796 = arith.mulf %logistic3A_2791, %tanh3A_2795 : vector<96x256xf32>
      %convert_element_type3A_2797 = arith.truncf %mul3A_2796 : vector<96x256xf32> to vector<96x256xbf16>
      %jit3A_2798 = arith.constant 0.000000e+00 : f32
      %broadcast_in_dim3A_2799 = vector.shape_cast %lt3A_2765 : vector<96x1xi1> to vector<96x1xi1>
      %broadcast_in_dim3A_2800 = vector.broadcast %broadcast_in_dim3A_2799 : vector<96x1xi1> to vector<96x256xi1>
      %broadcast_in_dim3A_2801 = vector.broadcast %jit3A_2798 : f32 to vector<96x256xf32>
      %select_n3A_2802 = arith.select %broadcast_in_dim3A_2800, %mul3A_2796, %broadcast_in_dim3A_2801 : vector<96x256xi1>, vector<96x256xf32>
      %add3A_2803 = arith.addf %add3A_1827, %select_n3A_2802 : vector<96x256xf32>
      %sub3A_2804 = arith.constant 95 : i32
      %sub3A_2805 = arith.subi %sub3A_2804, %add3A_2760 : i32
      %get3A_2806 = arith.constant 672 : index
      %get3A_2807 = arith.constant 0 : index
      %get3A_2808 = vector.load %arg30[%get3A_2806, %get3A_2807] : memref<768x1024xf32, #tpu.memory_space<vmem>>, vector<96x1024xf32>
      %lt3A_2809 = vector.broadcast %sub3A_2805 : i32 to vector<96x1xi32>
      %lt3A_2810 = arith.cmpi slt, %lt3A_2809, %get3A_16 : vector<96x1xi32>
      %dot_general3A_2811 = arith.constant dense<0.000000e+00> : vector<96x1024xf32>
      %dot_general3A_2812 = tpu.matmul %select_n3A_1869, %get3A_10, %dot_general3A_2811 {dimension_numbers = #tpu.dot_dimension_numbers<[1], [0], [0], [1], [0, 0, 1, 1], [], []>, transpose_lhs_hint = false} : vector<96x256xbf16>, vector<256x1024xbf16>, vector<96x1024xf32> -> vector<96x1024xf32>
      %add3A_2813 = arith.addf %get3A_2808, %dot_general3A_2812 : vector<96x1024xf32>
      %slice3A_2814 = vector.extract_strided_slice %add3A_2813 {offsets = [0, 0], sizes = [96, 256], strides = [1, 1]} : vector<96x1024xf32> to vector<96x256xf32>
      %logistic3A_2815 = arith.negf %slice3A_2814 : vector<96x256xf32>
      %logistic3A_2816 = math.exp %logistic3A_2815 : vector<96x256xf32>
      %logistic3A_2817 = arith.constant 1.000000e+00 : f32
      %logistic3A_2818 = vector.broadcast %logistic3A_2817 : f32 to vector<96x256xf32>
      %logistic3A_2819 = arith.addf %logistic3A_2818, %logistic3A_2816 : vector<96x256xf32>
      %logistic3A_2820 = arith.divf %logistic3A_2818, %logistic3A_2819 : vector<96x256xf32>
      %slice3A_2821 = vector.extract_strided_slice %add3A_2813 {offsets = [0, 256], sizes = [96, 256], strides = [1, 1]} : vector<96x1024xf32> to vector<96x256xf32>
      %logistic3A_2822 = arith.negf %slice3A_2821 : vector<96x256xf32>
      %logistic3A_2823 = math.exp %logistic3A_2822 : vector<96x256xf32>
      %logistic3A_2824 = arith.constant 1.000000e+00 : f32
      %logistic3A_2825 = vector.broadcast %logistic3A_2824 : f32 to vector<96x256xf32>
      %logistic3A_2826 = arith.addf %logistic3A_2825, %logistic3A_2823 : vector<96x256xf32>
      %logistic3A_2827 = arith.divf %logistic3A_2825, %logistic3A_2826 : vector<96x256xf32>
      %slice3A_2828 = vector.extract_strided_slice %add3A_2813 {offsets = [0, 512], sizes = [96, 256], strides = [1, 1]} : vector<96x1024xf32> to vector<96x256xf32>
      %tanh3A_2829 = math.tanh %slice3A_2828 : vector<96x256xf32>
      %slice3A_2830 = vector.extract_strided_slice %add3A_2813 {offsets = [0, 768], sizes = [96, 256], strides = [1, 1]} : vector<96x1024xf32> to vector<96x256xf32>
      %logistic3A_2831 = arith.negf %slice3A_2830 : vector<96x256xf32>
      %logistic3A_2832 = math.exp %logistic3A_2831 : vector<96x256xf32>
      %logistic3A_2833 = arith.constant 1.000000e+00 : f32
      %logistic3A_2834 = vector.broadcast %logistic3A_2833 : f32 to vector<96x256xf32>
      %logistic3A_2835 = arith.addf %logistic3A_2834, %logistic3A_2832 : vector<96x256xf32>
      %logistic3A_2836 = arith.divf %logistic3A_2834, %logistic3A_2835 : vector<96x256xf32>
      %mul3A_2837 = arith.mulf %logistic3A_2827, %select_n3A_1872 : vector<96x256xf32>
      %mul3A_2838 = arith.mulf %logistic3A_2820, %tanh3A_2829 : vector<96x256xf32>
      %add3A_2839 = arith.addf %mul3A_2837, %mul3A_2838 : vector<96x256xf32>
      %tanh3A_2840 = math.tanh %add3A_2839 : vector<96x256xf32>
      %mul3A_2841 = arith.mulf %logistic3A_2836, %tanh3A_2840 : vector<96x256xf32>
      %convert_element_type3A_2842 = arith.truncf %mul3A_2841 : vector<96x256xf32> to vector<96x256xbf16>
      %broadcast_in_dim3A_2843 = vector.shape_cast %lt3A_2810 : vector<96x1xi1> to vector<96x1xi1>
      %broadcast_in_dim3A_2844 = vector.broadcast %broadcast_in_dim3A_2843 : vector<96x1xi1> to vector<96x256xi1>
      %select_n3A_2845 = arith.select %broadcast_in_dim3A_2844, %convert_element_type3A_2842, %select_n3A_1869 : vector<96x256xi1>, vector<96x256xbf16>
      %broadcast_in_dim3A_2846 = vector.shape_cast %lt3A_2810 : vector<96x1xi1> to vector<96x1xi1>
      %broadcast_in_dim3A_2847 = vector.broadcast %broadcast_in_dim3A_2846 : vector<96x1xi1> to vector<96x256xi1>
      %select_n3A_2848 = arith.select %broadcast_in_dim3A_2847, %add3A_2839, %select_n3A_1872 : vector<96x256xi1>, vector<96x256xf32>
      %jit3A_2849 = arith.constant 0.000000e+00 : f32
      %broadcast_in_dim3A_2850 = vector.shape_cast %lt3A_2810 : vector<96x1xi1> to vector<96x1xi1>
      %broadcast_in_dim3A_2851 = vector.broadcast %broadcast_in_dim3A_2850 : vector<96x1xi1> to vector<96x256xi1>
      %broadcast_in_dim3A_2852 = vector.broadcast %jit3A_2849 : f32 to vector<96x256xf32>
      %select_n3A_2853 = arith.select %broadcast_in_dim3A_2851, %mul3A_2841, %broadcast_in_dim3A_2852 : vector<96x256xi1>, vector<96x256xf32>
      %add3A_2854 = arith.addf %add3A_1878, %select_n3A_2853 : vector<96x256xf32>
      %mul3A_2855 = arith.constant 8 : i32
      %mul3A_2856 = arith.muli %add3A_2756, %mul3A_2855 : i32
      %add3A_2857 = arith.constant 1 : i32
      %add3A_2858 = arith.addi %mul3A_2856, %add3A_2857 : i32
      %get3A_2859 = arith.constant 96 : index
      %get3A_2860 = arith.constant 0 : index
      %get3A_2861 = vector.load %arg28[%get3A_2859, %get3A_2860] : memref<768x1024xf32, #tpu.memory_space<vmem>>, vector<96x1024xf32>
      %lt3A_2862 = vector.broadcast %add3A_2858 : i32 to vector<96x1xi32>
      %lt3A_2863 = arith.cmpi slt, %lt3A_2862, %get3A_16 : vector<96x1xi32>
      %dot_general3A_2864 = arith.constant dense<0.000000e+00> : vector<96x1024xf32>
      %dot_general3A_2865 = tpu.matmul %convert_element_type3A_2797, %get3A_7, %dot_general3A_2864 {dimension_numbers = #tpu.dot_dimension_numbers<[1], [0], [0], [1], [0, 0, 1, 1], [], []>, transpose_lhs_hint = false} : vector<96x256xbf16>, vector<256x1024xbf16>, vector<96x1024xf32> -> vector<96x1024xf32>
      %add3A_2866 = arith.addf %get3A_2861, %dot_general3A_2865 : vector<96x1024xf32>
      %slice3A_2867 = vector.extract_strided_slice %add3A_2866 {offsets = [0, 0], sizes = [96, 256], strides = [1, 1]} : vector<96x1024xf32> to vector<96x256xf32>
      %logistic3A_2868 = arith.negf %slice3A_2867 : vector<96x256xf32>
      %logistic3A_2869 = math.exp %logistic3A_2868 : vector<96x256xf32>
      %logistic3A_2870 = arith.constant 1.000000e+00 : f32
      %logistic3A_2871 = vector.broadcast %logistic3A_2870 : f32 to vector<96x256xf32>
      %logistic3A_2872 = arith.addf %logistic3A_2871, %logistic3A_2869 : vector<96x256xf32>
      %logistic3A_2873 = arith.divf %logistic3A_2871, %logistic3A_2872 : vector<96x256xf32>
      %slice3A_2874 = vector.extract_strided_slice %add3A_2866 {offsets = [0, 256], sizes = [96, 256], strides = [1, 1]} : vector<96x1024xf32> to vector<96x256xf32>
      %logistic3A_2875 = arith.negf %slice3A_2874 : vector<96x256xf32>
      %logistic3A_2876 = math.exp %logistic3A_2875 : vector<96x256xf32>
      %logistic3A_2877 = arith.constant 1.000000e+00 : f32
      %logistic3A_2878 = vector.broadcast %logistic3A_2877 : f32 to vector<96x256xf32>
      %logistic3A_2879 = arith.addf %logistic3A_2878, %logistic3A_2876 : vector<96x256xf32>
      %logistic3A_2880 = arith.divf %logistic3A_2878, %logistic3A_2879 : vector<96x256xf32>
      %slice3A_2881 = vector.extract_strided_slice %add3A_2866 {offsets = [0, 512], sizes = [96, 256], strides = [1, 1]} : vector<96x1024xf32> to vector<96x256xf32>
      %tanh3A_2882 = math.tanh %slice3A_2881 : vector<96x256xf32>
      %slice3A_2883 = vector.extract_strided_slice %add3A_2866 {offsets = [0, 768], sizes = [96, 256], strides = [1, 1]} : vector<96x1024xf32> to vector<96x256xf32>
      %logistic3A_2884 = arith.negf %slice3A_2883 : vector<96x256xf32>
      %logistic3A_2885 = math.exp %logistic3A_2884 : vector<96x256xf32>
      %logistic3A_2886 = arith.constant 1.000000e+00 : f32
      %logistic3A_2887 = vector.broadcast %logistic3A_2886 : f32 to vector<96x256xf32>
      %logistic3A_2888 = arith.addf %logistic3A_2887, %logistic3A_2885 : vector<96x256xf32>
      %logistic3A_2889 = arith.divf %logistic3A_2887, %logistic3A_2888 : vector<96x256xf32>
      %mul3A_2890 = arith.mulf %logistic3A_2880, %add3A_2794 : vector<96x256xf32>
      %mul3A_2891 = arith.mulf %logistic3A_2873, %tanh3A_2882 : vector<96x256xf32>
      %add3A_2892 = arith.addf %mul3A_2890, %mul3A_2891 : vector<96x256xf32>
      %tanh3A_2893 = math.tanh %add3A_2892 : vector<96x256xf32>
      %mul3A_2894 = arith.mulf %logistic3A_2889, %tanh3A_2893 : vector<96x256xf32>
      %convert_element_type3A_2895 = arith.truncf %mul3A_2894 : vector<96x256xf32> to vector<96x256xbf16>
      %jit3A_2896 = arith.constant 0.000000e+00 : f32
      %broadcast_in_dim3A_2897 = vector.shape_cast %lt3A_2863 : vector<96x1xi1> to vector<96x1xi1>
      %broadcast_in_dim3A_2898 = vector.broadcast %broadcast_in_dim3A_2897 : vector<96x1xi1> to vector<96x256xi1>
      %broadcast_in_dim3A_2899 = vector.broadcast %jit3A_2896 : f32 to vector<96x256xf32>
      %select_n3A_2900 = arith.select %broadcast_in_dim3A_2898, %mul3A_2894, %broadcast_in_dim3A_2899 : vector<96x256xi1>, vector<96x256xf32>
      %add3A_2901 = arith.addf %add3A_2803, %select_n3A_2900 : vector<96x256xf32>
      %sub3A_2902 = arith.constant 95 : i32
      %sub3A_2903 = arith.subi %sub3A_2902, %add3A_2858 : i32
      %get3A_2904 = arith.constant 576 : index
      %get3A_2905 = arith.constant 0 : index
      %get3A_2906 = vector.load %arg30[%get3A_2904, %get3A_2905] : memref<768x1024xf32, #tpu.memory_space<vmem>>, vector<96x1024xf32>
      %lt3A_2907 = vector.broadcast %sub3A_2903 : i32 to vector<96x1xi32>
      %lt3A_2908 = arith.cmpi slt, %lt3A_2907, %get3A_16 : vector<96x1xi32>
      %dot_general3A_2909 = arith.constant dense<0.000000e+00> : vector<96x1024xf32>
      %dot_general3A_2910 = tpu.matmul %select_n3A_2845, %get3A_10, %dot_general3A_2909 {dimension_numbers = #tpu.dot_dimension_numbers<[1], [0], [0], [1], [0, 0, 1, 1], [], []>, transpose_lhs_hint = false} : vector<96x256xbf16>, vector<256x1024xbf16>, vector<96x1024xf32> -> vector<96x1024xf32>
      %add3A_2911 = arith.addf %get3A_2906, %dot_general3A_2910 : vector<96x1024xf32>
      %slice3A_2912 = vector.extract_strided_slice %add3A_2911 {offsets = [0, 0], sizes = [96, 256], strides = [1, 1]} : vector<96x1024xf32> to vector<96x256xf32>
      %logistic3A_2913 = arith.negf %slice3A_2912 : vector<96x256xf32>
      %logistic3A_2914 = math.exp %logistic3A_2913 : vector<96x256xf32>
      %logistic3A_2915 = arith.constant 1.000000e+00 : f32
      %logistic3A_2916 = vector.broadcast %logistic3A_2915 : f32 to vector<96x256xf32>
      %logistic3A_2917 = arith.addf %logistic3A_2916, %logistic3A_2914 : vector<96x256xf32>
      %logistic3A_2918 = arith.divf %logistic3A_2916, %logistic3A_2917 : vector<96x256xf32>
      %slice3A_2919 = vector.extract_strided_slice %add3A_2911 {offsets = [0, 256], sizes = [96, 256], strides = [1, 1]} : vector<96x1024xf32> to vector<96x256xf32>
      %logistic3A_2920 = arith.negf %slice3A_2919 : vector<96x256xf32>
      %logistic3A_2921 = math.exp %logistic3A_2920 : vector<96x256xf32>
      %logistic3A_2922 = arith.constant 1.000000e+00 : f32
      %logistic3A_2923 = vector.broadcast %logistic3A_2922 : f32 to vector<96x256xf32>
      %logistic3A_2924 = arith.addf %logistic3A_2923, %logistic3A_2921 : vector<96x256xf32>
      %logistic3A_2925 = arith.divf %logistic3A_2923, %logistic3A_2924 : vector<96x256xf32>
      %slice3A_2926 = vector.extract_strided_slice %add3A_2911 {offsets = [0, 512], sizes = [96, 256], strides = [1, 1]} : vector<96x1024xf32> to vector<96x256xf32>
      %tanh3A_2927 = math.tanh %slice3A_2926 : vector<96x256xf32>
      %slice3A_2928 = vector.extract_strided_slice %add3A_2911 {offsets = [0, 768], sizes = [96, 256], strides = [1, 1]} : vector<96x1024xf32> to vector<96x256xf32>
      %logistic3A_2929 = arith.negf %slice3A_2928 : vector<96x256xf32>
      %logistic3A_2930 = math.exp %logistic3A_2929 : vector<96x256xf32>
      %logistic3A_2931 = arith.constant 1.000000e+00 : f32
      %logistic3A_2932 = vector.broadcast %logistic3A_2931 : f32 to vector<96x256xf32>
      %logistic3A_2933 = arith.addf %logistic3A_2932, %logistic3A_2930 : vector<96x256xf32>
      %logistic3A_2934 = arith.divf %logistic3A_2932, %logistic3A_2933 : vector<96x256xf32>
      %mul3A_2935 = arith.mulf %logistic3A_2925, %select_n3A_2848 : vector<96x256xf32>
      %mul3A_2936 = arith.mulf %logistic3A_2918, %tanh3A_2927 : vector<96x256xf32>
      %add3A_2937 = arith.addf %mul3A_2935, %mul3A_2936 : vector<96x256xf32>
      %tanh3A_2938 = math.tanh %add3A_2937 : vector<96x256xf32>
      %mul3A_2939 = arith.mulf %logistic3A_2934, %tanh3A_2938 : vector<96x256xf32>
      %convert_element_type3A_2940 = arith.truncf %mul3A_2939 : vector<96x256xf32> to vector<96x256xbf16>
      %broadcast_in_dim3A_2941 = vector.shape_cast %lt3A_2908 : vector<96x1xi1> to vector<96x1xi1>
      %broadcast_in_dim3A_2942 = vector.broadcast %broadcast_in_dim3A_2941 : vector<96x1xi1> to vector<96x256xi1>
      %select_n3A_2943 = arith.select %broadcast_in_dim3A_2942, %convert_element_type3A_2940, %select_n3A_2845 : vector<96x256xi1>, vector<96x256xbf16>
      %broadcast_in_dim3A_2944 = vector.shape_cast %lt3A_2908 : vector<96x1xi1> to vector<96x1xi1>
      %broadcast_in_dim3A_2945 = vector.broadcast %broadcast_in_dim3A_2944 : vector<96x1xi1> to vector<96x256xi1>
      %select_n3A_2946 = arith.select %broadcast_in_dim3A_2945, %add3A_2937, %select_n3A_2848 : vector<96x256xi1>, vector<96x256xf32>
      %jit3A_2947 = arith.constant 0.000000e+00 : f32
      %broadcast_in_dim3A_2948 = vector.shape_cast %lt3A_2908 : vector<96x1xi1> to vector<96x1xi1>
      %broadcast_in_dim3A_2949 = vector.broadcast %broadcast_in_dim3A_2948 : vector<96x1xi1> to vector<96x256xi1>
      %broadcast_in_dim3A_2950 = vector.broadcast %jit3A_2947 : f32 to vector<96x256xf32>
      %select_n3A_2951 = arith.select %broadcast_in_dim3A_2949, %mul3A_2939, %broadcast_in_dim3A_2950 : vector<96x256xi1>, vector<96x256xf32>
      %add3A_2952 = arith.addf %add3A_2854, %select_n3A_2951 : vector<96x256xf32>
      %mul3A_2953 = arith.constant 8 : i32
      %mul3A_2954 = arith.muli %add3A_2756, %mul3A_2953 : i32
      %add3A_2955 = arith.constant 2 : i32
      %add3A_2956 = arith.addi %mul3A_2954, %add3A_2955 : i32
      %get3A_2957 = arith.constant 192 : index
      %get3A_2958 = arith.constant 0 : index
      %get3A_2959 = vector.load %arg28[%get3A_2957, %get3A_2958] : memref<768x1024xf32, #tpu.memory_space<vmem>>, vector<96x1024xf32>
      %lt3A_2960 = vector.broadcast %add3A_2956 : i32 to vector<96x1xi32>
      %lt3A_2961 = arith.cmpi slt, %lt3A_2960, %get3A_16 : vector<96x1xi32>
      %dot_general3A_2962 = arith.constant dense<0.000000e+00> : vector<96x1024xf32>
      %dot_general3A_2963 = tpu.matmul %convert_element_type3A_2895, %get3A_7, %dot_general3A_2962 {dimension_numbers = #tpu.dot_dimension_numbers<[1], [0], [0], [1], [0, 0, 1, 1], [], []>, transpose_lhs_hint = false} : vector<96x256xbf16>, vector<256x1024xbf16>, vector<96x1024xf32> -> vector<96x1024xf32>
      %add3A_2964 = arith.addf %get3A_2959, %dot_general3A_2963 : vector<96x1024xf32>
      %slice3A_2965 = vector.extract_strided_slice %add3A_2964 {offsets = [0, 0], sizes = [96, 256], strides = [1, 1]} : vector<96x1024xf32> to vector<96x256xf32>
      %logistic3A_2966 = arith.negf %slice3A_2965 : vector<96x256xf32>
      %logistic3A_2967 = math.exp %logistic3A_2966 : vector<96x256xf32>
      %logistic3A_2968 = arith.constant 1.000000e+00 : f32
      %logistic3A_2969 = vector.broadcast %logistic3A_2968 : f32 to vector<96x256xf32>
      %logistic3A_2970 = arith.addf %logistic3A_2969, %logistic3A_2967 : vector<96x256xf32>
      %logistic3A_2971 = arith.divf %logistic3A_2969, %logistic3A_2970 : vector<96x256xf32>
      %slice3A_2972 = vector.extract_strided_slice %add3A_2964 {offsets = [0, 256], sizes = [96, 256], strides = [1, 1]} : vector<96x1024xf32> to vector<96x256xf32>
      %logistic3A_2973 = arith.negf %slice3A_2972 : vector<96x256xf32>
      %logistic3A_2974 = math.exp %logistic3A_2973 : vector<96x256xf32>
      %logistic3A_2975 = arith.constant 1.000000e+00 : f32
      %logistic3A_2976 = vector.broadcast %logistic3A_2975 : f32 to vector<96x256xf32>
      %logistic3A_2977 = arith.addf %logistic3A_2976, %logistic3A_2974 : vector<96x256xf32>
      %logistic3A_2978 = arith.divf %logistic3A_2976, %logistic3A_2977 : vector<96x256xf32>
      %slice3A_2979 = vector.extract_strided_slice %add3A_2964 {offsets = [0, 512], sizes = [96, 256], strides = [1, 1]} : vector<96x1024xf32> to vector<96x256xf32>
      %tanh3A_2980 = math.tanh %slice3A_2979 : vector<96x256xf32>
      %slice3A_2981 = vector.extract_strided_slice %add3A_2964 {offsets = [0, 768], sizes = [96, 256], strides = [1, 1]} : vector<96x1024xf32> to vector<96x256xf32>
      %logistic3A_2982 = arith.negf %slice3A_2981 : vector<96x256xf32>
      %logistic3A_2983 = math.exp %logistic3A_2982 : vector<96x256xf32>
      %logistic3A_2984 = arith.constant 1.000000e+00 : f32
      %logistic3A_2985 = vector.broadcast %logistic3A_2984 : f32 to vector<96x256xf32>
      %logistic3A_2986 = arith.addf %logistic3A_2985, %logistic3A_2983 : vector<96x256xf32>
      %logistic3A_2987 = arith.divf %logistic3A_2985, %logistic3A_2986 : vector<96x256xf32>
      %mul3A_2988 = arith.mulf %logistic3A_2978, %add3A_2892 : vector<96x256xf32>
      %mul3A_2989 = arith.mulf %logistic3A_2971, %tanh3A_2980 : vector<96x256xf32>
      %add3A_2990 = arith.addf %mul3A_2988, %mul3A_2989 : vector<96x256xf32>
      %tanh3A_2991 = math.tanh %add3A_2990 : vector<96x256xf32>
      %mul3A_2992 = arith.mulf %logistic3A_2987, %tanh3A_2991 : vector<96x256xf32>
      %convert_element_type3A_2993 = arith.truncf %mul3A_2992 : vector<96x256xf32> to vector<96x256xbf16>
      %jit3A_2994 = arith.constant 0.000000e+00 : f32
      %broadcast_in_dim3A_2995 = vector.shape_cast %lt3A_2961 : vector<96x1xi1> to vector<96x1xi1>
      %broadcast_in_dim3A_2996 = vector.broadcast %broadcast_in_dim3A_2995 : vector<96x1xi1> to vector<96x256xi1>
      %broadcast_in_dim3A_2997 = vector.broadcast %jit3A_2994 : f32 to vector<96x256xf32>
      %select_n3A_2998 = arith.select %broadcast_in_dim3A_2996, %mul3A_2992, %broadcast_in_dim3A_2997 : vector<96x256xi1>, vector<96x256xf32>
      %add3A_2999 = arith.addf %add3A_2901, %select_n3A_2998 : vector<96x256xf32>
      %sub3A_3000 = arith.constant 95 : i32
      %sub3A_3001 = arith.subi %sub3A_3000, %add3A_2956 : i32
      %get3A_3002 = arith.constant 480 : index
      %get3A_3003 = arith.constant 0 : index
      %get3A_3004 = vector.load %arg30[%get3A_3002, %get3A_3003] : memref<768x1024xf32, #tpu.memory_space<vmem>>, vector<96x1024xf32>
      %lt3A_3005 = vector.broadcast %sub3A_3001 : i32 to vector<96x1xi32>
      %lt3A_3006 = arith.cmpi slt, %lt3A_3005, %get3A_16 : vector<96x1xi32>
      %dot_general3A_3007 = arith.constant dense<0.000000e+00> : vector<96x1024xf32>
      %dot_general3A_3008 = tpu.matmul %select_n3A_2943, %get3A_10, %dot_general3A_3007 {dimension_numbers = #tpu.dot_dimension_numbers<[1], [0], [0], [1], [0, 0, 1, 1], [], []>, transpose_lhs_hint = false} : vector<96x256xbf16>, vector<256x1024xbf16>, vector<96x1024xf32> -> vector<96x1024xf32>
      %add3A_3009 = arith.addf %get3A_3004, %dot_general3A_3008 : vector<96x1024xf32>
      %slice3A_3010 = vector.extract_strided_slice %add3A_3009 {offsets = [0, 0], sizes = [96, 256], strides = [1, 1]} : vector<96x1024xf32> to vector<96x256xf32>
      %logistic3A_3011 = arith.negf %slice3A_3010 : vector<96x256xf32>
      %logistic3A_3012 = math.exp %logistic3A_3011 : vector<96x256xf32>
      %logistic3A_3013 = arith.constant 1.000000e+00 : f32
      %logistic3A_3014 = vector.broadcast %logistic3A_3013 : f32 to vector<96x256xf32>
      %logistic3A_3015 = arith.addf %logistic3A_3014, %logistic3A_3012 : vector<96x256xf32>
      %logistic3A_3016 = arith.divf %logistic3A_3014, %logistic3A_3015 : vector<96x256xf32>
      %slice3A_3017 = vector.extract_strided_slice %add3A_3009 {offsets = [0, 256], sizes = [96, 256], strides = [1, 1]} : vector<96x1024xf32> to vector<96x256xf32>
      %logistic3A_3018 = arith.negf %slice3A_3017 : vector<96x256xf32>
      %logistic3A_3019 = math.exp %logistic3A_3018 : vector<96x256xf32>
      %logistic3A_3020 = arith.constant 1.000000e+00 : f32
      %logistic3A_3021 = vector.broadcast %logistic3A_3020 : f32 to vector<96x256xf32>
      %logistic3A_3022 = arith.addf %logistic3A_3021, %logistic3A_3019 : vector<96x256xf32>
      %logistic3A_3023 = arith.divf %logistic3A_3021, %logistic3A_3022 : vector<96x256xf32>
      %slice3A_3024 = vector.extract_strided_slice %add3A_3009 {offsets = [0, 512], sizes = [96, 256], strides = [1, 1]} : vector<96x1024xf32> to vector<96x256xf32>
      %tanh3A_3025 = math.tanh %slice3A_3024 : vector<96x256xf32>
      %slice3A_3026 = vector.extract_strided_slice %add3A_3009 {offsets = [0, 768], sizes = [96, 256], strides = [1, 1]} : vector<96x1024xf32> to vector<96x256xf32>
      %logistic3A_3027 = arith.negf %slice3A_3026 : vector<96x256xf32>
      %logistic3A_3028 = math.exp %logistic3A_3027 : vector<96x256xf32>
      %logistic3A_3029 = arith.constant 1.000000e+00 : f32
      %logistic3A_3030 = vector.broadcast %logistic3A_3029 : f32 to vector<96x256xf32>
      %logistic3A_3031 = arith.addf %logistic3A_3030, %logistic3A_3028 : vector<96x256xf32>
      %logistic3A_3032 = arith.divf %logistic3A_3030, %logistic3A_3031 : vector<96x256xf32>
      %mul3A_3033 = arith.mulf %logistic3A_3023, %select_n3A_2946 : vector<96x256xf32>
      %mul3A_3034 = arith.mulf %logistic3A_3016, %tanh3A_3025 : vector<96x256xf32>
      %add3A_3035 = arith.addf %mul3A_3033, %mul3A_3034 : vector<96x256xf32>
      %tanh3A_3036 = math.tanh %add3A_3035 : vector<96x256xf32>
      %mul3A_3037 = arith.mulf %logistic3A_3032, %tanh3A_3036 : vector<96x256xf32>
      %convert_element_type3A_3038 = arith.truncf %mul3A_3037 : vector<96x256xf32> to vector<96x256xbf16>
      %broadcast_in_dim3A_3039 = vector.shape_cast %lt3A_3006 : vector<96x1xi1> to vector<96x1xi1>
      %broadcast_in_dim3A_3040 = vector.broadcast %broadcast_in_dim3A_3039 : vector<96x1xi1> to vector<96x256xi1>
      %select_n3A_3041 = arith.select %broadcast_in_dim3A_3040, %convert_element_type3A_3038, %select_n3A_2943 : vector<96x256xi1>, vector<96x256xbf16>
      %broadcast_in_dim3A_3042 = vector.shape_cast %lt3A_3006 : vector<96x1xi1> to vector<96x1xi1>
      %broadcast_in_dim3A_3043 = vector.broadcast %broadcast_in_dim3A_3042 : vector<96x1xi1> to vector<96x256xi1>
      %select_n3A_3044 = arith.select %broadcast_in_dim3A_3043, %add3A_3035, %select_n3A_2946 : vector<96x256xi1>, vector<96x256xf32>
      %jit3A_3045 = arith.constant 0.000000e+00 : f32
      %broadcast_in_dim3A_3046 = vector.shape_cast %lt3A_3006 : vector<96x1xi1> to vector<96x1xi1>
      %broadcast_in_dim3A_3047 = vector.broadcast %broadcast_in_dim3A_3046 : vector<96x1xi1> to vector<96x256xi1>
      %broadcast_in_dim3A_3048 = vector.broadcast %jit3A_3045 : f32 to vector<96x256xf32>
      %select_n3A_3049 = arith.select %broadcast_in_dim3A_3047, %mul3A_3037, %broadcast_in_dim3A_3048 : vector<96x256xi1>, vector<96x256xf32>
      %add3A_3050 = arith.addf %add3A_2952, %select_n3A_3049 : vector<96x256xf32>
      %mul3A_3051 = arith.constant 8 : i32
      %mul3A_3052 = arith.muli %add3A_2756, %mul3A_3051 : i32
      %add3A_3053 = arith.constant 3 : i32
      %add3A_3054 = arith.addi %mul3A_3052, %add3A_3053 : i32
      %get3A_3055 = arith.constant 288 : index
      %get3A_3056 = arith.constant 0 : index
      %get3A_3057 = vector.load %arg28[%get3A_3055, %get3A_3056] : memref<768x1024xf32, #tpu.memory_space<vmem>>, vector<96x1024xf32>
      %lt3A_3058 = vector.broadcast %add3A_3054 : i32 to vector<96x1xi32>
      %lt3A_3059 = arith.cmpi slt, %lt3A_3058, %get3A_16 : vector<96x1xi32>
      %dot_general3A_3060 = arith.constant dense<0.000000e+00> : vector<96x1024xf32>
      %dot_general3A_3061 = tpu.matmul %convert_element_type3A_2993, %get3A_7, %dot_general3A_3060 {dimension_numbers = #tpu.dot_dimension_numbers<[1], [0], [0], [1], [0, 0, 1, 1], [], []>, transpose_lhs_hint = false} : vector<96x256xbf16>, vector<256x1024xbf16>, vector<96x1024xf32> -> vector<96x1024xf32>
      %add3A_3062 = arith.addf %get3A_3057, %dot_general3A_3061 : vector<96x1024xf32>
      %slice3A_3063 = vector.extract_strided_slice %add3A_3062 {offsets = [0, 0], sizes = [96, 256], strides = [1, 1]} : vector<96x1024xf32> to vector<96x256xf32>
      %logistic3A_3064 = arith.negf %slice3A_3063 : vector<96x256xf32>
      %logistic3A_3065 = math.exp %logistic3A_3064 : vector<96x256xf32>
      %logistic3A_3066 = arith.constant 1.000000e+00 : f32
      %logistic3A_3067 = vector.broadcast %logistic3A_3066 : f32 to vector<96x256xf32>
      %logistic3A_3068 = arith.addf %logistic3A_3067, %logistic3A_3065 : vector<96x256xf32>
      %logistic3A_3069 = arith.divf %logistic3A_3067, %logistic3A_3068 : vector<96x256xf32>
      %slice3A_3070 = vector.extract_strided_slice %add3A_3062 {offsets = [0, 256], sizes = [96, 256], strides = [1, 1]} : vector<96x1024xf32> to vector<96x256xf32>
      %logistic3A_3071 = arith.negf %slice3A_3070 : vector<96x256xf32>
      %logistic3A_3072 = math.exp %logistic3A_3071 : vector<96x256xf32>
      %logistic3A_3073 = arith.constant 1.000000e+00 : f32
      %logistic3A_3074 = vector.broadcast %logistic3A_3073 : f32 to vector<96x256xf32>
      %logistic3A_3075 = arith.addf %logistic3A_3074, %logistic3A_3072 : vector<96x256xf32>
      %logistic3A_3076 = arith.divf %logistic3A_3074, %logistic3A_3075 : vector<96x256xf32>
      %slice3A_3077 = vector.extract_strided_slice %add3A_3062 {offsets = [0, 512], sizes = [96, 256], strides = [1, 1]} : vector<96x1024xf32> to vector<96x256xf32>
      %tanh3A_3078 = math.tanh %slice3A_3077 : vector<96x256xf32>
      %slice3A_3079 = vector.extract_strided_slice %add3A_3062 {offsets = [0, 768], sizes = [96, 256], strides = [1, 1]} : vector<96x1024xf32> to vector<96x256xf32>
      %logistic3A_3080 = arith.negf %slice3A_3079 : vector<96x256xf32>
      %logistic3A_3081 = math.exp %logistic3A_3080 : vector<96x256xf32>
      %logistic3A_3082 = arith.constant 1.000000e+00 : f32
      %logistic3A_3083 = vector.broadcast %logistic3A_3082 : f32 to vector<96x256xf32>
      %logistic3A_3084 = arith.addf %logistic3A_3083, %logistic3A_3081 : vector<96x256xf32>
      %logistic3A_3085 = arith.divf %logistic3A_3083, %logistic3A_3084 : vector<96x256xf32>
      %mul3A_3086 = arith.mulf %logistic3A_3076, %add3A_2990 : vector<96x256xf32>
      %mul3A_3087 = arith.mulf %logistic3A_3069, %tanh3A_3078 : vector<96x256xf32>
      %add3A_3088 = arith.addf %mul3A_3086, %mul3A_3087 : vector<96x256xf32>
      %tanh3A_3089 = math.tanh %add3A_3088 : vector<96x256xf32>
      %mul3A_3090 = arith.mulf %logistic3A_3085, %tanh3A_3089 : vector<96x256xf32>
      %convert_element_type3A_3091 = arith.truncf %mul3A_3090 : vector<96x256xf32> to vector<96x256xbf16>
      %jit3A_3092 = arith.constant 0.000000e+00 : f32
      %broadcast_in_dim3A_3093 = vector.shape_cast %lt3A_3059 : vector<96x1xi1> to vector<96x1xi1>
      %broadcast_in_dim3A_3094 = vector.broadcast %broadcast_in_dim3A_3093 : vector<96x1xi1> to vector<96x256xi1>
      %broadcast_in_dim3A_3095 = vector.broadcast %jit3A_3092 : f32 to vector<96x256xf32>
      %select_n3A_3096 = arith.select %broadcast_in_dim3A_3094, %mul3A_3090, %broadcast_in_dim3A_3095 : vector<96x256xi1>, vector<96x256xf32>
      %add3A_3097 = arith.addf %add3A_2999, %select_n3A_3096 : vector<96x256xf32>
      %sub3A_3098 = arith.constant 95 : i32
      %sub3A_3099 = arith.subi %sub3A_3098, %add3A_3054 : i32
      %get3A_3100 = arith.constant 384 : index
      %get3A_3101 = arith.constant 0 : index
      %get3A_3102 = vector.load %arg30[%get3A_3100, %get3A_3101] : memref<768x1024xf32, #tpu.memory_space<vmem>>, vector<96x1024xf32>
      %lt3A_3103 = vector.broadcast %sub3A_3099 : i32 to vector<96x1xi32>
      %lt3A_3104 = arith.cmpi slt, %lt3A_3103, %get3A_16 : vector<96x1xi32>
      %dot_general3A_3105 = arith.constant dense<0.000000e+00> : vector<96x1024xf32>
      %dot_general3A_3106 = tpu.matmul %select_n3A_3041, %get3A_10, %dot_general3A_3105 {dimension_numbers = #tpu.dot_dimension_numbers<[1], [0], [0], [1], [0, 0, 1, 1], [], []>, transpose_lhs_hint = false} : vector<96x256xbf16>, vector<256x1024xbf16>, vector<96x1024xf32> -> vector<96x1024xf32>
      %add3A_3107 = arith.addf %get3A_3102, %dot_general3A_3106 : vector<96x1024xf32>
      %slice3A_3108 = vector.extract_strided_slice %add3A_3107 {offsets = [0, 0], sizes = [96, 256], strides = [1, 1]} : vector<96x1024xf32> to vector<96x256xf32>
      %logistic3A_3109 = arith.negf %slice3A_3108 : vector<96x256xf32>
      %logistic3A_3110 = math.exp %logistic3A_3109 : vector<96x256xf32>
      %logistic3A_3111 = arith.constant 1.000000e+00 : f32
      %logistic3A_3112 = vector.broadcast %logistic3A_3111 : f32 to vector<96x256xf32>
      %logistic3A_3113 = arith.addf %logistic3A_3112, %logistic3A_3110 : vector<96x256xf32>
      %logistic3A_3114 = arith.divf %logistic3A_3112, %logistic3A_3113 : vector<96x256xf32>
      %slice3A_3115 = vector.extract_strided_slice %add3A_3107 {offsets = [0, 256], sizes = [96, 256], strides = [1, 1]} : vector<96x1024xf32> to vector<96x256xf32>
      %logistic3A_3116 = arith.negf %slice3A_3115 : vector<96x256xf32>
      %logistic3A_3117 = math.exp %logistic3A_3116 : vector<96x256xf32>
      %logistic3A_3118 = arith.constant 1.000000e+00 : f32
      %logistic3A_3119 = vector.broadcast %logistic3A_3118 : f32 to vector<96x256xf32>
      %logistic3A_3120 = arith.addf %logistic3A_3119, %logistic3A_3117 : vector<96x256xf32>
      %logistic3A_3121 = arith.divf %logistic3A_3119, %logistic3A_3120 : vector<96x256xf32>
      %slice3A_3122 = vector.extract_strided_slice %add3A_3107 {offsets = [0, 512], sizes = [96, 256], strides = [1, 1]} : vector<96x1024xf32> to vector<96x256xf32>
      %tanh3A_3123 = math.tanh %slice3A_3122 : vector<96x256xf32>
      %slice3A_3124 = vector.extract_strided_slice %add3A_3107 {offsets = [0, 768], sizes = [96, 256], strides = [1, 1]} : vector<96x1024xf32> to vector<96x256xf32>
      %logistic3A_3125 = arith.negf %slice3A_3124 : vector<96x256xf32>
      %logistic3A_3126 = math.exp %logistic3A_3125 : vector<96x256xf32>
      %logistic3A_3127 = arith.constant 1.000000e+00 : f32
      %logistic3A_3128 = vector.broadcast %logistic3A_3127 : f32 to vector<96x256xf32>
      %logistic3A_3129 = arith.addf %logistic3A_3128, %logistic3A_3126 : vector<96x256xf32>
      %logistic3A_3130 = arith.divf %logistic3A_3128, %logistic3A_3129 : vector<96x256xf32>
      %mul3A_3131 = arith.mulf %logistic3A_3121, %select_n3A_3044 : vector<96x256xf32>
      %mul3A_3132 = arith.mulf %logistic3A_3114, %tanh3A_3123 : vector<96x256xf32>
      %add3A_3133 = arith.addf %mul3A_3131, %mul3A_3132 : vector<96x256xf32>
      %tanh3A_3134 = math.tanh %add3A_3133 : vector<96x256xf32>
      %mul3A_3135 = arith.mulf %logistic3A_3130, %tanh3A_3134 : vector<96x256xf32>
      %convert_element_type3A_3136 = arith.truncf %mul3A_3135 : vector<96x256xf32> to vector<96x256xbf16>
      %broadcast_in_dim3A_3137 = vector.shape_cast %lt3A_3104 : vector<96x1xi1> to vector<96x1xi1>
      %broadcast_in_dim3A_3138 = vector.broadcast %broadcast_in_dim3A_3137 : vector<96x1xi1> to vector<96x256xi1>
      %select_n3A_3139 = arith.select %broadcast_in_dim3A_3138, %convert_element_type3A_3136, %select_n3A_3041 : vector<96x256xi1>, vector<96x256xbf16>
      %broadcast_in_dim3A_3140 = vector.shape_cast %lt3A_3104 : vector<96x1xi1> to vector<96x1xi1>
      %broadcast_in_dim3A_3141 = vector.broadcast %broadcast_in_dim3A_3140 : vector<96x1xi1> to vector<96x256xi1>
      %select_n3A_3142 = arith.select %broadcast_in_dim3A_3141, %add3A_3133, %select_n3A_3044 : vector<96x256xi1>, vector<96x256xf32>
      %jit3A_3143 = arith.constant 0.000000e+00 : f32
      %broadcast_in_dim3A_3144 = vector.shape_cast %lt3A_3104 : vector<96x1xi1> to vector<96x1xi1>
      %broadcast_in_dim3A_3145 = vector.broadcast %broadcast_in_dim3A_3144 : vector<96x1xi1> to vector<96x256xi1>
      %broadcast_in_dim3A_3146 = vector.broadcast %jit3A_3143 : f32 to vector<96x256xf32>
      %select_n3A_3147 = arith.select %broadcast_in_dim3A_3145, %mul3A_3135, %broadcast_in_dim3A_3146 : vector<96x256xi1>, vector<96x256xf32>
      %add3A_3148 = arith.addf %add3A_3050, %select_n3A_3147 : vector<96x256xf32>
      %mul3A_3149 = arith.constant 8 : i32
      %mul3A_3150 = arith.muli %add3A_2756, %mul3A_3149 : i32
      %add3A_3151 = arith.constant 4 : i32
      %add3A_3152 = arith.addi %mul3A_3150, %add3A_3151 : i32
      %get3A_3153 = arith.constant 384 : index
      %get3A_3154 = arith.constant 0 : index
      %get3A_3155 = vector.load %arg28[%get3A_3153, %get3A_3154] : memref<768x1024xf32, #tpu.memory_space<vmem>>, vector<96x1024xf32>
      %lt3A_3156 = vector.broadcast %add3A_3152 : i32 to vector<96x1xi32>
      %lt3A_3157 = arith.cmpi slt, %lt3A_3156, %get3A_16 : vector<96x1xi32>
      %dot_general3A_3158 = arith.constant dense<0.000000e+00> : vector<96x1024xf32>
      %dot_general3A_3159 = tpu.matmul %convert_element_type3A_3091, %get3A_7, %dot_general3A_3158 {dimension_numbers = #tpu.dot_dimension_numbers<[1], [0], [0], [1], [0, 0, 1, 1], [], []>, transpose_lhs_hint = false} : vector<96x256xbf16>, vector<256x1024xbf16>, vector<96x1024xf32> -> vector<96x1024xf32>
      %add3A_3160 = arith.addf %get3A_3155, %dot_general3A_3159 : vector<96x1024xf32>
      %slice3A_3161 = vector.extract_strided_slice %add3A_3160 {offsets = [0, 0], sizes = [96, 256], strides = [1, 1]} : vector<96x1024xf32> to vector<96x256xf32>
      %logistic3A_3162 = arith.negf %slice3A_3161 : vector<96x256xf32>
      %logistic3A_3163 = math.exp %logistic3A_3162 : vector<96x256xf32>
      %logistic3A_3164 = arith.constant 1.000000e+00 : f32
      %logistic3A_3165 = vector.broadcast %logistic3A_3164 : f32 to vector<96x256xf32>
      %logistic3A_3166 = arith.addf %logistic3A_3165, %logistic3A_3163 : vector<96x256xf32>
      %logistic3A_3167 = arith.divf %logistic3A_3165, %logistic3A_3166 : vector<96x256xf32>
      %slice3A_3168 = vector.extract_strided_slice %add3A_3160 {offsets = [0, 256], sizes = [96, 256], strides = [1, 1]} : vector<96x1024xf32> to vector<96x256xf32>
      %logistic3A_3169 = arith.negf %slice3A_3168 : vector<96x256xf32>
      %logistic3A_3170 = math.exp %logistic3A_3169 : vector<96x256xf32>
      %logistic3A_3171 = arith.constant 1.000000e+00 : f32
      %logistic3A_3172 = vector.broadcast %logistic3A_3171 : f32 to vector<96x256xf32>
      %logistic3A_3173 = arith.addf %logistic3A_3172, %logistic3A_3170 : vector<96x256xf32>
      %logistic3A_3174 = arith.divf %logistic3A_3172, %logistic3A_3173 : vector<96x256xf32>
      %slice3A_3175 = vector.extract_strided_slice %add3A_3160 {offsets = [0, 512], sizes = [96, 256], strides = [1, 1]} : vector<96x1024xf32> to vector<96x256xf32>
      %tanh3A_3176 = math.tanh %slice3A_3175 : vector<96x256xf32>
      %slice3A_3177 = vector.extract_strided_slice %add3A_3160 {offsets = [0, 768], sizes = [96, 256], strides = [1, 1]} : vector<96x1024xf32> to vector<96x256xf32>
      %logistic3A_3178 = arith.negf %slice3A_3177 : vector<96x256xf32>
      %logistic3A_3179 = math.exp %logistic3A_3178 : vector<96x256xf32>
      %logistic3A_3180 = arith.constant 1.000000e+00 : f32
      %logistic3A_3181 = vector.broadcast %logistic3A_3180 : f32 to vector<96x256xf32>
      %logistic3A_3182 = arith.addf %logistic3A_3181, %logistic3A_3179 : vector<96x256xf32>
      %logistic3A_3183 = arith.divf %logistic3A_3181, %logistic3A_3182 : vector<96x256xf32>
      %mul3A_3184 = arith.mulf %logistic3A_3174, %add3A_3088 : vector<96x256xf32>
      %mul3A_3185 = arith.mulf %logistic3A_3167, %tanh3A_3176 : vector<96x256xf32>
      %add3A_3186 = arith.addf %mul3A_3184, %mul3A_3185 : vector<96x256xf32>
      %tanh3A_3187 = math.tanh %add3A_3186 : vector<96x256xf32>
      %mul3A_3188 = arith.mulf %logistic3A_3183, %tanh3A_3187 : vector<96x256xf32>
      %convert_element_type3A_3189 = arith.truncf %mul3A_3188 : vector<96x256xf32> to vector<96x256xbf16>
      %jit3A_3190 = arith.constant 0.000000e+00 : f32
      %broadcast_in_dim3A_3191 = vector.shape_cast %lt3A_3157 : vector<96x1xi1> to vector<96x1xi1>
      %broadcast_in_dim3A_3192 = vector.broadcast %broadcast_in_dim3A_3191 : vector<96x1xi1> to vector<96x256xi1>
      %broadcast_in_dim3A_3193 = vector.broadcast %jit3A_3190 : f32 to vector<96x256xf32>
      %select_n3A_3194 = arith.select %broadcast_in_dim3A_3192, %mul3A_3188, %broadcast_in_dim3A_3193 : vector<96x256xi1>, vector<96x256xf32>
      %add3A_3195 = arith.addf %add3A_3097, %select_n3A_3194 : vector<96x256xf32>
      %sub3A_3196 = arith.constant 95 : i32
      %sub3A_3197 = arith.subi %sub3A_3196, %add3A_3152 : i32
      %get3A_3198 = arith.constant 288 : index
      %get3A_3199 = arith.constant 0 : index
      %get3A_3200 = vector.load %arg30[%get3A_3198, %get3A_3199] : memref<768x1024xf32, #tpu.memory_space<vmem>>, vector<96x1024xf32>
      %lt3A_3201 = vector.broadcast %sub3A_3197 : i32 to vector<96x1xi32>
      %lt3A_3202 = arith.cmpi slt, %lt3A_3201, %get3A_16 : vector<96x1xi32>
      %dot_general3A_3203 = arith.constant dense<0.000000e+00> : vector<96x1024xf32>
      %dot_general3A_3204 = tpu.matmul %select_n3A_3139, %get3A_10, %dot_general3A_3203 {dimension_numbers = #tpu.dot_dimension_numbers<[1], [0], [0], [1], [0, 0, 1, 1], [], []>, transpose_lhs_hint = false} : vector<96x256xbf16>, vector<256x1024xbf16>, vector<96x1024xf32> -> vector<96x1024xf32>
      %add3A_3205 = arith.addf %get3A_3200, %dot_general3A_3204 : vector<96x1024xf32>
      %slice3A_3206 = vector.extract_strided_slice %add3A_3205 {offsets = [0, 0], sizes = [96, 256], strides = [1, 1]} : vector<96x1024xf32> to vector<96x256xf32>
      %logistic3A_3207 = arith.negf %slice3A_3206 : vector<96x256xf32>
      %logistic3A_3208 = math.exp %logistic3A_3207 : vector<96x256xf32>
      %logistic3A_3209 = arith.constant 1.000000e+00 : f32
      %logistic3A_3210 = vector.broadcast %logistic3A_3209 : f32 to vector<96x256xf32>
      %logistic3A_3211 = arith.addf %logistic3A_3210, %logistic3A_3208 : vector<96x256xf32>
      %logistic3A_3212 = arith.divf %logistic3A_3210, %logistic3A_3211 : vector<96x256xf32>
      %slice3A_3213 = vector.extract_strided_slice %add3A_3205 {offsets = [0, 256], sizes = [96, 256], strides = [1, 1]} : vector<96x1024xf32> to vector<96x256xf32>
      %logistic3A_3214 = arith.negf %slice3A_3213 : vector<96x256xf32>
      %logistic3A_3215 = math.exp %logistic3A_3214 : vector<96x256xf32>
      %logistic3A_3216 = arith.constant 1.000000e+00 : f32
      %logistic3A_3217 = vector.broadcast %logistic3A_3216 : f32 to vector<96x256xf32>
      %logistic3A_3218 = arith.addf %logistic3A_3217, %logistic3A_3215 : vector<96x256xf32>
      %logistic3A_3219 = arith.divf %logistic3A_3217, %logistic3A_3218 : vector<96x256xf32>
      %slice3A_3220 = vector.extract_strided_slice %add3A_3205 {offsets = [0, 512], sizes = [96, 256], strides = [1, 1]} : vector<96x1024xf32> to vector<96x256xf32>
      %tanh3A_3221 = math.tanh %slice3A_3220 : vector<96x256xf32>
      %slice3A_3222 = vector.extract_strided_slice %add3A_3205 {offsets = [0, 768], sizes = [96, 256], strides = [1, 1]} : vector<96x1024xf32> to vector<96x256xf32>
      %logistic3A_3223 = arith.negf %slice3A_3222 : vector<96x256xf32>
      %logistic3A_3224 = math.exp %logistic3A_3223 : vector<96x256xf32>
      %logistic3A_3225 = arith.constant 1.000000e+00 : f32
      %logistic3A_3226 = vector.broadcast %logistic3A_3225 : f32 to vector<96x256xf32>
      %logistic3A_3227 = arith.addf %logistic3A_3226, %logistic3A_3224 : vector<96x256xf32>
      %logistic3A_3228 = arith.divf %logistic3A_3226, %logistic3A_3227 : vector<96x256xf32>
      %mul3A_3229 = arith.mulf %logistic3A_3219, %select_n3A_3142 : vector<96x256xf32>
      %mul3A_3230 = arith.mulf %logistic3A_3212, %tanh3A_3221 : vector<96x256xf32>
      %add3A_3231 = arith.addf %mul3A_3229, %mul3A_3230 : vector<96x256xf32>
      %tanh3A_3232 = math.tanh %add3A_3231 : vector<96x256xf32>
      %mul3A_3233 = arith.mulf %logistic3A_3228, %tanh3A_3232 : vector<96x256xf32>
      %convert_element_type3A_3234 = arith.truncf %mul3A_3233 : vector<96x256xf32> to vector<96x256xbf16>
      %broadcast_in_dim3A_3235 = vector.shape_cast %lt3A_3202 : vector<96x1xi1> to vector<96x1xi1>
      %broadcast_in_dim3A_3236 = vector.broadcast %broadcast_in_dim3A_3235 : vector<96x1xi1> to vector<96x256xi1>
      %select_n3A_3237 = arith.select %broadcast_in_dim3A_3236, %convert_element_type3A_3234, %select_n3A_3139 : vector<96x256xi1>, vector<96x256xbf16>
      %broadcast_in_dim3A_3238 = vector.shape_cast %lt3A_3202 : vector<96x1xi1> to vector<96x1xi1>
      %broadcast_in_dim3A_3239 = vector.broadcast %broadcast_in_dim3A_3238 : vector<96x1xi1> to vector<96x256xi1>
      %select_n3A_3240 = arith.select %broadcast_in_dim3A_3239, %add3A_3231, %select_n3A_3142 : vector<96x256xi1>, vector<96x256xf32>
      %jit3A_3241 = arith.constant 0.000000e+00 : f32
      %broadcast_in_dim3A_3242 = vector.shape_cast %lt3A_3202 : vector<96x1xi1> to vector<96x1xi1>
      %broadcast_in_dim3A_3243 = vector.broadcast %broadcast_in_dim3A_3242 : vector<96x1xi1> to vector<96x256xi1>
      %broadcast_in_dim3A_3244 = vector.broadcast %jit3A_3241 : f32 to vector<96x256xf32>
      %select_n3A_3245 = arith.select %broadcast_in_dim3A_3243, %mul3A_3233, %broadcast_in_dim3A_3244 : vector<96x256xi1>, vector<96x256xf32>
      %add3A_3246 = arith.addf %add3A_3148, %select_n3A_3245 : vector<96x256xf32>
      %mul3A_3247 = arith.constant 8 : i32
      %mul3A_3248 = arith.muli %add3A_2756, %mul3A_3247 : i32
      %add3A_3249 = arith.constant 5 : i32
      %add3A_3250 = arith.addi %mul3A_3248, %add3A_3249 : i32
      %get3A_3251 = arith.constant 480 : index
      %get3A_3252 = arith.constant 0 : index
      %get3A_3253 = vector.load %arg28[%get3A_3251, %get3A_3252] : memref<768x1024xf32, #tpu.memory_space<vmem>>, vector<96x1024xf32>
      %lt3A_3254 = vector.broadcast %add3A_3250 : i32 to vector<96x1xi32>
      %lt3A_3255 = arith.cmpi slt, %lt3A_3254, %get3A_16 : vector<96x1xi32>
      %dot_general3A_3256 = arith.constant dense<0.000000e+00> : vector<96x1024xf32>
      %dot_general3A_3257 = tpu.matmul %convert_element_type3A_3189, %get3A_7, %dot_general3A_3256 {dimension_numbers = #tpu.dot_dimension_numbers<[1], [0], [0], [1], [0, 0, 1, 1], [], []>, transpose_lhs_hint = false} : vector<96x256xbf16>, vector<256x1024xbf16>, vector<96x1024xf32> -> vector<96x1024xf32>
      %add3A_3258 = arith.addf %get3A_3253, %dot_general3A_3257 : vector<96x1024xf32>
      %slice3A_3259 = vector.extract_strided_slice %add3A_3258 {offsets = [0, 0], sizes = [96, 256], strides = [1, 1]} : vector<96x1024xf32> to vector<96x256xf32>
      %logistic3A_3260 = arith.negf %slice3A_3259 : vector<96x256xf32>
      %logistic3A_3261 = math.exp %logistic3A_3260 : vector<96x256xf32>
      %logistic3A_3262 = arith.constant 1.000000e+00 : f32
      %logistic3A_3263 = vector.broadcast %logistic3A_3262 : f32 to vector<96x256xf32>
      %logistic3A_3264 = arith.addf %logistic3A_3263, %logistic3A_3261 : vector<96x256xf32>
      %logistic3A_3265 = arith.divf %logistic3A_3263, %logistic3A_3264 : vector<96x256xf32>
      %slice3A_3266 = vector.extract_strided_slice %add3A_3258 {offsets = [0, 256], sizes = [96, 256], strides = [1, 1]} : vector<96x1024xf32> to vector<96x256xf32>
      %logistic3A_3267 = arith.negf %slice3A_3266 : vector<96x256xf32>
      %logistic3A_3268 = math.exp %logistic3A_3267 : vector<96x256xf32>
      %logistic3A_3269 = arith.constant 1.000000e+00 : f32
      %logistic3A_3270 = vector.broadcast %logistic3A_3269 : f32 to vector<96x256xf32>
      %logistic3A_3271 = arith.addf %logistic3A_3270, %logistic3A_3268 : vector<96x256xf32>
      %logistic3A_3272 = arith.divf %logistic3A_3270, %logistic3A_3271 : vector<96x256xf32>
      %slice3A_3273 = vector.extract_strided_slice %add3A_3258 {offsets = [0, 512], sizes = [96, 256], strides = [1, 1]} : vector<96x1024xf32> to vector<96x256xf32>
      %tanh3A_3274 = math.tanh %slice3A_3273 : vector<96x256xf32>
      %slice3A_3275 = vector.extract_strided_slice %add3A_3258 {offsets = [0, 768], sizes = [96, 256], strides = [1, 1]} : vector<96x1024xf32> to vector<96x256xf32>
      %logistic3A_3276 = arith.negf %slice3A_3275 : vector<96x256xf32>
      %logistic3A_3277 = math.exp %logistic3A_3276 : vector<96x256xf32>
      %logistic3A_3278 = arith.constant 1.000000e+00 : f32
      %logistic3A_3279 = vector.broadcast %logistic3A_3278 : f32 to vector<96x256xf32>
      %logistic3A_3280 = arith.addf %logistic3A_3279, %logistic3A_3277 : vector<96x256xf32>
      %logistic3A_3281 = arith.divf %logistic3A_3279, %logistic3A_3280 : vector<96x256xf32>
      %mul3A_3282 = arith.mulf %logistic3A_3272, %add3A_3186 : vector<96x256xf32>
      %mul3A_3283 = arith.mulf %logistic3A_3265, %tanh3A_3274 : vector<96x256xf32>
      %add3A_3284 = arith.addf %mul3A_3282, %mul3A_3283 : vector<96x256xf32>
      %tanh3A_3285 = math.tanh %add3A_3284 : vector<96x256xf32>
      %mul3A_3286 = arith.mulf %logistic3A_3281, %tanh3A_3285 : vector<96x256xf32>
      %convert_element_type3A_3287 = arith.truncf %mul3A_3286 : vector<96x256xf32> to vector<96x256xbf16>
      %jit3A_3288 = arith.constant 0.000000e+00 : f32
      %broadcast_in_dim3A_3289 = vector.shape_cast %lt3A_3255 : vector<96x1xi1> to vector<96x1xi1>
      %broadcast_in_dim3A_3290 = vector.broadcast %broadcast_in_dim3A_3289 : vector<96x1xi1> to vector<96x256xi1>
      %broadcast_in_dim3A_3291 = vector.broadcast %jit3A_3288 : f32 to vector<96x256xf32>
      %select_n3A_3292 = arith.select %broadcast_in_dim3A_3290, %mul3A_3286, %broadcast_in_dim3A_3291 : vector<96x256xi1>, vector<96x256xf32>
      %add3A_3293 = arith.addf %add3A_3195, %select_n3A_3292 : vector<96x256xf32>
      %sub3A_3294 = arith.constant 95 : i32
      %sub3A_3295 = arith.subi %sub3A_3294, %add3A_3250 : i32
      %get3A_3296 = arith.constant 192 : index
      %get3A_3297 = arith.constant 0 : index
      %get3A_3298 = vector.load %arg30[%get3A_3296, %get3A_3297] : memref<768x1024xf32, #tpu.memory_space<vmem>>, vector<96x1024xf32>
      %lt3A_3299 = vector.broadcast %sub3A_3295 : i32 to vector<96x1xi32>
      %lt3A_3300 = arith.cmpi slt, %lt3A_3299, %get3A_16 : vector<96x1xi32>
      %dot_general3A_3301 = arith.constant dense<0.000000e+00> : vector<96x1024xf32>
      %dot_general3A_3302 = tpu.matmul %select_n3A_3237, %get3A_10, %dot_general3A_3301 {dimension_numbers = #tpu.dot_dimension_numbers<[1], [0], [0], [1], [0, 0, 1, 1], [], []>, transpose_lhs_hint = false} : vector<96x256xbf16>, vector<256x1024xbf16>, vector<96x1024xf32> -> vector<96x1024xf32>
      %add3A_3303 = arith.addf %get3A_3298, %dot_general3A_3302 : vector<96x1024xf32>
      %slice3A_3304 = vector.extract_strided_slice %add3A_3303 {offsets = [0, 0], sizes = [96, 256], strides = [1, 1]} : vector<96x1024xf32> to vector<96x256xf32>
      %logistic3A_3305 = arith.negf %slice3A_3304 : vector<96x256xf32>
      %logistic3A_3306 = math.exp %logistic3A_3305 : vector<96x256xf32>
      %logistic3A_3307 = arith.constant 1.000000e+00 : f32
      %logistic3A_3308 = vector.broadcast %logistic3A_3307 : f32 to vector<96x256xf32>
      %logistic3A_3309 = arith.addf %logistic3A_3308, %logistic3A_3306 : vector<96x256xf32>
      %logistic3A_3310 = arith.divf %logistic3A_3308, %logistic3A_3309 : vector<96x256xf32>
      %slice3A_3311 = vector.extract_strided_slice %add3A_3303 {offsets = [0, 256], sizes = [96, 256], strides = [1, 1]} : vector<96x1024xf32> to vector<96x256xf32>
      %logistic3A_3312 = arith.negf %slice3A_3311 : vector<96x256xf32>
      %logistic3A_3313 = math.exp %logistic3A_3312 : vector<96x256xf32>
      %logistic3A_3314 = arith.constant 1.000000e+00 : f32
      %logistic3A_3315 = vector.broadcast %logistic3A_3314 : f32 to vector<96x256xf32>
      %logistic3A_3316 = arith.addf %logistic3A_3315, %logistic3A_3313 : vector<96x256xf32>
      %logistic3A_3317 = arith.divf %logistic3A_3315, %logistic3A_3316 : vector<96x256xf32>
      %slice3A_3318 = vector.extract_strided_slice %add3A_3303 {offsets = [0, 512], sizes = [96, 256], strides = [1, 1]} : vector<96x1024xf32> to vector<96x256xf32>
      %tanh3A_3319 = math.tanh %slice3A_3318 : vector<96x256xf32>
      %slice3A_3320 = vector.extract_strided_slice %add3A_3303 {offsets = [0, 768], sizes = [96, 256], strides = [1, 1]} : vector<96x1024xf32> to vector<96x256xf32>
      %logistic3A_3321 = arith.negf %slice3A_3320 : vector<96x256xf32>
      %logistic3A_3322 = math.exp %logistic3A_3321 : vector<96x256xf32>
      %logistic3A_3323 = arith.constant 1.000000e+00 : f32
      %logistic3A_3324 = vector.broadcast %logistic3A_3323 : f32 to vector<96x256xf32>
      %logistic3A_3325 = arith.addf %logistic3A_3324, %logistic3A_3322 : vector<96x256xf32>
      %logistic3A_3326 = arith.divf %logistic3A_3324, %logistic3A_3325 : vector<96x256xf32>
      %mul3A_3327 = arith.mulf %logistic3A_3317, %select_n3A_3240 : vector<96x256xf32>
      %mul3A_3328 = arith.mulf %logistic3A_3310, %tanh3A_3319 : vector<96x256xf32>
      %add3A_3329 = arith.addf %mul3A_3327, %mul3A_3328 : vector<96x256xf32>
      %tanh3A_3330 = math.tanh %add3A_3329 : vector<96x256xf32>
      %mul3A_3331 = arith.mulf %logistic3A_3326, %tanh3A_3330 : vector<96x256xf32>
      %convert_element_type3A_3332 = arith.truncf %mul3A_3331 : vector<96x256xf32> to vector<96x256xbf16>
      %broadcast_in_dim3A_3333 = vector.shape_cast %lt3A_3300 : vector<96x1xi1> to vector<96x1xi1>
      %broadcast_in_dim3A_3334 = vector.broadcast %broadcast_in_dim3A_3333 : vector<96x1xi1> to vector<96x256xi1>
      %select_n3A_3335 = arith.select %broadcast_in_dim3A_3334, %convert_element_type3A_3332, %select_n3A_3237 : vector<96x256xi1>, vector<96x256xbf16>
      %broadcast_in_dim3A_3336 = vector.shape_cast %lt3A_3300 : vector<96x1xi1> to vector<96x1xi1>
      %broadcast_in_dim3A_3337 = vector.broadcast %broadcast_in_dim3A_3336 : vector<96x1xi1> to vector<96x256xi1>
      %select_n3A_3338 = arith.select %broadcast_in_dim3A_3337, %add3A_3329, %select_n3A_3240 : vector<96x256xi1>, vector<96x256xf32>
      %jit3A_3339 = arith.constant 0.000000e+00 : f32
      %broadcast_in_dim3A_3340 = vector.shape_cast %lt3A_3300 : vector<96x1xi1> to vector<96x1xi1>
      %broadcast_in_dim3A_3341 = vector.broadcast %broadcast_in_dim3A_3340 : vector<96x1xi1> to vector<96x256xi1>
      %broadcast_in_dim3A_3342 = vector.broadcast %jit3A_3339 : f32 to vector<96x256xf32>
      %select_n3A_3343 = arith.select %broadcast_in_dim3A_3341, %mul3A_3331, %broadcast_in_dim3A_3342 : vector<96x256xi1>, vector<96x256xf32>
      %add3A_3344 = arith.addf %add3A_3246, %select_n3A_3343 : vector<96x256xf32>
      %mul3A_3345 = arith.constant 8 : i32
      %mul3A_3346 = arith.muli %add3A_2756, %mul3A_3345 : i32
      %add3A_3347 = arith.constant 6 : i32
      %add3A_3348 = arith.addi %mul3A_3346, %add3A_3347 : i32
      %get3A_3349 = arith.constant 576 : index
      %get3A_3350 = arith.constant 0 : index
      %get3A_3351 = vector.load %arg28[%get3A_3349, %get3A_3350] : memref<768x1024xf32, #tpu.memory_space<vmem>>, vector<96x1024xf32>
      %lt3A_3352 = vector.broadcast %add3A_3348 : i32 to vector<96x1xi32>
      %lt3A_3353 = arith.cmpi slt, %lt3A_3352, %get3A_16 : vector<96x1xi32>
      %dot_general3A_3354 = arith.constant dense<0.000000e+00> : vector<96x1024xf32>
      %dot_general3A_3355 = tpu.matmul %convert_element_type3A_3287, %get3A_7, %dot_general3A_3354 {dimension_numbers = #tpu.dot_dimension_numbers<[1], [0], [0], [1], [0, 0, 1, 1], [], []>, transpose_lhs_hint = false} : vector<96x256xbf16>, vector<256x1024xbf16>, vector<96x1024xf32> -> vector<96x1024xf32>
      %add3A_3356 = arith.addf %get3A_3351, %dot_general3A_3355 : vector<96x1024xf32>
      %slice3A_3357 = vector.extract_strided_slice %add3A_3356 {offsets = [0, 0], sizes = [96, 256], strides = [1, 1]} : vector<96x1024xf32> to vector<96x256xf32>
      %logistic3A_3358 = arith.negf %slice3A_3357 : vector<96x256xf32>
      %logistic3A_3359 = math.exp %logistic3A_3358 : vector<96x256xf32>
      %logistic3A_3360 = arith.constant 1.000000e+00 : f32
      %logistic3A_3361 = vector.broadcast %logistic3A_3360 : f32 to vector<96x256xf32>
      %logistic3A_3362 = arith.addf %logistic3A_3361, %logistic3A_3359 : vector<96x256xf32>
      %logistic3A_3363 = arith.divf %logistic3A_3361, %logistic3A_3362 : vector<96x256xf32>
      %slice3A_3364 = vector.extract_strided_slice %add3A_3356 {offsets = [0, 256], sizes = [96, 256], strides = [1, 1]} : vector<96x1024xf32> to vector<96x256xf32>
      %logistic3A_3365 = arith.negf %slice3A_3364 : vector<96x256xf32>
      %logistic3A_3366 = math.exp %logistic3A_3365 : vector<96x256xf32>
      %logistic3A_3367 = arith.constant 1.000000e+00 : f32
      %logistic3A_3368 = vector.broadcast %logistic3A_3367 : f32 to vector<96x256xf32>
      %logistic3A_3369 = arith.addf %logistic3A_3368, %logistic3A_3366 : vector<96x256xf32>
      %logistic3A_3370 = arith.divf %logistic3A_3368, %logistic3A_3369 : vector<96x256xf32>
      %slice3A_3371 = vector.extract_strided_slice %add3A_3356 {offsets = [0, 512], sizes = [96, 256], strides = [1, 1]} : vector<96x1024xf32> to vector<96x256xf32>
      %tanh3A_3372 = math.tanh %slice3A_3371 : vector<96x256xf32>
      %slice3A_3373 = vector.extract_strided_slice %add3A_3356 {offsets = [0, 768], sizes = [96, 256], strides = [1, 1]} : vector<96x1024xf32> to vector<96x256xf32>
      %logistic3A_3374 = arith.negf %slice3A_3373 : vector<96x256xf32>
      %logistic3A_3375 = math.exp %logistic3A_3374 : vector<96x256xf32>
      %logistic3A_3376 = arith.constant 1.000000e+00 : f32
      %logistic3A_3377 = vector.broadcast %logistic3A_3376 : f32 to vector<96x256xf32>
      %logistic3A_3378 = arith.addf %logistic3A_3377, %logistic3A_3375 : vector<96x256xf32>
      %logistic3A_3379 = arith.divf %logistic3A_3377, %logistic3A_3378 : vector<96x256xf32>
      %mul3A_3380 = arith.mulf %logistic3A_3370, %add3A_3284 : vector<96x256xf32>
      %mul3A_3381 = arith.mulf %logistic3A_3363, %tanh3A_3372 : vector<96x256xf32>
      %add3A_3382 = arith.addf %mul3A_3380, %mul3A_3381 : vector<96x256xf32>
      %tanh3A_3383 = math.tanh %add3A_3382 : vector<96x256xf32>
      %mul3A_3384 = arith.mulf %logistic3A_3379, %tanh3A_3383 : vector<96x256xf32>
      %convert_element_type3A_3385 = arith.truncf %mul3A_3384 : vector<96x256xf32> to vector<96x256xbf16>
      %jit3A_3386 = arith.constant 0.000000e+00 : f32
      %broadcast_in_dim3A_3387 = vector.shape_cast %lt3A_3353 : vector<96x1xi1> to vector<96x1xi1>
      %broadcast_in_dim3A_3388 = vector.broadcast %broadcast_in_dim3A_3387 : vector<96x1xi1> to vector<96x256xi1>
      %broadcast_in_dim3A_3389 = vector.broadcast %jit3A_3386 : f32 to vector<96x256xf32>
      %select_n3A_3390 = arith.select %broadcast_in_dim3A_3388, %mul3A_3384, %broadcast_in_dim3A_3389 : vector<96x256xi1>, vector<96x256xf32>
      %add3A_3391 = arith.addf %add3A_3293, %select_n3A_3390 : vector<96x256xf32>
      %sub3A_3392 = arith.constant 95 : i32
      %sub3A_3393 = arith.subi %sub3A_3392, %add3A_3348 : i32
      %get3A_3394 = arith.constant 96 : index
      %get3A_3395 = arith.constant 0 : index
      %get3A_3396 = vector.load %arg30[%get3A_3394, %get3A_3395] : memref<768x1024xf32, #tpu.memory_space<vmem>>, vector<96x1024xf32>
      %lt3A_3397 = vector.broadcast %sub3A_3393 : i32 to vector<96x1xi32>
      %lt3A_3398 = arith.cmpi slt, %lt3A_3397, %get3A_16 : vector<96x1xi32>
      %dot_general3A_3399 = arith.constant dense<0.000000e+00> : vector<96x1024xf32>
      %dot_general3A_3400 = tpu.matmul %select_n3A_3335, %get3A_10, %dot_general3A_3399 {dimension_numbers = #tpu.dot_dimension_numbers<[1], [0], [0], [1], [0, 0, 1, 1], [], []>, transpose_lhs_hint = false} : vector<96x256xbf16>, vector<256x1024xbf16>, vector<96x1024xf32> -> vector<96x1024xf32>
      %add3A_3401 = arith.addf %get3A_3396, %dot_general3A_3400 : vector<96x1024xf32>
      %slice3A_3402 = vector.extract_strided_slice %add3A_3401 {offsets = [0, 0], sizes = [96, 256], strides = [1, 1]} : vector<96x1024xf32> to vector<96x256xf32>
      %logistic3A_3403 = arith.negf %slice3A_3402 : vector<96x256xf32>
      %logistic3A_3404 = math.exp %logistic3A_3403 : vector<96x256xf32>
      %logistic3A_3405 = arith.constant 1.000000e+00 : f32
      %logistic3A_3406 = vector.broadcast %logistic3A_3405 : f32 to vector<96x256xf32>
      %logistic3A_3407 = arith.addf %logistic3A_3406, %logistic3A_3404 : vector<96x256xf32>
      %logistic3A_3408 = arith.divf %logistic3A_3406, %logistic3A_3407 : vector<96x256xf32>
      %slice3A_3409 = vector.extract_strided_slice %add3A_3401 {offsets = [0, 256], sizes = [96, 256], strides = [1, 1]} : vector<96x1024xf32> to vector<96x256xf32>
      %logistic3A_3410 = arith.negf %slice3A_3409 : vector<96x256xf32>
      %logistic3A_3411 = math.exp %logistic3A_3410 : vector<96x256xf32>
      %logistic3A_3412 = arith.constant 1.000000e+00 : f32
      %logistic3A_3413 = vector.broadcast %logistic3A_3412 : f32 to vector<96x256xf32>
      %logistic3A_3414 = arith.addf %logistic3A_3413, %logistic3A_3411 : vector<96x256xf32>
      %logistic3A_3415 = arith.divf %logistic3A_3413, %logistic3A_3414 : vector<96x256xf32>
      %slice3A_3416 = vector.extract_strided_slice %add3A_3401 {offsets = [0, 512], sizes = [96, 256], strides = [1, 1]} : vector<96x1024xf32> to vector<96x256xf32>
      %tanh3A_3417 = math.tanh %slice3A_3416 : vector<96x256xf32>
      %slice3A_3418 = vector.extract_strided_slice %add3A_3401 {offsets = [0, 768], sizes = [96, 256], strides = [1, 1]} : vector<96x1024xf32> to vector<96x256xf32>
      %logistic3A_3419 = arith.negf %slice3A_3418 : vector<96x256xf32>
      %logistic3A_3420 = math.exp %logistic3A_3419 : vector<96x256xf32>
      %logistic3A_3421 = arith.constant 1.000000e+00 : f32
      %logistic3A_3422 = vector.broadcast %logistic3A_3421 : f32 to vector<96x256xf32>
      %logistic3A_3423 = arith.addf %logistic3A_3422, %logistic3A_3420 : vector<96x256xf32>
      %logistic3A_3424 = arith.divf %logistic3A_3422, %logistic3A_3423 : vector<96x256xf32>
      %mul3A_3425 = arith.mulf %logistic3A_3415, %select_n3A_3338 : vector<96x256xf32>
      %mul3A_3426 = arith.mulf %logistic3A_3408, %tanh3A_3417 : vector<96x256xf32>
      %add3A_3427 = arith.addf %mul3A_3425, %mul3A_3426 : vector<96x256xf32>
      %tanh3A_3428 = math.tanh %add3A_3427 : vector<96x256xf32>
      %mul3A_3429 = arith.mulf %logistic3A_3424, %tanh3A_3428 : vector<96x256xf32>
      %convert_element_type3A_3430 = arith.truncf %mul3A_3429 : vector<96x256xf32> to vector<96x256xbf16>
      %broadcast_in_dim3A_3431 = vector.shape_cast %lt3A_3398 : vector<96x1xi1> to vector<96x1xi1>
      %broadcast_in_dim3A_3432 = vector.broadcast %broadcast_in_dim3A_3431 : vector<96x1xi1> to vector<96x256xi1>
      %select_n3A_3433 = arith.select %broadcast_in_dim3A_3432, %convert_element_type3A_3430, %select_n3A_3335 : vector<96x256xi1>, vector<96x256xbf16>
      %broadcast_in_dim3A_3434 = vector.shape_cast %lt3A_3398 : vector<96x1xi1> to vector<96x1xi1>
      %broadcast_in_dim3A_3435 = vector.broadcast %broadcast_in_dim3A_3434 : vector<96x1xi1> to vector<96x256xi1>
      %select_n3A_3436 = arith.select %broadcast_in_dim3A_3435, %add3A_3427, %select_n3A_3338 : vector<96x256xi1>, vector<96x256xf32>
      %jit3A_3437 = arith.constant 0.000000e+00 : f32
      %broadcast_in_dim3A_3438 = vector.shape_cast %lt3A_3398 : vector<96x1xi1> to vector<96x1xi1>
      %broadcast_in_dim3A_3439 = vector.broadcast %broadcast_in_dim3A_3438 : vector<96x1xi1> to vector<96x256xi1>
      %broadcast_in_dim3A_3440 = vector.broadcast %jit3A_3437 : f32 to vector<96x256xf32>
      %select_n3A_3441 = arith.select %broadcast_in_dim3A_3439, %mul3A_3429, %broadcast_in_dim3A_3440 : vector<96x256xi1>, vector<96x256xf32>
      %add3A_3442 = arith.addf %add3A_3344, %select_n3A_3441 : vector<96x256xf32>
      %mul3A_3443 = arith.constant 8 : i32
      %mul3A_3444 = arith.muli %add3A_2756, %mul3A_3443 : i32
      %add3A_3445 = arith.constant 7 : i32
      %add3A_3446 = arith.addi %mul3A_3444, %add3A_3445 : i32
      %get3A_3447 = arith.constant 672 : index
      %get3A_3448 = arith.constant 0 : index
      %get3A_3449 = vector.load %arg28[%get3A_3447, %get3A_3448] : memref<768x1024xf32, #tpu.memory_space<vmem>>, vector<96x1024xf32>
      %lt3A_3450 = vector.broadcast %add3A_3446 : i32 to vector<96x1xi32>
      %lt3A_3451 = arith.cmpi slt, %lt3A_3450, %get3A_16 : vector<96x1xi32>
      %dot_general3A_3452 = arith.constant dense<0.000000e+00> : vector<96x1024xf32>
      %dot_general3A_3453 = tpu.matmul %convert_element_type3A_3385, %get3A_7, %dot_general3A_3452 {dimension_numbers = #tpu.dot_dimension_numbers<[1], [0], [0], [1], [0, 0, 1, 1], [], []>, transpose_lhs_hint = false} : vector<96x256xbf16>, vector<256x1024xbf16>, vector<96x1024xf32> -> vector<96x1024xf32>
      %add3A_3454 = arith.addf %get3A_3449, %dot_general3A_3453 : vector<96x1024xf32>
      %slice3A_3455 = vector.extract_strided_slice %add3A_3454 {offsets = [0, 0], sizes = [96, 256], strides = [1, 1]} : vector<96x1024xf32> to vector<96x256xf32>
      %logistic3A_3456 = arith.negf %slice3A_3455 : vector<96x256xf32>
      %logistic3A_3457 = math.exp %logistic3A_3456 : vector<96x256xf32>
      %logistic3A_3458 = arith.constant 1.000000e+00 : f32
      %logistic3A_3459 = vector.broadcast %logistic3A_3458 : f32 to vector<96x256xf32>
      %logistic3A_3460 = arith.addf %logistic3A_3459, %logistic3A_3457 : vector<96x256xf32>
      %logistic3A_3461 = arith.divf %logistic3A_3459, %logistic3A_3460 : vector<96x256xf32>
      %slice3A_3462 = vector.extract_strided_slice %add3A_3454 {offsets = [0, 256], sizes = [96, 256], strides = [1, 1]} : vector<96x1024xf32> to vector<96x256xf32>
      %logistic3A_3463 = arith.negf %slice3A_3462 : vector<96x256xf32>
      %logistic3A_3464 = math.exp %logistic3A_3463 : vector<96x256xf32>
      %logistic3A_3465 = arith.constant 1.000000e+00 : f32
      %logistic3A_3466 = vector.broadcast %logistic3A_3465 : f32 to vector<96x256xf32>
      %logistic3A_3467 = arith.addf %logistic3A_3466, %logistic3A_3464 : vector<96x256xf32>
      %logistic3A_3468 = arith.divf %logistic3A_3466, %logistic3A_3467 : vector<96x256xf32>
      %slice3A_3469 = vector.extract_strided_slice %add3A_3454 {offsets = [0, 512], sizes = [96, 256], strides = [1, 1]} : vector<96x1024xf32> to vector<96x256xf32>
      %tanh3A_3470 = math.tanh %slice3A_3469 : vector<96x256xf32>
      %slice3A_3471 = vector.extract_strided_slice %add3A_3454 {offsets = [0, 768], sizes = [96, 256], strides = [1, 1]} : vector<96x1024xf32> to vector<96x256xf32>
      %logistic3A_3472 = arith.negf %slice3A_3471 : vector<96x256xf32>
      %logistic3A_3473 = math.exp %logistic3A_3472 : vector<96x256xf32>
      %logistic3A_3474 = arith.constant 1.000000e+00 : f32
      %logistic3A_3475 = vector.broadcast %logistic3A_3474 : f32 to vector<96x256xf32>
      %logistic3A_3476 = arith.addf %logistic3A_3475, %logistic3A_3473 : vector<96x256xf32>
      %logistic3A_3477 = arith.divf %logistic3A_3475, %logistic3A_3476 : vector<96x256xf32>
      %mul3A_3478 = arith.mulf %logistic3A_3468, %add3A_3382 : vector<96x256xf32>
      %mul3A_3479 = arith.mulf %logistic3A_3461, %tanh3A_3470 : vector<96x256xf32>
      %add3A_3480 = arith.addf %mul3A_3478, %mul3A_3479 : vector<96x256xf32>
      %tanh3A_3481 = math.tanh %add3A_3480 : vector<96x256xf32>
      %mul3A_3482 = arith.mulf %logistic3A_3477, %tanh3A_3481 : vector<96x256xf32>
      %convert_element_type3A_3483 = arith.truncf %mul3A_3482 : vector<96x256xf32> to vector<96x256xbf16>
      %jit3A_3484 = arith.constant 0.000000e+00 : f32
      %broadcast_in_dim3A_3485 = vector.shape_cast %lt3A_3451 : vector<96x1xi1> to vector<96x1xi1>
      %broadcast_in_dim3A_3486 = vector.broadcast %broadcast_in_dim3A_3485 : vector<96x1xi1> to vector<96x256xi1>
      %broadcast_in_dim3A_3487 = vector.broadcast %jit3A_3484 : f32 to vector<96x256xf32>
      %select_n3A_3488 = arith.select %broadcast_in_dim3A_3486, %mul3A_3482, %broadcast_in_dim3A_3487 : vector<96x256xi1>, vector<96x256xf32>
      %add3A_3489 = arith.addf %add3A_3391, %select_n3A_3488 : vector<96x256xf32>
      %sub3A_3490 = arith.constant 95 : i32
      %sub3A_3491 = arith.subi %sub3A_3490, %add3A_3446 : i32
      %get3A_3492 = arith.constant 0 : index
      %get3A_3493 = arith.constant 0 : index
      %get3A_3494 = vector.load %arg30[%get3A_3492, %get3A_3493] : memref<768x1024xf32, #tpu.memory_space<vmem>>, vector<96x1024xf32>
      %lt3A_3495 = vector.broadcast %sub3A_3491 : i32 to vector<96x1xi32>
      %lt3A_3496 = arith.cmpi slt, %lt3A_3495, %get3A_16 : vector<96x1xi32>
      %dot_general3A_3497 = arith.constant dense<0.000000e+00> : vector<96x1024xf32>
      %dot_general3A_3498 = tpu.matmul %select_n3A_3433, %get3A_10, %dot_general3A_3497 {dimension_numbers = #tpu.dot_dimension_numbers<[1], [0], [0], [1], [0, 0, 1, 1], [], []>, transpose_lhs_hint = false} : vector<96x256xbf16>, vector<256x1024xbf16>, vector<96x1024xf32> -> vector<96x1024xf32>
      %add3A_3499 = arith.addf %get3A_3494, %dot_general3A_3498 : vector<96x1024xf32>
      %slice3A_3500 = vector.extract_strided_slice %add3A_3499 {offsets = [0, 0], sizes = [96, 256], strides = [1, 1]} : vector<96x1024xf32> to vector<96x256xf32>
      %logistic3A_3501 = arith.negf %slice3A_3500 : vector<96x256xf32>
      %logistic3A_3502 = math.exp %logistic3A_3501 : vector<96x256xf32>
      %logistic3A_3503 = arith.constant 1.000000e+00 : f32
      %logistic3A_3504 = vector.broadcast %logistic3A_3503 : f32 to vector<96x256xf32>
      %logistic3A_3505 = arith.addf %logistic3A_3504, %logistic3A_3502 : vector<96x256xf32>
      %logistic3A_3506 = arith.divf %logistic3A_3504, %logistic3A_3505 : vector<96x256xf32>
      %slice3A_3507 = vector.extract_strided_slice %add3A_3499 {offsets = [0, 256], sizes = [96, 256], strides = [1, 1]} : vector<96x1024xf32> to vector<96x256xf32>
      %logistic3A_3508 = arith.negf %slice3A_3507 : vector<96x256xf32>
      %logistic3A_3509 = math.exp %logistic3A_3508 : vector<96x256xf32>
      %logistic3A_3510 = arith.constant 1.000000e+00 : f32
      %logistic3A_3511 = vector.broadcast %logistic3A_3510 : f32 to vector<96x256xf32>
      %logistic3A_3512 = arith.addf %logistic3A_3511, %logistic3A_3509 : vector<96x256xf32>
      %logistic3A_3513 = arith.divf %logistic3A_3511, %logistic3A_3512 : vector<96x256xf32>
      %slice3A_3514 = vector.extract_strided_slice %add3A_3499 {offsets = [0, 512], sizes = [96, 256], strides = [1, 1]} : vector<96x1024xf32> to vector<96x256xf32>
      %tanh3A_3515 = math.tanh %slice3A_3514 : vector<96x256xf32>
      %slice3A_3516 = vector.extract_strided_slice %add3A_3499 {offsets = [0, 768], sizes = [96, 256], strides = [1, 1]} : vector<96x1024xf32> to vector<96x256xf32>
      %logistic3A_3517 = arith.negf %slice3A_3516 : vector<96x256xf32>
      %logistic3A_3518 = math.exp %logistic3A_3517 : vector<96x256xf32>
      %logistic3A_3519 = arith.constant 1.000000e+00 : f32
      %logistic3A_3520 = vector.broadcast %logistic3A_3519 : f32 to vector<96x256xf32>
      %logistic3A_3521 = arith.addf %logistic3A_3520, %logistic3A_3518 : vector<96x256xf32>
      %logistic3A_3522 = arith.divf %logistic3A_3520, %logistic3A_3521 : vector<96x256xf32>
      %mul3A_3523 = arith.mulf %logistic3A_3513, %select_n3A_3436 : vector<96x256xf32>
      %mul3A_3524 = arith.mulf %logistic3A_3506, %tanh3A_3515 : vector<96x256xf32>
      %add3A_3525 = arith.addf %mul3A_3523, %mul3A_3524 : vector<96x256xf32>
      %tanh3A_3526 = math.tanh %add3A_3525 : vector<96x256xf32>
      %mul3A_3527 = arith.mulf %logistic3A_3522, %tanh3A_3526 : vector<96x256xf32>
      %convert_element_type3A_3528 = arith.truncf %mul3A_3527 : vector<96x256xf32> to vector<96x256xbf16>
      %broadcast_in_dim3A_3529 = vector.shape_cast %lt3A_3496 : vector<96x1xi1> to vector<96x1xi1>
      %broadcast_in_dim3A_3530 = vector.broadcast %broadcast_in_dim3A_3529 : vector<96x1xi1> to vector<96x256xi1>
      %select_n3A_3531 = arith.select %broadcast_in_dim3A_3530, %convert_element_type3A_3528, %select_n3A_3433 : vector<96x256xi1>, vector<96x256xbf16>
      %broadcast_in_dim3A_3532 = vector.shape_cast %lt3A_3496 : vector<96x1xi1> to vector<96x1xi1>
      %broadcast_in_dim3A_3533 = vector.broadcast %broadcast_in_dim3A_3532 : vector<96x1xi1> to vector<96x256xi1>
      %select_n3A_3534 = arith.select %broadcast_in_dim3A_3533, %add3A_3525, %select_n3A_3436 : vector<96x256xi1>, vector<96x256xf32>
      %jit3A_3535 = arith.constant 0.000000e+00 : f32
      %broadcast_in_dim3A_3536 = vector.shape_cast %lt3A_3496 : vector<96x1xi1> to vector<96x1xi1>
      %broadcast_in_dim3A_3537 = vector.broadcast %broadcast_in_dim3A_3536 : vector<96x1xi1> to vector<96x256xi1>
      %broadcast_in_dim3A_3538 = vector.broadcast %jit3A_3535 : f32 to vector<96x256xf32>
      %select_n3A_3539 = arith.select %broadcast_in_dim3A_3537, %mul3A_3527, %broadcast_in_dim3A_3538 : vector<96x256xi1>, vector<96x256xf32>
      %add3A_3540 = arith.addf %add3A_3442, %select_n3A_3539 : vector<96x256xf32>
      scf.yield %convert_element_type3A_2697, %add3A_2694, %add3A_2703, %select_n3A_2745, %select_n3A_2748, %add3A_2754, %convert_element_type3A_3483, %add3A_3480, %add3A_3489, %select_n3A_3531, %select_n3A_3534, %add3A_3540 : vector<48x256xbf16>, vector<48x256xf32>, vector<48x256xf32>, vector<48x256xbf16>, vector<48x256xf32>, vector<48x256xf32>, vector<96x256xbf16>, vector<96x256xf32>, vector<96x256xf32>, vector<96x256xbf16>, vector<96x256xf32>, vector<96x256xf32>
    }
    %scan3A_96 = arith.constant 6 : i32
    %scan3A_97 = arith.constant 6 : i32
    %scan3A_98 = arith.constant 10 : i32
    %scan3A_99 = arith.addi %scan3A_97, %scan3A_98 : i32
    %scan3A_100 = arith.constant 1 : i32
    %scan3A_101:6 = scf.for %scan3A_213 = %scan3A_97 to %scan3A_99 step %scan3A_100 iter_args(%scan3A_214 = %scan3A_95#0, %scan3A_215 = %scan3A_95#1, %scan3A_216 = %scan3A_95#2, %scan3A_217 = %scan3A_95#3, %scan3A_218 = %scan3A_95#4, %scan3A_219 = %scan3A_95#5) -> (vector<48x256xbf16>, vector<48x256xf32>, vector<48x256xf32>, vector<48x256xbf16>, vector<48x256xf32>, vector<48x256xf32>)  : i32 {
      %mul3A = arith.constant 2 : i32
      %mul3A_220 = arith.muli %mul3A, %scan3A_213 : i32
      %add3A_221 = arith.constant 1 : i32
      %add3A_222 = arith.addi %mul3A_220, %add3A_221 : i32
      %mul3A_223 = arith.constant 8 : i32
      %mul3A_224 = arith.muli %add3A_222, %mul3A_223 : i32
      %get3A_225 = arith.index_cast %mul3A_224 : i32 to index
      %get3A_226 = arith.constant 0 : index
      %get3A_227 = arith.constant 0 : index
      %get3A_228 = vector.load %arg0[%get3A_225, %get3A_226, %get3A_227] : memref<256x48x256xbf16, #tpu.memory_space<vmem>>, vector<8x48x256xbf16>
      %reshape3A_229 = vector.shape_cast %get3A_228 : vector<8x48x256xbf16> to vector<384x256xbf16>
      %get3A_230 = arith.constant 0 : index
      %get3A_231 = arith.constant 0 : index
      %get3A_232 = vector.load %arg6[%get3A_230, %get3A_231] : memref<256x1024xbf16, #tpu.memory_space<vmem>>, vector<256x1024xbf16>
      %dot_general3A_233 = arith.constant dense<0.000000e+00> : vector<384x1024xf32>
      %dot_general3A_234 = tpu.matmul %reshape3A_229, %get3A_232, %dot_general3A_233 {dimension_numbers = #tpu.dot_dimension_numbers<[1], [0], [0], [1], [0, 0, 1, 1], [], []>, transpose_lhs_hint = false} : vector<384x256xbf16>, vector<256x1024xbf16>, vector<384x1024xf32> -> vector<384x1024xf32>
      %get3A_235 = arith.constant 0 : index
      %get3A_236 = arith.constant 0 : index
      %get3A_237 = vector.load %arg8[%get3A_235, %get3A_236] : memref<1x1024xf32, #tpu.memory_space<vmem>>, vector<1x1024xf32>
      %add3A_238 = vector.broadcast %get3A_237 : vector<1x1024xf32> to vector<384x1024xf32>
      %add3A_239 = arith.addf %dot_general3A_234, %add3A_238 : vector<384x1024xf32>
      %swap3A_240 = arith.constant 0 : index
      %swap3A_241 = arith.constant 0 : index
      %swap3A_242 = vector.load %arg24[%swap3A_240, %swap3A_241] : memref<384x1024xf32, #tpu.memory_space<vmem>>, vector<384x1024xf32>
      tpu.vector_store %arg24[%swap3A_240, %swap3A_241], %add3A_239 {strides = array<i32>} : memref<384x1024xf32, #tpu.memory_space<vmem>>, vector<384x1024xf32>,
      %mul3A_243 = arith.constant 8 : i32
      %mul3A_244 = arith.muli %add3A_222, %mul3A_243 : i32
      %sub3A = arith.constant 248 : i32
      %sub3A_245 = arith.subi %sub3A, %mul3A_244 : i32
      %get3A_246 = arith.index_cast %sub3A_245 : i32 to index
      %get3A_247 = arith.constant 0 : index
      %get3A_248 = arith.constant 0 : index
      %get3A_249 = vector.load %arg0[%get3A_246, %get3A_247, %get3A_248] : memref<256x48x256xbf16, #tpu.memory_space<vmem>>, vector<8x48x256xbf16>
      %reshape3A_250 = vector.shape_cast %get3A_249 : vector<8x48x256xbf16> to vector<384x256xbf16>
      %get3A_251 = arith.constant 0 : index
      %get3A_252 = arith.constant 0 : index
      %get3A_253 = vector.load %arg9[%get3A_251, %get3A_252] : memref<256x1024xbf16, #tpu.memory_space<vmem>>, vector<256x1024xbf16>
      %dot_general3A_254 = arith.constant dense<0.000000e+00> : vector<384x1024xf32>
      %dot_general3A_255 = tpu.matmul %reshape3A_250, %get3A_253, %dot_general3A_254 {dimension_numbers = #tpu.dot_dimension_numbers<[1], [0], [0], [1], [0, 0, 1, 1], [], []>, transpose_lhs_hint = false} : vector<384x256xbf16>, vector<256x1024xbf16>, vector<384x1024xf32> -> vector<384x1024xf32>
      %get3A_256 = arith.constant 0 : index
      %get3A_257 = arith.constant 0 : index
      %get3A_258 = vector.load %arg11[%get3A_256, %get3A_257] : memref<1x1024xf32, #tpu.memory_space<vmem>>, vector<1x1024xf32>
      %add3A_259 = vector.broadcast %get3A_258 : vector<1x1024xf32> to vector<384x1024xf32>
      %add3A_260 = arith.addf %dot_general3A_255, %add3A_259 : vector<384x1024xf32>
      %swap3A_261 = arith.constant 0 : index
      %swap3A_262 = arith.constant 0 : index
      %swap3A_263 = vector.load %arg26[%swap3A_261, %swap3A_262] : memref<384x1024xf32, #tpu.memory_space<vmem>>, vector<384x1024xf32>
      tpu.vector_store %arg26[%swap3A_261, %swap3A_262], %add3A_260 {strides = array<i32>} : memref<384x1024xf32, #tpu.memory_space<vmem>>, vector<384x1024xf32>,
      %mul3A_264 = arith.constant 8 : i32
      %mul3A_265 = arith.muli %mul3A_220, %mul3A_264 : i32
      %add3A_266 = arith.constant 0 : i32
      %add3A_267 = arith.addi %mul3A_265, %add3A_266 : i32
      %get3A_268 = arith.constant 0 : index
      %get3A_269 = arith.constant 0 : index
      %get3A_270 = vector.load %arg23[%get3A_268, %get3A_269] : memref<384x1024xf32, #tpu.memory_space<vmem>>, vector<48x1024xf32>
      %lt3A = vector.broadcast %add3A_267 : i32 to vector<48x1xi32>
      %lt3A_271 = arith.cmpi slt, %lt3A, %get3A_13 : vector<48x1xi32>
      %dot_general3A_272 = arith.constant dense<0.000000e+00> : vector<48x1024xf32>
      %dot_general3A_273 = tpu.matmul %scan3A_214, %get3A_1, %dot_general3A_272 {dimension_numbers = #tpu.dot_dimension_numbers<[1], [0], [0], [1], [0, 0, 1, 1], [], []>, transpose_lhs_hint = false} : vector<48x256xbf16>, vector<256x1024xbf16>, vector<48x1024xf32> -> vector<48x1024xf32>
      %add3A_274 = arith.addf %get3A_270, %dot_general3A_273 : vector<48x1024xf32>
      %slice3A_275 = vector.extract_strided_slice %add3A_274 {offsets = [0, 0], sizes = [48, 256], strides = [1, 1]} : vector<48x1024xf32> to vector<48x256xf32>
      %logistic3A = arith.negf %slice3A_275 : vector<48x256xf32>
      %logistic3A_276 = math.exp %logistic3A : vector<48x256xf32>
      %logistic3A_277 = arith.constant 1.000000e+00 : f32
      %logistic3A_278 = vector.broadcast %logistic3A_277 : f32 to vector<48x256xf32>
      %logistic3A_279 = arith.addf %logistic3A_278, %logistic3A_276 : vector<48x256xf32>
      %logistic3A_280 = arith.divf %logistic3A_278, %logistic3A_279 : vector<48x256xf32>
      %slice3A_281 = vector.extract_strided_slice %add3A_274 {offsets = [0, 256], sizes = [48, 256], strides = [1, 1]} : vector<48x1024xf32> to vector<48x256xf32>
      %logistic3A_282 = arith.negf %slice3A_281 : vector<48x256xf32>
      %logistic3A_283 = math.exp %logistic3A_282 : vector<48x256xf32>
      %logistic3A_284 = arith.constant 1.000000e+00 : f32
      %logistic3A_285 = vector.broadcast %logistic3A_284 : f32 to vector<48x256xf32>
      %logistic3A_286 = arith.addf %logistic3A_285, %logistic3A_283 : vector<48x256xf32>
      %logistic3A_287 = arith.divf %logistic3A_285, %logistic3A_286 : vector<48x256xf32>
      %slice3A_288 = vector.extract_strided_slice %add3A_274 {offsets = [0, 512], sizes = [48, 256], strides = [1, 1]} : vector<48x1024xf32> to vector<48x256xf32>
      %tanh3A_289 = math.tanh %slice3A_288 : vector<48x256xf32>
      %slice3A_290 = vector.extract_strided_slice %add3A_274 {offsets = [0, 768], sizes = [48, 256], strides = [1, 1]} : vector<48x1024xf32> to vector<48x256xf32>
      %logistic3A_291 = arith.negf %slice3A_290 : vector<48x256xf32>
      %logistic3A_292 = math.exp %logistic3A_291 : vector<48x256xf32>
      %logistic3A_293 = arith.constant 1.000000e+00 : f32
      %logistic3A_294 = vector.broadcast %logistic3A_293 : f32 to vector<48x256xf32>
      %logistic3A_295 = arith.addf %logistic3A_294, %logistic3A_292 : vector<48x256xf32>
      %logistic3A_296 = arith.divf %logistic3A_294, %logistic3A_295 : vector<48x256xf32>
      %mul3A_297 = arith.mulf %logistic3A_287, %scan3A_215 : vector<48x256xf32>
      %mul3A_298 = arith.mulf %logistic3A_280, %tanh3A_289 : vector<48x256xf32>
      %add3A_299 = arith.addf %mul3A_297, %mul3A_298 : vector<48x256xf32>
      %tanh3A_300 = math.tanh %add3A_299 : vector<48x256xf32>
      %mul3A_301 = arith.mulf %logistic3A_296, %tanh3A_300 : vector<48x256xf32>
      %convert_element_type3A_302 = arith.truncf %mul3A_301 : vector<48x256xf32> to vector<48x256xbf16>
      %jit3A = arith.constant 0.000000e+00 : f32
      %broadcast_in_dim3A_303 = vector.shape_cast %lt3A_271 : vector<48x1xi1> to vector<48x1xi1>
      %broadcast_in_dim3A_304 = vector.broadcast %broadcast_in_dim3A_303 : vector<48x1xi1> to vector<48x256xi1>
      %broadcast_in_dim3A_305 = vector.broadcast %jit3A : f32 to vector<48x256xf32>
      %select_n3A = arith.select %broadcast_in_dim3A_304, %mul3A_301, %broadcast_in_dim3A_305 : vector<48x256xi1>, vector<48x256xf32>
      %add3A_306 = arith.addf %scan3A_216, %select_n3A : vector<48x256xf32>
      %sub3A_307 = arith.constant 255 : i32
      %sub3A_308 = arith.subi %sub3A_307, %add3A_267 : i32
      %get3A_309 = arith.constant 336 : index
      %get3A_310 = arith.constant 0 : index
      %get3A_311 = vector.load %arg25[%get3A_309, %get3A_310] : memref<384x1024xf32, #tpu.memory_space<vmem>>, vector<48x1024xf32>
      %lt3A_312 = vector.broadcast %sub3A_308 : i32 to vector<48x1xi32>
      %lt3A_313 = arith.cmpi slt, %lt3A_312, %get3A_13 : vector<48x1xi32>
      %dot_general3A_314 = arith.constant dense<0.000000e+00> : vector<48x1024xf32>
      %dot_general3A_315 = tpu.matmul %scan3A_217, %get3A_4, %dot_general3A_314 {dimension_numbers = #tpu.dot_dimension_numbers<[1], [0], [0], [1], [0, 0, 1, 1], [], []>, transpose_lhs_hint = false} : vector<48x256xbf16>, vector<256x1024xbf16>, vector<48x1024xf32> -> vector<48x1024xf32>
      %add3A_316 = arith.addf %get3A_311, %dot_general3A_315 : vector<48x1024xf32>
      %slice3A_317 = vector.extract_strided_slice %add3A_316 {offsets = [0, 0], sizes = [48, 256], strides = [1, 1]} : vector<48x1024xf32> to vector<48x256xf32>
      %logistic3A_318 = arith.negf %slice3A_317 : vector<48x256xf32>
      %logistic3A_319 = math.exp %logistic3A_318 : vector<48x256xf32>
      %logistic3A_320 = arith.constant 1.000000e+00 : f32
      %logistic3A_321 = vector.broadcast %logistic3A_320 : f32 to vector<48x256xf32>
      %logistic3A_322 = arith.addf %logistic3A_321, %logistic3A_319 : vector<48x256xf32>
      %logistic3A_323 = arith.divf %logistic3A_321, %logistic3A_322 : vector<48x256xf32>
      %slice3A_324 = vector.extract_strided_slice %add3A_316 {offsets = [0, 256], sizes = [48, 256], strides = [1, 1]} : vector<48x1024xf32> to vector<48x256xf32>
      %logistic3A_325 = arith.negf %slice3A_324 : vector<48x256xf32>
      %logistic3A_326 = math.exp %logistic3A_325 : vector<48x256xf32>
      %logistic3A_327 = arith.constant 1.000000e+00 : f32
      %logistic3A_328 = vector.broadcast %logistic3A_327 : f32 to vector<48x256xf32>
      %logistic3A_329 = arith.addf %logistic3A_328, %logistic3A_326 : vector<48x256xf32>
      %logistic3A_330 = arith.divf %logistic3A_328, %logistic3A_329 : vector<48x256xf32>
      %slice3A_331 = vector.extract_strided_slice %add3A_316 {offsets = [0, 512], sizes = [48, 256], strides = [1, 1]} : vector<48x1024xf32> to vector<48x256xf32>
      %tanh3A_332 = math.tanh %slice3A_331 : vector<48x256xf32>
      %slice3A_333 = vector.extract_strided_slice %add3A_316 {offsets = [0, 768], sizes = [48, 256], strides = [1, 1]} : vector<48x1024xf32> to vector<48x256xf32>
      %logistic3A_334 = arith.negf %slice3A_333 : vector<48x256xf32>
      %logistic3A_335 = math.exp %logistic3A_334 : vector<48x256xf32>
      %logistic3A_336 = arith.constant 1.000000e+00 : f32
      %logistic3A_337 = vector.broadcast %logistic3A_336 : f32 to vector<48x256xf32>
      %logistic3A_338 = arith.addf %logistic3A_337, %logistic3A_335 : vector<48x256xf32>
      %logistic3A_339 = arith.divf %logistic3A_337, %logistic3A_338 : vector<48x256xf32>
      %mul3A_340 = arith.mulf %logistic3A_330, %scan3A_218 : vector<48x256xf32>
      %mul3A_341 = arith.mulf %logistic3A_323, %tanh3A_332 : vector<48x256xf32>
      %add3A_342 = arith.addf %mul3A_340, %mul3A_341 : vector<48x256xf32>
      %tanh3A_343 = math.tanh %add3A_342 : vector<48x256xf32>
      %mul3A_344 = arith.mulf %logistic3A_339, %tanh3A_343 : vector<48x256xf32>
      %convert_element_type3A_345 = arith.truncf %mul3A_344 : vector<48x256xf32> to vector<48x256xbf16>
      %broadcast_in_dim3A_346 = vector.shape_cast %lt3A_313 : vector<48x1xi1> to vector<48x1xi1>
      %broadcast_in_dim3A_347 = vector.broadcast %broadcast_in_dim3A_346 : vector<48x1xi1> to vector<48x256xi1>
      %select_n3A_348 = arith.select %broadcast_in_dim3A_347, %convert_element_type3A_345, %scan3A_217 : vector<48x256xi1>, vector<48x256xbf16>
      %broadcast_in_dim3A_349 = vector.shape_cast %lt3A_313 : vector<48x1xi1> to vector<48x1xi1>
      %broadcast_in_dim3A_350 = vector.broadcast %broadcast_in_dim3A_349 : vector<48x1xi1> to vector<48x256xi1>
      %select_n3A_351 = arith.select %broadcast_in_dim3A_350, %add3A_342, %scan3A_218 : vector<48x256xi1>, vector<48x256xf32>
      %jit3A_352 = arith.constant 0.000000e+00 : f32
      %broadcast_in_dim3A_353 = vector.shape_cast %lt3A_313 : vector<48x1xi1> to vector<48x1xi1>
      %broadcast_in_dim3A_354 = vector.broadcast %broadcast_in_dim3A_353 : vector<48x1xi1> to vector<48x256xi1>
      %broadcast_in_dim3A_355 = vector.broadcast %jit3A_352 : f32 to vector<48x256xf32>
      %select_n3A_356 = arith.select %broadcast_in_dim3A_354, %mul3A_344, %broadcast_in_dim3A_355 : vector<48x256xi1>, vector<48x256xf32>
      %add3A_357 = arith.addf %scan3A_219, %select_n3A_356 : vector<48x256xf32>
      %mul3A_358 = arith.constant 8 : i32
      %mul3A_359 = arith.muli %mul3A_220, %mul3A_358 : i32
      %add3A_360 = arith.constant 1 : i32
      %add3A_361 = arith.addi %mul3A_359, %add3A_360 : i32
      %get3A_362 = arith.constant 48 : index
      %get3A_363 = arith.constant 0 : index
      %get3A_364 = vector.load %arg23[%get3A_362, %get3A_363] : memref<384x1024xf32, #tpu.memory_space<vmem>>, vector<48x1024xf32>
      %lt3A_365 = vector.broadcast %add3A_361 : i32 to vector<48x1xi32>
      %lt3A_366 = arith.cmpi slt, %lt3A_365, %get3A_13 : vector<48x1xi32>
      %dot_general3A_367 = arith.constant dense<0.000000e+00> : vector<48x1024xf32>
      %dot_general3A_368 = tpu.matmul %convert_element_type3A_302, %get3A_1, %dot_general3A_367 {dimension_numbers = #tpu.dot_dimension_numbers<[1], [0], [0], [1], [0, 0, 1, 1], [], []>, transpose_lhs_hint = false} : vector<48x256xbf16>, vector<256x1024xbf16>, vector<48x1024xf32> -> vector<48x1024xf32>
      %add3A_369 = arith.addf %get3A_364, %dot_general3A_368 : vector<48x1024xf32>
      %slice3A_370 = vector.extract_strided_slice %add3A_369 {offsets = [0, 0], sizes = [48, 256], strides = [1, 1]} : vector<48x1024xf32> to vector<48x256xf32>
      %logistic3A_371 = arith.negf %slice3A_370 : vector<48x256xf32>
      %logistic3A_372 = math.exp %logistic3A_371 : vector<48x256xf32>
      %logistic3A_373 = arith.constant 1.000000e+00 : f32
      %logistic3A_374 = vector.broadcast %logistic3A_373 : f32 to vector<48x256xf32>
      %logistic3A_375 = arith.addf %logistic3A_374, %logistic3A_372 : vector<48x256xf32>
      %logistic3A_376 = arith.divf %logistic3A_374, %logistic3A_375 : vector<48x256xf32>
      %slice3A_377 = vector.extract_strided_slice %add3A_369 {offsets = [0, 256], sizes = [48, 256], strides = [1, 1]} : vector<48x1024xf32> to vector<48x256xf32>
      %logistic3A_378 = arith.negf %slice3A_377 : vector<48x256xf32>
      %logistic3A_379 = math.exp %logistic3A_378 : vector<48x256xf32>
      %logistic3A_380 = arith.constant 1.000000e+00 : f32
      %logistic3A_381 = vector.broadcast %logistic3A_380 : f32 to vector<48x256xf32>
      %logistic3A_382 = arith.addf %logistic3A_381, %logistic3A_379 : vector<48x256xf32>
      %logistic3A_383 = arith.divf %logistic3A_381, %logistic3A_382 : vector<48x256xf32>
      %slice3A_384 = vector.extract_strided_slice %add3A_369 {offsets = [0, 512], sizes = [48, 256], strides = [1, 1]} : vector<48x1024xf32> to vector<48x256xf32>
      %tanh3A_385 = math.tanh %slice3A_384 : vector<48x256xf32>
      %slice3A_386 = vector.extract_strided_slice %add3A_369 {offsets = [0, 768], sizes = [48, 256], strides = [1, 1]} : vector<48x1024xf32> to vector<48x256xf32>
      %logistic3A_387 = arith.negf %slice3A_386 : vector<48x256xf32>
      %logistic3A_388 = math.exp %logistic3A_387 : vector<48x256xf32>
      %logistic3A_389 = arith.constant 1.000000e+00 : f32
      %logistic3A_390 = vector.broadcast %logistic3A_389 : f32 to vector<48x256xf32>
      %logistic3A_391 = arith.addf %logistic3A_390, %logistic3A_388 : vector<48x256xf32>
      %logistic3A_392 = arith.divf %logistic3A_390, %logistic3A_391 : vector<48x256xf32>
      %mul3A_393 = arith.mulf %logistic3A_383, %add3A_299 : vector<48x256xf32>
      %mul3A_394 = arith.mulf %logistic3A_376, %tanh3A_385 : vector<48x256xf32>
      %add3A_395 = arith.addf %mul3A_393, %mul3A_394 : vector<48x256xf32>
      %tanh3A_396 = math.tanh %add3A_395 : vector<48x256xf32>
      %mul3A_397 = arith.mulf %logistic3A_392, %tanh3A_396 : vector<48x256xf32>
      %convert_element_type3A_398 = arith.truncf %mul3A_397 : vector<48x256xf32> to vector<48x256xbf16>
      %jit3A_399 = arith.constant 0.000000e+00 : f32
      %broadcast_in_dim3A_400 = vector.shape_cast %lt3A_366 : vector<48x1xi1> to vector<48x1xi1>
      %broadcast_in_dim3A_401 = vector.broadcast %broadcast_in_dim3A_400 : vector<48x1xi1> to vector<48x256xi1>
      %broadcast_in_dim3A_402 = vector.broadcast %jit3A_399 : f32 to vector<48x256xf32>
      %select_n3A_403 = arith.select %broadcast_in_dim3A_401, %mul3A_397, %broadcast_in_dim3A_402 : vector<48x256xi1>, vector<48x256xf32>
      %add3A_404 = arith.addf %add3A_306, %select_n3A_403 : vector<48x256xf32>
      %sub3A_405 = arith.constant 255 : i32
      %sub3A_406 = arith.subi %sub3A_405, %add3A_361 : i32
      %get3A_407 = arith.constant 288 : index
      %get3A_408 = arith.constant 0 : index
      %get3A_409 = vector.load %arg25[%get3A_407, %get3A_408] : memref<384x1024xf32, #tpu.memory_space<vmem>>, vector<48x1024xf32>
      %lt3A_410 = vector.broadcast %sub3A_406 : i32 to vector<48x1xi32>
      %lt3A_411 = arith.cmpi slt, %lt3A_410, %get3A_13 : vector<48x1xi32>
      %dot_general3A_412 = arith.constant dense<0.000000e+00> : vector<48x1024xf32>
      %dot_general3A_413 = tpu.matmul %select_n3A_348, %get3A_4, %dot_general3A_412 {dimension_numbers = #tpu.dot_dimension_numbers<[1], [0], [0], [1], [0, 0, 1, 1], [], []>, transpose_lhs_hint = false} : vector<48x256xbf16>, vector<256x1024xbf16>, vector<48x1024xf32> -> vector<48x1024xf32>
      %add3A_414 = arith.addf %get3A_409, %dot_general3A_413 : vector<48x1024xf32>
      %slice3A_415 = vector.extract_strided_slice %add3A_414 {offsets = [0, 0], sizes = [48, 256], strides = [1, 1]} : vector<48x1024xf32> to vector<48x256xf32>
      %logistic3A_416 = arith.negf %slice3A_415 : vector<48x256xf32>
      %logistic3A_417 = math.exp %logistic3A_416 : vector<48x256xf32>
      %logistic3A_418 = arith.constant 1.000000e+00 : f32
      %logistic3A_419 = vector.broadcast %logistic3A_418 : f32 to vector<48x256xf32>
      %logistic3A_420 = arith.addf %logistic3A_419, %logistic3A_417 : vector<48x256xf32>
      %logistic3A_421 = arith.divf %logistic3A_419, %logistic3A_420 : vector<48x256xf32>
      %slice3A_422 = vector.extract_strided_slice %add3A_414 {offsets = [0, 256], sizes = [48, 256], strides = [1, 1]} : vector<48x1024xf32> to vector<48x256xf32>
      %logistic3A_423 = arith.negf %slice3A_422 : vector<48x256xf32>
      %logistic3A_424 = math.exp %logistic3A_423 : vector<48x256xf32>
      %logistic3A_425 = arith.constant 1.000000e+00 : f32
      %logistic3A_426 = vector.broadcast %logistic3A_425 : f32 to vector<48x256xf32>
      %logistic3A_427 = arith.addf %logistic3A_426, %logistic3A_424 : vector<48x256xf32>
      %logistic3A_428 = arith.divf %logistic3A_426, %logistic3A_427 : vector<48x256xf32>
      %slice3A_429 = vector.extract_strided_slice %add3A_414 {offsets = [0, 512], sizes = [48, 256], strides = [1, 1]} : vector<48x1024xf32> to vector<48x256xf32>
      %tanh3A_430 = math.tanh %slice3A_429 : vector<48x256xf32>
      %slice3A_431 = vector.extract_strided_slice %add3A_414 {offsets = [0, 768], sizes = [48, 256], strides = [1, 1]} : vector<48x1024xf32> to vector<48x256xf32>
      %logistic3A_432 = arith.negf %slice3A_431 : vector<48x256xf32>
      %logistic3A_433 = math.exp %logistic3A_432 : vector<48x256xf32>
      %logistic3A_434 = arith.constant 1.000000e+00 : f32
      %logistic3A_435 = vector.broadcast %logistic3A_434 : f32 to vector<48x256xf32>
      %logistic3A_436 = arith.addf %logistic3A_435, %logistic3A_433 : vector<48x256xf32>
      %logistic3A_437 = arith.divf %logistic3A_435, %logistic3A_436 : vector<48x256xf32>
      %mul3A_438 = arith.mulf %logistic3A_428, %select_n3A_351 : vector<48x256xf32>
      %mul3A_439 = arith.mulf %logistic3A_421, %tanh3A_430 : vector<48x256xf32>
      %add3A_440 = arith.addf %mul3A_438, %mul3A_439 : vector<48x256xf32>
      %tanh3A_441 = math.tanh %add3A_440 : vector<48x256xf32>
      %mul3A_442 = arith.mulf %logistic3A_437, %tanh3A_441 : vector<48x256xf32>
      %convert_element_type3A_443 = arith.truncf %mul3A_442 : vector<48x256xf32> to vector<48x256xbf16>
      %broadcast_in_dim3A_444 = vector.shape_cast %lt3A_411 : vector<48x1xi1> to vector<48x1xi1>
      %broadcast_in_dim3A_445 = vector.broadcast %broadcast_in_dim3A_444 : vector<48x1xi1> to vector<48x256xi1>
      %select_n3A_446 = arith.select %broadcast_in_dim3A_445, %convert_element_type3A_443, %select_n3A_348 : vector<48x256xi1>, vector<48x256xbf16>
      %broadcast_in_dim3A_447 = vector.shape_cast %lt3A_411 : vector<48x1xi1> to vector<48x1xi1>
      %broadcast_in_dim3A_448 = vector.broadcast %broadcast_in_dim3A_447 : vector<48x1xi1> to vector<48x256xi1>
      %select_n3A_449 = arith.select %broadcast_in_dim3A_448, %add3A_440, %select_n3A_351 : vector<48x256xi1>, vector<48x256xf32>
      %jit3A_450 = arith.constant 0.000000e+00 : f32
      %broadcast_in_dim3A_451 = vector.shape_cast %lt3A_411 : vector<48x1xi1> to vector<48x1xi1>
      %broadcast_in_dim3A_452 = vector.broadcast %broadcast_in_dim3A_451 : vector<48x1xi1> to vector<48x256xi1>
      %broadcast_in_dim3A_453 = vector.broadcast %jit3A_450 : f32 to vector<48x256xf32>
      %select_n3A_454 = arith.select %broadcast_in_dim3A_452, %mul3A_442, %broadcast_in_dim3A_453 : vector<48x256xi1>, vector<48x256xf32>
      %add3A_455 = arith.addf %add3A_357, %select_n3A_454 : vector<48x256xf32>
      %mul3A_456 = arith.constant 8 : i32
      %mul3A_457 = arith.muli %mul3A_220, %mul3A_456 : i32
      %add3A_458 = arith.constant 2 : i32
      %add3A_459 = arith.addi %mul3A_457, %add3A_458 : i32
      %get3A_460 = arith.constant 96 : index
      %get3A_461 = arith.constant 0 : index
      %get3A_462 = vector.load %arg23[%get3A_460, %get3A_461] : memref<384x1024xf32, #tpu.memory_space<vmem>>, vector<48x1024xf32>
      %lt3A_463 = vector.broadcast %add3A_459 : i32 to vector<48x1xi32>
      %lt3A_464 = arith.cmpi slt, %lt3A_463, %get3A_13 : vector<48x1xi32>
      %dot_general3A_465 = arith.constant dense<0.000000e+00> : vector<48x1024xf32>
      %dot_general3A_466 = tpu.matmul %convert_element_type3A_398, %get3A_1, %dot_general3A_465 {dimension_numbers = #tpu.dot_dimension_numbers<[1], [0], [0], [1], [0, 0, 1, 1], [], []>, transpose_lhs_hint = false} : vector<48x256xbf16>, vector<256x1024xbf16>, vector<48x1024xf32> -> vector<48x1024xf32>
      %add3A_467 = arith.addf %get3A_462, %dot_general3A_466 : vector<48x1024xf32>
      %slice3A_468 = vector.extract_strided_slice %add3A_467 {offsets = [0, 0], sizes = [48, 256], strides = [1, 1]} : vector<48x1024xf32> to vector<48x256xf32>
      %logistic3A_469 = arith.negf %slice3A_468 : vector<48x256xf32>
      %logistic3A_470 = math.exp %logistic3A_469 : vector<48x256xf32>
      %logistic3A_471 = arith.constant 1.000000e+00 : f32
      %logistic3A_472 = vector.broadcast %logistic3A_471 : f32 to vector<48x256xf32>
      %logistic3A_473 = arith.addf %logistic3A_472, %logistic3A_470 : vector<48x256xf32>
      %logistic3A_474 = arith.divf %logistic3A_472, %logistic3A_473 : vector<48x256xf32>
      %slice3A_475 = vector.extract_strided_slice %add3A_467 {offsets = [0, 256], sizes = [48, 256], strides = [1, 1]} : vector<48x1024xf32> to vector<48x256xf32>
      %logistic3A_476 = arith.negf %slice3A_475 : vector<48x256xf32>
      %logistic3A_477 = math.exp %logistic3A_476 : vector<48x256xf32>
      %logistic3A_478 = arith.constant 1.000000e+00 : f32
      %logistic3A_479 = vector.broadcast %logistic3A_478 : f32 to vector<48x256xf32>
      %logistic3A_480 = arith.addf %logistic3A_479, %logistic3A_477 : vector<48x256xf32>
      %logistic3A_481 = arith.divf %logistic3A_479, %logistic3A_480 : vector<48x256xf32>
      %slice3A_482 = vector.extract_strided_slice %add3A_467 {offsets = [0, 512], sizes = [48, 256], strides = [1, 1]} : vector<48x1024xf32> to vector<48x256xf32>
      %tanh3A_483 = math.tanh %slice3A_482 : vector<48x256xf32>
      %slice3A_484 = vector.extract_strided_slice %add3A_467 {offsets = [0, 768], sizes = [48, 256], strides = [1, 1]} : vector<48x1024xf32> to vector<48x256xf32>
      %logistic3A_485 = arith.negf %slice3A_484 : vector<48x256xf32>
      %logistic3A_486 = math.exp %logistic3A_485 : vector<48x256xf32>
      %logistic3A_487 = arith.constant 1.000000e+00 : f32
      %logistic3A_488 = vector.broadcast %logistic3A_487 : f32 to vector<48x256xf32>
      %logistic3A_489 = arith.addf %logistic3A_488, %logistic3A_486 : vector<48x256xf32>
      %logistic3A_490 = arith.divf %logistic3A_488, %logistic3A_489 : vector<48x256xf32>
      %mul3A_491 = arith.mulf %logistic3A_481, %add3A_395 : vector<48x256xf32>
      %mul3A_492 = arith.mulf %logistic3A_474, %tanh3A_483 : vector<48x256xf32>
      %add3A_493 = arith.addf %mul3A_491, %mul3A_492 : vector<48x256xf32>
      %tanh3A_494 = math.tanh %add3A_493 : vector<48x256xf32>
      %mul3A_495 = arith.mulf %logistic3A_490, %tanh3A_494 : vector<48x256xf32>
      %convert_element_type3A_496 = arith.truncf %mul3A_495 : vector<48x256xf32> to vector<48x256xbf16>
      %jit3A_497 = arith.constant 0.000000e+00 : f32
      %broadcast_in_dim3A_498 = vector.shape_cast %lt3A_464 : vector<48x1xi1> to vector<48x1xi1>
      %broadcast_in_dim3A_499 = vector.broadcast %broadcast_in_dim3A_498 : vector<48x1xi1> to vector<48x256xi1>
      %broadcast_in_dim3A_500 = vector.broadcast %jit3A_497 : f32 to vector<48x256xf32>
      %select_n3A_501 = arith.select %broadcast_in_dim3A_499, %mul3A_495, %broadcast_in_dim3A_500 : vector<48x256xi1>, vector<48x256xf32>
      %add3A_502 = arith.addf %add3A_404, %select_n3A_501 : vector<48x256xf32>
      %sub3A_503 = arith.constant 255 : i32
      %sub3A_504 = arith.subi %sub3A_503, %add3A_459 : i32
      %get3A_505 = arith.constant 240 : index
      %get3A_506 = arith.constant 0 : index
      %get3A_507 = vector.load %arg25[%get3A_505, %get3A_506] : memref<384x1024xf32, #tpu.memory_space<vmem>>, vector<48x1024xf32>
      %lt3A_508 = vector.broadcast %sub3A_504 : i32 to vector<48x1xi32>
      %lt3A_509 = arith.cmpi slt, %lt3A_508, %get3A_13 : vector<48x1xi32>
      %dot_general3A_510 = arith.constant dense<0.000000e+00> : vector<48x1024xf32>
      %dot_general3A_511 = tpu.matmul %select_n3A_446, %get3A_4, %dot_general3A_510 {dimension_numbers = #tpu.dot_dimension_numbers<[1], [0], [0], [1], [0, 0, 1, 1], [], []>, transpose_lhs_hint = false} : vector<48x256xbf16>, vector<256x1024xbf16>, vector<48x1024xf32> -> vector<48x1024xf32>
      %add3A_512 = arith.addf %get3A_507, %dot_general3A_511 : vector<48x1024xf32>
      %slice3A_513 = vector.extract_strided_slice %add3A_512 {offsets = [0, 0], sizes = [48, 256], strides = [1, 1]} : vector<48x1024xf32> to vector<48x256xf32>
      %logistic3A_514 = arith.negf %slice3A_513 : vector<48x256xf32>
      %logistic3A_515 = math.exp %logistic3A_514 : vector<48x256xf32>
      %logistic3A_516 = arith.constant 1.000000e+00 : f32
      %logistic3A_517 = vector.broadcast %logistic3A_516 : f32 to vector<48x256xf32>
      %logistic3A_518 = arith.addf %logistic3A_517, %logistic3A_515 : vector<48x256xf32>
      %logistic3A_519 = arith.divf %logistic3A_517, %logistic3A_518 : vector<48x256xf32>
      %slice3A_520 = vector.extract_strided_slice %add3A_512 {offsets = [0, 256], sizes = [48, 256], strides = [1, 1]} : vector<48x1024xf32> to vector<48x256xf32>
      %logistic3A_521 = arith.negf %slice3A_520 : vector<48x256xf32>
      %logistic3A_522 = math.exp %logistic3A_521 : vector<48x256xf32>
      %logistic3A_523 = arith.constant 1.000000e+00 : f32
      %logistic3A_524 = vector.broadcast %logistic3A_523 : f32 to vector<48x256xf32>
      %logistic3A_525 = arith.addf %logistic3A_524, %logistic3A_522 : vector<48x256xf32>
      %logistic3A_526 = arith.divf %logistic3A_524, %logistic3A_525 : vector<48x256xf32>
      %slice3A_527 = vector.extract_strided_slice %add3A_512 {offsets = [0, 512], sizes = [48, 256], strides = [1, 1]} : vector<48x1024xf32> to vector<48x256xf32>
      %tanh3A_528 = math.tanh %slice3A_527 : vector<48x256xf32>
      %slice3A_529 = vector.extract_strided_slice %add3A_512 {offsets = [0, 768], sizes = [48, 256], strides = [1, 1]} : vector<48x1024xf32> to vector<48x256xf32>
      %logistic3A_530 = arith.negf %slice3A_529 : vector<48x256xf32>
      %logistic3A_531 = math.exp %logistic3A_530 : vector<48x256xf32>
      %logistic3A_532 = arith.constant 1.000000e+00 : f32
      %logistic3A_533 = vector.broadcast %logistic3A_532 : f32 to vector<48x256xf32>
      %logistic3A_534 = arith.addf %logistic3A_533, %logistic3A_531 : vector<48x256xf32>
      %logistic3A_535 = arith.divf %logistic3A_533, %logistic3A_534 : vector<48x256xf32>
      %mul3A_536 = arith.mulf %logistic3A_526, %select_n3A_449 : vector<48x256xf32>
      %mul3A_537 = arith.mulf %logistic3A_519, %tanh3A_528 : vector<48x256xf32>
      %add3A_538 = arith.addf %mul3A_536, %mul3A_537 : vector<48x256xf32>
      %tanh3A_539 = math.tanh %add3A_538 : vector<48x256xf32>
      %mul3A_540 = arith.mulf %logistic3A_535, %tanh3A_539 : vector<48x256xf32>
      %convert_element_type3A_541 = arith.truncf %mul3A_540 : vector<48x256xf32> to vector<48x256xbf16>
      %broadcast_in_dim3A_542 = vector.shape_cast %lt3A_509 : vector<48x1xi1> to vector<48x1xi1>
      %broadcast_in_dim3A_543 = vector.broadcast %broadcast_in_dim3A_542 : vector<48x1xi1> to vector<48x256xi1>
      %select_n3A_544 = arith.select %broadcast_in_dim3A_543, %convert_element_type3A_541, %select_n3A_446 : vector<48x256xi1>, vector<48x256xbf16>
      %broadcast_in_dim3A_545 = vector.shape_cast %lt3A_509 : vector<48x1xi1> to vector<48x1xi1>
      %broadcast_in_dim3A_546 = vector.broadcast %broadcast_in_dim3A_545 : vector<48x1xi1> to vector<48x256xi1>
      %select_n3A_547 = arith.select %broadcast_in_dim3A_546, %add3A_538, %select_n3A_449 : vector<48x256xi1>, vector<48x256xf32>
      %jit3A_548 = arith.constant 0.000000e+00 : f32
      %broadcast_in_dim3A_549 = vector.shape_cast %lt3A_509 : vector<48x1xi1> to vector<48x1xi1>
      %broadcast_in_dim3A_550 = vector.broadcast %broadcast_in_dim3A_549 : vector<48x1xi1> to vector<48x256xi1>
      %broadcast_in_dim3A_551 = vector.broadcast %jit3A_548 : f32 to vector<48x256xf32>
      %select_n3A_552 = arith.select %broadcast_in_dim3A_550, %mul3A_540, %broadcast_in_dim3A_551 : vector<48x256xi1>, vector<48x256xf32>
      %add3A_553 = arith.addf %add3A_455, %select_n3A_552 : vector<48x256xf32>
      %mul3A_554 = arith.constant 8 : i32
      %mul3A_555 = arith.muli %mul3A_220, %mul3A_554 : i32
      %add3A_556 = arith.constant 3 : i32
      %add3A_557 = arith.addi %mul3A_555, %add3A_556 : i32
      %get3A_558 = arith.constant 144 : index
      %get3A_559 = arith.constant 0 : index
      %get3A_560 = vector.load %arg23[%get3A_558, %get3A_559] : memref<384x1024xf32, #tpu.memory_space<vmem>>, vector<48x1024xf32>
      %lt3A_561 = vector.broadcast %add3A_557 : i32 to vector<48x1xi32>
      %lt3A_562 = arith.cmpi slt, %lt3A_561, %get3A_13 : vector<48x1xi32>
      %dot_general3A_563 = arith.constant dense<0.000000e+00> : vector<48x1024xf32>
      %dot_general3A_564 = tpu.matmul %convert_element_type3A_496, %get3A_1, %dot_general3A_563 {dimension_numbers = #tpu.dot_dimension_numbers<[1], [0], [0], [1], [0, 0, 1, 1], [], []>, transpose_lhs_hint = false} : vector<48x256xbf16>, vector<256x1024xbf16>, vector<48x1024xf32> -> vector<48x1024xf32>
      %add3A_565 = arith.addf %get3A_560, %dot_general3A_564 : vector<48x1024xf32>
      %slice3A_566 = vector.extract_strided_slice %add3A_565 {offsets = [0, 0], sizes = [48, 256], strides = [1, 1]} : vector<48x1024xf32> to vector<48x256xf32>
      %logistic3A_567 = arith.negf %slice3A_566 : vector<48x256xf32>
      %logistic3A_568 = math.exp %logistic3A_567 : vector<48x256xf32>
      %logistic3A_569 = arith.constant 1.000000e+00 : f32
      %logistic3A_570 = vector.broadcast %logistic3A_569 : f32 to vector<48x256xf32>
      %logistic3A_571 = arith.addf %logistic3A_570, %logistic3A_568 : vector<48x256xf32>
      %logistic3A_572 = arith.divf %logistic3A_570, %logistic3A_571 : vector<48x256xf32>
      %slice3A_573 = vector.extract_strided_slice %add3A_565 {offsets = [0, 256], sizes = [48, 256], strides = [1, 1]} : vector<48x1024xf32> to vector<48x256xf32>
      %logistic3A_574 = arith.negf %slice3A_573 : vector<48x256xf32>
      %logistic3A_575 = math.exp %logistic3A_574 : vector<48x256xf32>
      %logistic3A_576 = arith.constant 1.000000e+00 : f32
      %logistic3A_577 = vector.broadcast %logistic3A_576 : f32 to vector<48x256xf32>
      %logistic3A_578 = arith.addf %logistic3A_577, %logistic3A_575 : vector<48x256xf32>
      %logistic3A_579 = arith.divf %logistic3A_577, %logistic3A_578 : vector<48x256xf32>
      %slice3A_580 = vector.extract_strided_slice %add3A_565 {offsets = [0, 512], sizes = [48, 256], strides = [1, 1]} : vector<48x1024xf32> to vector<48x256xf32>
      %tanh3A_581 = math.tanh %slice3A_580 : vector<48x256xf32>
      %slice3A_582 = vector.extract_strided_slice %add3A_565 {offsets = [0, 768], sizes = [48, 256], strides = [1, 1]} : vector<48x1024xf32> to vector<48x256xf32>
      %logistic3A_583 = arith.negf %slice3A_582 : vector<48x256xf32>
      %logistic3A_584 = math.exp %logistic3A_583 : vector<48x256xf32>
      %logistic3A_585 = arith.constant 1.000000e+00 : f32
      %logistic3A_586 = vector.broadcast %logistic3A_585 : f32 to vector<48x256xf32>
      %logistic3A_587 = arith.addf %logistic3A_586, %logistic3A_584 : vector<48x256xf32>
      %logistic3A_588 = arith.divf %logistic3A_586, %logistic3A_587 : vector<48x256xf32>
      %mul3A_589 = arith.mulf %logistic3A_579, %add3A_493 : vector<48x256xf32>
      %mul3A_590 = arith.mulf %logistic3A_572, %tanh3A_581 : vector<48x256xf32>
      %add3A_591 = arith.addf %mul3A_589, %mul3A_590 : vector<48x256xf32>
      %tanh3A_592 = math.tanh %add3A_591 : vector<48x256xf32>
      %mul3A_593 = arith.mulf %logistic3A_588, %tanh3A_592 : vector<48x256xf32>
      %convert_element_type3A_594 = arith.truncf %mul3A_593 : vector<48x256xf32> to vector<48x256xbf16>
      %jit3A_595 = arith.constant 0.000000e+00 : f32
      %broadcast_in_dim3A_596 = vector.shape_cast %lt3A_562 : vector<48x1xi1> to vector<48x1xi1>
      %broadcast_in_dim3A_597 = vector.broadcast %broadcast_in_dim3A_596 : vector<48x1xi1> to vector<48x256xi1>
      %broadcast_in_dim3A_598 = vector.broadcast %jit3A_595 : f32 to vector<48x256xf32>
      %select_n3A_599 = arith.select %broadcast_in_dim3A_597, %mul3A_593, %broadcast_in_dim3A_598 : vector<48x256xi1>, vector<48x256xf32>
      %add3A_600 = arith.addf %add3A_502, %select_n3A_599 : vector<48x256xf32>
      %sub3A_601 = arith.constant 255 : i32
      %sub3A_602 = arith.subi %sub3A_601, %add3A_557 : i32
      %get3A_603 = arith.constant 192 : index
      %get3A_604 = arith.constant 0 : index
      %get3A_605 = vector.load %arg25[%get3A_603, %get3A_604] : memref<384x1024xf32, #tpu.memory_space<vmem>>, vector<48x1024xf32>
      %lt3A_606 = vector.broadcast %sub3A_602 : i32 to vector<48x1xi32>
      %lt3A_607 = arith.cmpi slt, %lt3A_606, %get3A_13 : vector<48x1xi32>
      %dot_general3A_608 = arith.constant dense<0.000000e+00> : vector<48x1024xf32>
      %dot_general3A_609 = tpu.matmul %select_n3A_544, %get3A_4, %dot_general3A_608 {dimension_numbers = #tpu.dot_dimension_numbers<[1], [0], [0], [1], [0, 0, 1, 1], [], []>, transpose_lhs_hint = false} : vector<48x256xbf16>, vector<256x1024xbf16>, vector<48x1024xf32> -> vector<48x1024xf32>
      %add3A_610 = arith.addf %get3A_605, %dot_general3A_609 : vector<48x1024xf32>
      %slice3A_611 = vector.extract_strided_slice %add3A_610 {offsets = [0, 0], sizes = [48, 256], strides = [1, 1]} : vector<48x1024xf32> to vector<48x256xf32>
      %logistic3A_612 = arith.negf %slice3A_611 : vector<48x256xf32>
      %logistic3A_613 = math.exp %logistic3A_612 : vector<48x256xf32>
      %logistic3A_614 = arith.constant 1.000000e+00 : f32
      %logistic3A_615 = vector.broadcast %logistic3A_614 : f32 to vector<48x256xf32>
      %logistic3A_616 = arith.addf %logistic3A_615, %logistic3A_613 : vector<48x256xf32>
      %logistic3A_617 = arith.divf %logistic3A_615, %logistic3A_616 : vector<48x256xf32>
      %slice3A_618 = vector.extract_strided_slice %add3A_610 {offsets = [0, 256], sizes = [48, 256], strides = [1, 1]} : vector<48x1024xf32> to vector<48x256xf32>
      %logistic3A_619 = arith.negf %slice3A_618 : vector<48x256xf32>
      %logistic3A_620 = math.exp %logistic3A_619 : vector<48x256xf32>
      %logistic3A_621 = arith.constant 1.000000e+00 : f32
      %logistic3A_622 = vector.broadcast %logistic3A_621 : f32 to vector<48x256xf32>
      %logistic3A_623 = arith.addf %logistic3A_622, %logistic3A_620 : vector<48x256xf32>
      %logistic3A_624 = arith.divf %logistic3A_622, %logistic3A_623 : vector<48x256xf32>
      %slice3A_625 = vector.extract_strided_slice %add3A_610 {offsets = [0, 512], sizes = [48, 256], strides = [1, 1]} : vector<48x1024xf32> to vector<48x256xf32>
      %tanh3A_626 = math.tanh %slice3A_625 : vector<48x256xf32>
      %slice3A_627 = vector.extract_strided_slice %add3A_610 {offsets = [0, 768], sizes = [48, 256], strides = [1, 1]} : vector<48x1024xf32> to vector<48x256xf32>
      %logistic3A_628 = arith.negf %slice3A_627 : vector<48x256xf32>
      %logistic3A_629 = math.exp %logistic3A_628 : vector<48x256xf32>
      %logistic3A_630 = arith.constant 1.000000e+00 : f32
      %logistic3A_631 = vector.broadcast %logistic3A_630 : f32 to vector<48x256xf32>
      %logistic3A_632 = arith.addf %logistic3A_631, %logistic3A_629 : vector<48x256xf32>
      %logistic3A_633 = arith.divf %logistic3A_631, %logistic3A_632 : vector<48x256xf32>
      %mul3A_634 = arith.mulf %logistic3A_624, %select_n3A_547 : vector<48x256xf32>
      %mul3A_635 = arith.mulf %logistic3A_617, %tanh3A_626 : vector<48x256xf32>
      %add3A_636 = arith.addf %mul3A_634, %mul3A_635 : vector<48x256xf32>
      %tanh3A_637 = math.tanh %add3A_636 : vector<48x256xf32>
      %mul3A_638 = arith.mulf %logistic3A_633, %tanh3A_637 : vector<48x256xf32>
      %convert_element_type3A_639 = arith.truncf %mul3A_638 : vector<48x256xf32> to vector<48x256xbf16>
      %broadcast_in_dim3A_640 = vector.shape_cast %lt3A_607 : vector<48x1xi1> to vector<48x1xi1>
      %broadcast_in_dim3A_641 = vector.broadcast %broadcast_in_dim3A_640 : vector<48x1xi1> to vector<48x256xi1>
      %select_n3A_642 = arith.select %broadcast_in_dim3A_641, %convert_element_type3A_639, %select_n3A_544 : vector<48x256xi1>, vector<48x256xbf16>
      %broadcast_in_dim3A_643 = vector.shape_cast %lt3A_607 : vector<48x1xi1> to vector<48x1xi1>
      %broadcast_in_dim3A_644 = vector.broadcast %broadcast_in_dim3A_643 : vector<48x1xi1> to vector<48x256xi1>
      %select_n3A_645 = arith.select %broadcast_in_dim3A_644, %add3A_636, %select_n3A_547 : vector<48x256xi1>, vector<48x256xf32>
      %jit3A_646 = arith.constant 0.000000e+00 : f32
      %broadcast_in_dim3A_647 = vector.shape_cast %lt3A_607 : vector<48x1xi1> to vector<48x1xi1>
      %broadcast_in_dim3A_648 = vector.broadcast %broadcast_in_dim3A_647 : vector<48x1xi1> to vector<48x256xi1>
      %broadcast_in_dim3A_649 = vector.broadcast %jit3A_646 : f32 to vector<48x256xf32>
      %select_n3A_650 = arith.select %broadcast_in_dim3A_648, %mul3A_638, %broadcast_in_dim3A_649 : vector<48x256xi1>, vector<48x256xf32>
      %add3A_651 = arith.addf %add3A_553, %select_n3A_650 : vector<48x256xf32>
      %mul3A_652 = arith.constant 8 : i32
      %mul3A_653 = arith.muli %mul3A_220, %mul3A_652 : i32
      %add3A_654 = arith.constant 4 : i32
      %add3A_655 = arith.addi %mul3A_653, %add3A_654 : i32
      %get3A_656 = arith.constant 192 : index
      %get3A_657 = arith.constant 0 : index
      %get3A_658 = vector.load %arg23[%get3A_656, %get3A_657] : memref<384x1024xf32, #tpu.memory_space<vmem>>, vector<48x1024xf32>
      %lt3A_659 = vector.broadcast %add3A_655 : i32 to vector<48x1xi32>
      %lt3A_660 = arith.cmpi slt, %lt3A_659, %get3A_13 : vector<48x1xi32>
      %dot_general3A_661 = arith.constant dense<0.000000e+00> : vector<48x1024xf32>
      %dot_general3A_662 = tpu.matmul %convert_element_type3A_594, %get3A_1, %dot_general3A_661 {dimension_numbers = #tpu.dot_dimension_numbers<[1], [0], [0], [1], [0, 0, 1, 1], [], []>, transpose_lhs_hint = false} : vector<48x256xbf16>, vector<256x1024xbf16>, vector<48x1024xf32> -> vector<48x1024xf32>
      %add3A_663 = arith.addf %get3A_658, %dot_general3A_662 : vector<48x1024xf32>
      %slice3A_664 = vector.extract_strided_slice %add3A_663 {offsets = [0, 0], sizes = [48, 256], strides = [1, 1]} : vector<48x1024xf32> to vector<48x256xf32>
      %logistic3A_665 = arith.negf %slice3A_664 : vector<48x256xf32>
      %logistic3A_666 = math.exp %logistic3A_665 : vector<48x256xf32>
      %logistic3A_667 = arith.constant 1.000000e+00 : f32
      %logistic3A_668 = vector.broadcast %logistic3A_667 : f32 to vector<48x256xf32>
      %logistic3A_669 = arith.addf %logistic3A_668, %logistic3A_666 : vector<48x256xf32>
      %logistic3A_670 = arith.divf %logistic3A_668, %logistic3A_669 : vector<48x256xf32>
      %slice3A_671 = vector.extract_strided_slice %add3A_663 {offsets = [0, 256], sizes = [48, 256], strides = [1, 1]} : vector<48x1024xf32> to vector<48x256xf32>
      %logistic3A_672 = arith.negf %slice3A_671 : vector<48x256xf32>
      %logistic3A_673 = math.exp %logistic3A_672 : vector<48x256xf32>
      %logistic3A_674 = arith.constant 1.000000e+00 : f32
      %logistic3A_675 = vector.broadcast %logistic3A_674 : f32 to vector<48x256xf32>
      %logistic3A_676 = arith.addf %logistic3A_675, %logistic3A_673 : vector<48x256xf32>
      %logistic3A_677 = arith.divf %logistic3A_675, %logistic3A_676 : vector<48x256xf32>
      %slice3A_678 = vector.extract_strided_slice %add3A_663 {offsets = [0, 512], sizes = [48, 256], strides = [1, 1]} : vector<48x1024xf32> to vector<48x256xf32>
      %tanh3A_679 = math.tanh %slice3A_678 : vector<48x256xf32>
      %slice3A_680 = vector.extract_strided_slice %add3A_663 {offsets = [0, 768], sizes = [48, 256], strides = [1, 1]} : vector<48x1024xf32> to vector<48x256xf32>
      %logistic3A_681 = arith.negf %slice3A_680 : vector<48x256xf32>
      %logistic3A_682 = math.exp %logistic3A_681 : vector<48x256xf32>
      %logistic3A_683 = arith.constant 1.000000e+00 : f32
      %logistic3A_684 = vector.broadcast %logistic3A_683 : f32 to vector<48x256xf32>
      %logistic3A_685 = arith.addf %logistic3A_684, %logistic3A_682 : vector<48x256xf32>
      %logistic3A_686 = arith.divf %logistic3A_684, %logistic3A_685 : vector<48x256xf32>
      %mul3A_687 = arith.mulf %logistic3A_677, %add3A_591 : vector<48x256xf32>
      %mul3A_688 = arith.mulf %logistic3A_670, %tanh3A_679 : vector<48x256xf32>
      %add3A_689 = arith.addf %mul3A_687, %mul3A_688 : vector<48x256xf32>
      %tanh3A_690 = math.tanh %add3A_689 : vector<48x256xf32>
      %mul3A_691 = arith.mulf %logistic3A_686, %tanh3A_690 : vector<48x256xf32>
      %convert_element_type3A_692 = arith.truncf %mul3A_691 : vector<48x256xf32> to vector<48x256xbf16>
      %jit3A_693 = arith.constant 0.000000e+00 : f32
      %broadcast_in_dim3A_694 = vector.shape_cast %lt3A_660 : vector<48x1xi1> to vector<48x1xi1>
      %broadcast_in_dim3A_695 = vector.broadcast %broadcast_in_dim3A_694 : vector<48x1xi1> to vector<48x256xi1>
      %broadcast_in_dim3A_696 = vector.broadcast %jit3A_693 : f32 to vector<48x256xf32>
      %select_n3A_697 = arith.select %broadcast_in_dim3A_695, %mul3A_691, %broadcast_in_dim3A_696 : vector<48x256xi1>, vector<48x256xf32>
      %add3A_698 = arith.addf %add3A_600, %select_n3A_697 : vector<48x256xf32>
      %sub3A_699 = arith.constant 255 : i32
      %sub3A_700 = arith.subi %sub3A_699, %add3A_655 : i32
      %get3A_701 = arith.constant 144 : index
      %get3A_702 = arith.constant 0 : index
      %get3A_703 = vector.load %arg25[%get3A_701, %get3A_702] : memref<384x1024xf32, #tpu.memory_space<vmem>>, vector<48x1024xf32>
      %lt3A_704 = vector.broadcast %sub3A_700 : i32 to vector<48x1xi32>
      %lt3A_705 = arith.cmpi slt, %lt3A_704, %get3A_13 : vector<48x1xi32>
      %dot_general3A_706 = arith.constant dense<0.000000e+00> : vector<48x1024xf32>
      %dot_general3A_707 = tpu.matmul %select_n3A_642, %get3A_4, %dot_general3A_706 {dimension_numbers = #tpu.dot_dimension_numbers<[1], [0], [0], [1], [0, 0, 1, 1], [], []>, transpose_lhs_hint = false} : vector<48x256xbf16>, vector<256x1024xbf16>, vector<48x1024xf32> -> vector<48x1024xf32>
      %add3A_708 = arith.addf %get3A_703, %dot_general3A_707 : vector<48x1024xf32>
      %slice3A_709 = vector.extract_strided_slice %add3A_708 {offsets = [0, 0], sizes = [48, 256], strides = [1, 1]} : vector<48x1024xf32> to vector<48x256xf32>
      %logistic3A_710 = arith.negf %slice3A_709 : vector<48x256xf32>
      %logistic3A_711 = math.exp %logistic3A_710 : vector<48x256xf32>
      %logistic3A_712 = arith.constant 1.000000e+00 : f32
      %logistic3A_713 = vector.broadcast %logistic3A_712 : f32 to vector<48x256xf32>
      %logistic3A_714 = arith.addf %logistic3A_713, %logistic3A_711 : vector<48x256xf32>
      %logistic3A_715 = arith.divf %logistic3A_713, %logistic3A_714 : vector<48x256xf32>
      %slice3A_716 = vector.extract_strided_slice %add3A_708 {offsets = [0, 256], sizes = [48, 256], strides = [1, 1]} : vector<48x1024xf32> to vector<48x256xf32>
      %logistic3A_717 = arith.negf %slice3A_716 : vector<48x256xf32>
      %logistic3A_718 = math.exp %logistic3A_717 : vector<48x256xf32>
      %logistic3A_719 = arith.constant 1.000000e+00 : f32
      %logistic3A_720 = vector.broadcast %logistic3A_719 : f32 to vector<48x256xf32>
      %logistic3A_721 = arith.addf %logistic3A_720, %logistic3A_718 : vector<48x256xf32>
      %logistic3A_722 = arith.divf %logistic3A_720, %logistic3A_721 : vector<48x256xf32>
      %slice3A_723 = vector.extract_strided_slice %add3A_708 {offsets = [0, 512], sizes = [48, 256], strides = [1, 1]} : vector<48x1024xf32> to vector<48x256xf32>
      %tanh3A_724 = math.tanh %slice3A_723 : vector<48x256xf32>
      %slice3A_725 = vector.extract_strided_slice %add3A_708 {offsets = [0, 768], sizes = [48, 256], strides = [1, 1]} : vector<48x1024xf32> to vector<48x256xf32>
      %logistic3A_726 = arith.negf %slice3A_725 : vector<48x256xf32>
      %logistic3A_727 = math.exp %logistic3A_726 : vector<48x256xf32>
      %logistic3A_728 = arith.constant 1.000000e+00 : f32
      %logistic3A_729 = vector.broadcast %logistic3A_728 : f32 to vector<48x256xf32>
      %logistic3A_730 = arith.addf %logistic3A_729, %logistic3A_727 : vector<48x256xf32>
      %logistic3A_731 = arith.divf %logistic3A_729, %logistic3A_730 : vector<48x256xf32>
      %mul3A_732 = arith.mulf %logistic3A_722, %select_n3A_645 : vector<48x256xf32>
      %mul3A_733 = arith.mulf %logistic3A_715, %tanh3A_724 : vector<48x256xf32>
      %add3A_734 = arith.addf %mul3A_732, %mul3A_733 : vector<48x256xf32>
      %tanh3A_735 = math.tanh %add3A_734 : vector<48x256xf32>
      %mul3A_736 = arith.mulf %logistic3A_731, %tanh3A_735 : vector<48x256xf32>
      %convert_element_type3A_737 = arith.truncf %mul3A_736 : vector<48x256xf32> to vector<48x256xbf16>
      %broadcast_in_dim3A_738 = vector.shape_cast %lt3A_705 : vector<48x1xi1> to vector<48x1xi1>
      %broadcast_in_dim3A_739 = vector.broadcast %broadcast_in_dim3A_738 : vector<48x1xi1> to vector<48x256xi1>
      %select_n3A_740 = arith.select %broadcast_in_dim3A_739, %convert_element_type3A_737, %select_n3A_642 : vector<48x256xi1>, vector<48x256xbf16>
      %broadcast_in_dim3A_741 = vector.shape_cast %lt3A_705 : vector<48x1xi1> to vector<48x1xi1>
      %broadcast_in_dim3A_742 = vector.broadcast %broadcast_in_dim3A_741 : vector<48x1xi1> to vector<48x256xi1>
      %select_n3A_743 = arith.select %broadcast_in_dim3A_742, %add3A_734, %select_n3A_645 : vector<48x256xi1>, vector<48x256xf32>
      %jit3A_744 = arith.constant 0.000000e+00 : f32
      %broadcast_in_dim3A_745 = vector.shape_cast %lt3A_705 : vector<48x1xi1> to vector<48x1xi1>
      %broadcast_in_dim3A_746 = vector.broadcast %broadcast_in_dim3A_745 : vector<48x1xi1> to vector<48x256xi1>
      %broadcast_in_dim3A_747 = vector.broadcast %jit3A_744 : f32 to vector<48x256xf32>
      %select_n3A_748 = arith.select %broadcast_in_dim3A_746, %mul3A_736, %broadcast_in_dim3A_747 : vector<48x256xi1>, vector<48x256xf32>
      %add3A_749 = arith.addf %add3A_651, %select_n3A_748 : vector<48x256xf32>
      %mul3A_750 = arith.constant 8 : i32
      %mul3A_751 = arith.muli %mul3A_220, %mul3A_750 : i32
      %add3A_752 = arith.constant 5 : i32
      %add3A_753 = arith.addi %mul3A_751, %add3A_752 : i32
      %get3A_754 = arith.constant 240 : index
      %get3A_755 = arith.constant 0 : index
      %get3A_756 = vector.load %arg23[%get3A_754, %get3A_755] : memref<384x1024xf32, #tpu.memory_space<vmem>>, vector<48x1024xf32>
      %lt3A_757 = vector.broadcast %add3A_753 : i32 to vector<48x1xi32>
      %lt3A_758 = arith.cmpi slt, %lt3A_757, %get3A_13 : vector<48x1xi32>
      %dot_general3A_759 = arith.constant dense<0.000000e+00> : vector<48x1024xf32>
      %dot_general3A_760 = tpu.matmul %convert_element_type3A_692, %get3A_1, %dot_general3A_759 {dimension_numbers = #tpu.dot_dimension_numbers<[1], [0], [0], [1], [0, 0, 1, 1], [], []>, transpose_lhs_hint = false} : vector<48x256xbf16>, vector<256x1024xbf16>, vector<48x1024xf32> -> vector<48x1024xf32>
      %add3A_761 = arith.addf %get3A_756, %dot_general3A_760 : vector<48x1024xf32>
      %slice3A_762 = vector.extract_strided_slice %add3A_761 {offsets = [0, 0], sizes = [48, 256], strides = [1, 1]} : vector<48x1024xf32> to vector<48x256xf32>
      %logistic3A_763 = arith.negf %slice3A_762 : vector<48x256xf32>
      %logistic3A_764 = math.exp %logistic3A_763 : vector<48x256xf32>
      %logistic3A_765 = arith.constant 1.000000e+00 : f32
      %logistic3A_766 = vector.broadcast %logistic3A_765 : f32 to vector<48x256xf32>
      %logistic3A_767 = arith.addf %logistic3A_766, %logistic3A_764 : vector<48x256xf32>
      %logistic3A_768 = arith.divf %logistic3A_766, %logistic3A_767 : vector<48x256xf32>
      %slice3A_769 = vector.extract_strided_slice %add3A_761 {offsets = [0, 256], sizes = [48, 256], strides = [1, 1]} : vector<48x1024xf32> to vector<48x256xf32>
      %logistic3A_770 = arith.negf %slice3A_769 : vector<48x256xf32>
      %logistic3A_771 = math.exp %logistic3A_770 : vector<48x256xf32>
      %logistic3A_772 = arith.constant 1.000000e+00 : f32
      %logistic3A_773 = vector.broadcast %logistic3A_772 : f32 to vector<48x256xf32>
      %logistic3A_774 = arith.addf %logistic3A_773, %logistic3A_771 : vector<48x256xf32>
      %logistic3A_775 = arith.divf %logistic3A_773, %logistic3A_774 : vector<48x256xf32>
      %slice3A_776 = vector.extract_strided_slice %add3A_761 {offsets = [0, 512], sizes = [48, 256], strides = [1, 1]} : vector<48x1024xf32> to vector<48x256xf32>
      %tanh3A_777 = math.tanh %slice3A_776 : vector<48x256xf32>
      %slice3A_778 = vector.extract_strided_slice %add3A_761 {offsets = [0, 768], sizes = [48, 256], strides = [1, 1]} : vector<48x1024xf32> to vector<48x256xf32>
      %logistic3A_779 = arith.negf %slice3A_778 : vector<48x256xf32>
      %logistic3A_780 = math.exp %logistic3A_779 : vector<48x256xf32>
      %logistic3A_781 = arith.constant 1.000000e+00 : f32
      %logistic3A_782 = vector.broadcast %logistic3A_781 : f32 to vector<48x256xf32>
      %logistic3A_783 = arith.addf %logistic3A_782, %logistic3A_780 : vector<48x256xf32>
      %logistic3A_784 = arith.divf %logistic3A_782, %logistic3A_783 : vector<48x256xf32>
      %mul3A_785 = arith.mulf %logistic3A_775, %add3A_689 : vector<48x256xf32>
      %mul3A_786 = arith.mulf %logistic3A_768, %tanh3A_777 : vector<48x256xf32>
      %add3A_787 = arith.addf %mul3A_785, %mul3A_786 : vector<48x256xf32>
      %tanh3A_788 = math.tanh %add3A_787 : vector<48x256xf32>
      %mul3A_789 = arith.mulf %logistic3A_784, %tanh3A_788 : vector<48x256xf32>
      %convert_element_type3A_790 = arith.truncf %mul3A_789 : vector<48x256xf32> to vector<48x256xbf16>
      %jit3A_791 = arith.constant 0.000000e+00 : f32
      %broadcast_in_dim3A_792 = vector.shape_cast %lt3A_758 : vector<48x1xi1> to vector<48x1xi1>
      %broadcast_in_dim3A_793 = vector.broadcast %broadcast_in_dim3A_792 : vector<48x1xi1> to vector<48x256xi1>
      %broadcast_in_dim3A_794 = vector.broadcast %jit3A_791 : f32 to vector<48x256xf32>
      %select_n3A_795 = arith.select %broadcast_in_dim3A_793, %mul3A_789, %broadcast_in_dim3A_794 : vector<48x256xi1>, vector<48x256xf32>
      %add3A_796 = arith.addf %add3A_698, %select_n3A_795 : vector<48x256xf32>
      %sub3A_797 = arith.constant 255 : i32
      %sub3A_798 = arith.subi %sub3A_797, %add3A_753 : i32
      %get3A_799 = arith.constant 96 : index
      %get3A_800 = arith.constant 0 : index
      %get3A_801 = vector.load %arg25[%get3A_799, %get3A_800] : memref<384x1024xf32, #tpu.memory_space<vmem>>, vector<48x1024xf32>
      %lt3A_802 = vector.broadcast %sub3A_798 : i32 to vector<48x1xi32>
      %lt3A_803 = arith.cmpi slt, %lt3A_802, %get3A_13 : vector<48x1xi32>
      %dot_general3A_804 = arith.constant dense<0.000000e+00> : vector<48x1024xf32>
      %dot_general3A_805 = tpu.matmul %select_n3A_740, %get3A_4, %dot_general3A_804 {dimension_numbers = #tpu.dot_dimension_numbers<[1], [0], [0], [1], [0, 0, 1, 1], [], []>, transpose_lhs_hint = false} : vector<48x256xbf16>, vector<256x1024xbf16>, vector<48x1024xf32> -> vector<48x1024xf32>
      %add3A_806 = arith.addf %get3A_801, %dot_general3A_805 : vector<48x1024xf32>
      %slice3A_807 = vector.extract_strided_slice %add3A_806 {offsets = [0, 0], sizes = [48, 256], strides = [1, 1]} : vector<48x1024xf32> to vector<48x256xf32>
      %logistic3A_808 = arith.negf %slice3A_807 : vector<48x256xf32>
      %logistic3A_809 = math.exp %logistic3A_808 : vector<48x256xf32>
      %logistic3A_810 = arith.constant 1.000000e+00 : f32
      %logistic3A_811 = vector.broadcast %logistic3A_810 : f32 to vector<48x256xf32>
      %logistic3A_812 = arith.addf %logistic3A_811, %logistic3A_809 : vector<48x256xf32>
      %logistic3A_813 = arith.divf %logistic3A_811, %logistic3A_812 : vector<48x256xf32>
      %slice3A_814 = vector.extract_strided_slice %add3A_806 {offsets = [0, 256], sizes = [48, 256], strides = [1, 1]} : vector<48x1024xf32> to vector<48x256xf32>
      %logistic3A_815 = arith.negf %slice3A_814 : vector<48x256xf32>
      %logistic3A_816 = math.exp %logistic3A_815 : vector<48x256xf32>
      %logistic3A_817 = arith.constant 1.000000e+00 : f32
      %logistic3A_818 = vector.broadcast %logistic3A_817 : f32 to vector<48x256xf32>
      %logistic3A_819 = arith.addf %logistic3A_818, %logistic3A_816 : vector<48x256xf32>
      %logistic3A_820 = arith.divf %logistic3A_818, %logistic3A_819 : vector<48x256xf32>
      %slice3A_821 = vector.extract_strided_slice %add3A_806 {offsets = [0, 512], sizes = [48, 256], strides = [1, 1]} : vector<48x1024xf32> to vector<48x256xf32>
      %tanh3A_822 = math.tanh %slice3A_821 : vector<48x256xf32>
      %slice3A_823 = vector.extract_strided_slice %add3A_806 {offsets = [0, 768], sizes = [48, 256], strides = [1, 1]} : vector<48x1024xf32> to vector<48x256xf32>
      %logistic3A_824 = arith.negf %slice3A_823 : vector<48x256xf32>
      %logistic3A_825 = math.exp %logistic3A_824 : vector<48x256xf32>
      %logistic3A_826 = arith.constant 1.000000e+00 : f32
      %logistic3A_827 = vector.broadcast %logistic3A_826 : f32 to vector<48x256xf32>
      %logistic3A_828 = arith.addf %logistic3A_827, %logistic3A_825 : vector<48x256xf32>
      %logistic3A_829 = arith.divf %logistic3A_827, %logistic3A_828 : vector<48x256xf32>
      %mul3A_830 = arith.mulf %logistic3A_820, %select_n3A_743 : vector<48x256xf32>
      %mul3A_831 = arith.mulf %logistic3A_813, %tanh3A_822 : vector<48x256xf32>
      %add3A_832 = arith.addf %mul3A_830, %mul3A_831 : vector<48x256xf32>
      %tanh3A_833 = math.tanh %add3A_832 : vector<48x256xf32>
      %mul3A_834 = arith.mulf %logistic3A_829, %tanh3A_833 : vector<48x256xf32>
      %convert_element_type3A_835 = arith.truncf %mul3A_834 : vector<48x256xf32> to vector<48x256xbf16>
      %broadcast_in_dim3A_836 = vector.shape_cast %lt3A_803 : vector<48x1xi1> to vector<48x1xi1>
      %broadcast_in_dim3A_837 = vector.broadcast %broadcast_in_dim3A_836 : vector<48x1xi1> to vector<48x256xi1>
      %select_n3A_838 = arith.select %broadcast_in_dim3A_837, %convert_element_type3A_835, %select_n3A_740 : vector<48x256xi1>, vector<48x256xbf16>
      %broadcast_in_dim3A_839 = vector.shape_cast %lt3A_803 : vector<48x1xi1> to vector<48x1xi1>
      %broadcast_in_dim3A_840 = vector.broadcast %broadcast_in_dim3A_839 : vector<48x1xi1> to vector<48x256xi1>
      %select_n3A_841 = arith.select %broadcast_in_dim3A_840, %add3A_832, %select_n3A_743 : vector<48x256xi1>, vector<48x256xf32>
      %jit3A_842 = arith.constant 0.000000e+00 : f32
      %broadcast_in_dim3A_843 = vector.shape_cast %lt3A_803 : vector<48x1xi1> to vector<48x1xi1>
      %broadcast_in_dim3A_844 = vector.broadcast %broadcast_in_dim3A_843 : vector<48x1xi1> to vector<48x256xi1>
      %broadcast_in_dim3A_845 = vector.broadcast %jit3A_842 : f32 to vector<48x256xf32>
      %select_n3A_846 = arith.select %broadcast_in_dim3A_844, %mul3A_834, %broadcast_in_dim3A_845 : vector<48x256xi1>, vector<48x256xf32>
      %add3A_847 = arith.addf %add3A_749, %select_n3A_846 : vector<48x256xf32>
      %mul3A_848 = arith.constant 8 : i32
      %mul3A_849 = arith.muli %mul3A_220, %mul3A_848 : i32
      %add3A_850 = arith.constant 6 : i32
      %add3A_851 = arith.addi %mul3A_849, %add3A_850 : i32
      %get3A_852 = arith.constant 288 : index
      %get3A_853 = arith.constant 0 : index
      %get3A_854 = vector.load %arg23[%get3A_852, %get3A_853] : memref<384x1024xf32, #tpu.memory_space<vmem>>, vector<48x1024xf32>
      %lt3A_855 = vector.broadcast %add3A_851 : i32 to vector<48x1xi32>
      %lt3A_856 = arith.cmpi slt, %lt3A_855, %get3A_13 : vector<48x1xi32>
      %dot_general3A_857 = arith.constant dense<0.000000e+00> : vector<48x1024xf32>
      %dot_general3A_858 = tpu.matmul %convert_element_type3A_790, %get3A_1, %dot_general3A_857 {dimension_numbers = #tpu.dot_dimension_numbers<[1], [0], [0], [1], [0, 0, 1, 1], [], []>, transpose_lhs_hint = false} : vector<48x256xbf16>, vector<256x1024xbf16>, vector<48x1024xf32> -> vector<48x1024xf32>
      %add3A_859 = arith.addf %get3A_854, %dot_general3A_858 : vector<48x1024xf32>
      %slice3A_860 = vector.extract_strided_slice %add3A_859 {offsets = [0, 0], sizes = [48, 256], strides = [1, 1]} : vector<48x1024xf32> to vector<48x256xf32>
      %logistic3A_861 = arith.negf %slice3A_860 : vector<48x256xf32>
      %logistic3A_862 = math.exp %logistic3A_861 : vector<48x256xf32>
      %logistic3A_863 = arith.constant 1.000000e+00 : f32
      %logistic3A_864 = vector.broadcast %logistic3A_863 : f32 to vector<48x256xf32>
      %logistic3A_865 = arith.addf %logistic3A_864, %logistic3A_862 : vector<48x256xf32>
      %logistic3A_866 = arith.divf %logistic3A_864, %logistic3A_865 : vector<48x256xf32>
      %slice3A_867 = vector.extract_strided_slice %add3A_859 {offsets = [0, 256], sizes = [48, 256], strides = [1, 1]} : vector<48x1024xf32> to vector<48x256xf32>
      %logistic3A_868 = arith.negf %slice3A_867 : vector<48x256xf32>
      %logistic3A_869 = math.exp %logistic3A_868 : vector<48x256xf32>
      %logistic3A_870 = arith.constant 1.000000e+00 : f32
      %logistic3A_871 = vector.broadcast %logistic3A_870 : f32 to vector<48x256xf32>
      %logistic3A_872 = arith.addf %logistic3A_871, %logistic3A_869 : vector<48x256xf32>
      %logistic3A_873 = arith.divf %logistic3A_871, %logistic3A_872 : vector<48x256xf32>
      %slice3A_874 = vector.extract_strided_slice %add3A_859 {offsets = [0, 512], sizes = [48, 256], strides = [1, 1]} : vector<48x1024xf32> to vector<48x256xf32>
      %tanh3A_875 = math.tanh %slice3A_874 : vector<48x256xf32>
      %slice3A_876 = vector.extract_strided_slice %add3A_859 {offsets = [0, 768], sizes = [48, 256], strides = [1, 1]} : vector<48x1024xf32> to vector<48x256xf32>
      %logistic3A_877 = arith.negf %slice3A_876 : vector<48x256xf32>
      %logistic3A_878 = math.exp %logistic3A_877 : vector<48x256xf32>
      %logistic3A_879 = arith.constant 1.000000e+00 : f32
      %logistic3A_880 = vector.broadcast %logistic3A_879 : f32 to vector<48x256xf32>
      %logistic3A_881 = arith.addf %logistic3A_880, %logistic3A_878 : vector<48x256xf32>
      %logistic3A_882 = arith.divf %logistic3A_880, %logistic3A_881 : vector<48x256xf32>
      %mul3A_883 = arith.mulf %logistic3A_873, %add3A_787 : vector<48x256xf32>
      %mul3A_884 = arith.mulf %logistic3A_866, %tanh3A_875 : vector<48x256xf32>
      %add3A_885 = arith.addf %mul3A_883, %mul3A_884 : vector<48x256xf32>
      %tanh3A_886 = math.tanh %add3A_885 : vector<48x256xf32>
      %mul3A_887 = arith.mulf %logistic3A_882, %tanh3A_886 : vector<48x256xf32>
      %convert_element_type3A_888 = arith.truncf %mul3A_887 : vector<48x256xf32> to vector<48x256xbf16>
      %jit3A_889 = arith.constant 0.000000e+00 : f32
      %broadcast_in_dim3A_890 = vector.shape_cast %lt3A_856 : vector<48x1xi1> to vector<48x1xi1>
      %broadcast_in_dim3A_891 = vector.broadcast %broadcast_in_dim3A_890 : vector<48x1xi1> to vector<48x256xi1>
      %broadcast_in_dim3A_892 = vector.broadcast %jit3A_889 : f32 to vector<48x256xf32>
      %select_n3A_893 = arith.select %broadcast_in_dim3A_891, %mul3A_887, %broadcast_in_dim3A_892 : vector<48x256xi1>, vector<48x256xf32>
      %add3A_894 = arith.addf %add3A_796, %select_n3A_893 : vector<48x256xf32>
      %sub3A_895 = arith.constant 255 : i32
      %sub3A_896 = arith.subi %sub3A_895, %add3A_851 : i32
      %get3A_897 = arith.constant 48 : index
      %get3A_898 = arith.constant 0 : index
      %get3A_899 = vector.load %arg25[%get3A_897, %get3A_898] : memref<384x1024xf32, #tpu.memory_space<vmem>>, vector<48x1024xf32>
      %lt3A_900 = vector.broadcast %sub3A_896 : i32 to vector<48x1xi32>
      %lt3A_901 = arith.cmpi slt, %lt3A_900, %get3A_13 : vector<48x1xi32>
      %dot_general3A_902 = arith.constant dense<0.000000e+00> : vector<48x1024xf32>
      %dot_general3A_903 = tpu.matmul %select_n3A_838, %get3A_4, %dot_general3A_902 {dimension_numbers = #tpu.dot_dimension_numbers<[1], [0], [0], [1], [0, 0, 1, 1], [], []>, transpose_lhs_hint = false} : vector<48x256xbf16>, vector<256x1024xbf16>, vector<48x1024xf32> -> vector<48x1024xf32>
      %add3A_904 = arith.addf %get3A_899, %dot_general3A_903 : vector<48x1024xf32>
      %slice3A_905 = vector.extract_strided_slice %add3A_904 {offsets = [0, 0], sizes = [48, 256], strides = [1, 1]} : vector<48x1024xf32> to vector<48x256xf32>
      %logistic3A_906 = arith.negf %slice3A_905 : vector<48x256xf32>
      %logistic3A_907 = math.exp %logistic3A_906 : vector<48x256xf32>
      %logistic3A_908 = arith.constant 1.000000e+00 : f32
      %logistic3A_909 = vector.broadcast %logistic3A_908 : f32 to vector<48x256xf32>
      %logistic3A_910 = arith.addf %logistic3A_909, %logistic3A_907 : vector<48x256xf32>
      %logistic3A_911 = arith.divf %logistic3A_909, %logistic3A_910 : vector<48x256xf32>
      %slice3A_912 = vector.extract_strided_slice %add3A_904 {offsets = [0, 256], sizes = [48, 256], strides = [1, 1]} : vector<48x1024xf32> to vector<48x256xf32>
      %logistic3A_913 = arith.negf %slice3A_912 : vector<48x256xf32>
      %logistic3A_914 = math.exp %logistic3A_913 : vector<48x256xf32>
      %logistic3A_915 = arith.constant 1.000000e+00 : f32
      %logistic3A_916 = vector.broadcast %logistic3A_915 : f32 to vector<48x256xf32>
      %logistic3A_917 = arith.addf %logistic3A_916, %logistic3A_914 : vector<48x256xf32>
      %logistic3A_918 = arith.divf %logistic3A_916, %logistic3A_917 : vector<48x256xf32>
      %slice3A_919 = vector.extract_strided_slice %add3A_904 {offsets = [0, 512], sizes = [48, 256], strides = [1, 1]} : vector<48x1024xf32> to vector<48x256xf32>
      %tanh3A_920 = math.tanh %slice3A_919 : vector<48x256xf32>
      %slice3A_921 = vector.extract_strided_slice %add3A_904 {offsets = [0, 768], sizes = [48, 256], strides = [1, 1]} : vector<48x1024xf32> to vector<48x256xf32>
      %logistic3A_922 = arith.negf %slice3A_921 : vector<48x256xf32>
      %logistic3A_923 = math.exp %logistic3A_922 : vector<48x256xf32>
      %logistic3A_924 = arith.constant 1.000000e+00 : f32
      %logistic3A_925 = vector.broadcast %logistic3A_924 : f32 to vector<48x256xf32>
      %logistic3A_926 = arith.addf %logistic3A_925, %logistic3A_923 : vector<48x256xf32>
      %logistic3A_927 = arith.divf %logistic3A_925, %logistic3A_926 : vector<48x256xf32>
      %mul3A_928 = arith.mulf %logistic3A_918, %select_n3A_841 : vector<48x256xf32>
      %mul3A_929 = arith.mulf %logistic3A_911, %tanh3A_920 : vector<48x256xf32>
      %add3A_930 = arith.addf %mul3A_928, %mul3A_929 : vector<48x256xf32>
      %tanh3A_931 = math.tanh %add3A_930 : vector<48x256xf32>
      %mul3A_932 = arith.mulf %logistic3A_927, %tanh3A_931 : vector<48x256xf32>
      %convert_element_type3A_933 = arith.truncf %mul3A_932 : vector<48x256xf32> to vector<48x256xbf16>
      %broadcast_in_dim3A_934 = vector.shape_cast %lt3A_901 : vector<48x1xi1> to vector<48x1xi1>
      %broadcast_in_dim3A_935 = vector.broadcast %broadcast_in_dim3A_934 : vector<48x1xi1> to vector<48x256xi1>
      %select_n3A_936 = arith.select %broadcast_in_dim3A_935, %convert_element_type3A_933, %select_n3A_838 : vector<48x256xi1>, vector<48x256xbf16>
      %broadcast_in_dim3A_937 = vector.shape_cast %lt3A_901 : vector<48x1xi1> to vector<48x1xi1>
      %broadcast_in_dim3A_938 = vector.broadcast %broadcast_in_dim3A_937 : vector<48x1xi1> to vector<48x256xi1>
      %select_n3A_939 = arith.select %broadcast_in_dim3A_938, %add3A_930, %select_n3A_841 : vector<48x256xi1>, vector<48x256xf32>
      %jit3A_940 = arith.constant 0.000000e+00 : f32
      %broadcast_in_dim3A_941 = vector.shape_cast %lt3A_901 : vector<48x1xi1> to vector<48x1xi1>
      %broadcast_in_dim3A_942 = vector.broadcast %broadcast_in_dim3A_941 : vector<48x1xi1> to vector<48x256xi1>
      %broadcast_in_dim3A_943 = vector.broadcast %jit3A_940 : f32 to vector<48x256xf32>
      %select_n3A_944 = arith.select %broadcast_in_dim3A_942, %mul3A_932, %broadcast_in_dim3A_943 : vector<48x256xi1>, vector<48x256xf32>
      %add3A_945 = arith.addf %add3A_847, %select_n3A_944 : vector<48x256xf32>
      %mul3A_946 = arith.constant 8 : i32
      %mul3A_947 = arith.muli %mul3A_220, %mul3A_946 : i32
      %add3A_948 = arith.constant 7 : i32
      %add3A_949 = arith.addi %mul3A_947, %add3A_948 : i32
      %get3A_950 = arith.constant 336 : index
      %get3A_951 = arith.constant 0 : index
      %get3A_952 = vector.load %arg23[%get3A_950, %get3A_951] : memref<384x1024xf32, #tpu.memory_space<vmem>>, vector<48x1024xf32>
      %lt3A_953 = vector.broadcast %add3A_949 : i32 to vector<48x1xi32>
      %lt3A_954 = arith.cmpi slt, %lt3A_953, %get3A_13 : vector<48x1xi32>
      %dot_general3A_955 = arith.constant dense<0.000000e+00> : vector<48x1024xf32>
      %dot_general3A_956 = tpu.matmul %convert_element_type3A_888, %get3A_1, %dot_general3A_955 {dimension_numbers = #tpu.dot_dimension_numbers<[1], [0], [0], [1], [0, 0, 1, 1], [], []>, transpose_lhs_hint = false} : vector<48x256xbf16>, vector<256x1024xbf16>, vector<48x1024xf32> -> vector<48x1024xf32>
      %add3A_957 = arith.addf %get3A_952, %dot_general3A_956 : vector<48x1024xf32>
      %slice3A_958 = vector.extract_strided_slice %add3A_957 {offsets = [0, 0], sizes = [48, 256], strides = [1, 1]} : vector<48x1024xf32> to vector<48x256xf32>
      %logistic3A_959 = arith.negf %slice3A_958 : vector<48x256xf32>
      %logistic3A_960 = math.exp %logistic3A_959 : vector<48x256xf32>
      %logistic3A_961 = arith.constant 1.000000e+00 : f32
      %logistic3A_962 = vector.broadcast %logistic3A_961 : f32 to vector<48x256xf32>
      %logistic3A_963 = arith.addf %logistic3A_962, %logistic3A_960 : vector<48x256xf32>
      %logistic3A_964 = arith.divf %logistic3A_962, %logistic3A_963 : vector<48x256xf32>
      %slice3A_965 = vector.extract_strided_slice %add3A_957 {offsets = [0, 256], sizes = [48, 256], strides = [1, 1]} : vector<48x1024xf32> to vector<48x256xf32>
      %logistic3A_966 = arith.negf %slice3A_965 : vector<48x256xf32>
      %logistic3A_967 = math.exp %logistic3A_966 : vector<48x256xf32>
      %logistic3A_968 = arith.constant 1.000000e+00 : f32
      %logistic3A_969 = vector.broadcast %logistic3A_968 : f32 to vector<48x256xf32>
      %logistic3A_970 = arith.addf %logistic3A_969, %logistic3A_967 : vector<48x256xf32>
      %logistic3A_971 = arith.divf %logistic3A_969, %logistic3A_970 : vector<48x256xf32>
      %slice3A_972 = vector.extract_strided_slice %add3A_957 {offsets = [0, 512], sizes = [48, 256], strides = [1, 1]} : vector<48x1024xf32> to vector<48x256xf32>
      %tanh3A_973 = math.tanh %slice3A_972 : vector<48x256xf32>
      %slice3A_974 = vector.extract_strided_slice %add3A_957 {offsets = [0, 768], sizes = [48, 256], strides = [1, 1]} : vector<48x1024xf32> to vector<48x256xf32>
      %logistic3A_975 = arith.negf %slice3A_974 : vector<48x256xf32>
      %logistic3A_976 = math.exp %logistic3A_975 : vector<48x256xf32>
      %logistic3A_977 = arith.constant 1.000000e+00 : f32
      %logistic3A_978 = vector.broadcast %logistic3A_977 : f32 to vector<48x256xf32>
      %logistic3A_979 = arith.addf %logistic3A_978, %logistic3A_976 : vector<48x256xf32>
      %logistic3A_980 = arith.divf %logistic3A_978, %logistic3A_979 : vector<48x256xf32>
      %mul3A_981 = arith.mulf %logistic3A_971, %add3A_885 : vector<48x256xf32>
      %mul3A_982 = arith.mulf %logistic3A_964, %tanh3A_973 : vector<48x256xf32>
      %add3A_983 = arith.addf %mul3A_981, %mul3A_982 : vector<48x256xf32>
      %tanh3A_984 = math.tanh %add3A_983 : vector<48x256xf32>
      %mul3A_985 = arith.mulf %logistic3A_980, %tanh3A_984 : vector<48x256xf32>
      %convert_element_type3A_986 = arith.truncf %mul3A_985 : vector<48x256xf32> to vector<48x256xbf16>
      %jit3A_987 = arith.constant 0.000000e+00 : f32
      %broadcast_in_dim3A_988 = vector.shape_cast %lt3A_954 : vector<48x1xi1> to vector<48x1xi1>
      %broadcast_in_dim3A_989 = vector.broadcast %broadcast_in_dim3A_988 : vector<48x1xi1> to vector<48x256xi1>
      %broadcast_in_dim3A_990 = vector.broadcast %jit3A_987 : f32 to vector<48x256xf32>
      %select_n3A_991 = arith.select %broadcast_in_dim3A_989, %mul3A_985, %broadcast_in_dim3A_990 : vector<48x256xi1>, vector<48x256xf32>
      %add3A_992 = arith.addf %add3A_894, %select_n3A_991 : vector<48x256xf32>
      %sub3A_993 = arith.constant 255 : i32
      %sub3A_994 = arith.subi %sub3A_993, %add3A_949 : i32
      %get3A_995 = arith.constant 0 : index
      %get3A_996 = arith.constant 0 : index
      %get3A_997 = vector.load %arg25[%get3A_995, %get3A_996] : memref<384x1024xf32, #tpu.memory_space<vmem>>, vector<48x1024xf32>
      %lt3A_998 = vector.broadcast %sub3A_994 : i32 to vector<48x1xi32>
      %lt3A_999 = arith.cmpi slt, %lt3A_998, %get3A_13 : vector<48x1xi32>
      %dot_general3A_1000 = arith.constant dense<0.000000e+00> : vector<48x1024xf32>
      %dot_general3A_1001 = tpu.matmul %select_n3A_936, %get3A_4, %dot_general3A_1000 {dimension_numbers = #tpu.dot_dimension_numbers<[1], [0], [0], [1], [0, 0, 1, 1], [], []>, transpose_lhs_hint = false} : vector<48x256xbf16>, vector<256x1024xbf16>, vector<48x1024xf32> -> vector<48x1024xf32>
      %add3A_1002 = arith.addf %get3A_997, %dot_general3A_1001 : vector<48x1024xf32>
      %slice3A_1003 = vector.extract_strided_slice %add3A_1002 {offsets = [0, 0], sizes = [48, 256], strides = [1, 1]} : vector<48x1024xf32> to vector<48x256xf32>
      %logistic3A_1004 = arith.negf %slice3A_1003 : vector<48x256xf32>
      %logistic3A_1005 = math.exp %logistic3A_1004 : vector<48x256xf32>
      %logistic3A_1006 = arith.constant 1.000000e+00 : f32
      %logistic3A_1007 = vector.broadcast %logistic3A_1006 : f32 to vector<48x256xf32>
      %logistic3A_1008 = arith.addf %logistic3A_1007, %logistic3A_1005 : vector<48x256xf32>
      %logistic3A_1009 = arith.divf %logistic3A_1007, %logistic3A_1008 : vector<48x256xf32>
      %slice3A_1010 = vector.extract_strided_slice %add3A_1002 {offsets = [0, 256], sizes = [48, 256], strides = [1, 1]} : vector<48x1024xf32> to vector<48x256xf32>
      %logistic3A_1011 = arith.negf %slice3A_1010 : vector<48x256xf32>
      %logistic3A_1012 = math.exp %logistic3A_1011 : vector<48x256xf32>
      %logistic3A_1013 = arith.constant 1.000000e+00 : f32
      %logistic3A_1014 = vector.broadcast %logistic3A_1013 : f32 to vector<48x256xf32>
      %logistic3A_1015 = arith.addf %logistic3A_1014, %logistic3A_1012 : vector<48x256xf32>
      %logistic3A_1016 = arith.divf %logistic3A_1014, %logistic3A_1015 : vector<48x256xf32>
      %slice3A_1017 = vector.extract_strided_slice %add3A_1002 {offsets = [0, 512], sizes = [48, 256], strides = [1, 1]} : vector<48x1024xf32> to vector<48x256xf32>
      %tanh3A_1018 = math.tanh %slice3A_1017 : vector<48x256xf32>
      %slice3A_1019 = vector.extract_strided_slice %add3A_1002 {offsets = [0, 768], sizes = [48, 256], strides = [1, 1]} : vector<48x1024xf32> to vector<48x256xf32>
      %logistic3A_1020 = arith.negf %slice3A_1019 : vector<48x256xf32>
      %logistic3A_1021 = math.exp %logistic3A_1020 : vector<48x256xf32>
      %logistic3A_1022 = arith.constant 1.000000e+00 : f32
      %logistic3A_1023 = vector.broadcast %logistic3A_1022 : f32 to vector<48x256xf32>
      %logistic3A_1024 = arith.addf %logistic3A_1023, %logistic3A_1021 : vector<48x256xf32>
      %logistic3A_1025 = arith.divf %logistic3A_1023, %logistic3A_1024 : vector<48x256xf32>
      %mul3A_1026 = arith.mulf %logistic3A_1016, %select_n3A_939 : vector<48x256xf32>
      %mul3A_1027 = arith.mulf %logistic3A_1009, %tanh3A_1018 : vector<48x256xf32>
      %add3A_1028 = arith.addf %mul3A_1026, %mul3A_1027 : vector<48x256xf32>
      %tanh3A_1029 = math.tanh %add3A_1028 : vector<48x256xf32>
      %mul3A_1030 = arith.mulf %logistic3A_1025, %tanh3A_1029 : vector<48x256xf32>
      %convert_element_type3A_1031 = arith.truncf %mul3A_1030 : vector<48x256xf32> to vector<48x256xbf16>
      %broadcast_in_dim3A_1032 = vector.shape_cast %lt3A_999 : vector<48x1xi1> to vector<48x1xi1>
      %broadcast_in_dim3A_1033 = vector.broadcast %broadcast_in_dim3A_1032 : vector<48x1xi1> to vector<48x256xi1>
      %select_n3A_1034 = arith.select %broadcast_in_dim3A_1033, %convert_element_type3A_1031, %select_n3A_936 : vector<48x256xi1>, vector<48x256xbf16>
      %broadcast_in_dim3A_1035 = vector.shape_cast %lt3A_999 : vector<48x1xi1> to vector<48x1xi1>
      %broadcast_in_dim3A_1036 = vector.broadcast %broadcast_in_dim3A_1035 : vector<48x1xi1> to vector<48x256xi1>
      %select_n3A_1037 = arith.select %broadcast_in_dim3A_1036, %add3A_1028, %select_n3A_939 : vector<48x256xi1>, vector<48x256xf32>
      %jit3A_1038 = arith.constant 0.000000e+00 : f32
      %broadcast_in_dim3A_1039 = vector.shape_cast %lt3A_999 : vector<48x1xi1> to vector<48x1xi1>
      %broadcast_in_dim3A_1040 = vector.broadcast %broadcast_in_dim3A_1039 : vector<48x1xi1> to vector<48x256xi1>
      %broadcast_in_dim3A_1041 = vector.broadcast %jit3A_1038 : f32 to vector<48x256xf32>
      %select_n3A_1042 = arith.select %broadcast_in_dim3A_1040, %mul3A_1030, %broadcast_in_dim3A_1041 : vector<48x256xi1>, vector<48x256xf32>
      %add3A_1043 = arith.addf %add3A_945, %select_n3A_1042 : vector<48x256xf32>
      %add3A_1044 = arith.constant 2 : i32
      %add3A_1045 = arith.addi %mul3A_220, %add3A_1044 : i32
      %min3A = arith.constant 31 : i32
      %min3A_1046 = arith.minsi %add3A_1045, %min3A : i32
      %mul3A_1047 = arith.constant 8 : i32
      %mul3A_1048 = arith.muli %min3A_1046, %mul3A_1047 : i32
      %get3A_1049 = arith.index_cast %mul3A_1048 : i32 to index
      %get3A_1050 = arith.constant 0 : index
      %get3A_1051 = arith.constant 0 : index
      %get3A_1052 = vector.load %arg0[%get3A_1049, %get3A_1050, %get3A_1051] : memref<256x48x256xbf16, #tpu.memory_space<vmem>>, vector<8x48x256xbf16>
      %reshape3A_1053 = vector.shape_cast %get3A_1052 : vector<8x48x256xbf16> to vector<384x256xbf16>
      %get3A_1054 = arith.constant 0 : index
      %get3A_1055 = arith.constant 0 : index
      %get3A_1056 = vector.load %arg6[%get3A_1054, %get3A_1055] : memref<256x1024xbf16, #tpu.memory_space<vmem>>, vector<256x1024xbf16>
      %dot_general3A_1057 = arith.constant dense<0.000000e+00> : vector<384x1024xf32>
      %dot_general3A_1058 = tpu.matmul %reshape3A_1053, %get3A_1056, %dot_general3A_1057 {dimension_numbers = #tpu.dot_dimension_numbers<[1], [0], [0], [1], [0, 0, 1, 1], [], []>, transpose_lhs_hint = false} : vector<384x256xbf16>, vector<256x1024xbf16>, vector<384x1024xf32> -> vector<384x1024xf32>
      %get3A_1059 = arith.constant 0 : index
      %get3A_1060 = arith.constant 0 : index
      %get3A_1061 = vector.load %arg8[%get3A_1059, %get3A_1060] : memref<1x1024xf32, #tpu.memory_space<vmem>>, vector<1x1024xf32>
      %add3A_1062 = vector.broadcast %get3A_1061 : vector<1x1024xf32> to vector<384x1024xf32>
      %add3A_1063 = arith.addf %dot_general3A_1058, %add3A_1062 : vector<384x1024xf32>
      %swap3A_1064 = arith.constant 0 : index
      %swap3A_1065 = arith.constant 0 : index
      %swap3A_1066 = vector.load %arg23[%swap3A_1064, %swap3A_1065] : memref<384x1024xf32, #tpu.memory_space<vmem>>, vector<384x1024xf32>
      tpu.vector_store %arg23[%swap3A_1064, %swap3A_1065], %add3A_1063 {strides = array<i32>} : memref<384x1024xf32, #tpu.memory_space<vmem>>, vector<384x1024xf32>,
      %mul3A_1067 = arith.constant 8 : i32
      %mul3A_1068 = arith.muli %min3A_1046, %mul3A_1067 : i32
      %sub3A_1069 = arith.constant 248 : i32
      %sub3A_1070 = arith.subi %sub3A_1069, %mul3A_1068 : i32
      %get3A_1071 = arith.index_cast %sub3A_1070 : i32 to index
      %get3A_1072 = arith.constant 0 : index
      %get3A_1073 = arith.constant 0 : index
      %get3A_1074 = vector.load %arg0[%get3A_1071, %get3A_1072, %get3A_1073] : memref<256x48x256xbf16, #tpu.memory_space<vmem>>, vector<8x48x256xbf16>
      %reshape3A_1075 = vector.shape_cast %get3A_1074 : vector<8x48x256xbf16> to vector<384x256xbf16>
      %get3A_1076 = arith.constant 0 : index
      %get3A_1077 = arith.constant 0 : index
      %get3A_1078 = vector.load %arg9[%get3A_1076, %get3A_1077] : memref<256x1024xbf16, #tpu.memory_space<vmem>>, vector<256x1024xbf16>
      %dot_general3A_1079 = arith.constant dense<0.000000e+00> : vector<384x1024xf32>
      %dot_general3A_1080 = tpu.matmul %reshape3A_1075, %get3A_1078, %dot_general3A_1079 {dimension_numbers = #tpu.dot_dimension_numbers<[1], [0], [0], [1], [0, 0, 1, 1], [], []>, transpose_lhs_hint = false} : vector<384x256xbf16>, vector<256x1024xbf16>, vector<384x1024xf32> -> vector<384x1024xf32>
      %get3A_1081 = arith.constant 0 : index
      %get3A_1082 = arith.constant 0 : index
      %get3A_1083 = vector.load %arg11[%get3A_1081, %get3A_1082] : memref<1x1024xf32, #tpu.memory_space<vmem>>, vector<1x1024xf32>
      %add3A_1084 = vector.broadcast %get3A_1083 : vector<1x1024xf32> to vector<384x1024xf32>
      %add3A_1085 = arith.addf %dot_general3A_1080, %add3A_1084 : vector<384x1024xf32>
      %swap3A_1086 = arith.constant 0 : index
      %swap3A_1087 = arith.constant 0 : index
      %swap3A_1088 = vector.load %arg25[%swap3A_1086, %swap3A_1087] : memref<384x1024xf32, #tpu.memory_space<vmem>>, vector<384x1024xf32>
      tpu.vector_store %arg25[%swap3A_1086, %swap3A_1087], %add3A_1085 {strides = array<i32>} : memref<384x1024xf32, #tpu.memory_space<vmem>>, vector<384x1024xf32>,
      %add3A_1089 = arith.constant 1 : i32
      %add3A_1090 = arith.addi %mul3A_220, %add3A_1089 : i32
      %mul3A_1091 = arith.constant 8 : i32
      %mul3A_1092 = arith.muli %add3A_1090, %mul3A_1091 : i32
      %add3A_1093 = arith.constant 0 : i32
      %add3A_1094 = arith.addi %mul3A_1092, %add3A_1093 : i32
      %get3A_1095 = arith.constant 0 : index
      %get3A_1096 = arith.constant 0 : index
      %get3A_1097 = vector.load %arg24[%get3A_1095, %get3A_1096] : memref<384x1024xf32, #tpu.memory_space<vmem>>, vector<48x1024xf32>
      %lt3A_1098 = vector.broadcast %add3A_1094 : i32 to vector<48x1xi32>
      %lt3A_1099 = arith.cmpi slt, %lt3A_1098, %get3A_13 : vector<48x1xi32>
      %dot_general3A_1100 = arith.constant dense<0.000000e+00> : vector<48x1024xf32>
      %dot_general3A_1101 = tpu.matmul %convert_element_type3A_986, %get3A_1, %dot_general3A_1100 {dimension_numbers = #tpu.dot_dimension_numbers<[1], [0], [0], [1], [0, 0, 1, 1], [], []>, transpose_lhs_hint = false} : vector<48x256xbf16>, vector<256x1024xbf16>, vector<48x1024xf32> -> vector<48x1024xf32>
      %add3A_1102 = arith.addf %get3A_1097, %dot_general3A_1101 : vector<48x1024xf32>
      %slice3A_1103 = vector.extract_strided_slice %add3A_1102 {offsets = [0, 0], sizes = [48, 256], strides = [1, 1]} : vector<48x1024xf32> to vector<48x256xf32>
      %logistic3A_1104 = arith.negf %slice3A_1103 : vector<48x256xf32>
      %logistic3A_1105 = math.exp %logistic3A_1104 : vector<48x256xf32>
      %logistic3A_1106 = arith.constant 1.000000e+00 : f32
      %logistic3A_1107 = vector.broadcast %logistic3A_1106 : f32 to vector<48x256xf32>
      %logistic3A_1108 = arith.addf %logistic3A_1107, %logistic3A_1105 : vector<48x256xf32>
      %logistic3A_1109 = arith.divf %logistic3A_1107, %logistic3A_1108 : vector<48x256xf32>
      %slice3A_1110 = vector.extract_strided_slice %add3A_1102 {offsets = [0, 256], sizes = [48, 256], strides = [1, 1]} : vector<48x1024xf32> to vector<48x256xf32>
      %logistic3A_1111 = arith.negf %slice3A_1110 : vector<48x256xf32>
      %logistic3A_1112 = math.exp %logistic3A_1111 : vector<48x256xf32>
      %logistic3A_1113 = arith.constant 1.000000e+00 : f32
      %logistic3A_1114 = vector.broadcast %logistic3A_1113 : f32 to vector<48x256xf32>
      %logistic3A_1115 = arith.addf %logistic3A_1114, %logistic3A_1112 : vector<48x256xf32>
      %logistic3A_1116 = arith.divf %logistic3A_1114, %logistic3A_1115 : vector<48x256xf32>
      %slice3A_1117 = vector.extract_strided_slice %add3A_1102 {offsets = [0, 512], sizes = [48, 256], strides = [1, 1]} : vector<48x1024xf32> to vector<48x256xf32>
      %tanh3A_1118 = math.tanh %slice3A_1117 : vector<48x256xf32>
      %slice3A_1119 = vector.extract_strided_slice %add3A_1102 {offsets = [0, 768], sizes = [48, 256], strides = [1, 1]} : vector<48x1024xf32> to vector<48x256xf32>
      %logistic3A_1120 = arith.negf %slice3A_1119 : vector<48x256xf32>
      %logistic3A_1121 = math.exp %logistic3A_1120 : vector<48x256xf32>
      %logistic3A_1122 = arith.constant 1.000000e+00 : f32
      %logistic3A_1123 = vector.broadcast %logistic3A_1122 : f32 to vector<48x256xf32>
      %logistic3A_1124 = arith.addf %logistic3A_1123, %logistic3A_1121 : vector<48x256xf32>
      %logistic3A_1125 = arith.divf %logistic3A_1123, %logistic3A_1124 : vector<48x256xf32>
      %mul3A_1126 = arith.mulf %logistic3A_1116, %add3A_983 : vector<48x256xf32>
      %mul3A_1127 = arith.mulf %logistic3A_1109, %tanh3A_1118 : vector<48x256xf32>
      %add3A_1128 = arith.addf %mul3A_1126, %mul3A_1127 : vector<48x256xf32>
      %tanh3A_1129 = math.tanh %add3A_1128 : vector<48x256xf32>
      %mul3A_1130 = arith.mulf %logistic3A_1125, %tanh3A_1129 : vector<48x256xf32>
      %convert_element_type3A_1131 = arith.truncf %mul3A_1130 : vector<48x256xf32> to vector<48x256xbf16>
      %jit3A_1132 = arith.constant 0.000000e+00 : f32
      %broadcast_in_dim3A_1133 = vector.shape_cast %lt3A_1099 : vector<48x1xi1> to vector<48x1xi1>
      %broadcast_in_dim3A_1134 = vector.broadcast %broadcast_in_dim3A_1133 : vector<48x1xi1> to vector<48x256xi1>
      %broadcast_in_dim3A_1135 = vector.broadcast %jit3A_1132 : f32 to vector<48x256xf32>
      %select_n3A_1136 = arith.select %broadcast_in_dim3A_1134, %mul3A_1130, %broadcast_in_dim3A_1135 : vector<48x256xi1>, vector<48x256xf32>
      %add3A_1137 = arith.addf %add3A_992, %select_n3A_1136 : vector<48x256xf32>
      %sub3A_1138 = arith.constant 255 : i32
      %sub3A_1139 = arith.subi %sub3A_1138, %add3A_1094 : i32
      %get3A_1140 = arith.constant 336 : index
      %get3A_1141 = arith.constant 0 : index
      %get3A_1142 = vector.load %arg26[%get3A_1140, %get3A_1141] : memref<384x1024xf32, #tpu.memory_space<vmem>>, vector<48x1024xf32>
      %lt3A_1143 = vector.broadcast %sub3A_1139 : i32 to vector<48x1xi32>
      %lt3A_1144 = arith.cmpi slt, %lt3A_1143, %get3A_13 : vector<48x1xi32>
      %dot_general3A_1145 = arith.constant dense<0.000000e+00> : vector<48x1024xf32>
      %dot_general3A_1146 = tpu.matmul %select_n3A_1034, %get3A_4, %dot_general3A_1145 {dimension_numbers = #tpu.dot_dimension_numbers<[1], [0], [0], [1], [0, 0, 1, 1], [], []>, transpose_lhs_hint = false} : vector<48x256xbf16>, vector<256x1024xbf16>, vector<48x1024xf32> -> vector<48x1024xf32>
      %add3A_1147 = arith.addf %get3A_1142, %dot_general3A_1146 : vector<48x1024xf32>
      %slice3A_1148 = vector.extract_strided_slice %add3A_1147 {offsets = [0, 0], sizes = [48, 256], strides = [1, 1]} : vector<48x1024xf32> to vector<48x256xf32>
      %logistic3A_1149 = arith.negf %slice3A_1148 : vector<48x256xf32>
      %logistic3A_1150 = math.exp %logistic3A_1149 : vector<48x256xf32>
      %logistic3A_1151 = arith.constant 1.000000e+00 : f32
      %logistic3A_1152 = vector.broadcast %logistic3A_1151 : f32 to vector<48x256xf32>
      %logistic3A_1153 = arith.addf %logistic3A_1152, %logistic3A_1150 : vector<48x256xf32>
      %logistic3A_1154 = arith.divf %logistic3A_1152, %logistic3A_1153 : vector<48x256xf32>
      %slice3A_1155 = vector.extract_strided_slice %add3A_1147 {offsets = [0, 256], sizes = [48, 256], strides = [1, 1]} : vector<48x1024xf32> to vector<48x256xf32>
      %logistic3A_1156 = arith.negf %slice3A_1155 : vector<48x256xf32>
      %logistic3A_1157 = math.exp %logistic3A_1156 : vector<48x256xf32>
      %logistic3A_1158 = arith.constant 1.000000e+00 : f32
      %logistic3A_1159 = vector.broadcast %logistic3A_1158 : f32 to vector<48x256xf32>
      %logistic3A_1160 = arith.addf %logistic3A_1159, %logistic3A_1157 : vector<48x256xf32>
      %logistic3A_1161 = arith.divf %logistic3A_1159, %logistic3A_1160 : vector<48x256xf32>
      %slice3A_1162 = vector.extract_strided_slice %add3A_1147 {offsets = [0, 512], sizes = [48, 256], strides = [1, 1]} : vector<48x1024xf32> to vector<48x256xf32>
      %tanh3A_1163 = math.tanh %slice3A_1162 : vector<48x256xf32>
      %slice3A_1164 = vector.extract_strided_slice %add3A_1147 {offsets = [0, 768], sizes = [48, 256], strides = [1, 1]} : vector<48x1024xf32> to vector<48x256xf32>
      %logistic3A_1165 = arith.negf %slice3A_1164 : vector<48x256xf32>
      %logistic3A_1166 = math.exp %logistic3A_1165 : vector<48x256xf32>
      %logistic3A_1167 = arith.constant 1.000000e+00 : f32
      %logistic3A_1168 = vector.broadcast %logistic3A_1167 : f32 to vector<48x256xf32>
      %logistic3A_1169 = arith.addf %logistic3A_1168, %logistic3A_1166 : vector<48x256xf32>
      %logistic3A_1170 = arith.divf %logistic3A_1168, %logistic3A_1169 : vector<48x256xf32>
      %mul3A_1171 = arith.mulf %logistic3A_1161, %select_n3A_1037 : vector<48x256xf32>
      %mul3A_1172 = arith.mulf %logistic3A_1154, %tanh3A_1163 : vector<48x256xf32>
      %add3A_1173 = arith.addf %mul3A_1171, %mul3A_1172 : vector<48x256xf32>
      %tanh3A_1174 = math.tanh %add3A_1173 : vector<48x256xf32>
      %mul3A_1175 = arith.mulf %logistic3A_1170, %tanh3A_1174 : vector<48x256xf32>
      %convert_element_type3A_1176 = arith.truncf %mul3A_1175 : vector<48x256xf32> to vector<48x256xbf16>
      %broadcast_in_dim3A_1177 = vector.shape_cast %lt3A_1144 : vector<48x1xi1> to vector<48x1xi1>
      %broadcast_in_dim3A_1178 = vector.broadcast %broadcast_in_dim3A_1177 : vector<48x1xi1> to vector<48x256xi1>
      %select_n3A_1179 = arith.select %broadcast_in_dim3A_1178, %convert_element_type3A_1176, %select_n3A_1034 : vector<48x256xi1>, vector<48x256xbf16>
      %broadcast_in_dim3A_1180 = vector.shape_cast %lt3A_1144 : vector<48x1xi1> to vector<48x1xi1>
      %broadcast_in_dim3A_1181 = vector.broadcast %broadcast_in_dim3A_1180 : vector<48x1xi1> to vector<48x256xi1>
      %select_n3A_1182 = arith.select %broadcast_in_dim3A_1181, %add3A_1173, %select_n3A_1037 : vector<48x256xi1>, vector<48x256xf32>
      %jit3A_1183 = arith.constant 0.000000e+00 : f32
      %broadcast_in_dim3A_1184 = vector.shape_cast %lt3A_1144 : vector<48x1xi1> to vector<48x1xi1>
      %broadcast_in_dim3A_1185 = vector.broadcast %broadcast_in_dim3A_1184 : vector<48x1xi1> to vector<48x256xi1>
      %broadcast_in_dim3A_1186 = vector.broadcast %jit3A_1183 : f32 to vector<48x256xf32>
      %select_n3A_1187 = arith.select %broadcast_in_dim3A_1185, %mul3A_1175, %broadcast_in_dim3A_1186 : vector<48x256xi1>, vector<48x256xf32>
      %add3A_1188 = arith.addf %add3A_1043, %select_n3A_1187 : vector<48x256xf32>
      %mul3A_1189 = arith.constant 8 : i32
      %mul3A_1190 = arith.muli %add3A_1090, %mul3A_1189 : i32
      %add3A_1191 = arith.constant 1 : i32
      %add3A_1192 = arith.addi %mul3A_1190, %add3A_1191 : i32
      %get3A_1193 = arith.constant 48 : index
      %get3A_1194 = arith.constant 0 : index
      %get3A_1195 = vector.load %arg24[%get3A_1193, %get3A_1194] : memref<384x1024xf32, #tpu.memory_space<vmem>>, vector<48x1024xf32>
      %lt3A_1196 = vector.broadcast %add3A_1192 : i32 to vector<48x1xi32>
      %lt3A_1197 = arith.cmpi slt, %lt3A_1196, %get3A_13 : vector<48x1xi32>
      %dot_general3A_1198 = arith.constant dense<0.000000e+00> : vector<48x1024xf32>
      %dot_general3A_1199 = tpu.matmul %convert_element_type3A_1131, %get3A_1, %dot_general3A_1198 {dimension_numbers = #tpu.dot_dimension_numbers<[1], [0], [0], [1], [0, 0, 1, 1], [], []>, transpose_lhs_hint = false} : vector<48x256xbf16>, vector<256x1024xbf16>, vector<48x1024xf32> -> vector<48x1024xf32>
      %add3A_1200 = arith.addf %get3A_1195, %dot_general3A_1199 : vector<48x1024xf32>
      %slice3A_1201 = vector.extract_strided_slice %add3A_1200 {offsets = [0, 0], sizes = [48, 256], strides = [1, 1]} : vector<48x1024xf32> to vector<48x256xf32>
      %logistic3A_1202 = arith.negf %slice3A_1201 : vector<48x256xf32>
      %logistic3A_1203 = math.exp %logistic3A_1202 : vector<48x256xf32>
      %logistic3A_1204 = arith.constant 1.000000e+00 : f32
      %logistic3A_1205 = vector.broadcast %logistic3A_1204 : f32 to vector<48x256xf32>
      %logistic3A_1206 = arith.addf %logistic3A_1205, %logistic3A_1203 : vector<48x256xf32>
      %logistic3A_1207 = arith.divf %logistic3A_1205, %logistic3A_1206 : vector<48x256xf32>
      %slice3A_1208 = vector.extract_strided_slice %add3A_1200 {offsets = [0, 256], sizes = [48, 256], strides = [1, 1]} : vector<48x1024xf32> to vector<48x256xf32>
      %logistic3A_1209 = arith.negf %slice3A_1208 : vector<48x256xf32>
      %logistic3A_1210 = math.exp %logistic3A_1209 : vector<48x256xf32>
      %logistic3A_1211 = arith.constant 1.000000e+00 : f32
      %logistic3A_1212 = vector.broadcast %logistic3A_1211 : f32 to vector<48x256xf32>
      %logistic3A_1213 = arith.addf %logistic3A_1212, %logistic3A_1210 : vector<48x256xf32>
      %logistic3A_1214 = arith.divf %logistic3A_1212, %logistic3A_1213 : vector<48x256xf32>
      %slice3A_1215 = vector.extract_strided_slice %add3A_1200 {offsets = [0, 512], sizes = [48, 256], strides = [1, 1]} : vector<48x1024xf32> to vector<48x256xf32>
      %tanh3A_1216 = math.tanh %slice3A_1215 : vector<48x256xf32>
      %slice3A_1217 = vector.extract_strided_slice %add3A_1200 {offsets = [0, 768], sizes = [48, 256], strides = [1, 1]} : vector<48x1024xf32> to vector<48x256xf32>
      %logistic3A_1218 = arith.negf %slice3A_1217 : vector<48x256xf32>
      %logistic3A_1219 = math.exp %logistic3A_1218 : vector<48x256xf32>
      %logistic3A_1220 = arith.constant 1.000000e+00 : f32
      %logistic3A_1221 = vector.broadcast %logistic3A_1220 : f32 to vector<48x256xf32>
      %logistic3A_1222 = arith.addf %logistic3A_1221, %logistic3A_1219 : vector<48x256xf32>
      %logistic3A_1223 = arith.divf %logistic3A_1221, %logistic3A_1222 : vector<48x256xf32>
      %mul3A_1224 = arith.mulf %logistic3A_1214, %add3A_1128 : vector<48x256xf32>
      %mul3A_1225 = arith.mulf %logistic3A_1207, %tanh3A_1216 : vector<48x256xf32>
      %add3A_1226 = arith.addf %mul3A_1224, %mul3A_1225 : vector<48x256xf32>
      %tanh3A_1227 = math.tanh %add3A_1226 : vector<48x256xf32>
      %mul3A_1228 = arith.mulf %logistic3A_1223, %tanh3A_1227 : vector<48x256xf32>
      %convert_element_type3A_1229 = arith.truncf %mul3A_1228 : vector<48x256xf32> to vector<48x256xbf16>
      %jit3A_1230 = arith.constant 0.000000e+00 : f32
      %broadcast_in_dim3A_1231 = vector.shape_cast %lt3A_1197 : vector<48x1xi1> to vector<48x1xi1>
      %broadcast_in_dim3A_1232 = vector.broadcast %broadcast_in_dim3A_1231 : vector<48x1xi1> to vector<48x256xi1>
      %broadcast_in_dim3A_1233 = vector.broadcast %jit3A_1230 : f32 to vector<48x256xf32>
      %select_n3A_1234 = arith.select %broadcast_in_dim3A_1232, %mul3A_1228, %broadcast_in_dim3A_1233 : vector<48x256xi1>, vector<48x256xf32>
      %add3A_1235 = arith.addf %add3A_1137, %select_n3A_1234 : vector<48x256xf32>
      %sub3A_1236 = arith.constant 255 : i32
      %sub3A_1237 = arith.subi %sub3A_1236, %add3A_1192 : i32
      %get3A_1238 = arith.constant 288 : index
      %get3A_1239 = arith.constant 0 : index
      %get3A_1240 = vector.load %arg26[%get3A_1238, %get3A_1239] : memref<384x1024xf32, #tpu.memory_space<vmem>>, vector<48x1024xf32>
      %lt3A_1241 = vector.broadcast %sub3A_1237 : i32 to vector<48x1xi32>
      %lt3A_1242 = arith.cmpi slt, %lt3A_1241, %get3A_13 : vector<48x1xi32>
      %dot_general3A_1243 = arith.constant dense<0.000000e+00> : vector<48x1024xf32>
      %dot_general3A_1244 = tpu.matmul %select_n3A_1179, %get3A_4, %dot_general3A_1243 {dimension_numbers = #tpu.dot_dimension_numbers<[1], [0], [0], [1], [0, 0, 1, 1], [], []>, transpose_lhs_hint = false} : vector<48x256xbf16>, vector<256x1024xbf16>, vector<48x1024xf32> -> vector<48x1024xf32>
      %add3A_1245 = arith.addf %get3A_1240, %dot_general3A_1244 : vector<48x1024xf32>
      %slice3A_1246 = vector.extract_strided_slice %add3A_1245 {offsets = [0, 0], sizes = [48, 256], strides = [1, 1]} : vector<48x1024xf32> to vector<48x256xf32>
      %logistic3A_1247 = arith.negf %slice3A_1246 : vector<48x256xf32>
      %logistic3A_1248 = math.exp %logistic3A_1247 : vector<48x256xf32>
      %logistic3A_1249 = arith.constant 1.000000e+00 : f32
      %logistic3A_1250 = vector.broadcast %logistic3A_1249 : f32 to vector<48x256xf32>
      %logistic3A_1251 = arith.addf %logistic3A_1250, %logistic3A_1248 : vector<48x256xf32>
      %logistic3A_1252 = arith.divf %logistic3A_1250, %logistic3A_1251 : vector<48x256xf32>
      %slice3A_1253 = vector.extract_strided_slice %add3A_1245 {offsets = [0, 256], sizes = [48, 256], strides = [1, 1]} : vector<48x1024xf32> to vector<48x256xf32>
      %logistic3A_1254 = arith.negf %slice3A_1253 : vector<48x256xf32>
      %logistic3A_1255 = math.exp %logistic3A_1254 : vector<48x256xf32>
      %logistic3A_1256 = arith.constant 1.000000e+00 : f32
      %logistic3A_1257 = vector.broadcast %logistic3A_1256 : f32 to vector<48x256xf32>
      %logistic3A_1258 = arith.addf %logistic3A_1257, %logistic3A_1255 : vector<48x256xf32>
      %logistic3A_1259 = arith.divf %logistic3A_1257, %logistic3A_1258 : vector<48x256xf32>
      %slice3A_1260 = vector.extract_strided_slice %add3A_1245 {offsets = [0, 512], sizes = [48, 256], strides = [1, 1]} : vector<48x1024xf32> to vector<48x256xf32>
      %tanh3A_1261 = math.tanh %slice3A_1260 : vector<48x256xf32>
      %slice3A_1262 = vector.extract_strided_slice %add3A_1245 {offsets = [0, 768], sizes = [48, 256], strides = [1, 1]} : vector<48x1024xf32> to vector<48x256xf32>
      %logistic3A_1263 = arith.negf %slice3A_1262 : vector<48x256xf32>
      %logistic3A_1264 = math.exp %logistic3A_1263 : vector<48x256xf32>
      %logistic3A_1265 = arith.constant 1.000000e+00 : f32
      %logistic3A_1266 = vector.broadcast %logistic3A_1265 : f32 to vector<48x256xf32>
      %logistic3A_1267 = arith.addf %logistic3A_1266, %logistic3A_1264 : vector<48x256xf32>
      %logistic3A_1268 = arith.divf %logistic3A_1266, %logistic3A_1267 : vector<48x256xf32>
      %mul3A_1269 = arith.mulf %logistic3A_1259, %select_n3A_1182 : vector<48x256xf32>
      %mul3A_1270 = arith.mulf %logistic3A_1252, %tanh3A_1261 : vector<48x256xf32>
      %add3A_1271 = arith.addf %mul3A_1269, %mul3A_1270 : vector<48x256xf32>
      %tanh3A_1272 = math.tanh %add3A_1271 : vector<48x256xf32>
      %mul3A_1273 = arith.mulf %logistic3A_1268, %tanh3A_1272 : vector<48x256xf32>
      %convert_element_type3A_1274 = arith.truncf %mul3A_1273 : vector<48x256xf32> to vector<48x256xbf16>
      %broadcast_in_dim3A_1275 = vector.shape_cast %lt3A_1242 : vector<48x1xi1> to vector<48x1xi1>
      %broadcast_in_dim3A_1276 = vector.broadcast %broadcast_in_dim3A_1275 : vector<48x1xi1> to vector<48x256xi1>
      %select_n3A_1277 = arith.select %broadcast_in_dim3A_1276, %convert_element_type3A_1274, %select_n3A_1179 : vector<48x256xi1>, vector<48x256xbf16>
      %broadcast_in_dim3A_1278 = vector.shape_cast %lt3A_1242 : vector<48x1xi1> to vector<48x1xi1>
      %broadcast_in_dim3A_1279 = vector.broadcast %broadcast_in_dim3A_1278 : vector<48x1xi1> to vector<48x256xi1>
      %select_n3A_1280 = arith.select %broadcast_in_dim3A_1279, %add3A_1271, %select_n3A_1182 : vector<48x256xi1>, vector<48x256xf32>
      %jit3A_1281 = arith.constant 0.000000e+00 : f32
      %broadcast_in_dim3A_1282 = vector.shape_cast %lt3A_1242 : vector<48x1xi1> to vector<48x1xi1>
      %broadcast_in_dim3A_1283 = vector.broadcast %broadcast_in_dim3A_1282 : vector<48x1xi1> to vector<48x256xi1>
      %broadcast_in_dim3A_1284 = vector.broadcast %jit3A_1281 : f32 to vector<48x256xf32>
      %select_n3A_1285 = arith.select %broadcast_in_dim3A_1283, %mul3A_1273, %broadcast_in_dim3A_1284 : vector<48x256xi1>, vector<48x256xf32>
      %add3A_1286 = arith.addf %add3A_1188, %select_n3A_1285 : vector<48x256xf32>
      %mul3A_1287 = arith.constant 8 : i32
      %mul3A_1288 = arith.muli %add3A_1090, %mul3A_1287 : i32
      %add3A_1289 = arith.constant 2 : i32
      %add3A_1290 = arith.addi %mul3A_1288, %add3A_1289 : i32
      %get3A_1291 = arith.constant 96 : index
      %get3A_1292 = arith.constant 0 : index
      %get3A_1293 = vector.load %arg24[%get3A_1291, %get3A_1292] : memref<384x1024xf32, #tpu.memory_space<vmem>>, vector<48x1024xf32>
      %lt3A_1294 = vector.broadcast %add3A_1290 : i32 to vector<48x1xi32>
      %lt3A_1295 = arith.cmpi slt, %lt3A_1294, %get3A_13 : vector<48x1xi32>
      %dot_general3A_1296 = arith.constant dense<0.000000e+00> : vector<48x1024xf32>
      %dot_general3A_1297 = tpu.matmul %convert_element_type3A_1229, %get3A_1, %dot_general3A_1296 {dimension_numbers = #tpu.dot_dimension_numbers<[1], [0], [0], [1], [0, 0, 1, 1], [], []>, transpose_lhs_hint = false} : vector<48x256xbf16>, vector<256x1024xbf16>, vector<48x1024xf32> -> vector<48x1024xf32>
      %add3A_1298 = arith.addf %get3A_1293, %dot_general3A_1297 : vector<48x1024xf32>
      %slice3A_1299 = vector.extract_strided_slice %add3A_1298 {offsets = [0, 0], sizes = [48, 256], strides = [1, 1]} : vector<48x1024xf32> to vector<48x256xf32>
      %logistic3A_1300 = arith.negf %slice3A_1299 : vector<48x256xf32>
      %logistic3A_1301 = math.exp %logistic3A_1300 : vector<48x256xf32>
      %logistic3A_1302 = arith.constant 1.000000e+00 : f32
      %logistic3A_1303 = vector.broadcast %logistic3A_1302 : f32 to vector<48x256xf32>
      %logistic3A_1304 = arith.addf %logistic3A_1303, %logistic3A_1301 : vector<48x256xf32>
      %logistic3A_1305 = arith.divf %logistic3A_1303, %logistic3A_1304 : vector<48x256xf32>
      %slice3A_1306 = vector.extract_strided_slice %add3A_1298 {offsets = [0, 256], sizes = [48, 256], strides = [1, 1]} : vector<48x1024xf32> to vector<48x256xf32>
      %logistic3A_1307 = arith.negf %slice3A_1306 : vector<48x256xf32>
      %logistic3A_1308 = math.exp %logistic3A_1307 : vector<48x256xf32>
      %logistic3A_1309 = arith.constant 1.000000e+00 : f32
      %logistic3A_1310 = vector.broadcast %logistic3A_1309 : f32 to vector<48x256xf32>
      %logistic3A_1311 = arith.addf %logistic3A_1310, %logistic3A_1308 : vector<48x256xf32>
      %logistic3A_1312 = arith.divf %logistic3A_1310, %logistic3A_1311 : vector<48x256xf32>
      %slice3A_1313 = vector.extract_strided_slice %add3A_1298 {offsets = [0, 512], sizes = [48, 256], strides = [1, 1]} : vector<48x1024xf32> to vector<48x256xf32>
      %tanh3A_1314 = math.tanh %slice3A_1313 : vector<48x256xf32>
      %slice3A_1315 = vector.extract_strided_slice %add3A_1298 {offsets = [0, 768], sizes = [48, 256], strides = [1, 1]} : vector<48x1024xf32> to vector<48x256xf32>
      %logistic3A_1316 = arith.negf %slice3A_1315 : vector<48x256xf32>
      %logistic3A_1317 = math.exp %logistic3A_1316 : vector<48x256xf32>
      %logistic3A_1318 = arith.constant 1.000000e+00 : f32
      %logistic3A_1319 = vector.broadcast %logistic3A_1318 : f32 to vector<48x256xf32>
      %logistic3A_1320 = arith.addf %logistic3A_1319, %logistic3A_1317 : vector<48x256xf32>
      %logistic3A_1321 = arith.divf %logistic3A_1319, %logistic3A_1320 : vector<48x256xf32>
      %mul3A_1322 = arith.mulf %logistic3A_1312, %add3A_1226 : vector<48x256xf32>
      %mul3A_1323 = arith.mulf %logistic3A_1305, %tanh3A_1314 : vector<48x256xf32>
      %add3A_1324 = arith.addf %mul3A_1322, %mul3A_1323 : vector<48x256xf32>
      %tanh3A_1325 = math.tanh %add3A_1324 : vector<48x256xf32>
      %mul3A_1326 = arith.mulf %logistic3A_1321, %tanh3A_1325 : vector<48x256xf32>
      %convert_element_type3A_1327 = arith.truncf %mul3A_1326 : vector<48x256xf32> to vector<48x256xbf16>
      %jit3A_1328 = arith.constant 0.000000e+00 : f32
      %broadcast_in_dim3A_1329 = vector.shape_cast %lt3A_1295 : vector<48x1xi1> to vector<48x1xi1>
      %broadcast_in_dim3A_1330 = vector.broadcast %broadcast_in_dim3A_1329 : vector<48x1xi1> to vector<48x256xi1>
      %broadcast_in_dim3A_1331 = vector.broadcast %jit3A_1328 : f32 to vector<48x256xf32>
      %select_n3A_1332 = arith.select %broadcast_in_dim3A_1330, %mul3A_1326, %broadcast_in_dim3A_1331 : vector<48x256xi1>, vector<48x256xf32>
      %add3A_1333 = arith.addf %add3A_1235, %select_n3A_1332 : vector<48x256xf32>
      %sub3A_1334 = arith.constant 255 : i32
      %sub3A_1335 = arith.subi %sub3A_1334, %add3A_1290 : i32
      %get3A_1336 = arith.constant 240 : index
      %get3A_1337 = arith.constant 0 : index
      %get3A_1338 = vector.load %arg26[%get3A_1336, %get3A_1337] : memref<384x1024xf32, #tpu.memory_space<vmem>>, vector<48x1024xf32>
      %lt3A_1339 = vector.broadcast %sub3A_1335 : i32 to vector<48x1xi32>
      %lt3A_1340 = arith.cmpi slt, %lt3A_1339, %get3A_13 : vector<48x1xi32>
      %dot_general3A_1341 = arith.constant dense<0.000000e+00> : vector<48x1024xf32>
      %dot_general3A_1342 = tpu.matmul %select_n3A_1277, %get3A_4, %dot_general3A_1341 {dimension_numbers = #tpu.dot_dimension_numbers<[1], [0], [0], [1], [0, 0, 1, 1], [], []>, transpose_lhs_hint = false} : vector<48x256xbf16>, vector<256x1024xbf16>, vector<48x1024xf32> -> vector<48x1024xf32>
      %add3A_1343 = arith.addf %get3A_1338, %dot_general3A_1342 : vector<48x1024xf32>
      %slice3A_1344 = vector.extract_strided_slice %add3A_1343 {offsets = [0, 0], sizes = [48, 256], strides = [1, 1]} : vector<48x1024xf32> to vector<48x256xf32>
      %logistic3A_1345 = arith.negf %slice3A_1344 : vector<48x256xf32>
      %logistic3A_1346 = math.exp %logistic3A_1345 : vector<48x256xf32>
      %logistic3A_1347 = arith.constant 1.000000e+00 : f32
      %logistic3A_1348 = vector.broadcast %logistic3A_1347 : f32 to vector<48x256xf32>
      %logistic3A_1349 = arith.addf %logistic3A_1348, %logistic3A_1346 : vector<48x256xf32>
      %logistic3A_1350 = arith.divf %logistic3A_1348, %logistic3A_1349 : vector<48x256xf32>
      %slice3A_1351 = vector.extract_strided_slice %add3A_1343 {offsets = [0, 256], sizes = [48, 256], strides = [1, 1]} : vector<48x1024xf32> to vector<48x256xf32>
      %logistic3A_1352 = arith.negf %slice3A_1351 : vector<48x256xf32>
      %logistic3A_1353 = math.exp %logistic3A_1352 : vector<48x256xf32>
      %logistic3A_1354 = arith.constant 1.000000e+00 : f32
      %logistic3A_1355 = vector.broadcast %logistic3A_1354 : f32 to vector<48x256xf32>
      %logistic3A_1356 = arith.addf %logistic3A_1355, %logistic3A_1353 : vector<48x256xf32>
      %logistic3A_1357 = arith.divf %logistic3A_1355, %logistic3A_1356 : vector<48x256xf32>
      %slice3A_1358 = vector.extract_strided_slice %add3A_1343 {offsets = [0, 512], sizes = [48, 256], strides = [1, 1]} : vector<48x1024xf32> to vector<48x256xf32>
      %tanh3A_1359 = math.tanh %slice3A_1358 : vector<48x256xf32>
      %slice3A_1360 = vector.extract_strided_slice %add3A_1343 {offsets = [0, 768], sizes = [48, 256], strides = [1, 1]} : vector<48x1024xf32> to vector<48x256xf32>
      %logistic3A_1361 = arith.negf %slice3A_1360 : vector<48x256xf32>
      %logistic3A_1362 = math.exp %logistic3A_1361 : vector<48x256xf32>
      %logistic3A_1363 = arith.constant 1.000000e+00 : f32
      %logistic3A_1364 = vector.broadcast %logistic3A_1363 : f32 to vector<48x256xf32>
      %logistic3A_1365 = arith.addf %logistic3A_1364, %logistic3A_1362 : vector<48x256xf32>
      %logistic3A_1366 = arith.divf %logistic3A_1364, %logistic3A_1365 : vector<48x256xf32>
      %mul3A_1367 = arith.mulf %logistic3A_1357, %select_n3A_1280 : vector<48x256xf32>
      %mul3A_1368 = arith.mulf %logistic3A_1350, %tanh3A_1359 : vector<48x256xf32>
      %add3A_1369 = arith.addf %mul3A_1367, %mul3A_1368 : vector<48x256xf32>
      %tanh3A_1370 = math.tanh %add3A_1369 : vector<48x256xf32>
      %mul3A_1371 = arith.mulf %logistic3A_1366, %tanh3A_1370 : vector<48x256xf32>
      %convert_element_type3A_1372 = arith.truncf %mul3A_1371 : vector<48x256xf32> to vector<48x256xbf16>
      %broadcast_in_dim3A_1373 = vector.shape_cast %lt3A_1340 : vector<48x1xi1> to vector<48x1xi1>
      %broadcast_in_dim3A_1374 = vector.broadcast %broadcast_in_dim3A_1373 : vector<48x1xi1> to vector<48x256xi1>
      %select_n3A_1375 = arith.select %broadcast_in_dim3A_1374, %convert_element_type3A_1372, %select_n3A_1277 : vector<48x256xi1>, vector<48x256xbf16>
      %broadcast_in_dim3A_1376 = vector.shape_cast %lt3A_1340 : vector<48x1xi1> to vector<48x1xi1>
      %broadcast_in_dim3A_1377 = vector.broadcast %broadcast_in_dim3A_1376 : vector<48x1xi1> to vector<48x256xi1>
      %select_n3A_1378 = arith.select %broadcast_in_dim3A_1377, %add3A_1369, %select_n3A_1280 : vector<48x256xi1>, vector<48x256xf32>
      %jit3A_1379 = arith.constant 0.000000e+00 : f32
      %broadcast_in_dim3A_1380 = vector.shape_cast %lt3A_1340 : vector<48x1xi1> to vector<48x1xi1>
      %broadcast_in_dim3A_1381 = vector.broadcast %broadcast_in_dim3A_1380 : vector<48x1xi1> to vector<48x256xi1>
      %broadcast_in_dim3A_1382 = vector.broadcast %jit3A_1379 : f32 to vector<48x256xf32>
      %select_n3A_1383 = arith.select %broadcast_in_dim3A_1381, %mul3A_1371, %broadcast_in_dim3A_1382 : vector<48x256xi1>, vector<48x256xf32>
      %add3A_1384 = arith.addf %add3A_1286, %select_n3A_1383 : vector<48x256xf32>
      %mul3A_1385 = arith.constant 8 : i32
      %mul3A_1386 = arith.muli %add3A_1090, %mul3A_1385 : i32
      %add3A_1387 = arith.constant 3 : i32
      %add3A_1388 = arith.addi %mul3A_1386, %add3A_1387 : i32
      %get3A_1389 = arith.constant 144 : index
      %get3A_1390 = arith.constant 0 : index
      %get3A_1391 = vector.load %arg24[%get3A_1389, %get3A_1390] : memref<384x1024xf32, #tpu.memory_space<vmem>>, vector<48x1024xf32>
      %lt3A_1392 = vector.broadcast %add3A_1388 : i32 to vector<48x1xi32>
      %lt3A_1393 = arith.cmpi slt, %lt3A_1392, %get3A_13 : vector<48x1xi32>
      %dot_general3A_1394 = arith.constant dense<0.000000e+00> : vector<48x1024xf32>
      %dot_general3A_1395 = tpu.matmul %convert_element_type3A_1327, %get3A_1, %dot_general3A_1394 {dimension_numbers = #tpu.dot_dimension_numbers<[1], [0], [0], [1], [0, 0, 1, 1], [], []>, transpose_lhs_hint = false} : vector<48x256xbf16>, vector<256x1024xbf16>, vector<48x1024xf32> -> vector<48x1024xf32>
      %add3A_1396 = arith.addf %get3A_1391, %dot_general3A_1395 : vector<48x1024xf32>
      %slice3A_1397 = vector.extract_strided_slice %add3A_1396 {offsets = [0, 0], sizes = [48, 256], strides = [1, 1]} : vector<48x1024xf32> to vector<48x256xf32>
      %logistic3A_1398 = arith.negf %slice3A_1397 : vector<48x256xf32>
      %logistic3A_1399 = math.exp %logistic3A_1398 : vector<48x256xf32>
      %logistic3A_1400 = arith.constant 1.000000e+00 : f32
      %logistic3A_1401 = vector.broadcast %logistic3A_1400 : f32 to vector<48x256xf32>
      %logistic3A_1402 = arith.addf %logistic3A_1401, %logistic3A_1399 : vector<48x256xf32>
      %logistic3A_1403 = arith.divf %logistic3A_1401, %logistic3A_1402 : vector<48x256xf32>
      %slice3A_1404 = vector.extract_strided_slice %add3A_1396 {offsets = [0, 256], sizes = [48, 256], strides = [1, 1]} : vector<48x1024xf32> to vector<48x256xf32>
      %logistic3A_1405 = arith.negf %slice3A_1404 : vector<48x256xf32>
      %logistic3A_1406 = math.exp %logistic3A_1405 : vector<48x256xf32>
      %logistic3A_1407 = arith.constant 1.000000e+00 : f32
      %logistic3A_1408 = vector.broadcast %logistic3A_1407 : f32 to vector<48x256xf32>
      %logistic3A_1409 = arith.addf %logistic3A_1408, %logistic3A_1406 : vector<48x256xf32>
      %logistic3A_1410 = arith.divf %logistic3A_1408, %logistic3A_1409 : vector<48x256xf32>
      %slice3A_1411 = vector.extract_strided_slice %add3A_1396 {offsets = [0, 512], sizes = [48, 256], strides = [1, 1]} : vector<48x1024xf32> to vector<48x256xf32>
      %tanh3A_1412 = math.tanh %slice3A_1411 : vector<48x256xf32>
      %slice3A_1413 = vector.extract_strided_slice %add3A_1396 {offsets = [0, 768], sizes = [48, 256], strides = [1, 1]} : vector<48x1024xf32> to vector<48x256xf32>
      %logistic3A_1414 = arith.negf %slice3A_1413 : vector<48x256xf32>
      %logistic3A_1415 = math.exp %logistic3A_1414 : vector<48x256xf32>
      %logistic3A_1416 = arith.constant 1.000000e+00 : f32
      %logistic3A_1417 = vector.broadcast %logistic3A_1416 : f32 to vector<48x256xf32>
      %logistic3A_1418 = arith.addf %logistic3A_1417, %logistic3A_1415 : vector<48x256xf32>
      %logistic3A_1419 = arith.divf %logistic3A_1417, %logistic3A_1418 : vector<48x256xf32>
      %mul3A_1420 = arith.mulf %logistic3A_1410, %add3A_1324 : vector<48x256xf32>
      %mul3A_1421 = arith.mulf %logistic3A_1403, %tanh3A_1412 : vector<48x256xf32>
      %add3A_1422 = arith.addf %mul3A_1420, %mul3A_1421 : vector<48x256xf32>
      %tanh3A_1423 = math.tanh %add3A_1422 : vector<48x256xf32>
      %mul3A_1424 = arith.mulf %logistic3A_1419, %tanh3A_1423 : vector<48x256xf32>
      %convert_element_type3A_1425 = arith.truncf %mul3A_1424 : vector<48x256xf32> to vector<48x256xbf16>
      %jit3A_1426 = arith.constant 0.000000e+00 : f32
      %broadcast_in_dim3A_1427 = vector.shape_cast %lt3A_1393 : vector<48x1xi1> to vector<48x1xi1>
      %broadcast_in_dim3A_1428 = vector.broadcast %broadcast_in_dim3A_1427 : vector<48x1xi1> to vector<48x256xi1>
      %broadcast_in_dim3A_1429 = vector.broadcast %jit3A_1426 : f32 to vector<48x256xf32>
      %select_n3A_1430 = arith.select %broadcast_in_dim3A_1428, %mul3A_1424, %broadcast_in_dim3A_1429 : vector<48x256xi1>, vector<48x256xf32>
      %add3A_1431 = arith.addf %add3A_1333, %select_n3A_1430 : vector<48x256xf32>
      %sub3A_1432 = arith.constant 255 : i32
      %sub3A_1433 = arith.subi %sub3A_1432, %add3A_1388 : i32
      %get3A_1434 = arith.constant 192 : index
      %get3A_1435 = arith.constant 0 : index
      %get3A_1436 = vector.load %arg26[%get3A_1434, %get3A_1435] : memref<384x1024xf32, #tpu.memory_space<vmem>>, vector<48x1024xf32>
      %lt3A_1437 = vector.broadcast %sub3A_1433 : i32 to vector<48x1xi32>
      %lt3A_1438 = arith.cmpi slt, %lt3A_1437, %get3A_13 : vector<48x1xi32>
      %dot_general3A_1439 = arith.constant dense<0.000000e+00> : vector<48x1024xf32>
      %dot_general3A_1440 = tpu.matmul %select_n3A_1375, %get3A_4, %dot_general3A_1439 {dimension_numbers = #tpu.dot_dimension_numbers<[1], [0], [0], [1], [0, 0, 1, 1], [], []>, transpose_lhs_hint = false} : vector<48x256xbf16>, vector<256x1024xbf16>, vector<48x1024xf32> -> vector<48x1024xf32>
      %add3A_1441 = arith.addf %get3A_1436, %dot_general3A_1440 : vector<48x1024xf32>
      %slice3A_1442 = vector.extract_strided_slice %add3A_1441 {offsets = [0, 0], sizes = [48, 256], strides = [1, 1]} : vector<48x1024xf32> to vector<48x256xf32>
      %logistic3A_1443 = arith.negf %slice3A_1442 : vector<48x256xf32>
      %logistic3A_1444 = math.exp %logistic3A_1443 : vector<48x256xf32>
      %logistic3A_1445 = arith.constant 1.000000e+00 : f32
      %logistic3A_1446 = vector.broadcast %logistic3A_1445 : f32 to vector<48x256xf32>
      %logistic3A_1447 = arith.addf %logistic3A_1446, %logistic3A_1444 : vector<48x256xf32>
      %logistic3A_1448 = arith.divf %logistic3A_1446, %logistic3A_1447 : vector<48x256xf32>
      %slice3A_1449 = vector.extract_strided_slice %add3A_1441 {offsets = [0, 256], sizes = [48, 256], strides = [1, 1]} : vector<48x1024xf32> to vector<48x256xf32>
      %logistic3A_1450 = arith.negf %slice3A_1449 : vector<48x256xf32>
      %logistic3A_1451 = math.exp %logistic3A_1450 : vector<48x256xf32>
      %logistic3A_1452 = arith.constant 1.000000e+00 : f32
      %logistic3A_1453 = vector.broadcast %logistic3A_1452 : f32 to vector<48x256xf32>
      %logistic3A_1454 = arith.addf %logistic3A_1453, %logistic3A_1451 : vector<48x256xf32>
      %logistic3A_1455 = arith.divf %logistic3A_1453, %logistic3A_1454 : vector<48x256xf32>
      %slice3A_1456 = vector.extract_strided_slice %add3A_1441 {offsets = [0, 512], sizes = [48, 256], strides = [1, 1]} : vector<48x1024xf32> to vector<48x256xf32>
      %tanh3A_1457 = math.tanh %slice3A_1456 : vector<48x256xf32>
      %slice3A_1458 = vector.extract_strided_slice %add3A_1441 {offsets = [0, 768], sizes = [48, 256], strides = [1, 1]} : vector<48x1024xf32> to vector<48x256xf32>
      %logistic3A_1459 = arith.negf %slice3A_1458 : vector<48x256xf32>
      %logistic3A_1460 = math.exp %logistic3A_1459 : vector<48x256xf32>
      %logistic3A_1461 = arith.constant 1.000000e+00 : f32
      %logistic3A_1462 = vector.broadcast %logistic3A_1461 : f32 to vector<48x256xf32>
      %logistic3A_1463 = arith.addf %logistic3A_1462, %logistic3A_1460 : vector<48x256xf32>
      %logistic3A_1464 = arith.divf %logistic3A_1462, %logistic3A_1463 : vector<48x256xf32>
      %mul3A_1465 = arith.mulf %logistic3A_1455, %select_n3A_1378 : vector<48x256xf32>
      %mul3A_1466 = arith.mulf %logistic3A_1448, %tanh3A_1457 : vector<48x256xf32>
      %add3A_1467 = arith.addf %mul3A_1465, %mul3A_1466 : vector<48x256xf32>
      %tanh3A_1468 = math.tanh %add3A_1467 : vector<48x256xf32>
      %mul3A_1469 = arith.mulf %logistic3A_1464, %tanh3A_1468 : vector<48x256xf32>
      %convert_element_type3A_1470 = arith.truncf %mul3A_1469 : vector<48x256xf32> to vector<48x256xbf16>
      %broadcast_in_dim3A_1471 = vector.shape_cast %lt3A_1438 : vector<48x1xi1> to vector<48x1xi1>
      %broadcast_in_dim3A_1472 = vector.broadcast %broadcast_in_dim3A_1471 : vector<48x1xi1> to vector<48x256xi1>
      %select_n3A_1473 = arith.select %broadcast_in_dim3A_1472, %convert_element_type3A_1470, %select_n3A_1375 : vector<48x256xi1>, vector<48x256xbf16>
      %broadcast_in_dim3A_1474 = vector.shape_cast %lt3A_1438 : vector<48x1xi1> to vector<48x1xi1>
      %broadcast_in_dim3A_1475 = vector.broadcast %broadcast_in_dim3A_1474 : vector<48x1xi1> to vector<48x256xi1>
      %select_n3A_1476 = arith.select %broadcast_in_dim3A_1475, %add3A_1467, %select_n3A_1378 : vector<48x256xi1>, vector<48x256xf32>
      %jit3A_1477 = arith.constant 0.000000e+00 : f32
      %broadcast_in_dim3A_1478 = vector.shape_cast %lt3A_1438 : vector<48x1xi1> to vector<48x1xi1>
      %broadcast_in_dim3A_1479 = vector.broadcast %broadcast_in_dim3A_1478 : vector<48x1xi1> to vector<48x256xi1>
      %broadcast_in_dim3A_1480 = vector.broadcast %jit3A_1477 : f32 to vector<48x256xf32>
      %select_n3A_1481 = arith.select %broadcast_in_dim3A_1479, %mul3A_1469, %broadcast_in_dim3A_1480 : vector<48x256xi1>, vector<48x256xf32>
      %add3A_1482 = arith.addf %add3A_1384, %select_n3A_1481 : vector<48x256xf32>
      %mul3A_1483 = arith.constant 8 : i32
      %mul3A_1484 = arith.muli %add3A_1090, %mul3A_1483 : i32
      %add3A_1485 = arith.constant 4 : i32
      %add3A_1486 = arith.addi %mul3A_1484, %add3A_1485 : i32
      %get3A_1487 = arith.constant 192 : index
      %get3A_1488 = arith.constant 0 : index
      %get3A_1489 = vector.load %arg24[%get3A_1487, %get3A_1488] : memref<384x1024xf32, #tpu.memory_space<vmem>>, vector<48x1024xf32>
      %lt3A_1490 = vector.broadcast %add3A_1486 : i32 to vector<48x1xi32>
      %lt3A_1491 = arith.cmpi slt, %lt3A_1490, %get3A_13 : vector<48x1xi32>
      %dot_general3A_1492 = arith.constant dense<0.000000e+00> : vector<48x1024xf32>
      %dot_general3A_1493 = tpu.matmul %convert_element_type3A_1425, %get3A_1, %dot_general3A_1492 {dimension_numbers = #tpu.dot_dimension_numbers<[1], [0], [0], [1], [0, 0, 1, 1], [], []>, transpose_lhs_hint = false} : vector<48x256xbf16>, vector<256x1024xbf16>, vector<48x1024xf32> -> vector<48x1024xf32>
      %add3A_1494 = arith.addf %get3A_1489, %dot_general3A_1493 : vector<48x1024xf32>
      %slice3A_1495 = vector.extract_strided_slice %add3A_1494 {offsets = [0, 0], sizes = [48, 256], strides = [1, 1]} : vector<48x1024xf32> to vector<48x256xf32>
      %logistic3A_1496 = arith.negf %slice3A_1495 : vector<48x256xf32>
      %logistic3A_1497 = math.exp %logistic3A_1496 : vector<48x256xf32>
      %logistic3A_1498 = arith.constant 1.000000e+00 : f32
      %logistic3A_1499 = vector.broadcast %logistic3A_1498 : f32 to vector<48x256xf32>
      %logistic3A_1500 = arith.addf %logistic3A_1499, %logistic3A_1497 : vector<48x256xf32>
      %logistic3A_1501 = arith.divf %logistic3A_1499, %logistic3A_1500 : vector<48x256xf32>
      %slice3A_1502 = vector.extract_strided_slice %add3A_1494 {offsets = [0, 256], sizes = [48, 256], strides = [1, 1]} : vector<48x1024xf32> to vector<48x256xf32>
      %logistic3A_1503 = arith.negf %slice3A_1502 : vector<48x256xf32>
      %logistic3A_1504 = math.exp %logistic3A_1503 : vector<48x256xf32>
      %logistic3A_1505 = arith.constant 1.000000e+00 : f32
      %logistic3A_1506 = vector.broadcast %logistic3A_1505 : f32 to vector<48x256xf32>
      %logistic3A_1507 = arith.addf %logistic3A_1506, %logistic3A_1504 : vector<48x256xf32>
      %logistic3A_1508 = arith.divf %logistic3A_1506, %logistic3A_1507 : vector<48x256xf32>
      %slice3A_1509 = vector.extract_strided_slice %add3A_1494 {offsets = [0, 512], sizes = [48, 256], strides = [1, 1]} : vector<48x1024xf32> to vector<48x256xf32>
      %tanh3A_1510 = math.tanh %slice3A_1509 : vector<48x256xf32>
      %slice3A_1511 = vector.extract_strided_slice %add3A_1494 {offsets = [0, 768], sizes = [48, 256], strides = [1, 1]} : vector<48x1024xf32> to vector<48x256xf32>
      %logistic3A_1512 = arith.negf %slice3A_1511 : vector<48x256xf32>
      %logistic3A_1513 = math.exp %logistic3A_1512 : vector<48x256xf32>
      %logistic3A_1514 = arith.constant 1.000000e+00 : f32
      %logistic3A_1515 = vector.broadcast %logistic3A_1514 : f32 to vector<48x256xf32>
      %logistic3A_1516 = arith.addf %logistic3A_1515, %logistic3A_1513 : vector<48x256xf32>
      %logistic3A_1517 = arith.divf %logistic3A_1515, %logistic3A_1516 : vector<48x256xf32>
      %mul3A_1518 = arith.mulf %logistic3A_1508, %add3A_1422 : vector<48x256xf32>
      %mul3A_1519 = arith.mulf %logistic3A_1501, %tanh3A_1510 : vector<48x256xf32>
      %add3A_1520 = arith.addf %mul3A_1518, %mul3A_1519 : vector<48x256xf32>
      %tanh3A_1521 = math.tanh %add3A_1520 : vector<48x256xf32>
      %mul3A_1522 = arith.mulf %logistic3A_1517, %tanh3A_1521 : vector<48x256xf32>
      %convert_element_type3A_1523 = arith.truncf %mul3A_1522 : vector<48x256xf32> to vector<48x256xbf16>
      %jit3A_1524 = arith.constant 0.000000e+00 : f32
      %broadcast_in_dim3A_1525 = vector.shape_cast %lt3A_1491 : vector<48x1xi1> to vector<48x1xi1>
      %broadcast_in_dim3A_1526 = vector.broadcast %broadcast_in_dim3A_1525 : vector<48x1xi1> to vector<48x256xi1>
      %broadcast_in_dim3A_1527 = vector.broadcast %jit3A_1524 : f32 to vector<48x256xf32>
      %select_n3A_1528 = arith.select %broadcast_in_dim3A_1526, %mul3A_1522, %broadcast_in_dim3A_1527 : vector<48x256xi1>, vector<48x256xf32>
      %add3A_1529 = arith.addf %add3A_1431, %select_n3A_1528 : vector<48x256xf32>
      %sub3A_1530 = arith.constant 255 : i32
      %sub3A_1531 = arith.subi %sub3A_1530, %add3A_1486 : i32
      %get3A_1532 = arith.constant 144 : index
      %get3A_1533 = arith.constant 0 : index
      %get3A_1534 = vector.load %arg26[%get3A_1532, %get3A_1533] : memref<384x1024xf32, #tpu.memory_space<vmem>>, vector<48x1024xf32>
      %lt3A_1535 = vector.broadcast %sub3A_1531 : i32 to vector<48x1xi32>
      %lt3A_1536 = arith.cmpi slt, %lt3A_1535, %get3A_13 : vector<48x1xi32>
      %dot_general3A_1537 = arith.constant dense<0.000000e+00> : vector<48x1024xf32>
      %dot_general3A_1538 = tpu.matmul %select_n3A_1473, %get3A_4, %dot_general3A_1537 {dimension_numbers = #tpu.dot_dimension_numbers<[1], [0], [0], [1], [0, 0, 1, 1], [], []>, transpose_lhs_hint = false} : vector<48x256xbf16>, vector<256x1024xbf16>, vector<48x1024xf32> -> vector<48x1024xf32>
      %add3A_1539 = arith.addf %get3A_1534, %dot_general3A_1538 : vector<48x1024xf32>
      %slice3A_1540 = vector.extract_strided_slice %add3A_1539 {offsets = [0, 0], sizes = [48, 256], strides = [1, 1]} : vector<48x1024xf32> to vector<48x256xf32>
      %logistic3A_1541 = arith.negf %slice3A_1540 : vector<48x256xf32>
      %logistic3A_1542 = math.exp %logistic3A_1541 : vector<48x256xf32>
      %logistic3A_1543 = arith.constant 1.000000e+00 : f32
      %logistic3A_1544 = vector.broadcast %logistic3A_1543 : f32 to vector<48x256xf32>
      %logistic3A_1545 = arith.addf %logistic3A_1544, %logistic3A_1542 : vector<48x256xf32>
      %logistic3A_1546 = arith.divf %logistic3A_1544, %logistic3A_1545 : vector<48x256xf32>
      %slice3A_1547 = vector.extract_strided_slice %add3A_1539 {offsets = [0, 256], sizes = [48, 256], strides = [1, 1]} : vector<48x1024xf32> to vector<48x256xf32>
      %logistic3A_1548 = arith.negf %slice3A_1547 : vector<48x256xf32>
      %logistic3A_1549 = math.exp %logistic3A_1548 : vector<48x256xf32>
      %logistic3A_1550 = arith.constant 1.000000e+00 : f32
      %logistic3A_1551 = vector.broadcast %logistic3A_1550 : f32 to vector<48x256xf32>
      %logistic3A_1552 = arith.addf %logistic3A_1551, %logistic3A_1549 : vector<48x256xf32>
      %logistic3A_1553 = arith.divf %logistic3A_1551, %logistic3A_1552 : vector<48x256xf32>
      %slice3A_1554 = vector.extract_strided_slice %add3A_1539 {offsets = [0, 512], sizes = [48, 256], strides = [1, 1]} : vector<48x1024xf32> to vector<48x256xf32>
      %tanh3A_1555 = math.tanh %slice3A_1554 : vector<48x256xf32>
      %slice3A_1556 = vector.extract_strided_slice %add3A_1539 {offsets = [0, 768], sizes = [48, 256], strides = [1, 1]} : vector<48x1024xf32> to vector<48x256xf32>
      %logistic3A_1557 = arith.negf %slice3A_1556 : vector<48x256xf32>
      %logistic3A_1558 = math.exp %logistic3A_1557 : vector<48x256xf32>
      %logistic3A_1559 = arith.constant 1.000000e+00 : f32
      %logistic3A_1560 = vector.broadcast %logistic3A_1559 : f32 to vector<48x256xf32>
      %logistic3A_1561 = arith.addf %logistic3A_1560, %logistic3A_1558 : vector<48x256xf32>
      %logistic3A_1562 = arith.divf %logistic3A_1560, %logistic3A_1561 : vector<48x256xf32>
      %mul3A_1563 = arith.mulf %logistic3A_1553, %select_n3A_1476 : vector<48x256xf32>
      %mul3A_1564 = arith.mulf %logistic3A_1546, %tanh3A_1555 : vector<48x256xf32>
      %add3A_1565 = arith.addf %mul3A_1563, %mul3A_1564 : vector<48x256xf32>
      %tanh3A_1566 = math.tanh %add3A_1565 : vector<48x256xf32>
      %mul3A_1567 = arith.mulf %logistic3A_1562, %tanh3A_1566 : vector<48x256xf32>
      %convert_element_type3A_1568 = arith.truncf %mul3A_1567 : vector<48x256xf32> to vector<48x256xbf16>
      %broadcast_in_dim3A_1569 = vector.shape_cast %lt3A_1536 : vector<48x1xi1> to vector<48x1xi1>
      %broadcast_in_dim3A_1570 = vector.broadcast %broadcast_in_dim3A_1569 : vector<48x1xi1> to vector<48x256xi1>
      %select_n3A_1571 = arith.select %broadcast_in_dim3A_1570, %convert_element_type3A_1568, %select_n3A_1473 : vector<48x256xi1>, vector<48x256xbf16>
      %broadcast_in_dim3A_1572 = vector.shape_cast %lt3A_1536 : vector<48x1xi1> to vector<48x1xi1>
      %broadcast_in_dim3A_1573 = vector.broadcast %broadcast_in_dim3A_1572 : vector<48x1xi1> to vector<48x256xi1>
      %select_n3A_1574 = arith.select %broadcast_in_dim3A_1573, %add3A_1565, %select_n3A_1476 : vector<48x256xi1>, vector<48x256xf32>
      %jit3A_1575 = arith.constant 0.000000e+00 : f32
      %broadcast_in_dim3A_1576 = vector.shape_cast %lt3A_1536 : vector<48x1xi1> to vector<48x1xi1>
      %broadcast_in_dim3A_1577 = vector.broadcast %broadcast_in_dim3A_1576 : vector<48x1xi1> to vector<48x256xi1>
      %broadcast_in_dim3A_1578 = vector.broadcast %jit3A_1575 : f32 to vector<48x256xf32>
      %select_n3A_1579 = arith.select %broadcast_in_dim3A_1577, %mul3A_1567, %broadcast_in_dim3A_1578 : vector<48x256xi1>, vector<48x256xf32>
      %add3A_1580 = arith.addf %add3A_1482, %select_n3A_1579 : vector<48x256xf32>
      %mul3A_1581 = arith.constant 8 : i32
      %mul3A_1582 = arith.muli %add3A_1090, %mul3A_1581 : i32
      %add3A_1583 = arith.constant 5 : i32
      %add3A_1584 = arith.addi %mul3A_1582, %add3A_1583 : i32
      %get3A_1585 = arith.constant 240 : index
      %get3A_1586 = arith.constant 0 : index
      %get3A_1587 = vector.load %arg24[%get3A_1585, %get3A_1586] : memref<384x1024xf32, #tpu.memory_space<vmem>>, vector<48x1024xf32>
      %lt3A_1588 = vector.broadcast %add3A_1584 : i32 to vector<48x1xi32>
      %lt3A_1589 = arith.cmpi slt, %lt3A_1588, %get3A_13 : vector<48x1xi32>
      %dot_general3A_1590 = arith.constant dense<0.000000e+00> : vector<48x1024xf32>
      %dot_general3A_1591 = tpu.matmul %convert_element_type3A_1523, %get3A_1, %dot_general3A_1590 {dimension_numbers = #tpu.dot_dimension_numbers<[1], [0], [0], [1], [0, 0, 1, 1], [], []>, transpose_lhs_hint = false} : vector<48x256xbf16>, vector<256x1024xbf16>, vector<48x1024xf32> -> vector<48x1024xf32>
      %add3A_1592 = arith.addf %get3A_1587, %dot_general3A_1591 : vector<48x1024xf32>
      %slice3A_1593 = vector.extract_strided_slice %add3A_1592 {offsets = [0, 0], sizes = [48, 256], strides = [1, 1]} : vector<48x1024xf32> to vector<48x256xf32>
      %logistic3A_1594 = arith.negf %slice3A_1593 : vector<48x256xf32>
      %logistic3A_1595 = math.exp %logistic3A_1594 : vector<48x256xf32>
      %logistic3A_1596 = arith.constant 1.000000e+00 : f32
      %logistic3A_1597 = vector.broadcast %logistic3A_1596 : f32 to vector<48x256xf32>
      %logistic3A_1598 = arith.addf %logistic3A_1597, %logistic3A_1595 : vector<48x256xf32>
      %logistic3A_1599 = arith.divf %logistic3A_1597, %logistic3A_1598 : vector<48x256xf32>
      %slice3A_1600 = vector.extract_strided_slice %add3A_1592 {offsets = [0, 256], sizes = [48, 256], strides = [1, 1]} : vector<48x1024xf32> to vector<48x256xf32>
      %logistic3A_1601 = arith.negf %slice3A_1600 : vector<48x256xf32>
      %logistic3A_1602 = math.exp %logistic3A_1601 : vector<48x256xf32>
      %logistic3A_1603 = arith.constant 1.000000e+00 : f32
      %logistic3A_1604 = vector.broadcast %logistic3A_1603 : f32 to vector<48x256xf32>
      %logistic3A_1605 = arith.addf %logistic3A_1604, %logistic3A_1602 : vector<48x256xf32>
      %logistic3A_1606 = arith.divf %logistic3A_1604, %logistic3A_1605 : vector<48x256xf32>
      %slice3A_1607 = vector.extract_strided_slice %add3A_1592 {offsets = [0, 512], sizes = [48, 256], strides = [1, 1]} : vector<48x1024xf32> to vector<48x256xf32>
      %tanh3A_1608 = math.tanh %slice3A_1607 : vector<48x256xf32>
      %slice3A_1609 = vector.extract_strided_slice %add3A_1592 {offsets = [0, 768], sizes = [48, 256], strides = [1, 1]} : vector<48x1024xf32> to vector<48x256xf32>
      %logistic3A_1610 = arith.negf %slice3A_1609 : vector<48x256xf32>
      %logistic3A_1611 = math.exp %logistic3A_1610 : vector<48x256xf32>
      %logistic3A_1612 = arith.constant 1.000000e+00 : f32
      %logistic3A_1613 = vector.broadcast %logistic3A_1612 : f32 to vector<48x256xf32>
      %logistic3A_1614 = arith.addf %logistic3A_1613, %logistic3A_1611 : vector<48x256xf32>
      %logistic3A_1615 = arith.divf %logistic3A_1613, %logistic3A_1614 : vector<48x256xf32>
      %mul3A_1616 = arith.mulf %logistic3A_1606, %add3A_1520 : vector<48x256xf32>
      %mul3A_1617 = arith.mulf %logistic3A_1599, %tanh3A_1608 : vector<48x256xf32>
      %add3A_1618 = arith.addf %mul3A_1616, %mul3A_1617 : vector<48x256xf32>
      %tanh3A_1619 = math.tanh %add3A_1618 : vector<48x256xf32>
      %mul3A_1620 = arith.mulf %logistic3A_1615, %tanh3A_1619 : vector<48x256xf32>
      %convert_element_type3A_1621 = arith.truncf %mul3A_1620 : vector<48x256xf32> to vector<48x256xbf16>
      %jit3A_1622 = arith.constant 0.000000e+00 : f32
      %broadcast_in_dim3A_1623 = vector.shape_cast %lt3A_1589 : vector<48x1xi1> to vector<48x1xi1>
      %broadcast_in_dim3A_1624 = vector.broadcast %broadcast_in_dim3A_1623 : vector<48x1xi1> to vector<48x256xi1>
      %broadcast_in_dim3A_1625 = vector.broadcast %jit3A_1622 : f32 to vector<48x256xf32>
      %select_n3A_1626 = arith.select %broadcast_in_dim3A_1624, %mul3A_1620, %broadcast_in_dim3A_1625 : vector<48x256xi1>, vector<48x256xf32>
      %add3A_1627 = arith.addf %add3A_1529, %select_n3A_1626 : vector<48x256xf32>
      %sub3A_1628 = arith.constant 255 : i32
      %sub3A_1629 = arith.subi %sub3A_1628, %add3A_1584 : i32
      %get3A_1630 = arith.constant 96 : index
      %get3A_1631 = arith.constant 0 : index
      %get3A_1632 = vector.load %arg26[%get3A_1630, %get3A_1631] : memref<384x1024xf32, #tpu.memory_space<vmem>>, vector<48x1024xf32>
      %lt3A_1633 = vector.broadcast %sub3A_1629 : i32 to vector<48x1xi32>
      %lt3A_1634 = arith.cmpi slt, %lt3A_1633, %get3A_13 : vector<48x1xi32>
      %dot_general3A_1635 = arith.constant dense<0.000000e+00> : vector<48x1024xf32>
      %dot_general3A_1636 = tpu.matmul %select_n3A_1571, %get3A_4, %dot_general3A_1635 {dimension_numbers = #tpu.dot_dimension_numbers<[1], [0], [0], [1], [0, 0, 1, 1], [], []>, transpose_lhs_hint = false} : vector<48x256xbf16>, vector<256x1024xbf16>, vector<48x1024xf32> -> vector<48x1024xf32>
      %add3A_1637 = arith.addf %get3A_1632, %dot_general3A_1636 : vector<48x1024xf32>
      %slice3A_1638 = vector.extract_strided_slice %add3A_1637 {offsets = [0, 0], sizes = [48, 256], strides = [1, 1]} : vector<48x1024xf32> to vector<48x256xf32>
      %logistic3A_1639 = arith.negf %slice3A_1638 : vector<48x256xf32>
      %logistic3A_1640 = math.exp %logistic3A_1639 : vector<48x256xf32>
      %logistic3A_1641 = arith.constant 1.000000e+00 : f32
      %logistic3A_1642 = vector.broadcast %logistic3A_1641 : f32 to vector<48x256xf32>
      %logistic3A_1643 = arith.addf %logistic3A_1642, %logistic3A_1640 : vector<48x256xf32>
      %logistic3A_1644 = arith.divf %logistic3A_1642, %logistic3A_1643 : vector<48x256xf32>
      %slice3A_1645 = vector.extract_strided_slice %add3A_1637 {offsets = [0, 256], sizes = [48, 256], strides = [1, 1]} : vector<48x1024xf32> to vector<48x256xf32>
      %logistic3A_1646 = arith.negf %slice3A_1645 : vector<48x256xf32>
      %logistic3A_1647 = math.exp %logistic3A_1646 : vector<48x256xf32>
      %logistic3A_1648 = arith.constant 1.000000e+00 : f32
      %logistic3A_1649 = vector.broadcast %logistic3A_1648 : f32 to vector<48x256xf32>
      %logistic3A_1650 = arith.addf %logistic3A_1649, %logistic3A_1647 : vector<48x256xf32>
      %logistic3A_1651 = arith.divf %logistic3A_1649, %logistic3A_1650 : vector<48x256xf32>
      %slice3A_1652 = vector.extract_strided_slice %add3A_1637 {offsets = [0, 512], sizes = [48, 256], strides = [1, 1]} : vector<48x1024xf32> to vector<48x256xf32>
      %tanh3A_1653 = math.tanh %slice3A_1652 : vector<48x256xf32>
      %slice3A_1654 = vector.extract_strided_slice %add3A_1637 {offsets = [0, 768], sizes = [48, 256], strides = [1, 1]} : vector<48x1024xf32> to vector<48x256xf32>
      %logistic3A_1655 = arith.negf %slice3A_1654 : vector<48x256xf32>
      %logistic3A_1656 = math.exp %logistic3A_1655 : vector<48x256xf32>
      %logistic3A_1657 = arith.constant 1.000000e+00 : f32
      %logistic3A_1658 = vector.broadcast %logistic3A_1657 : f32 to vector<48x256xf32>
      %logistic3A_1659 = arith.addf %logistic3A_1658, %logistic3A_1656 : vector<48x256xf32>
      %logistic3A_1660 = arith.divf %logistic3A_1658, %logistic3A_1659 : vector<48x256xf32>
      %mul3A_1661 = arith.mulf %logistic3A_1651, %select_n3A_1574 : vector<48x256xf32>
      %mul3A_1662 = arith.mulf %logistic3A_1644, %tanh3A_1653 : vector<48x256xf32>
      %add3A_1663 = arith.addf %mul3A_1661, %mul3A_1662 : vector<48x256xf32>
      %tanh3A_1664 = math.tanh %add3A_1663 : vector<48x256xf32>
      %mul3A_1665 = arith.mulf %logistic3A_1660, %tanh3A_1664 : vector<48x256xf32>
      %convert_element_type3A_1666 = arith.truncf %mul3A_1665 : vector<48x256xf32> to vector<48x256xbf16>
      %broadcast_in_dim3A_1667 = vector.shape_cast %lt3A_1634 : vector<48x1xi1> to vector<48x1xi1>
      %broadcast_in_dim3A_1668 = vector.broadcast %broadcast_in_dim3A_1667 : vector<48x1xi1> to vector<48x256xi1>
      %select_n3A_1669 = arith.select %broadcast_in_dim3A_1668, %convert_element_type3A_1666, %select_n3A_1571 : vector<48x256xi1>, vector<48x256xbf16>
      %broadcast_in_dim3A_1670 = vector.shape_cast %lt3A_1634 : vector<48x1xi1> to vector<48x1xi1>
      %broadcast_in_dim3A_1671 = vector.broadcast %broadcast_in_dim3A_1670 : vector<48x1xi1> to vector<48x256xi1>
      %select_n3A_1672 = arith.select %broadcast_in_dim3A_1671, %add3A_1663, %select_n3A_1574 : vector<48x256xi1>, vector<48x256xf32>
      %jit3A_1673 = arith.constant 0.000000e+00 : f32
      %broadcast_in_dim3A_1674 = vector.shape_cast %lt3A_1634 : vector<48x1xi1> to vector<48x1xi1>
      %broadcast_in_dim3A_1675 = vector.broadcast %broadcast_in_dim3A_1674 : vector<48x1xi1> to vector<48x256xi1>
      %broadcast_in_dim3A_1676 = vector.broadcast %jit3A_1673 : f32 to vector<48x256xf32>
      %select_n3A_1677 = arith.select %broadcast_in_dim3A_1675, %mul3A_1665, %broadcast_in_dim3A_1676 : vector<48x256xi1>, vector<48x256xf32>
      %add3A_1678 = arith.addf %add3A_1580, %select_n3A_1677 : vector<48x256xf32>
      %mul3A_1679 = arith.constant 8 : i32
      %mul3A_1680 = arith.muli %add3A_1090, %mul3A_1679 : i32
      %add3A_1681 = arith.constant 6 : i32
      %add3A_1682 = arith.addi %mul3A_1680, %add3A_1681 : i32
      %get3A_1683 = arith.constant 288 : index
      %get3A_1684 = arith.constant 0 : index
      %get3A_1685 = vector.load %arg24[%get3A_1683, %get3A_1684] : memref<384x1024xf32, #tpu.memory_space<vmem>>, vector<48x1024xf32>
      %lt3A_1686 = vector.broadcast %add3A_1682 : i32 to vector<48x1xi32>
      %lt3A_1687 = arith.cmpi slt, %lt3A_1686, %get3A_13 : vector<48x1xi32>
      %dot_general3A_1688 = arith.constant dense<0.000000e+00> : vector<48x1024xf32>
      %dot_general3A_1689 = tpu.matmul %convert_element_type3A_1621, %get3A_1, %dot_general3A_1688 {dimension_numbers = #tpu.dot_dimension_numbers<[1], [0], [0], [1], [0, 0, 1, 1], [], []>, transpose_lhs_hint = false} : vector<48x256xbf16>, vector<256x1024xbf16>, vector<48x1024xf32> -> vector<48x1024xf32>
      %add3A_1690 = arith.addf %get3A_1685, %dot_general3A_1689 : vector<48x1024xf32>
      %slice3A_1691 = vector.extract_strided_slice %add3A_1690 {offsets = [0, 0], sizes = [48, 256], strides = [1, 1]} : vector<48x1024xf32> to vector<48x256xf32>
      %logistic3A_1692 = arith.negf %slice3A_1691 : vector<48x256xf32>
      %logistic3A_1693 = math.exp %logistic3A_1692 : vector<48x256xf32>
      %logistic3A_1694 = arith.constant 1.000000e+00 : f32
      %logistic3A_1695 = vector.broadcast %logistic3A_1694 : f32 to vector<48x256xf32>
      %logistic3A_1696 = arith.addf %logistic3A_1695, %logistic3A_1693 : vector<48x256xf32>
      %logistic3A_1697 = arith.divf %logistic3A_1695, %logistic3A_1696 : vector<48x256xf32>
      %slice3A_1698 = vector.extract_strided_slice %add3A_1690 {offsets = [0, 256], sizes = [48, 256], strides = [1, 1]} : vector<48x1024xf32> to vector<48x256xf32>
      %logistic3A_1699 = arith.negf %slice3A_1698 : vector<48x256xf32>
      %logistic3A_1700 = math.exp %logistic3A_1699 : vector<48x256xf32>
      %logistic3A_1701 = arith.constant 1.000000e+00 : f32
      %logistic3A_1702 = vector.broadcast %logistic3A_1701 : f32 to vector<48x256xf32>
      %logistic3A_1703 = arith.addf %logistic3A_1702, %logistic3A_1700 : vector<48x256xf32>
      %logistic3A_1704 = arith.divf %logistic3A_1702, %logistic3A_1703 : vector<48x256xf32>
      %slice3A_1705 = vector.extract_strided_slice %add3A_1690 {offsets = [0, 512], sizes = [48, 256], strides = [1, 1]} : vector<48x1024xf32> to vector<48x256xf32>
      %tanh3A_1706 = math.tanh %slice3A_1705 : vector<48x256xf32>
      %slice3A_1707 = vector.extract_strided_slice %add3A_1690 {offsets = [0, 768], sizes = [48, 256], strides = [1, 1]} : vector<48x1024xf32> to vector<48x256xf32>
      %logistic3A_1708 = arith.negf %slice3A_1707 : vector<48x256xf32>
      %logistic3A_1709 = math.exp %logistic3A_1708 : vector<48x256xf32>
      %logistic3A_1710 = arith.constant 1.000000e+00 : f32
      %logistic3A_1711 = vector.broadcast %logistic3A_1710 : f32 to vector<48x256xf32>
      %logistic3A_1712 = arith.addf %logistic3A_1711, %logistic3A_1709 : vector<48x256xf32>
      %logistic3A_1713 = arith.divf %logistic3A_1711, %logistic3A_1712 : vector<48x256xf32>
      %mul3A_1714 = arith.mulf %logistic3A_1704, %add3A_1618 : vector<48x256xf32>
      %mul3A_1715 = arith.mulf %logistic3A_1697, %tanh3A_1706 : vector<48x256xf32>
      %add3A_1716 = arith.addf %mul3A_1714, %mul3A_1715 : vector<48x256xf32>
      %tanh3A_1717 = math.tanh %add3A_1716 : vector<48x256xf32>
      %mul3A_1718 = arith.mulf %logistic3A_1713, %tanh3A_1717 : vector<48x256xf32>
      %convert_element_type3A_1719 = arith.truncf %mul3A_1718 : vector<48x256xf32> to vector<48x256xbf16>
      %jit3A_1720 = arith.constant 0.000000e+00 : f32
      %broadcast_in_dim3A_1721 = vector.shape_cast %lt3A_1687 : vector<48x1xi1> to vector<48x1xi1>
      %broadcast_in_dim3A_1722 = vector.broadcast %broadcast_in_dim3A_1721 : vector<48x1xi1> to vector<48x256xi1>
      %broadcast_in_dim3A_1723 = vector.broadcast %jit3A_1720 : f32 to vector<48x256xf32>
      %select_n3A_1724 = arith.select %broadcast_in_dim3A_1722, %mul3A_1718, %broadcast_in_dim3A_1723 : vector<48x256xi1>, vector<48x256xf32>
      %add3A_1725 = arith.addf %add3A_1627, %select_n3A_1724 : vector<48x256xf32>
      %sub3A_1726 = arith.constant 255 : i32
      %sub3A_1727 = arith.subi %sub3A_1726, %add3A_1682 : i32
      %get3A_1728 = arith.constant 48 : index
      %get3A_1729 = arith.constant 0 : index
      %get3A_1730 = vector.load %arg26[%get3A_1728, %get3A_1729] : memref<384x1024xf32, #tpu.memory_space<vmem>>, vector<48x1024xf32>
      %lt3A_1731 = vector.broadcast %sub3A_1727 : i32 to vector<48x1xi32>
      %lt3A_1732 = arith.cmpi slt, %lt3A_1731, %get3A_13 : vector<48x1xi32>
      %dot_general3A_1733 = arith.constant dense<0.000000e+00> : vector<48x1024xf32>
      %dot_general3A_1734 = tpu.matmul %select_n3A_1669, %get3A_4, %dot_general3A_1733 {dimension_numbers = #tpu.dot_dimension_numbers<[1], [0], [0], [1], [0, 0, 1, 1], [], []>, transpose_lhs_hint = false} : vector<48x256xbf16>, vector<256x1024xbf16>, vector<48x1024xf32> -> vector<48x1024xf32>
      %add3A_1735 = arith.addf %get3A_1730, %dot_general3A_1734 : vector<48x1024xf32>
      %slice3A_1736 = vector.extract_strided_slice %add3A_1735 {offsets = [0, 0], sizes = [48, 256], strides = [1, 1]} : vector<48x1024xf32> to vector<48x256xf32>
      %logistic3A_1737 = arith.negf %slice3A_1736 : vector<48x256xf32>
      %logistic3A_1738 = math.exp %logistic3A_1737 : vector<48x256xf32>
      %logistic3A_1739 = arith.constant 1.000000e+00 : f32
      %logistic3A_1740 = vector.broadcast %logistic3A_1739 : f32 to vector<48x256xf32>
      %logistic3A_1741 = arith.addf %logistic3A_1740, %logistic3A_1738 : vector<48x256xf32>
      %logistic3A_1742 = arith.divf %logistic3A_1740, %logistic3A_1741 : vector<48x256xf32>
      %slice3A_1743 = vector.extract_strided_slice %add3A_1735 {offsets = [0, 256], sizes = [48, 256], strides = [1, 1]} : vector<48x1024xf32> to vector<48x256xf32>
      %logistic3A_1744 = arith.negf %slice3A_1743 : vector<48x256xf32>
      %logistic3A_1745 = math.exp %logistic3A_1744 : vector<48x256xf32>
      %logistic3A_1746 = arith.constant 1.000000e+00 : f32
      %logistic3A_1747 = vector.broadcast %logistic3A_1746 : f32 to vector<48x256xf32>
      %logistic3A_1748 = arith.addf %logistic3A_1747, %logistic3A_1745 : vector<48x256xf32>
      %logistic3A_1749 = arith.divf %logistic3A_1747, %logistic3A_1748 : vector<48x256xf32>
      %slice3A_1750 = vector.extract_strided_slice %add3A_1735 {offsets = [0, 512], sizes = [48, 256], strides = [1, 1]} : vector<48x1024xf32> to vector<48x256xf32>
      %tanh3A_1751 = math.tanh %slice3A_1750 : vector<48x256xf32>
      %slice3A_1752 = vector.extract_strided_slice %add3A_1735 {offsets = [0, 768], sizes = [48, 256], strides = [1, 1]} : vector<48x1024xf32> to vector<48x256xf32>
      %logistic3A_1753 = arith.negf %slice3A_1752 : vector<48x256xf32>
      %logistic3A_1754 = math.exp %logistic3A_1753 : vector<48x256xf32>
      %logistic3A_1755 = arith.constant 1.000000e+00 : f32
      %logistic3A_1756 = vector.broadcast %logistic3A_1755 : f32 to vector<48x256xf32>
      %logistic3A_1757 = arith.addf %logistic3A_1756, %logistic3A_1754 : vector<48x256xf32>
      %logistic3A_1758 = arith.divf %logistic3A_1756, %logistic3A_1757 : vector<48x256xf32>
      %mul3A_1759 = arith.mulf %logistic3A_1749, %select_n3A_1672 : vector<48x256xf32>
      %mul3A_1760 = arith.mulf %logistic3A_1742, %tanh3A_1751 : vector<48x256xf32>
      %add3A_1761 = arith.addf %mul3A_1759, %mul3A_1760 : vector<48x256xf32>
      %tanh3A_1762 = math.tanh %add3A_1761 : vector<48x256xf32>
      %mul3A_1763 = arith.mulf %logistic3A_1758, %tanh3A_1762 : vector<48x256xf32>
      %convert_element_type3A_1764 = arith.truncf %mul3A_1763 : vector<48x256xf32> to vector<48x256xbf16>
      %broadcast_in_dim3A_1765 = vector.shape_cast %lt3A_1732 : vector<48x1xi1> to vector<48x1xi1>
      %broadcast_in_dim3A_1766 = vector.broadcast %broadcast_in_dim3A_1765 : vector<48x1xi1> to vector<48x256xi1>
      %select_n3A_1767 = arith.select %broadcast_in_dim3A_1766, %convert_element_type3A_1764, %select_n3A_1669 : vector<48x256xi1>, vector<48x256xbf16>
      %broadcast_in_dim3A_1768 = vector.shape_cast %lt3A_1732 : vector<48x1xi1> to vector<48x1xi1>
      %broadcast_in_dim3A_1769 = vector.broadcast %broadcast_in_dim3A_1768 : vector<48x1xi1> to vector<48x256xi1>
      %select_n3A_1770 = arith.select %broadcast_in_dim3A_1769, %add3A_1761, %select_n3A_1672 : vector<48x256xi1>, vector<48x256xf32>
      %jit3A_1771 = arith.constant 0.000000e+00 : f32
      %broadcast_in_dim3A_1772 = vector.shape_cast %lt3A_1732 : vector<48x1xi1> to vector<48x1xi1>
      %broadcast_in_dim3A_1773 = vector.broadcast %broadcast_in_dim3A_1772 : vector<48x1xi1> to vector<48x256xi1>
      %broadcast_in_dim3A_1774 = vector.broadcast %jit3A_1771 : f32 to vector<48x256xf32>
      %select_n3A_1775 = arith.select %broadcast_in_dim3A_1773, %mul3A_1763, %broadcast_in_dim3A_1774 : vector<48x256xi1>, vector<48x256xf32>
      %add3A_1776 = arith.addf %add3A_1678, %select_n3A_1775 : vector<48x256xf32>
      %mul3A_1777 = arith.constant 8 : i32
      %mul3A_1778 = arith.muli %add3A_1090, %mul3A_1777 : i32
      %add3A_1779 = arith.constant 7 : i32
      %add3A_1780 = arith.addi %mul3A_1778, %add3A_1779 : i32
      %get3A_1781 = arith.constant 336 : index
      %get3A_1782 = arith.constant 0 : index
      %get3A_1783 = vector.load %arg24[%get3A_1781, %get3A_1782] : memref<384x1024xf32, #tpu.memory_space<vmem>>, vector<48x1024xf32>
      %lt3A_1784 = vector.broadcast %add3A_1780 : i32 to vector<48x1xi32>
      %lt3A_1785 = arith.cmpi slt, %lt3A_1784, %get3A_13 : vector<48x1xi32>
      %dot_general3A_1786 = arith.constant dense<0.000000e+00> : vector<48x1024xf32>
      %dot_general3A_1787 = tpu.matmul %convert_element_type3A_1719, %get3A_1, %dot_general3A_1786 {dimension_numbers = #tpu.dot_dimension_numbers<[1], [0], [0], [1], [0, 0, 1, 1], [], []>, transpose_lhs_hint = false} : vector<48x256xbf16>, vector<256x1024xbf16>, vector<48x1024xf32> -> vector<48x1024xf32>
      %add3A_1788 = arith.addf %get3A_1783, %dot_general3A_1787 : vector<48x1024xf32>
      %slice3A_1789 = vector.extract_strided_slice %add3A_1788 {offsets = [0, 0], sizes = [48, 256], strides = [1, 1]} : vector<48x1024xf32> to vector<48x256xf32>
      %logistic3A_1790 = arith.negf %slice3A_1789 : vector<48x256xf32>
      %logistic3A_1791 = math.exp %logistic3A_1790 : vector<48x256xf32>
      %logistic3A_1792 = arith.constant 1.000000e+00 : f32
      %logistic3A_1793 = vector.broadcast %logistic3A_1792 : f32 to vector<48x256xf32>
      %logistic3A_1794 = arith.addf %logistic3A_1793, %logistic3A_1791 : vector<48x256xf32>
      %logistic3A_1795 = arith.divf %logistic3A_1793, %logistic3A_1794 : vector<48x256xf32>
      %slice3A_1796 = vector.extract_strided_slice %add3A_1788 {offsets = [0, 256], sizes = [48, 256], strides = [1, 1]} : vector<48x1024xf32> to vector<48x256xf32>
      %logistic3A_1797 = arith.negf %slice3A_1796 : vector<48x256xf32>
      %logistic3A_1798 = math.exp %logistic3A_1797 : vector<48x256xf32>
      %logistic3A_1799 = arith.constant 1.000000e+00 : f32
      %logistic3A_1800 = vector.broadcast %logistic3A_1799 : f32 to vector<48x256xf32>
      %logistic3A_1801 = arith.addf %logistic3A_1800, %logistic3A_1798 : vector<48x256xf32>
      %logistic3A_1802 = arith.divf %logistic3A_1800, %logistic3A_1801 : vector<48x256xf32>
      %slice3A_1803 = vector.extract_strided_slice %add3A_1788 {offsets = [0, 512], sizes = [48, 256], strides = [1, 1]} : vector<48x1024xf32> to vector<48x256xf32>
      %tanh3A_1804 = math.tanh %slice3A_1803 : vector<48x256xf32>
      %slice3A_1805 = vector.extract_strided_slice %add3A_1788 {offsets = [0, 768], sizes = [48, 256], strides = [1, 1]} : vector<48x1024xf32> to vector<48x256xf32>
      %logistic3A_1806 = arith.negf %slice3A_1805 : vector<48x256xf32>
      %logistic3A_1807 = math.exp %logistic3A_1806 : vector<48x256xf32>
      %logistic3A_1808 = arith.constant 1.000000e+00 : f32
      %logistic3A_1809 = vector.broadcast %logistic3A_1808 : f32 to vector<48x256xf32>
      %logistic3A_1810 = arith.addf %logistic3A_1809, %logistic3A_1807 : vector<48x256xf32>
      %logistic3A_1811 = arith.divf %logistic3A_1809, %logistic3A_1810 : vector<48x256xf32>
      %mul3A_1812 = arith.mulf %logistic3A_1802, %add3A_1716 : vector<48x256xf32>
      %mul3A_1813 = arith.mulf %logistic3A_1795, %tanh3A_1804 : vector<48x256xf32>
      %add3A_1814 = arith.addf %mul3A_1812, %mul3A_1813 : vector<48x256xf32>
      %tanh3A_1815 = math.tanh %add3A_1814 : vector<48x256xf32>
      %mul3A_1816 = arith.mulf %logistic3A_1811, %tanh3A_1815 : vector<48x256xf32>
      %convert_element_type3A_1817 = arith.truncf %mul3A_1816 : vector<48x256xf32> to vector<48x256xbf16>
      %jit3A_1818 = arith.constant 0.000000e+00 : f32
      %broadcast_in_dim3A_1819 = vector.shape_cast %lt3A_1785 : vector<48x1xi1> to vector<48x1xi1>
      %broadcast_in_dim3A_1820 = vector.broadcast %broadcast_in_dim3A_1819 : vector<48x1xi1> to vector<48x256xi1>
      %broadcast_in_dim3A_1821 = vector.broadcast %jit3A_1818 : f32 to vector<48x256xf32>
      %select_n3A_1822 = arith.select %broadcast_in_dim3A_1820, %mul3A_1816, %broadcast_in_dim3A_1821 : vector<48x256xi1>, vector<48x256xf32>
      %add3A_1823 = arith.addf %add3A_1725, %select_n3A_1822 : vector<48x256xf32>
      %sub3A_1824 = arith.constant 255 : i32
      %sub3A_1825 = arith.subi %sub3A_1824, %add3A_1780 : i32
      %get3A_1826 = arith.constant 0 : index
      %get3A_1827 = arith.constant 0 : index
      %get3A_1828 = vector.load %arg26[%get3A_1826, %get3A_1827] : memref<384x1024xf32, #tpu.memory_space<vmem>>, vector<48x1024xf32>
      %lt3A_1829 = vector.broadcast %sub3A_1825 : i32 to vector<48x1xi32>
      %lt3A_1830 = arith.cmpi slt, %lt3A_1829, %get3A_13 : vector<48x1xi32>
      %dot_general3A_1831 = arith.constant dense<0.000000e+00> : vector<48x1024xf32>
      %dot_general3A_1832 = tpu.matmul %select_n3A_1767, %get3A_4, %dot_general3A_1831 {dimension_numbers = #tpu.dot_dimension_numbers<[1], [0], [0], [1], [0, 0, 1, 1], [], []>, transpose_lhs_hint = false} : vector<48x256xbf16>, vector<256x1024xbf16>, vector<48x1024xf32> -> vector<48x1024xf32>
      %add3A_1833 = arith.addf %get3A_1828, %dot_general3A_1832 : vector<48x1024xf32>
      %slice3A_1834 = vector.extract_strided_slice %add3A_1833 {offsets = [0, 0], sizes = [48, 256], strides = [1, 1]} : vector<48x1024xf32> to vector<48x256xf32>
      %logistic3A_1835 = arith.negf %slice3A_1834 : vector<48x256xf32>
      %logistic3A_1836 = math.exp %logistic3A_1835 : vector<48x256xf32>
      %logistic3A_1837 = arith.constant 1.000000e+00 : f32
      %logistic3A_1838 = vector.broadcast %logistic3A_1837 : f32 to vector<48x256xf32>
      %logistic3A_1839 = arith.addf %logistic3A_1838, %logistic3A_1836 : vector<48x256xf32>
      %logistic3A_1840 = arith.divf %logistic3A_1838, %logistic3A_1839 : vector<48x256xf32>
      %slice3A_1841 = vector.extract_strided_slice %add3A_1833 {offsets = [0, 256], sizes = [48, 256], strides = [1, 1]} : vector<48x1024xf32> to vector<48x256xf32>
      %logistic3A_1842 = arith.negf %slice3A_1841 : vector<48x256xf32>
      %logistic3A_1843 = math.exp %logistic3A_1842 : vector<48x256xf32>
      %logistic3A_1844 = arith.constant 1.000000e+00 : f32
      %logistic3A_1845 = vector.broadcast %logistic3A_1844 : f32 to vector<48x256xf32>
      %logistic3A_1846 = arith.addf %logistic3A_1845, %logistic3A_1843 : vector<48x256xf32>
      %logistic3A_1847 = arith.divf %logistic3A_1845, %logistic3A_1846 : vector<48x256xf32>
      %slice3A_1848 = vector.extract_strided_slice %add3A_1833 {offsets = [0, 512], sizes = [48, 256], strides = [1, 1]} : vector<48x1024xf32> to vector<48x256xf32>
      %tanh3A_1849 = math.tanh %slice3A_1848 : vector<48x256xf32>
      %slice3A_1850 = vector.extract_strided_slice %add3A_1833 {offsets = [0, 768], sizes = [48, 256], strides = [1, 1]} : vector<48x1024xf32> to vector<48x256xf32>
      %logistic3A_1851 = arith.negf %slice3A_1850 : vector<48x256xf32>
      %logistic3A_1852 = math.exp %logistic3A_1851 : vector<48x256xf32>
      %logistic3A_1853 = arith.constant 1.000000e+00 : f32
      %logistic3A_1854 = vector.broadcast %logistic3A_1853 : f32 to vector<48x256xf32>
      %logistic3A_1855 = arith.addf %logistic3A_1854, %logistic3A_1852 : vector<48x256xf32>
      %logistic3A_1856 = arith.divf %logistic3A_1854, %logistic3A_1855 : vector<48x256xf32>
      %mul3A_1857 = arith.mulf %logistic3A_1847, %select_n3A_1770 : vector<48x256xf32>
      %mul3A_1858 = arith.mulf %logistic3A_1840, %tanh3A_1849 : vector<48x256xf32>
      %add3A_1859 = arith.addf %mul3A_1857, %mul3A_1858 : vector<48x256xf32>
      %tanh3A_1860 = math.tanh %add3A_1859 : vector<48x256xf32>
      %mul3A_1861 = arith.mulf %logistic3A_1856, %tanh3A_1860 : vector<48x256xf32>
      %convert_element_type3A_1862 = arith.truncf %mul3A_1861 : vector<48x256xf32> to vector<48x256xbf16>
      %broadcast_in_dim3A_1863 = vector.shape_cast %lt3A_1830 : vector<48x1xi1> to vector<48x1xi1>
      %broadcast_in_dim3A_1864 = vector.broadcast %broadcast_in_dim3A_1863 : vector<48x1xi1> to vector<48x256xi1>
      %select_n3A_1865 = arith.select %broadcast_in_dim3A_1864, %convert_element_type3A_1862, %select_n3A_1767 : vector<48x256xi1>, vector<48x256xbf16>
      %broadcast_in_dim3A_1866 = vector.shape_cast %lt3A_1830 : vector<48x1xi1> to vector<48x1xi1>
      %broadcast_in_dim3A_1867 = vector.broadcast %broadcast_in_dim3A_1866 : vector<48x1xi1> to vector<48x256xi1>
      %select_n3A_1868 = arith.select %broadcast_in_dim3A_1867, %add3A_1859, %select_n3A_1770 : vector<48x256xi1>, vector<48x256xf32>
      %jit3A_1869 = arith.constant 0.000000e+00 : f32
      %broadcast_in_dim3A_1870 = vector.shape_cast %lt3A_1830 : vector<48x1xi1> to vector<48x1xi1>
      %broadcast_in_dim3A_1871 = vector.broadcast %broadcast_in_dim3A_1870 : vector<48x1xi1> to vector<48x256xi1>
      %broadcast_in_dim3A_1872 = vector.broadcast %jit3A_1869 : f32 to vector<48x256xf32>
      %select_n3A_1873 = arith.select %broadcast_in_dim3A_1871, %mul3A_1861, %broadcast_in_dim3A_1872 : vector<48x256xi1>, vector<48x256xf32>
      %add3A_1874 = arith.addf %add3A_1776, %select_n3A_1873 : vector<48x256xf32>
      scf.yield %convert_element_type3A_1817, %add3A_1814, %add3A_1823, %select_n3A_1865, %select_n3A_1868, %add3A_1874 : vector<48x256xbf16>, vector<48x256xf32>, vector<48x256xf32>, vector<48x256xbf16>, vector<48x256xf32>, vector<48x256xf32>
    }
    %scan3A_102 = arith.constant 10 : i32
    %concatenate3A = tpu.concatenate %scan3A_101#2, %scan3A_101#5 in 1 : vector<48x256xf32>, vector<48x256xf32> -> vector<48x512xf32>
    %concatenate3A_103 = tpu.concatenate %scan3A_95#8, %scan3A_95#11 in 1 : vector<96x256xf32>, vector<96x256xf32> -> vector<96x512xf32>
    %iota3A = tpu.iota {dimensions = array<i32: 1>} : vector<16x48xi32>
    %iota3A_104 = tpu.iota {dimensions = array<i32: 1>} : vector<16x96xi32>
    %get3A_105 = arith.constant 0 : index
    %get3A_106 = arith.constant 0 : index
    %get3A_107 = vector.load %arg4[%get3A_105, %get3A_106] : memref<16x4xi32, #tpu.memory_space<vmem>>, vector<16x4xi32>
    %get3A_108 = arith.constant 0 : index
    %get3A_109 = arith.constant 0 : index
    %get3A_110 = vector.load %arg5[%get3A_108, %get3A_109] : memref<16x8xi32, #tpu.memory_space<vmem>>, vector<16x8xi32>
    %broadcast_in_dim3A_111 = arith.constant 0.000000e+00 : f32
    %broadcast_in_dim3A_112 = vector.broadcast %broadcast_in_dim3A_111 : f32 to vector<16x48xf32>
    %slice3A = vector.extract_strided_slice %get3A_107 {offsets = [0, 0], sizes = [16, 1], strides = [1, 1]} : vector<16x4xi32> to vector<16x1xi32>
    %eq3A = vector.broadcast %slice3A : vector<16x1xi32> to vector<16x48xi32>
    %eq3A_113 = arith.cmpi eq, %iota3A, %eq3A : vector<16x48xi32>
    %convert_element_type3A = arith.extui %eq3A_113 : vector<16x48xi1> to vector<16x48xi32>
    %convert_element_type3A_114 = arith.sitofp %convert_element_type3A : vector<16x48xi32> to vector<16x48xf32>
    %add3A_115 = arith.addf %broadcast_in_dim3A_112, %convert_element_type3A_114 : vector<16x48xf32>
    %slice3A_116 = vector.extract_strided_slice %get3A_107 {offsets = [0, 1], sizes = [16, 1], strides = [1, 1]} : vector<16x4xi32> to vector<16x1xi32>
    %eq3A_117 = vector.broadcast %slice3A_116 : vector<16x1xi32> to vector<16x48xi32>
    %eq3A_118 = arith.cmpi eq, %iota3A, %eq3A_117 : vector<16x48xi32>
    %convert_element_type3A_119 = arith.extui %eq3A_118 : vector<16x48xi1> to vector<16x48xi32>
    %convert_element_type3A_120 = arith.sitofp %convert_element_type3A_119 : vector<16x48xi32> to vector<16x48xf32>
    %add3A_121 = arith.addf %add3A_115, %convert_element_type3A_120 : vector<16x48xf32>
    %slice3A_122 = vector.extract_strided_slice %get3A_107 {offsets = [0, 2], sizes = [16, 1], strides = [1, 1]} : vector<16x4xi32> to vector<16x1xi32>
    %eq3A_123 = vector.broadcast %slice3A_122 : vector<16x1xi32> to vector<16x48xi32>
    %eq3A_124 = arith.cmpi eq, %iota3A, %eq3A_123 : vector<16x48xi32>
    %convert_element_type3A_125 = arith.extui %eq3A_124 : vector<16x48xi1> to vector<16x48xi32>
    %convert_element_type3A_126 = arith.sitofp %convert_element_type3A_125 : vector<16x48xi32> to vector<16x48xf32>
    %add3A_127 = arith.addf %add3A_121, %convert_element_type3A_126 : vector<16x48xf32>
    %slice3A_128 = vector.extract_strided_slice %get3A_107 {offsets = [0, 3], sizes = [16, 1], strides = [1, 1]} : vector<16x4xi32> to vector<16x1xi32>
    %eq3A_129 = vector.broadcast %slice3A_128 : vector<16x1xi32> to vector<16x48xi32>
    %eq3A_130 = arith.cmpi eq, %iota3A, %eq3A_129 : vector<16x48xi32>
    %convert_element_type3A_131 = arith.extui %eq3A_130 : vector<16x48xi1> to vector<16x48xi32>
    %convert_element_type3A_132 = arith.sitofp %convert_element_type3A_131 : vector<16x48xi32> to vector<16x48xf32>
    %add3A_133 = arith.addf %add3A_127, %convert_element_type3A_132 : vector<16x48xf32>
    %broadcast_in_dim3A_134 = arith.constant 0.000000e+00 : f32
    %broadcast_in_dim3A_135 = vector.broadcast %broadcast_in_dim3A_134 : f32 to vector<16x96xf32>
    %slice3A_136 = vector.extract_strided_slice %get3A_110 {offsets = [0, 0], sizes = [16, 1], strides = [1, 1]} : vector<16x8xi32> to vector<16x1xi32>
    %eq3A_137 = vector.broadcast %slice3A_136 : vector<16x1xi32> to vector<16x96xi32>
    %eq3A_138 = arith.cmpi eq, %iota3A_104, %eq3A_137 : vector<16x96xi32>
    %convert_element_type3A_139 = arith.extui %eq3A_138 : vector<16x96xi1> to vector<16x96xi32>
    %convert_element_type3A_140 = arith.sitofp %convert_element_type3A_139 : vector<16x96xi32> to vector<16x96xf32>
    %add3A_141 = arith.addf %broadcast_in_dim3A_135, %convert_element_type3A_140 : vector<16x96xf32>
    %slice3A_142 = vector.extract_strided_slice %get3A_110 {offsets = [0, 1], sizes = [16, 1], strides = [1, 1]} : vector<16x8xi32> to vector<16x1xi32>
    %eq3A_143 = vector.broadcast %slice3A_142 : vector<16x1xi32> to vector<16x96xi32>
    %eq3A_144 = arith.cmpi eq, %iota3A_104, %eq3A_143 : vector<16x96xi32>
    %convert_element_type3A_145 = arith.extui %eq3A_144 : vector<16x96xi1> to vector<16x96xi32>
    %convert_element_type3A_146 = arith.sitofp %convert_element_type3A_145 : vector<16x96xi32> to vector<16x96xf32>
    %add3A_147 = arith.addf %add3A_141, %convert_element_type3A_146 : vector<16x96xf32>
    %slice3A_148 = vector.extract_strided_slice %get3A_110 {offsets = [0, 2], sizes = [16, 1], strides = [1, 1]} : vector<16x8xi32> to vector<16x1xi32>
    %eq3A_149 = vector.broadcast %slice3A_148 : vector<16x1xi32> to vector<16x96xi32>
    %eq3A_150 = arith.cmpi eq, %iota3A_104, %eq3A_149 : vector<16x96xi32>
    %convert_element_type3A_151 = arith.extui %eq3A_150 : vector<16x96xi1> to vector<16x96xi32>
    %convert_element_type3A_152 = arith.sitofp %convert_element_type3A_151 : vector<16x96xi32> to vector<16x96xf32>
    %add3A_153 = arith.addf %add3A_147, %convert_element_type3A_152 : vector<16x96xf32>
    %slice3A_154 = vector.extract_strided_slice %get3A_110 {offsets = [0, 3], sizes = [16, 1], strides = [1, 1]} : vector<16x8xi32> to vector<16x1xi32>
    %eq3A_155 = vector.broadcast %slice3A_154 : vector<16x1xi32> to vector<16x96xi32>
    %eq3A_156 = arith.cmpi eq, %iota3A_104, %eq3A_155 : vector<16x96xi32>
    %convert_element_type3A_157 = arith.extui %eq3A_156 : vector<16x96xi1> to vector<16x96xi32>
    %convert_element_type3A_158 = arith.sitofp %convert_element_type3A_157 : vector<16x96xi32> to vector<16x96xf32>
    %add3A_159 = arith.addf %add3A_153, %convert_element_type3A_158 : vector<16x96xf32>
    %slice3A_160 = vector.extract_strided_slice %get3A_110 {offsets = [0, 4], sizes = [16, 1], strides = [1, 1]} : vector<16x8xi32> to vector<16x1xi32>
    %eq3A_161 = vector.broadcast %slice3A_160 : vector<16x1xi32> to vector<16x96xi32>
    %eq3A_162 = arith.cmpi eq, %iota3A_104, %eq3A_161 : vector<16x96xi32>
    %convert_element_type3A_163 = arith.extui %eq3A_162 : vector<16x96xi1> to vector<16x96xi32>
    %convert_element_type3A_164 = arith.sitofp %convert_element_type3A_163 : vector<16x96xi32> to vector<16x96xf32>
    %add3A_165 = arith.addf %add3A_159, %convert_element_type3A_164 : vector<16x96xf32>
    %slice3A_166 = vector.extract_strided_slice %get3A_110 {offsets = [0, 5], sizes = [16, 1], strides = [1, 1]} : vector<16x8xi32> to vector<16x1xi32>
    %eq3A_167 = vector.broadcast %slice3A_166 : vector<16x1xi32> to vector<16x96xi32>
    %eq3A_168 = arith.cmpi eq, %iota3A_104, %eq3A_167 : vector<16x96xi32>
    %convert_element_type3A_169 = arith.extui %eq3A_168 : vector<16x96xi1> to vector<16x96xi32>
    %convert_element_type3A_170 = arith.sitofp %convert_element_type3A_169 : vector<16x96xi32> to vector<16x96xf32>
    %add3A_171 = arith.addf %add3A_165, %convert_element_type3A_170 : vector<16x96xf32>
    %slice3A_172 = vector.extract_strided_slice %get3A_110 {offsets = [0, 6], sizes = [16, 1], strides = [1, 1]} : vector<16x8xi32> to vector<16x1xi32>
    %eq3A_173 = vector.broadcast %slice3A_172 : vector<16x1xi32> to vector<16x96xi32>
    %eq3A_174 = arith.cmpi eq, %iota3A_104, %eq3A_173 : vector<16x96xi32>
    %convert_element_type3A_175 = arith.extui %eq3A_174 : vector<16x96xi1> to vector<16x96xi32>
    %convert_element_type3A_176 = arith.sitofp %convert_element_type3A_175 : vector<16x96xi32> to vector<16x96xf32>
    %add3A_177 = arith.addf %add3A_171, %convert_element_type3A_176 : vector<16x96xf32>
    %slice3A_178 = vector.extract_strided_slice %get3A_110 {offsets = [0, 7], sizes = [16, 1], strides = [1, 1]} : vector<16x8xi32> to vector<16x1xi32>
    %eq3A_179 = vector.broadcast %slice3A_178 : vector<16x1xi32> to vector<16x96xi32>
    %eq3A_180 = arith.cmpi eq, %iota3A_104, %eq3A_179 : vector<16x96xi32>
    %convert_element_type3A_181 = arith.extui %eq3A_180 : vector<16x96xi1> to vector<16x96xi32>
    %convert_element_type3A_182 = arith.sitofp %convert_element_type3A_181 : vector<16x96xi32> to vector<16x96xf32>
    %add3A_183 = arith.addf %add3A_177, %convert_element_type3A_182 : vector<16x96xf32>
    %dot_general3A_184 = arith.constant dense<0.000000e+00> : vector<16x512xf32>
    %dot_general3A_185 = tpu.matmul %add3A_133, %concatenate3A, %dot_general3A_184 {dimension_numbers = #tpu.dot_dimension_numbers<[1], [0], [0], [1], [0, 0, 1, 1], [], []>, transpose_lhs_hint = false} : vector<16x48xf32>, vector<48x512xf32>, vector<16x512xf32> -> vector<16x512xf32>
    %dot_general3A_186 = arith.constant dense<0.000000e+00> : vector<16x512xf32>
    %dot_general3A_187 = tpu.matmul %add3A_183, %concatenate3A_103, %dot_general3A_186 {dimension_numbers = #tpu.dot_dimension_numbers<[1], [0], [0], [1], [0, 0, 1, 1], [], []>, transpose_lhs_hint = false} : vector<16x96xf32>, vector<96x512xf32>, vector<16x512xf32> -> vector<16x512xf32>
    %concatenate3A_188 = tpu.concatenate %dot_general3A_185, %dot_general3A_187 in 1 : vector<16x512xf32>, vector<16x512xf32> -> vector<16x1024xf32>
    %tanh3A = math.tanh %concatenate3A_188 : vector<16x1024xf32>
    %get3A_189 = arith.constant 0 : index
    %get3A_190 = arith.constant 0 : index
    %get3A_191 = vector.load %arg18[%get3A_189, %get3A_190] : memref<1024x64xf32, #tpu.memory_space<vmem>>, vector<1024x64xf32>
    %dot_general3A_192 = arith.constant dense<0.000000e+00> : vector<16x64xf32>
    %dot_general3A_193 = tpu.matmul %tanh3A, %get3A_191, %dot_general3A_192 {dimension_numbers = #tpu.dot_dimension_numbers<[1], [0], [0], [1], [0, 0, 1, 1], [], []>, transpose_lhs_hint = false} : vector<16x1024xf32>, vector<1024x64xf32>, vector<16x64xf32> -> vector<16x64xf32>
    %get3A_194 = arith.constant 0 : index
    %get3A_195 = arith.constant 0 : index
    %get3A_196 = vector.load %arg19[%get3A_194, %get3A_195] : memref<1x64xf32, #tpu.memory_space<vmem>>, vector<1x64xf32>
    %add3A_197 = vector.broadcast %get3A_196 : vector<1x64xf32> to vector<16x64xf32>
    %add3A_198 = arith.addf %dot_general3A_193, %add3A_197 : vector<16x64xf32>
    %tanh3A_199 = math.tanh %add3A_198 : vector<16x64xf32>
    %get3A_200 = arith.constant 0 : index
    %get3A_201 = arith.constant 0 : index
    %get3A_202 = vector.load %arg20[%get3A_200, %get3A_201] : memref<64x12xf32, #tpu.memory_space<vmem>>, vector<64x12xf32>
    %dot_general3A_203 = arith.constant dense<0.000000e+00> : vector<16x12xf32>
    %dot_general3A_204 = tpu.matmul %tanh3A_199, %get3A_202, %dot_general3A_203 {dimension_numbers = #tpu.dot_dimension_numbers<[1], [0], [0], [1], [0, 0, 1, 1], [], []>, transpose_lhs_hint = false} : vector<16x64xf32>, vector<64x12xf32>, vector<16x12xf32> -> vector<16x12xf32>
    %get3A_205 = arith.constant 0 : index
    %get3A_206 = arith.constant 0 : index
    %get3A_207 = vector.load %arg21[%get3A_205, %get3A_206] : memref<1x12xf32, #tpu.memory_space<vmem>>, vector<1x12xf32>
    %add3A_208 = vector.broadcast %get3A_207 : vector<1x12xf32> to vector<16x12xf32>
    %add3A_209 = arith.addf %dot_general3A_204, %add3A_208 : vector<16x12xf32>
    %swap3A_210 = arith.constant 0 : index
    %swap3A_211 = arith.constant 0 : index
    %swap3A_212 = vector.load %arg22[%swap3A_210, %swap3A_211] : memref<16x12xf32, #tpu.memory_space<vmem>>, vector<16x12xf32>
    tpu.vector_store %arg22[%swap3A_210, %swap3A_211], %add3A_209 {strides = array<i32>} : memref<16x12xf32, #tpu.memory_space<vmem>>, vector<16x12xf32>,
    return
  }
}

</mosaic_0001>

<sc_bundles>
// kernel: kernel.4.cloned.1.call-start
scs
__scs_entry_jumppad:
0x0: {  	(pc) =	sbr.rel $0x88, $3  }
0x1: {  	(tag) =	ssettag $0x0;
	lr =	simm.s32 $0x1  }
0x2: {  	[smem:$0x3F86] =	sst lr;
	_ =	strace $0xD0000000  }
0x3: {  	_ = 	snop  }
0x4: {  	_ = 	snop  }
0x5: {  	_ = 	snop  }
0x6: {  	_ = 	snop  }
0x7: {  	_ = 	snop  }
__scs_overlays_trampoline_lowered:
0x8: {  	[smem:$0x3F95] =	sst s0  }
0x9: {  	[smem:$0x3F96] =	sst s1  }
0xa: {  	[smem:$0x3F97] =	sst s2  }
0xb: {  	[smem:$0x3F98] =	sst s3  }
0xc: {  	[smem:$0x3F99] =	sst s4  }
0xd: {  	[smem:$0x3F9A] =	sst s5  }
0xe: {  	[smem:$0x3F9B] =	sst s6  }
0xf: {  	[smem:$0x3F9C] =	sst s7  }
0x10: {  	[smem:$0x3F9D] =	sst s8  }
0x11: {  	[smem:$0x3F9E] =	sst s9;
	s0 =	simm.s32 @!p0 $0x0  }
0x12: {  	s1 =	sld [smem:$0x3F84];
	s0 =	simm.s32 @p0 $0x1  }
0x13: {  	[smem:$0x3F9F] =	sst s0;
	s0 =	simm.s32 @!p1 $0x0  }
0x14: {  	s2 =	sld [smem:$0x3F83];
	s0 =	simm.s32 @p1 $0x1  }
0x15: {  	[smem:$0x3FA0] =	sst s0;
	s0 =	simm.s32 @!p2 $0x0  }
0x16: {  	s3 =	sld [smem:$0x3FDB];
	s0 =	simm.s32 @p2 $0x1  }
0x17: {  	s4 =	simm.s32 $0x1BF5;
	[smem:$0x3FA2] =	sst s0  }
0x18: {  	s0 =	sld [smem:$0x3F85];
	_ =	swait.ge [sflag:s4], $0x0  }
0x19: {  	s7 =	sld [smem:$0x3F86]  }
0x1a: {  	s8 =	sadd.s32 $0xFFFFE003, lr  }
0x1b: {  	s9 =	sadd.s32 $0xFFFFFEF7, lr;
	s5 =	simm.s32 $0xFFFFFFFF;
	p2 =	slt.u32 s8, $0xFFFFF086  }
0x1c: {  	p1 =	slt.u32 s9, $0xF7A;
	s5 =	simm.s32 @!p2 $0x0  }
0x1d: {  	s5 =	simm.s32 @p1 $0x1;
	p0 =	seq.s32 s7, s2  }
0x1e: {  	s7 =	smul.u32 @!p0 $0xF7A, s2;
	p2 =	seq.s32 @!p0 s5, $0x0  }
0x1f: {  	s9 =	smul.u32 $0xF7A, s1;
	s8 =	simm.s32 @!p0 $0x1BF5;
	p2 =	por !p2, p0  }
0x20: {  	[sflag:s8] =	ssyncset.s32 @!p0 $0xFFFFF086;
	s6 =	sadd.s32 @!p0 s3, s7;
	s7 =	simm.s32 @!p0 $0x108  }
0x21: {  	s3 =	sadd.s32 s3, s9;
	s6 =	sadd.s32 @!p0 $0x88, s6;
	s7 =	simm.s32 @p2 $0x1082  }
0x22: {  	[simem:s7], [sflag:s8] =	dma.local @!p0 [hbm:s6], $0xF7A  }
0x23: {  	s9 =	sor.u32 $0xD0000000, s2;
	s6 =	simm.s32 $0x108;
	_ =	swait.ge @!p0 [sflag:s8], $0x0  }
0x24: {  	s3 =	sadd.s32 $0x88, s3;
	s6 =	simm.s32 @!p1 $0x1082;
	[sflag:s4] =	ssyncset.s32 $0xFFFFF086  }
0x25: {  	[simem:s6], [sflag:s4] =	dma.local [hbm:s3], $0xF7A  }
0x26: {  	[smem:$0x3F86] =	sst s1;
	(tag) =	ssettag s2;
	_ =	strace s9  }
0x27: {  	s1 =	sld [smem:$0x3F96]  }
0x28: {  	s2 =	sld [smem:$0x3F97]  }
0x29: {  	s4 =	sld [smem:$0x3F99]  }
0x2a: {  	p0 =	seq.s32 s5, $0x0;
	s5 =	sld [smem:$0x3F9A]  }
0x2b: {  	s6 =	sld [smem:$0x3F9B]  }
0x2c: {  	s7 =	sld [smem:$0x3F9C]  }
0x2d: {  	s3 =	simm.s32 $0x108;
	s8 =	sld [smem:$0x3F9D]  }
0x2e: {  	s3 =	simm.s32 @!p0 $0x1082;
	s9 =	sld [smem:$0x3F9E]  }
0x2f: {  	lr =	sadd.s32 s0, s3;
	s0 =	sld [smem:$0x3F95]  }
0x30: {  	s3 =	sld [smem:$0x3F98]  }
0x31: {  	[smem:$0x3FA1] =	sst s10  }
0x32: {  	s10 =	sld [smem:$0x3F9F];
	_ =	sdelay $0x3  }
0x33: {  	p0 =	seq.s32 s10, $0x1;
	s10 =	sld [smem:$0x3FA1];
	_ =	sdelay $0x3  }
0x34: {  	[smem:$0x3FA1] =	sst s10  }
0x35: {  	s10 =	sld [smem:$0x3FA0];
	_ =	sdelay $0x3  }
0x36: {  	p1 =	seq.s32 s10, $0x1;
	s10 =	sld [smem:$0x3FA1];
	_ =	sdelay $0x3  }
0x37: {  	[smem:$0x3FA1] =	sst s10  }
0x38: {  	s10 =	sld [smem:$0x3FA2]  }
0x39: {  	_ = 	snop;
	(pc) =	sbr.ind lr, $3  }
0x3a: {  	_ = 	snop  }
0x3b: {  	_ = 	snop  }
0x3c: {  	p2 =	seq.s32 s10, $0x1;
	s10 =	sld [smem:$0x3FA1]  }
0x3d: {  	_ =	shalt  }
0x3e: {  	_ =	shalt  }
0x3f: {  	_ =	shalt  }
0x40: {  	_ =	shalt  }
0x41: {  	_ =	shalt  }
0x42: {  	_ =	shalt  }
0x43: {  	_ =	shalt  }
0x44: {  	_ =	shalt  }
0x45: {  	_ =	shalt  }
0x46: {  	_ =	shalt  }
0x47: {  	_ =	shalt  }
0x48: {  	_ =	shalt  }
0x49: {  	_ =	shalt  }
0x4a: {  	_ =	shalt  }
0x4b: {  	_ =	shalt  }
0x4c: {  	_ =	shalt  }
0x4d: {  	_ =	shalt  }
0x4e: {  	_ =	shalt  }
0x4f: {  	_ =	shalt  }
0x50: {  	_ =	shalt  }
0x51: {  	_ =	shalt  }
0x52: {  	_ =	shalt  }
0x53: {  	_ =	shalt  }
0x54: {  	_ =	shalt  }
0x55: {  	_ =	shalt  }
0x56: {  	_ =	shalt  }
0x57: {  	_ =	shalt  }
0x58: {  	_ =	shalt  }
0x59: {  	_ =	shalt  }
0x5a: {  	_ =	shalt  }
0x5b: {  	_ =	shalt  }
0x5c: {  	_ =	shalt  }
0x5d: {  	_ =	shalt  }
0x5e: {  	_ =	shalt  }
0x5f: {  	_ =	shalt  }
0x60: {  	_ =	shalt  }
0x61: {  	_ =	shalt  }
0x62: {  	_ =	shalt  }
0x63: {  	_ =	shalt  }
0x64: {  	_ =	shalt  }
0x65: {  	_ =	shalt  }
0x66: {  	_ =	shalt  }
0x67: {  	_ =	shalt  }
0x68: {  	_ =	shalt  }
0x69: {  	_ =	shalt  }
0x6a: {  	_ =	shalt  }
0x6b: {  	_ =	shalt  }
0x6c: {  	_ =	shalt  }
0x6d: {  	_ =	shalt  }
0x6e: {  	_ =	shalt  }
0x6f: {  	_ =	shalt  }
0x70: {  	_ =	shalt  }
0x71: {  	_ =	shalt  }
0x72: {  	_ =	shalt  }
0x73: {  	_ =	shalt  }
0x74: {  	_ =	shalt  }
0x75: {  	_ =	shalt  }
0x76: {  	_ =	shalt  }
0x77: {  	_ =	shalt  }
0x78: {  	_ =	shalt  }
0x79: {  	_ =	shalt  }
0x7a: {  	_ =	shalt  }
0x7b: {  	_ =	shalt  }
0x7c: {  	_ =	shalt  }
0x7d: {  	_ =	shalt  }
0x7e: {  	_ =	shalt  }
0x7f: {  	_ =	shalt  }
0x80: {  	_ =	shalt  }
0x81: {  	_ =	shalt  }
0x82: {  	_ =	shalt  }
0x83: {  	_ =	shalt  }
0x84: {  	_ =	shalt  }
0x85: {  	_ =	shalt  }
0x86: {  	_ =	shalt  }
0x87: {  	_ =	shalt  }
.Lfunc_end0:
.L_simem_size_0:
called_computation_lowered:
.L_overlay_start_0:
0x88: {  	s2 =	sld [smem:$0x3FD9]  }
0x89: {  	s3 =	sld [smem:$0x3FFE];
	_ =	sdelay $0x1  }
0x8a: {  	s1 =	srdreg.scid  }
0x8b: {  	s0 =	sand.u32 $0x1, s1  }
0x8c: {  	s17 =	sshll.u32 s0, $0xA;
	s2 =	sadd.s32 s3, s2  }
0x8d: {  	s2 =	sadd.s32 s2, s17  }
0x8e: {  	[smem:$0x3FAD] =	sst s2  }
0x8f: {  	_ = 	snop  }
0x90: {  	s2 =	sld [smem:$0x3FC3];
	(tm) =	ssettm $0x1  }
0x91: {  	s18 =	sld [smem:$0x3FFB];
	_ =	sdelay $0x3  }
0x92: {  	_ =	strace s18  }
0x93: {  	s3 =	sld [smem:$0x3FFC];
	_ =	sdelay $0x3  }
0x94: {  	_ =	strace s3  }
0x95: {  	s3 =	sld [smem:$0x3FFD];
	_ =	sdelay $0x3  }
0x96: {  	_ =	strace s3  }
0x97: {  	_ =	strace $0x8FFFFFFF  }
0x98: {  	s19 =	sld [smem:$0x3FDB];
	_ =	sdelay $0x1  }
0x99: {  	s4 =	simm.s32 $_scs_section_size  }
0x9a: {  	s5 =	simm.s32 $_size__tile_overlayer_lowered;
	s6 =	simm.s32 $_tile_overlayer_lowered  }
0x9b: {  	s22 =	simm.s32 $0x1BFF;
	s21 =	sshll.u32 s6, $0x1;
	s3 =	sadd.s32 s4, s19  }
0x9c: {  	s7 =	simm.s32 $0x0;
	s20 =	sshll.u32 s5, $0x1;
	s5 =	sadd.s32 s21, s3  }
0x9d: {  	[timem:s7], [sflag:s22] =	dma.local [hbm:s5], s20  }
0x9e: {  	_ =	swait.ge [sflag:s22], s20  }
0x9f: {  	s4 =	ssub.s32 $0x0, s20;
	[sflag:s22] =	ssyncset.done $0x0  }
0xa0: {  	[sflag:s22] =	ssyncadd.s32 s4;
	_ =	sdelay $0x1  }
0xa1: {  	s23 =	simm.s32 $0x1B8B  }
0xa2: {  	_ =	swait.ge [sflag:s23], $0x1  }
0xa3: {  	[sflag:s23] =	ssyncset.done $0x0  }
0xa4: {  	s25 =	simm.s32 $0x1B8E;
	s24 =	sld [smem:$0x3FFE];
	[sflag:s23] =	ssyncadd.s32 $0xFFFFFFFF  }
0xa5: {  	s26 =	simm.s32 $execute0_lowered;
	[smem:$0x3FD2] =	sst s25  }
0xa6: {  	s5 =	sshll.u32 s26, $0x1;
	_ =	strace $0x80000046;
	[dreg:$0x1] =	wrdreg $0xFFFFFFFF  }
0xa7: {  	s28 =	simm.s32 $_size_execute0_lowered;
	s3 =	sadd.s32 s3, s5;
	[dreg:$0x0] =	wrdreg $0x0  }
0xa8: {  	s5 =	sshll.u32 s28, $0x1;
	[dreg:$0x2] =	wrdreg s3  }
0xa9: {  	[dreg:$0x3] =	wrdreg s5  }
0xaa: {  	[dreg:$0x4] =	wrdreg $0xC0  }
0xab: {  	_ =	task [dreg:s7], $0x5FFFF  }
0xac: {  	[dreg:$0x1] =	wrdreg $0xFFFFFFFF  }
0xad: {  	[dreg:$0x0] =	wrdreg $0x60  }
0xae: {  	[dreg:$0x2] =	wrdreg s2  }
0xaf: {  	[dreg:$0x3] =	wrdreg s24  }
0xb0: {  	[dreg:$0x4] =	wrdreg $0x9  }
0xb1: {  	_ =	task.clear_ibuf [dreg:s7], $0x5FFFF;
	_ =	strace $0x90000046  }
0xb2: {  	s29 =	simm.s32 $0x9;
	_ =	strace $0x80000048  }
0xb3: {  	_ =	swait.ge [sflag:s29], $0x1  }
0xb4: {  	[sflag:s29] =	ssyncadd.s32 $0xFFFFFFFF  }
0xb5: {  	_ =	strace $0x90000048  }
0xb6: {  	_ =	sfence  }
0xb7: {  	s30 =	sld [smem:$0x0];
	_ =	sdelay $0x2  }
0xb8: {  	s31 =	sshll.u32 s1, $0xD;
	s1 =	sshrl.u32 s1, $0x2  }
0xb9: {  	s3 =	sand.u32 $0x4000, s31;
	s1 =	sadd.s32 s1, s30  }
0xba: {  	s0 =	sor.u32 s3, s0;
	s1 =	sshll.u32 s1, $0x11  }
0xbb: {  	s0 =	sor.u32 s1, s0  }
0xbc: {  	s0 =	sadd.s32 $0x8F2B, s0  }
0xbd: {  	[sflag:s0] =	ssyncadd.remote.s32 $0x1  }
0xbe: {  	_ =	sfence.sel $0xFFFF  }
0xbf: {  	[dreg:$0x0] =	wrdreg $0xFFFFFFFF;
	(pc) =	sbr.abs _section_cstart, $3  }
0xc0: {  	[dreg:$0x1] =	wrdreg $0xFFFFFFFF  }
0xc1: {  	_ =	task.clear_ibuf [dreg:s7], $0x2FFFF;
	_ =	strace $0x9FFFFFFF  }
0xc2: {  	(tm) =	ssettm $0x7FFFFFFF  }
0xc3: {  	_ =	shalt  }
tec
execute0_lowered:
.L_overlay_start_1:
0x0: {  	(tag) =	ssettag $0x1  }
0x1: {  	s2 =	rddreg [dreg:$0x0]  }
0x2: {  	s5 =	rddreg [dreg:$0x1];
	s3 =	simm.s32 $0x0  }
0x3: {  	s14 =	simm.s32 $0x12300;
	[smem:$0x7FF] =	sst s3  }
0x4: {  	s15 =	simm.s32 $0x12B00;
	_ =	strace $0x80000047;
	[dreg:$0x7] =	wrdreg s14  }
0x5: {  	s0 =	srdreg.scid;
	s16 =	simm.s32 $0x13300;
	[dreg:$0x8] =	wrdreg s15  }
0x6: {  	s1 =	stileid.u32;
	s17 =	simm.s32 $0x13B00;
	[dreg:$0x9] =	wrdreg s16  }
0x7: {  	s18 =	simm.s32 $0x14300;
	s19 =	simm.s32 $0x14B00;
	[dreg:$0xa] =	wrdreg s17  }
0x8: {  	s20 =	simm.s32 $0x15300;
	s21 =	simm.s32 $0x15B00;
	[dreg:$0xb] =	wrdreg s18  }
0x9: {  	s22 =	simm.s32 $0x16300;
	s23 =	simm.s32 $0x16B00;
	[dreg:$0xc] =	wrdreg s19  }
0xa: {  	s24 =	simm.s32 $0x17300;
	s25 =	simm.s32 $0x17B00;
	[dreg:$0xd] =	wrdreg s20  }
0xb: {  	s26 =	simm.s32 $0x180;
	s28 =	simm.s32 $0x4B00;
	[dreg:$0xe] =	wrdreg s21  }
0xc: {  	s29 =	simm.s32 $0x5300;
	s30 =	simm.s32 $0x5B00;
	[dreg:$0xf] =	wrdreg s22  }
0xd: {  	s31 =	simm.s32 $0x6300;
	s8 =	simm.s32 $0x8300;
	[dreg:$0x10] =	wrdreg s23  }
0xe: {  	s9 =	simm.s32 $0x8B00;
	s10 =	simm.s32 $0x9300;
	[dreg:$0x11] =	wrdreg s24  }
0xf: {  	s0 =	sand.u32 $0x1, s0;
	s1 =	sshll.u32 s1, $0x1;
	[dreg:$0x12] =	wrdreg s25  }
0x10: {  	s1 =	sor.u32 s0, s1;
	s0 =	ssub.s32 $0x2, s0;
	[dreg:$0x13] =	wrdreg s26  }
0x11: {  	s16 =	simm.s32 $0x1;
	s19 =	simm.s32 $0xB00;
	s20 =	simm.s32 $0x1300  }
0x12: {  	s21 =	simm.s32 $0x1B00;
	s22 =	simm.s32 $0x2300;
	s23 =	simm.s32 $0x2B00  }
0x13: {  	s24 =	simm.s32 $0x3300;
	s25 =	simm.s32 $0x3B00;
	s4 =	smul.u32 $0x30, s1  }
0x14: {  	s26 =	simm.s32 $0x4300;
	s14 =	simm.s32 $0xB300;
	s6 =	smul.u32 $0x24, s1  }
0x15: {  	s15 =	simm.s32 $0xBB00;
	s7 =	smul.u32 $0x3000, s1;
	s12 =	sshrl.u32 s0, $0x1  }
0x16: {  	s1 =	smul.u32 $0x2400, s1;
	s0 =	ssub.s32 s0, s12;
	s4 =	sadd.s32 s4, s5  }
0x17: {  	s12 =	simm.s32 $0xA300;
	s7 =	sadd.s32 s7, s5;
	s4 =	sadd.s32 $0x3A00, s4  }
0x18: {  	s6 =	sadd.s32 s6, s5;
	s11 =	sadd.s32 $0x4600, s7;
	[dreg:$0x3] =	wrdreg s4  }
0x19: {  	s1 =	sadd.s32 s1, s5;
	s13 =	sadd.s32 $0x4000, s6;
	[dreg:$0x4] =	wrdreg s11  }
0x1a: {  	v2 =	vlaneseq.u32;
	s5 =	simm.s32 $0x2;
	s1 =	sadd.s32 $0x64600, s1;
	[dreg:$0x5] =	wrdreg s13  }
0x1b: {  	vm0 =	vmmov $0xffff;
	v1 =	vshrl.u32 v2, $0x3;
	s7 =	simm.s32 $0x7B00;
	[dreg:$0x6] =	wrdreg s1;
	s4 =	smax.u32 s0, $0x1  }
0x1c: {  	v0 =	vand.u32 $0x7, v2;
	v2 =	vor.u32 $0x8, v2;
	v1 =	vmul.u32 $0x8, v1;
	s0 =	simm.s32 $0x300;
	s11 =	simm.s32 $0x9B00;
	s13 =	simm.s32 $0xAB00  }
.LBB2_1:
0x1d: {  	s17 =	rddreg [dreg:$0x3]  }
0x1e: {  	[tilespmem:s3], [sflag:$0x2] =	stream.linear.gather [hbm4b:s17+s3], $0x180, $0x38;
	[tilespmem:$0x18300] =	vst v63  }
0x1f: {  	_ =	swait.ge [sflag:s5], $0x180  }
0x20: {  	[sflag:s5] =	ssyncset.done $0x0  }
0x21: {  	[sflag:s5] =	ssyncadd.s32 $0xFFFFFE80  }
0x22: {  	v3 =	vld [tilespmem:$0x0];
	_ =	sdelay $0x4  }
0x23: {  	v4 =	vshll.u32 v3, $0x1  }
0x24: {  	v3 =	vand.u32 $0x7, v3;
	v4 =	vand.u32 $0xFFFFFFF0, v4  }
0x25: {  	v3 =	vor.u32 v3, v4  }
0x26: {  	v4 =	vperm.xlane v3, v0;
	_ =	sdelay $0x1  }
0x27: {  	v3 =	vperm.xlane v3, v2;
	v4 =	vadd.s32 v1, v4;
	_ =	sdelay $0x1  }
0x28: {  	v3 =	vadd.s32 v1, v3;
	_ =	sdelay $0x2  }
0x29: {  	[tilespmem:s0], [sflag:$0x1] =	stream.indirect_vreg.gather [hbm4b:s2+s3], $0x80, v4, vm0, $0xb8;
	[tilespmem:$0x18300] =	vst v63  }
0x2a: {  	_ = 	snop  }
0x2b: {  	[tilespmem:s19], [sflag:$0x1] =	stream.indirect_vreg.gather [hbm4b:s2+s3], $0x80, v3, vm0, $0xb8;
	[tilespmem:$0x18300] =	vst v63  }
0x2c: {  	v3 =	vld [tilespmem:$0x10];
	_ =	sdelay $0x4  }
0x2d: {  	v23 =	vshll.u32 v3, $0x1  }
0x2e: {  	v3 =	vand.u32 $0x7, v3;
	v4 =	vand.u32 $0xFFFFFFF0, v23  }
0x2f: {  	v3 =	vor.u32 v3, v4  }
0x30: {  	v4 =	vperm.xlane v3, v0;
	_ =	sdelay $0x1  }
0x31: {  	v3 =	vperm.xlane v3, v2;
	v4 =	vadd.s32 v1, v4;
	_ =	sdelay $0x1  }
0x32: {  	v3 =	vadd.s32 v1, v3;
	_ =	sdelay $0x2  }
0x33: {  	[tilespmem:s20], [sflag:$0x1] =	stream.indirect_vreg.gather [hbm4b:s2+s3], $0x80, v4, vm0, $0xb8;
	[tilespmem:$0x18300] =	vst v63  }
0x34: {  	_ = 	snop  }
0x35: {  	[tilespmem:s21], [sflag:$0x1] =	stream.indirect_vreg.gather [hbm4b:s2+s3], $0x80, v3, vm0, $0xb8;
	[tilespmem:$0x18300] =	vst v63  }
0x36: {  	v3 =	vld [tilespmem:$0x20];
	_ =	sdelay $0x4  }
0x37: {  	v24 =	vshll.u32 v3, $0x1  }
0x38: {  	v3 =	vand.u32 $0x7, v3;
	v4 =	vand.u32 $0xFFFFFFF0, v24  }
0x39: {  	v3 =	vor.u32 v3, v4  }
0x3a: {  	v4 =	vperm.xlane v3, v0;
	_ =	sdelay $0x1  }
0x3b: {  	v3 =	vperm.xlane v3, v2;
	v4 =	vadd.s32 v1, v4;
	_ =	sdelay $0x1  }
0x3c: {  	v3 =	vadd.s32 v1, v3;
	_ =	sdelay $0x2  }
0x3d: {  	[tilespmem:s22], [sflag:$0x1] =	stream.indirect_vreg.gather [hbm4b:s2+s3], $0x80, v4, vm0, $0xb8;
	[tilespmem:$0x18300] =	vst v63  }
0x3e: {  	_ = 	snop  }
0x3f: {  	[tilespmem:s23], [sflag:$0x1] =	stream.indirect_vreg.gather [hbm4b:s2+s3], $0x80, v3, vm0, $0xb8;
	[tilespmem:$0x18300] =	vst v63  }
0x40: {  	v3 =	vld [tilespmem:$0x30];
	_ =	sdelay $0x4  }
0x41: {  	v25 =	vshll.u32 v3, $0x1  }
0x42: {  	v3 =	vand.u32 $0x7, v3;
	v4 =	vand.u32 $0xFFFFFFF0, v25  }
0x43: {  	v3 =	vor.u32 v3, v4  }
0x44: {  	v4 =	vperm.xlane v3, v0;
	_ =	sdelay $0x1  }
0x45: {  	v3 =	vperm.xlane v3, v2;
	v4 =	vadd.s32 v1, v4;
	_ =	sdelay $0x1  }
0x46: {  	v3 =	vadd.s32 v1, v3;
	_ =	sdelay $0x2  }
0x47: {  	[tilespmem:s24], [sflag:$0x1] =	stream.indirect_vreg.gather [hbm4b:s2+s3], $0x80, v4, vm0, $0xb8;
	[tilespmem:$0x18300] =	vst v63  }
0x48: {  	_ = 	snop  }
0x49: {  	[tilespmem:s25], [sflag:$0x1] =	stream.indirect_vreg.gather [hbm4b:s2+s3], $0x80, v3, vm0, $0xb8;
	[tilespmem:$0x18300] =	vst v63  }
0x4a: {  	v3 =	vld [tilespmem:$0x40];
	_ =	sdelay $0x4  }
0x4b: {  	v26 =	vshll.u32 v3, $0x1  }
0x4c: {  	v3 =	vand.u32 $0x7, v3;
	v4 =	vand.u32 $0xFFFFFFF0, v26  }
0x4d: {  	v3 =	vor.u32 v3, v4  }
0x4e: {  	v4 =	vperm.xlane v3, v0;
	_ =	sdelay $0x1  }
0x4f: {  	v3 =	vperm.xlane v3, v2;
	v4 =	vadd.s32 v1, v4;
	_ =	sdelay $0x1  }
0x50: {  	v3 =	vadd.s32 v1, v3;
	_ =	sdelay $0x2  }
0x51: {  	[tilespmem:s26], [sflag:$0x1] =	stream.indirect_vreg.gather [hbm4b:s2+s3], $0x80, v4, vm0, $0xb8;
	[tilespmem:$0x18300] =	vst v63  }
0x52: {  	_ = 	snop  }
0x53: {  	[tilespmem:s28], [sflag:$0x1] =	stream.indirect_vreg.gather [hbm4b:s2+s3], $0x80, v3, vm0, $0xb8;
	[tilespmem:$0x18300] =	vst v63  }
0x54: {  	v3 =	vld [tilespmem:$0x50];
	_ =	sdelay $0x4  }
0x55: {  	v27 =	vshll.u32 v3, $0x1  }
0x56: {  	v3 =	vand.u32 $0x7, v3;
	v4 =	vand.u32 $0xFFFFFFF0, v27  }
0x57: {  	v3 =	vor.u32 v3, v4  }
0x58: {  	v4 =	vperm.xlane v3, v0;
	_ =	sdelay $0x1  }
0x59: {  	v3 =	vperm.xlane v3, v2;
	v4 =	vadd.s32 v1, v4;
	_ =	sdelay $0x1  }
0x5a: {  	v3 =	vadd.s32 v1, v3;
	_ =	sdelay $0x2  }
0x5b: {  	[tilespmem:s29], [sflag:$0x1] =	stream.indirect_vreg.gather [hbm4b:s2+s3], $0x80, v4, vm0, $0xb8;
	[tilespmem:$0x18300] =	vst v63  }
0x5c: {  	_ = 	snop  }
0x5d: {  	[tilespmem:s30], [sflag:$0x1] =	stream.indirect_vreg.gather [hbm4b:s2+s3], $0x80, v3, vm0, $0xb8;
	[tilespmem:$0x18300] =	vst v63  }
0x5e: {  	v3 =	vld [tilespmem:$0x60];
	_ =	sdelay $0x4  }
0x5f: {  	v28 =	vshll.u32 v3, $0x1  }
0x60: {  	v3 =	vand.u32 $0x7, v3;
	v4 =	vand.u32 $0xFFFFFFF0, v28  }
0x61: {  	v3 =	vor.u32 v3, v4  }
0x62: {  	v4 =	vperm.xlane v3, v0;
	_ =	sdelay $0x1  }
0x63: {  	v3 =	vperm.xlane v3, v2;
	v4 =	vadd.s32 v1, v4;
	_ =	sdelay $0x1  }
0x64: {  	v3 =	vadd.s32 v1, v3;
	_ =	sdelay $0x2  }
0x65: {  	[tilespmem:s31], [sflag:$0x1] =	stream.indirect_vreg.gather [hbm4b:s2+s3], $0x80, v4, vm0, $0xb8;
	[tilespmem:$0x18300] =	vst v63  }
0x66: {  	s1 =	simm.s32 $0x6B00  }
0x67: {  	[tilespmem:s1], [sflag:$0x1] =	stream.indirect_vreg.gather [hbm4b:s2+s3], $0x80, v3, vm0, $0xb8;
	[tilespmem:$0x18300] =	vst v63  }
0x68: {  	v3 =	vld [tilespmem:$0x70];
	_ =	sdelay $0x4  }
0x69: {  	v29 =	vshll.u32 v3, $0x1  }
0x6a: {  	v3 =	vand.u32 $0x7, v3;
	v4 =	vand.u32 $0xFFFFFFF0, v29  }
0x6b: {  	v3 =	vor.u32 v3, v4  }
0x6c: {  	v4 =	vperm.xlane v3, v0;
	_ =	sdelay $0x1  }
0x6d: {  	v3 =	vperm.xlane v3, v2;
	v4 =	vadd.s32 v1, v4;
	_ =	sdelay $0x1  }
0x6e: {  	v3 =	vadd.s32 v1, v3;
	_ =	sdelay $0x1  }
0x6f: {  	s6 =	simm.s32 $0x7300  }
0x70: {  	[tilespmem:s6], [sflag:$0x1] =	stream.indirect_vreg.gather [hbm4b:s2+s3], $0x80, v4, vm0, $0xb8;
	[tilespmem:$0x18300] =	vst v63  }
0x71: {  	_ = 	snop  }
0x72: {  	[tilespmem:s7], [sflag:$0x1] =	stream.indirect_vreg.gather [hbm4b:s2+s3], $0x80, v3, vm0, $0xb8;
	[tilespmem:$0x18300] =	vst v63  }
0x73: {  	v3 =	vld [tilespmem:$0x80];
	_ =	sdelay $0x4  }
0x74: {  	v30 =	vshll.u32 v3, $0x1  }
0x75: {  	v3 =	vand.u32 $0x7, v3;
	v4 =	vand.u32 $0xFFFFFFF0, v30  }
0x76: {  	v3 =	vor.u32 v3, v4  }
0x77: {  	v4 =	vperm.xlane v3, v0;
	_ =	sdelay $0x1  }
0x78: {  	v3 =	vperm.xlane v3, v2;
	v4 =	vadd.s32 v1, v4;
	_ =	sdelay $0x1  }
0x79: {  	v3 =	vadd.s32 v1, v3;
	_ =	sdelay $0x2  }
0x7a: {  	[tilespmem:s8], [sflag:$0x1] =	stream.indirect_vreg.gather [hbm4b:s2+s3], $0x80, v4, vm0, $0xb8;
	[tilespmem:$0x18300] =	vst v63  }
0x7b: {  	_ = 	snop  }
0x7c: {  	[tilespmem:s9], [sflag:$0x1] =	stream.indirect_vreg.gather [hbm4b:s2+s3], $0x80, v3, vm0, $0xb8;
	[tilespmem:$0x18300] =	vst v63  }
0x7d: {  	v3 =	vld [tilespmem:$0x90];
	_ =	sdelay $0x4  }
0x7e: {  	v31 =	vshll.u32 v3, $0x1  }
0x7f: {  	v3 =	vand.u32 $0x7, v3;
	v4 =	vand.u32 $0xFFFFFFF0, v31  }
0x80: {  	v3 =	vor.u32 v3, v4  }
0x81: {  	v4 =	vperm.xlane v3, v0;
	_ =	sdelay $0x1  }
0x82: {  	v3 =	vperm.xlane v3, v2;
	v4 =	vadd.s32 v1, v4;
	_ =	sdelay $0x1  }
0x83: {  	v3 =	vadd.s32 v1, v3;
	_ =	sdelay $0x2  }
0x84: {  	[tilespmem:s10], [sflag:$0x1] =	stream.indirect_vreg.gather [hbm4b:s2+s3], $0x80, v4, vm0, $0xb8;
	[tilespmem:$0x18300] =	vst v63  }
0x85: {  	_ = 	snop  }
0x86: {  	[tilespmem:s11], [sflag:$0x1] =	stream.indirect_vreg.gather [hbm4b:s2+s3], $0x80, v3, vm0, $0xb8;
	[tilespmem:$0x18300] =	vst v63  }
0x87: {  	v3 =	vld [tilespmem:$0xA0];
	_ =	sdelay $0x4  }
0x88: {  	v32 =	vshll.u32 v3, $0x1  }
0x89: {  	v3 =	vand.u32 $0x7, v3;
	v4 =	vand.u32 $0xFFFFFFF0, v32  }
0x8a: {  	v3 =	vor.u32 v3, v4  }
0x8b: {  	v4 =	vperm.xlane v3, v0;
	_ =	sdelay $0x1  }
0x8c: {  	v3 =	vperm.xlane v3, v2;
	v4 =	vadd.s32 v1, v4;
	_ =	sdelay $0x1  }
0x8d: {  	v3 =	vadd.s32 v1, v3;
	_ =	sdelay $0x2  }
0x8e: {  	[tilespmem:s12], [sflag:$0x1] =	stream.indirect_vreg.gather [hbm4b:s2+s3], $0x80, v4, vm0, $0xb8;
	[tilespmem:$0x18300] =	vst v63  }
0x8f: {  	_ = 	snop  }
0x90: {  	[tilespmem:s13], [sflag:$0x1] =	stream.indirect_vreg.gather [hbm4b:s2+s3], $0x80, v3, vm0, $0xb8;
	[tilespmem:$0x18300] =	vst v63  }
0x91: {  	v3 =	vld [tilespmem:$0xB0];
	_ =	sdelay $0x4  }
0x92: {  	v33 =	vshll.u32 v3, $0x1  }
0x93: {  	v3 =	vand.u32 $0x7, v3;
	v4 =	vand.u32 $0xFFFFFFF0, v33  }
0x94: {  	v3 =	vor.u32 v3, v4  }
0x95: {  	v4 =	vperm.xlane v3, v0;
	_ =	sdelay $0x1  }
0x96: {  	v3 =	vperm.xlane v3, v2;
	v4 =	vadd.s32 v1, v4;
	_ =	sdelay $0x1  }
0x97: {  	v3 =	vadd.s32 v1, v3;
	_ =	sdelay $0x2  }
0x98: {  	[tilespmem:s14], [sflag:$0x1] =	stream.indirect_vreg.gather [hbm4b:s2+s3], $0x80, v4, vm0, $0xb8;
	[tilespmem:$0x18300] =	vst v63  }
0x99: {  	_ = 	snop  }
0x9a: {  	[tilespmem:s15], [sflag:$0x1] =	stream.indirect_vreg.gather [hbm4b:s2+s3], $0x80, v3, vm0, $0xb8;
	[tilespmem:$0x18300] =	vst v63  }
0x9b: {  	v3 =	vld [tilespmem:$0xC0];
	_ =	sdelay $0x4  }
0x9c: {  	v34 =	vshll.u32 v3, $0x1  }
0x9d: {  	v3 =	vand.u32 $0x7, v3;
	v4 =	vand.u32 $0xFFFFFFF0, v34  }
0x9e: {  	v3 =	vor.u32 v3, v4  }
0x9f: {  	v4 =	vperm.xlane v3, v0;
	_ =	sdelay $0x1  }
0xa0: {  	v3 =	vperm.xlane v3, v2;
	v4 =	vadd.s32 v1, v4;
	_ =	sdelay $0x1  }
0xa1: {  	v3 =	vadd.s32 v1, v3;
	_ =	sdelay $0x1  }
0xa2: {  	s6 =	simm.s32 $0xC300  }
0xa3: {  	[tilespmem:s6], [sflag:$0x1] =	stream.indirect_vreg.gather [hbm4b:s2+s3], $0x80, v4, vm0, $0xb8;
	[tilespmem:$0x18300] =	vst v63  }
0xa4: {  	s18 =	simm.s32 $0xCB00  }
0xa5: {  	[tilespmem:s18], [sflag:$0x1] =	stream.indirect_vreg.gather [hbm4b:s2+s3], $0x80, v3, vm0, $0xb8;
	[tilespmem:$0x18300] =	vst v63  }
0xa6: {  	v3 =	vld [tilespmem:$0xD0];
	_ =	sdelay $0x4  }
0xa7: {  	v35 =	vshll.u32 v3, $0x1  }
0xa8: {  	v3 =	vand.u32 $0x7, v3;
	v4 =	vand.u32 $0xFFFFFFF0, v35  }
0xa9: {  	v3 =	vor.u32 v3, v4  }
0xaa: {  	v4 =	vperm.xlane v3, v0;
	_ =	sdelay $0x1  }
0xab: {  	v3 =	vperm.xlane v3, v2;
	v4 =	vadd.s32 v1, v4;
	_ =	sdelay $0x1  }
0xac: {  	v3 =	vadd.s32 v1, v3;
	_ =	sdelay $0x1  }
0xad: {  	s18 =	simm.s32 $0xD300  }
0xae: {  	[tilespmem:s18], [sflag:$0x1] =	stream.indirect_vreg.gather [hbm4b:s2+s3], $0x80, v4, vm0, $0xb8;
	[tilespmem:$0x18300] =	vst v63  }
0xaf: {  	s18 =	simm.s32 $0xDB00  }
0xb0: {  	[tilespmem:s18], [sflag:$0x1] =	stream.indirect_vreg.gather [hbm4b:s2+s3], $0x80, v3, vm0, $0xb8;
	[tilespmem:$0x18300] =	vst v63  }
0xb1: {  	v3 =	vld [tilespmem:$0xE0];
	_ =	sdelay $0x4  }
0xb2: {  	v36 =	vshll.u32 v3, $0x1  }
0xb3: {  	v3 =	vand.u32 $0x7, v3;
	v4 =	vand.u32 $0xFFFFFFF0, v36  }
0xb4: {  	v3 =	vor.u32 v3, v4  }
0xb5: {  	v4 =	vperm.xlane v3, v0;
	_ =	sdelay $0x1  }
0xb6: {  	v3 =	vperm.xlane v3, v2;
	v4 =	vadd.s32 v1, v4;
	_ =	sdelay $0x1  }
0xb7: {  	v3 =	vadd.s32 v1, v3;
	_ =	sdelay $0x1  }
0xb8: {  	s18 =	simm.s32 $0xE300  }
0xb9: {  	[tilespmem:s18], [sflag:$0x1] =	stream.indirect_vreg.gather [hbm4b:s2+s3], $0x80, v4, vm0, $0xb8;
	[tilespmem:$0x18300] =	vst v63  }
0xba: {  	s18 =	simm.s32 $0xEB00  }
0xbb: {  	[tilespmem:s18], [sflag:$0x1] =	stream.indirect_vreg.gather [hbm4b:s2+s3], $0x80, v3, vm0, $0xb8;
	[tilespmem:$0x18300] =	vst v63  }
0xbc: {  	v3 =	vld [tilespmem:$0xF0];
	_ =	sdelay $0x4  }
0xbd: {  	v37 =	vshll.u32 v3, $0x1  }
0xbe: {  	v3 =	vand.u32 $0x7, v3;
	v4 =	vand.u32 $0xFFFFFFF0, v37  }
0xbf: {  	v3 =	vor.u32 v3, v4  }
0xc0: {  	v4 =	vperm.xlane v3, v0;
	_ =	sdelay $0x1  }
0xc1: {  	v3 =	vperm.xlane v3, v2;
	v4 =	vadd.s32 v1, v4;
	_ =	sdelay $0x1  }
0xc2: {  	v3 =	vadd.s32 v1, v3;
	_ =	sdelay $0x1  }
0xc3: {  	s18 =	simm.s32 $0xF300  }
0xc4: {  	[tilespmem:s18], [sflag:$0x1] =	stream.indirect_vreg.gather [hbm4b:s2+s3], $0x80, v4, vm0, $0xb8;
	[tilespmem:$0x18300] =	vst v63  }
0xc5: {  	s18 =	simm.s32 $0xFB00  }
0xc6: {  	[tilespmem:s18], [sflag:$0x1] =	stream.indirect_vreg.gather [hbm4b:s2+s3], $0x80, v3, vm0, $0xb8;
	[tilespmem:$0x18300] =	vst v63  }
0xc7: {  	v3 =	vld [tilespmem:$0x100];
	_ =	sdelay $0x4  }
0xc8: {  	v38 =	vshll.u32 v3, $0x1  }
0xc9: {  	v3 =	vand.u32 $0x7, v3;
	v4 =	vand.u32 $0xFFFFFFF0, v38  }
0xca: {  	v3 =	vor.u32 v3, v4  }
0xcb: {  	v4 =	vperm.xlane v3, v0;
	_ =	sdelay $0x1  }
0xcc: {  	v3 =	vperm.xlane v3, v2;
	v4 =	vadd.s32 v1, v4;
	_ =	sdelay $0x1  }
0xcd: {  	v3 =	vadd.s32 v1, v3;
	_ =	sdelay $0x1  }
0xce: {  	s18 =	simm.s32 $0x10300  }
0xcf: {  	[tilespmem:s18], [sflag:$0x1] =	stream.indirect_vreg.gather [hbm4b:s2+s3], $0x80, v4, vm0, $0xb8;
	[tilespmem:$0x18300] =	vst v63  }
0xd0: {  	s18 =	simm.s32 $0x10B00  }
0xd1: {  	[tilespmem:s18], [sflag:$0x1] =	stream.indirect_vreg.gather [hbm4b:s2+s3], $0x80, v3, vm0, $0xb8;
	[tilespmem:$0x18300] =	vst v63  }
0xd2: {  	v3 =	vld [tilespmem:$0x110];
	_ =	sdelay $0x4  }
0xd3: {  	v39 =	vshll.u32 v3, $0x1  }
0xd4: {  	v3 =	vand.u32 $0x7, v3;
	v4 =	vand.u32 $0xFFFFFFF0, v39  }
0xd5: {  	v3 =	vor.u32 v3, v4  }
0xd6: {  	v4 =	vperm.xlane v3, v0;
	_ =	sdelay $0x1  }
0xd7: {  	v3 =	vperm.xlane v3, v2;
	v4 =	vadd.s32 v1, v4;
	_ =	sdelay $0x1  }
0xd8: {  	v3 =	vadd.s32 v1, v3;
	_ =	sdelay $0x1  }
0xd9: {  	s18 =	simm.s32 $0x11300  }
0xda: {  	[tilespmem:s18], [sflag:$0x1] =	stream.indirect_vreg.gather [hbm4b:s2+s3], $0x80, v4, vm0, $0xb8;
	[tilespmem:$0x18300] =	vst v63  }
0xdb: {  	s18 =	simm.s32 $0x11B00  }
0xdc: {  	[tilespmem:s18], [sflag:$0x1] =	stream.indirect_vreg.gather [hbm4b:s2+s3], $0x80, v3, vm0, $0xb8;
	[tilespmem:$0x18300] =	vst v63  }
0xdd: {  	v3 =	vld [tilespmem:$0x120];
	_ =	sdelay $0x4  }
0xde: {  	v40 =	vshll.u32 v3, $0x1  }
0xdf: {  	v3 =	vand.u32 $0x7, v3;
	v4 =	vand.u32 $0xFFFFFFF0, v40  }
0xe0: {  	v3 =	vor.u32 v3, v4  }
0xe1: {  	v4 =	vperm.xlane v3, v0;
	_ =	sdelay $0x1  }
0xe2: {  	v3 =	vperm.xlane v3, v2;
	v4 =	vadd.s32 v1, v4;
	_ =	sdelay $0x1  }
0xe3: {  	v3 =	vadd.s32 v1, v3;
	_ =	sdelay $0x1  }
0xe4: {  	s17 =	rddreg [dreg:$0x7]  }
0xe5: {  	[tilespmem:s17], [sflag:$0x1] =	stream.indirect_vreg.gather [hbm4b:s2+s3], $0x80, v4, vm0, $0xb8;
	[tilespmem:$0x18300] =	vst v63  }
0xe6: {  	s18 =	rddreg [dreg:$0x8]  }
0xe7: {  	[tilespmem:s18], [sflag:$0x1] =	stream.indirect_vreg.gather [hbm4b:s2+s3], $0x80, v3, vm0, $0xb8;
	[tilespmem:$0x18300] =	vst v63  }
0xe8: {  	v3 =	vld [tilespmem:$0x130];
	_ =	sdelay $0x4  }
0xe9: {  	v41 =	vshll.u32 v3, $0x1  }
0xea: {  	v3 =	vand.u32 $0x7, v3;
	v4 =	vand.u32 $0xFFFFFFF0, v41  }
0xeb: {  	v3 =	vor.u32 v3, v4  }
0xec: {  	v4 =	vperm.xlane v3, v0;
	_ =	sdelay $0x1  }
0xed: {  	v3 =	vperm.xlane v3, v2;
	v4 =	vadd.s32 v1, v4;
	_ =	sdelay $0x1  }
0xee: {  	v3 =	vadd.s32 v1, v3;
	_ =	sdelay $0x1  }
0xef: {  	s17 =	rddreg [dreg:$0x9]  }
0xf0: {  	[tilespmem:s17], [sflag:$0x1] =	stream.indirect_vreg.gather [hbm4b:s2+s3], $0x80, v4, vm0, $0xb8;
	[tilespmem:$0x18300] =	vst v63  }
0xf1: {  	s18 =	rddreg [dreg:$0xa]  }
0xf2: {  	[tilespmem:s18], [sflag:$0x1] =	stream.indirect_vreg.gather [hbm4b:s2+s3], $0x80, v3, vm0, $0xb8;
	[tilespmem:$0x18300] =	vst v63  }
0xf3: {  	v3 =	vld [tilespmem:$0x140];
	_ =	sdelay $0x4  }
0xf4: {  	v42 =	vshll.u32 v3, $0x1  }
0xf5: {  	v3 =	vand.u32 $0x7, v3;
	v4 =	vand.u32 $0xFFFFFFF0, v42  }
0xf6: {  	v3 =	vor.u32 v3, v4  }
0xf7: {  	v4 =	vperm.xlane v3, v0;
	_ =	sdelay $0x1  }
0xf8: {  	v3 =	vperm.xlane v3, v2;
	v4 =	vadd.s32 v1, v4;
	_ =	sdelay $0x1  }
0xf9: {  	v3 =	vadd.s32 v1, v3;
	_ =	sdelay $0x1  }
0xfa: {  	s17 =	rddreg [dreg:$0xb]  }
0xfb: {  	[tilespmem:s17], [sflag:$0x1] =	stream.indirect_vreg.gather [hbm4b:s2+s3], $0x80, v4, vm0, $0xb8;
	[tilespmem:$0x18300] =	vst v63  }
0xfc: {  	s18 =	rddreg [dreg:$0xc]  }
0xfd: {  	[tilespmem:s18], [sflag:$0x1] =	stream.indirect_vreg.gather [hbm4b:s2+s3], $0x80, v3, vm0, $0xb8;
	[tilespmem:$0x18300] =	vst v63  }
0xfe: {  	v3 =	vld [tilespmem:$0x150];
	_ =	sdelay $0x4  }
0xff: {  	v43 =	vshll.u32 v3, $0x1  }
0x100: {  	v3 =	vand.u32 $0x7, v3;
	v4 =	vand.u32 $0xFFFFFFF0, v43  }
0x101: {  	v3 =	vor.u32 v3, v4  }
0x102: {  	v4 =	vperm.xlane v3, v0;
	_ =	sdelay $0x1  }
0x103: {  	v3 =	vperm.xlane v3, v2;
	v4 =	vadd.s32 v1, v4;
	_ =	sdelay $0x1  }
0x104: {  	v3 =	vadd.s32 v1, v3;
	_ =	sdelay $0x1  }
0x105: {  	s17 =	rddreg [dreg:$0xd]  }
0x106: {  	[tilespmem:s17], [sflag:$0x1] =	stream.indirect_vreg.gather [hbm4b:s2+s3], $0x80, v4, vm0, $0xb8;
	[tilespmem:$0x18300] =	vst v63  }
0x107: {  	s18 =	rddreg [dreg:$0xe]  }
0x108: {  	[tilespmem:s18], [sflag:$0x1] =	stream.indirect_vreg.gather [hbm4b:s2+s3], $0x80, v3, vm0, $0xb8;
	[tilespmem:$0x18300] =	vst v63  }
0x109: {  	v3 =	vld [tilespmem:$0x160];
	_ =	sdelay $0x4  }
0x10a: {  	v44 =	vshll.u32 v3, $0x1  }
0x10b: {  	v3 =	vand.u32 $0x7, v3;
	v4 =	vand.u32 $0xFFFFFFF0, v44  }
0x10c: {  	v3 =	vor.u32 v3, v4  }
0x10d: {  	v4 =	vperm.xlane v3, v0;
	_ =	sdelay $0x1  }
0x10e: {  	v3 =	vperm.xlane v3, v2;
	v4 =	vadd.s32 v1, v4;
	_ =	sdelay $0x1  }
0x10f: {  	v3 =	vadd.s32 v1, v3;
	_ =	sdelay $0x1  }
0x110: {  	s17 =	rddreg [dreg:$0xf]  }
0x111: {  	[tilespmem:s17], [sflag:$0x1] =	stream.indirect_vreg.gather [hbm4b:s2+s3], $0x80, v4, vm0, $0xb8;
	[tilespmem:$0x18300] =	vst v63  }
0x112: {  	s18 =	rddreg [dreg:$0x10]  }
0x113: {  	[tilespmem:s18], [sflag:$0x1] =	stream.indirect_vreg.gather [hbm4b:s2+s3], $0x80, v3, vm0, $0xb8;
	[tilespmem:$0x18300] =	vst v63  }
0x114: {  	v3 =	vld [tilespmem:$0x170];
	_ =	sdelay $0x4  }
0x115: {  	v45 =	vshll.u32 v3, $0x1  }
0x116: {  	v3 =	vand.u32 $0x7, v3;
	v4 =	vand.u32 $0xFFFFFFF0, v45  }
0x117: {  	v3 =	vor.u32 v3, v4  }
0x118: {  	v4 =	vperm.xlane v3, v0;
	_ =	sdelay $0x1  }
0x119: {  	v3 =	vperm.xlane v3, v2;
	v4 =	vadd.s32 v1, v4;
	_ =	sdelay $0x1  }
0x11a: {  	v3 =	vadd.s32 v1, v3;
	_ =	sdelay $0x1  }
0x11b: {  	s17 =	rddreg [dreg:$0x11]  }
0x11c: {  	[tilespmem:s17], [sflag:$0x1] =	stream.indirect_vreg.gather [hbm4b:s2+s3], $0x80, v4, vm0, $0xb8;
	[tilespmem:$0x18300] =	vst v63  }
0x11d: {  	s18 =	rddreg [dreg:$0x12]  }
0x11e: {  	[tilespmem:s18], [sflag:$0x1] =	stream.indirect_vreg.gather [hbm4b:s2+s3], $0x80, v3, vm0, $0xb8;
	[tilespmem:$0x18300] =	vst v63  }
0x11f: {  	_ =	swait.ge [sflag:s16], $0x18000  }
0x120: {  	[sflag:s16] =	ssyncset.done $0x0  }
0x121: {  	s18 =	rddreg [dreg:$0x4];
	[sflag:s16] =	ssyncadd.s32 $0xFFFE8000  }
0x122: {  	[hbm4b:s18+s3] =	stream.linear.scatter [tilespmem:s0], [sflag:$0x2], $0x18000, $0x38;
	[tilespmem:$0x18300] =	vst v63  }
0x123: {  	_ =	swait.ge [sflag:s5], $0x18000  }
0x124: {  	s17 =	rddreg [dreg:$0x5];
	[sflag:s5] =	ssyncset.done $0x0  }
0x125: {  	s18 =	rddreg [dreg:$0x13];
	[sflag:s5] =	ssyncadd.s32 $0xFFFE8000  }
0x126: {  	[tilespmem:s18], [sflag:$0x2] =	stream.linear.gather [hbm4b:s17+s3], $0x120, $0x38;
	[tilespmem:$0x18300] =	vst v63  }
0x127: {  	_ =	swait.ge [sflag:s5], $0x120  }
0x128: {  	[sflag:s5] =	ssyncset.done $0x0  }
0x129: {  	[sflag:s5] =	ssyncadd.s32 $0xFFFFFEE0  }
0x12a: {  	v3 =	vld [tilespmem:$0x180];
	_ =	sdelay $0x4  }
0x12b: {  	v46 =	vshll.u32 v3, $0x1  }
0x12c: {  	v3 =	vand.u32 $0x7, v3;
	v4 =	vand.u32 $0xFFFFFFF0, v46  }
0x12d: {  	v3 =	vor.u32 v3, v4  }
0x12e: {  	v4 =	vperm.xlane v3, v0;
	_ =	sdelay $0x1  }
0x12f: {  	v3 =	vperm.xlane v3, v2;
	v4 =	vadd.s32 v1, v4;
	_ =	sdelay $0x1  }
0x130: {  	v3 =	vadd.s32 v1, v3;
	_ =	sdelay $0x2  }
0x131: {  	[tilespmem:s0], [sflag:$0x1] =	stream.indirect_vreg.gather [hbm4b:s2+s3], $0x80, v4, vm0, $0xb8;
	[tilespmem:$0x18300] =	vst v63  }
0x132: {  	_ = 	snop  }
0x133: {  	[tilespmem:s19], [sflag:$0x1] =	stream.indirect_vreg.gather [hbm4b:s2+s3], $0x80, v3, vm0, $0xb8;
	[tilespmem:$0x18300] =	vst v63  }
0x134: {  	v3 =	vld [tilespmem:$0x190];
	_ =	sdelay $0x4  }
0x135: {  	v47 =	vshll.u32 v3, $0x1  }
0x136: {  	v3 =	vand.u32 $0x7, v3;
	v4 =	vand.u32 $0xFFFFFFF0, v47  }
0x137: {  	v3 =	vor.u32 v3, v4  }
0x138: {  	v4 =	vperm.xlane v3, v0;
	_ =	sdelay $0x1  }
0x139: {  	v3 =	vperm.xlane v3, v2;
	v4 =	vadd.s32 v1, v4;
	_ =	sdelay $0x1  }
0x13a: {  	v3 =	vadd.s32 v1, v3;
	_ =	sdelay $0x2  }
0x13b: {  	[tilespmem:s20], [sflag:$0x1] =	stream.indirect_vreg.gather [hbm4b:s2+s3], $0x80, v4, vm0, $0xb8;
	[tilespmem:$0x18300] =	vst v63  }
0x13c: {  	_ = 	snop  }
0x13d: {  	[tilespmem:s21], [sflag:$0x1] =	stream.indirect_vreg.gather [hbm4b:s2+s3], $0x80, v3, vm0, $0xb8;
	[tilespmem:$0x18300] =	vst v63  }
0x13e: {  	v3 =	vld [tilespmem:$0x1A0];
	_ =	sdelay $0x4  }
0x13f: {  	v48 =	vshll.u32 v3, $0x1  }
0x140: {  	v3 =	vand.u32 $0x7, v3;
	v4 =	vand.u32 $0xFFFFFFF0, v48  }
0x141: {  	v3 =	vor.u32 v3, v4  }
0x142: {  	v4 =	vperm.xlane v3, v0;
	_ =	sdelay $0x1  }
0x143: {  	v3 =	vperm.xlane v3, v2;
	v4 =	vadd.s32 v1, v4;
	_ =	sdelay $0x1  }
0x144: {  	v3 =	vadd.s32 v1, v3;
	_ =	sdelay $0x2  }
0x145: {  	[tilespmem:s22], [sflag:$0x1] =	stream.indirect_vreg.gather [hbm4b:s2+s3], $0x80, v4, vm0, $0xb8;
	[tilespmem:$0x18300] =	vst v63  }
0x146: {  	_ = 	snop  }
0x147: {  	[tilespmem:s23], [sflag:$0x1] =	stream.indirect_vreg.gather [hbm4b:s2+s3], $0x80, v3, vm0, $0xb8;
	[tilespmem:$0x18300] =	vst v63  }
0x148: {  	v3 =	vld [tilespmem:$0x1B0];
	_ =	sdelay $0x4  }
0x149: {  	v49 =	vshll.u32 v3, $0x1  }
0x14a: {  	v3 =	vand.u32 $0x7, v3;
	v4 =	vand.u32 $0xFFFFFFF0, v49  }
0x14b: {  	v3 =	vor.u32 v3, v4  }
0x14c: {  	v4 =	vperm.xlane v3, v0;
	_ =	sdelay $0x1  }
0x14d: {  	v3 =	vperm.xlane v3, v2;
	v4 =	vadd.s32 v1, v4;
	_ =	sdelay $0x1  }
0x14e: {  	v3 =	vadd.s32 v1, v3;
	_ =	sdelay $0x2  }
0x14f: {  	[tilespmem:s24], [sflag:$0x1] =	stream.indirect_vreg.gather [hbm4b:s2+s3], $0x80, v4, vm0, $0xb8;
	[tilespmem:$0x18300] =	vst v63  }
0x150: {  	_ = 	snop  }
0x151: {  	[tilespmem:s25], [sflag:$0x1] =	stream.indirect_vreg.gather [hbm4b:s2+s3], $0x80, v3, vm0, $0xb8;
	[tilespmem:$0x18300] =	vst v63  }
0x152: {  	v3 =	vld [tilespmem:$0x1C0];
	_ =	sdelay $0x4  }
0x153: {  	v50 =	vshll.u32 v3, $0x1  }
0x154: {  	v3 =	vand.u32 $0x7, v3;
	v4 =	vand.u32 $0xFFFFFFF0, v50  }
0x155: {  	v3 =	vor.u32 v3, v4  }
0x156: {  	v4 =	vperm.xlane v3, v0;
	_ =	sdelay $0x1  }
0x157: {  	v3 =	vperm.xlane v3, v2;
	v4 =	vadd.s32 v1, v4;
	_ =	sdelay $0x1  }
0x158: {  	v3 =	vadd.s32 v1, v3;
	_ =	sdelay $0x2  }
0x159: {  	[tilespmem:s26], [sflag:$0x1] =	stream.indirect_vreg.gather [hbm4b:s2+s3], $0x80, v4, vm0, $0xb8;
	[tilespmem:$0x18300] =	vst v63  }
0x15a: {  	_ = 	snop  }
0x15b: {  	[tilespmem:s28], [sflag:$0x1] =	stream.indirect_vreg.gather [hbm4b:s2+s3], $0x80, v3, vm0, $0xb8;
	[tilespmem:$0x18300] =	vst v63  }
0x15c: {  	v3 =	vld [tilespmem:$0x1D0];
	_ =	sdelay $0x4  }
0x15d: {  	v51 =	vshll.u32 v3, $0x1  }
0x15e: {  	v3 =	vand.u32 $0x7, v3;
	v4 =	vand.u32 $0xFFFFFFF0, v51  }
0x15f: {  	v3 =	vor.u32 v3, v4  }
0x160: {  	v4 =	vperm.xlane v3, v0;
	_ =	sdelay $0x1  }
0x161: {  	v3 =	vperm.xlane v3, v2;
	v4 =	vadd.s32 v1, v4;
	_ =	sdelay $0x1  }
0x162: {  	v3 =	vadd.s32 v1, v3;
	_ =	sdelay $0x2  }
0x163: {  	[tilespmem:s29], [sflag:$0x1] =	stream.indirect_vreg.gather [hbm4b:s2+s3], $0x80, v4, vm0, $0xb8;
	[tilespmem:$0x18300] =	vst v63  }
0x164: {  	_ = 	snop  }
0x165: {  	[tilespmem:s30], [sflag:$0x1] =	stream.indirect_vreg.gather [hbm4b:s2+s3], $0x80, v3, vm0, $0xb8;
	[tilespmem:$0x18300] =	vst v63  }
0x166: {  	v3 =	vld [tilespmem:$0x1E0];
	_ =	sdelay $0x4  }
0x167: {  	v52 =	vshll.u32 v3, $0x1  }
0x168: {  	v3 =	vand.u32 $0x7, v3;
	v4 =	vand.u32 $0xFFFFFFF0, v52  }
0x169: {  	v3 =	vor.u32 v3, v4  }
0x16a: {  	v4 =	vperm.xlane v3, v0;
	_ =	sdelay $0x1  }
0x16b: {  	v3 =	vperm.xlane v3, v2;
	v4 =	vadd.s32 v1, v4;
	_ =	sdelay $0x1  }
0x16c: {  	v3 =	vadd.s32 v1, v3;
	_ =	sdelay $0x2  }
0x16d: {  	[tilespmem:s31], [sflag:$0x1] =	stream.indirect_vreg.gather [hbm4b:s2+s3], $0x80, v4, vm0, $0xb8;
	[tilespmem:$0x18300] =	vst v63  }
0x16e: {  	_ = 	snop  }
0x16f: {  	[tilespmem:s1], [sflag:$0x1] =	stream.indirect_vreg.gather [hbm4b:s2+s3], $0x80, v3, vm0, $0xb8;
	[tilespmem:$0x18300] =	vst v63  }
0x170: {  	v3 =	vld [tilespmem:$0x1F0];
	_ =	sdelay $0x4  }
0x171: {  	v53 =	vshll.u32 v3, $0x1  }
0x172: {  	v3 =	vand.u32 $0x7, v3;
	v4 =	vand.u32 $0xFFFFFFF0, v53  }
0x173: {  	v3 =	vor.u32 v3, v4  }
0x174: {  	v4 =	vperm.xlane v3, v0;
	_ =	sdelay $0x1  }
0x175: {  	v3 =	vperm.xlane v3, v2;
	v4 =	vadd.s32 v1, v4;
	_ =	sdelay $0x1  }
0x176: {  	v3 =	vadd.s32 v1, v3;
	_ =	sdelay $0x1  }
0x177: {  	s18 =	simm.s32 $0x7300  }
0x178: {  	[tilespmem:s18], [sflag:$0x1] =	stream.indirect_vreg.gather [hbm4b:s2+s3], $0x80, v4, vm0, $0xb8;
	[tilespmem:$0x18300] =	vst v63  }
0x179: {  	_ = 	snop  }
0x17a: {  	[tilespmem:s7], [sflag:$0x1] =	stream.indirect_vreg.gather [hbm4b:s2+s3], $0x80, v3, vm0, $0xb8;
	[tilespmem:$0x18300] =	vst v63  }
0x17b: {  	v3 =	vld [tilespmem:$0x200];
	_ =	sdelay $0x4  }
0x17c: {  	v54 =	vshll.u32 v3, $0x1  }
0x17d: {  	v3 =	vand.u32 $0x7, v3;
	v4 =	vand.u32 $0xFFFFFFF0, v54  }
0x17e: {  	v3 =	vor.u32 v3, v4  }
0x17f: {  	v4 =	vperm.xlane v3, v0;
	_ =	sdelay $0x1  }
0x180: {  	v3 =	vperm.xlane v3, v2;
	v4 =	vadd.s32 v1, v4;
	_ =	sdelay $0x1  }
0x181: {  	v3 =	vadd.s32 v1, v3;
	_ =	sdelay $0x2  }
0x182: {  	[tilespmem:s8], [sflag:$0x1] =	stream.indirect_vreg.gather [hbm4b:s2+s3], $0x80, v4, vm0, $0xb8;
	[tilespmem:$0x18300] =	vst v63  }
0x183: {  	_ = 	snop  }
0x184: {  	[tilespmem:s9], [sflag:$0x1] =	stream.indirect_vreg.gather [hbm4b:s2+s3], $0x80, v3, vm0, $0xb8;
	[tilespmem:$0x18300] =	vst v63  }
0x185: {  	v3 =	vld [tilespmem:$0x210];
	_ =	sdelay $0x4  }
0x186: {  	v55 =	vshll.u32 v3, $0x1  }
0x187: {  	v3 =	vand.u32 $0x7, v3;
	v4 =	vand.u32 $0xFFFFFFF0, v55  }
0x188: {  	v3 =	vor.u32 v3, v4  }
0x189: {  	v4 =	vperm.xlane v3, v0;
	_ =	sdelay $0x1  }
0x18a: {  	v3 =	vperm.xlane v3, v2;
	v4 =	vadd.s32 v1, v4;
	_ =	sdelay $0x1  }
0x18b: {  	v3 =	vadd.s32 v1, v3;
	_ =	sdelay $0x2  }
0x18c: {  	[tilespmem:s10], [sflag:$0x1] =	stream.indirect_vreg.gather [hbm4b:s2+s3], $0x80, v4, vm0, $0xb8;
	[tilespmem:$0x18300] =	vst v63  }
0x18d: {  	_ = 	snop  }
0x18e: {  	[tilespmem:s11], [sflag:$0x1] =	stream.indirect_vreg.gather [hbm4b:s2+s3], $0x80, v3, vm0, $0xb8;
	[tilespmem:$0x18300] =	vst v63  }
0x18f: {  	v3 =	vld [tilespmem:$0x220];
	_ =	sdelay $0x4  }
0x190: {  	v56 =	vshll.u32 v3, $0x1  }
0x191: {  	v3 =	vand.u32 $0x7, v3;
	v4 =	vand.u32 $0xFFFFFFF0, v56  }
0x192: {  	v3 =	vor.u32 v3, v4  }
0x193: {  	v4 =	vperm.xlane v3, v0;
	_ =	sdelay $0x1  }
0x194: {  	v3 =	vperm.xlane v3, v2;
	v4 =	vadd.s32 v1, v4;
	_ =	sdelay $0x1  }
0x195: {  	v3 =	vadd.s32 v1, v3;
	_ =	sdelay $0x2  }
0x196: {  	[tilespmem:s12], [sflag:$0x1] =	stream.indirect_vreg.gather [hbm4b:s2+s3], $0x80, v4, vm0, $0xb8;
	[tilespmem:$0x18300] =	vst v63  }
0x197: {  	_ = 	snop  }
0x198: {  	[tilespmem:s13], [sflag:$0x1] =	stream.indirect_vreg.gather [hbm4b:s2+s3], $0x80, v3, vm0, $0xb8;
	[tilespmem:$0x18300] =	vst v63  }
0x199: {  	v3 =	vld [tilespmem:$0x230];
	_ =	sdelay $0x4  }
0x19a: {  	v57 =	vshll.u32 v3, $0x1  }
0x19b: {  	v3 =	vand.u32 $0x7, v3;
	v4 =	vand.u32 $0xFFFFFFF0, v57  }
0x19c: {  	v3 =	vor.u32 v3, v4  }
0x19d: {  	v4 =	vperm.xlane v3, v0;
	_ =	sdelay $0x1  }
0x19e: {  	v3 =	vperm.xlane v3, v2;
	v4 =	vadd.s32 v1, v4;
	_ =	sdelay $0x1  }
0x19f: {  	v3 =	vadd.s32 v1, v3;
	_ =	sdelay $0x2  }
0x1a0: {  	[tilespmem:s14], [sflag:$0x1] =	stream.indirect_vreg.gather [hbm4b:s2+s3], $0x80, v4, vm0, $0xb8;
	[tilespmem:$0x18300] =	vst v63  }
0x1a1: {  	_ = 	snop  }
0x1a2: {  	[tilespmem:s15], [sflag:$0x1] =	stream.indirect_vreg.gather [hbm4b:s2+s3], $0x80, v3, vm0, $0xb8;
	[tilespmem:$0x18300] =	vst v63  }
0x1a3: {  	v3 =	vld [tilespmem:$0x240];
	_ =	sdelay $0x4  }
0x1a4: {  	v58 =	vshll.u32 v3, $0x1  }
0x1a5: {  	v3 =	vand.u32 $0x7, v3;
	v4 =	vand.u32 $0xFFFFFFF0, v58  }
0x1a6: {  	v3 =	vor.u32 v3, v4  }
0x1a7: {  	v4 =	vperm.xlane v3, v0;
	_ =	sdelay $0x1  }
0x1a8: {  	v3 =	vperm.xlane v3, v2;
	v4 =	vadd.s32 v1, v4;
	_ =	sdelay $0x1  }
0x1a9: {  	v3 =	vadd.s32 v1, v3;
	_ =	sdelay $0x2  }
0x1aa: {  	[tilespmem:s6], [sflag:$0x1] =	stream.indirect_vreg.gather [hbm4b:s2+s3], $0x80, v4, vm0, $0xb8;
	[tilespmem:$0x18300] =	vst v63  }
0x1ab: {  	s6 =	simm.s32 $0xCB00  }
0x1ac: {  	[tilespmem:s6], [sflag:$0x1] =	stream.indirect_vreg.gather [hbm4b:s2+s3], $0x80, v3, vm0, $0xb8;
	[tilespmem:$0x18300] =	vst v63  }
0x1ad: {  	v3 =	vld [tilespmem:$0x250];
	_ =	sdelay $0x4  }
0x1ae: {  	v59 =	vshll.u32 v3, $0x1  }
0x1af: {  	v3 =	vand.u32 $0x7, v3;
	v4 =	vand.u32 $0xFFFFFFF0, v59  }
0x1b0: {  	v3 =	vor.u32 v3, v4  }
0x1b1: {  	v4 =	vperm.xlane v3, v0;
	_ =	sdelay $0x1  }
0x1b2: {  	v3 =	vperm.xlane v3, v2;
	v4 =	vadd.s32 v1, v4;
	_ =	sdelay $0x1  }
0x1b3: {  	v3 =	vadd.s32 v1, v3;
	_ =	sdelay $0x1  }
0x1b4: {  	s17 =	simm.s32 $0xD300  }
0x1b5: {  	[tilespmem:s17], [sflag:$0x1] =	stream.indirect_vreg.gather [hbm4b:s2+s3], $0x80, v4, vm0, $0xb8;
	[tilespmem:$0x18300] =	vst v63  }
0x1b6: {  	s18 =	simm.s32 $0xDB00  }
0x1b7: {  	[tilespmem:s18], [sflag:$0x1] =	stream.indirect_vreg.gather [hbm4b:s2+s3], $0x80, v3, vm0, $0xb8;
	[tilespmem:$0x18300] =	vst v63  }
0x1b8: {  	v3 =	vld [tilespmem:$0x260];
	_ =	sdelay $0x4  }
0x1b9: {  	v60 =	vshll.u32 v3, $0x1  }
0x1ba: {  	v3 =	vand.u32 $0x7, v3;
	v4 =	vand.u32 $0xFFFFFFF0, v60  }
0x1bb: {  	v3 =	vor.u32 v3, v4  }
0x1bc: {  	v4 =	vperm.xlane v3, v0;
	_ =	sdelay $0x1  }
0x1bd: {  	v3 =	vperm.xlane v3, v2;
	v4 =	vadd.s32 v1, v4;
	_ =	sdelay $0x1  }
0x1be: {  	v3 =	vadd.s32 v1, v3;
	_ =	sdelay $0x1  }
0x1bf: {  	s6 =	simm.s32 $0xE300  }
0x1c0: {  	[tilespmem:s6], [sflag:$0x1] =	stream.indirect_vreg.gather [hbm4b:s2+s3], $0x80, v4, vm0, $0xb8;
	[tilespmem:$0x18300] =	vst v63  }
0x1c1: {  	s17 =	simm.s32 $0xEB00  }
0x1c2: {  	[tilespmem:s17], [sflag:$0x1] =	stream.indirect_vreg.gather [hbm4b:s2+s3], $0x80, v3, vm0, $0xb8;
	[tilespmem:$0x18300] =	vst v63  }
0x1c3: {  	v3 =	vld [tilespmem:$0x270];
	_ =	sdelay $0x4  }
0x1c4: {  	v61 =	vshll.u32 v3, $0x1  }
0x1c5: {  	v3 =	vand.u32 $0x7, v3;
	v4 =	vand.u32 $0xFFFFFFF0, v61  }
0x1c6: {  	v3 =	vor.u32 v3, v4  }
0x1c7: {  	v4 =	vperm.xlane v3, v0;
	_ =	sdelay $0x1  }
0x1c8: {  	v3 =	vperm.xlane v3, v2;
	v4 =	vadd.s32 v1, v4;
	_ =	sdelay $0x1  }
0x1c9: {  	v3 =	vadd.s32 v1, v3;
	_ =	sdelay $0x1  }
0x1ca: {  	s18 =	simm.s32 $0xF300  }
0x1cb: {  	[tilespmem:s18], [sflag:$0x1] =	stream.indirect_vreg.gather [hbm4b:s2+s3], $0x80, v4, vm0, $0xb8;
	[tilespmem:$0x18300] =	vst v63  }
0x1cc: {  	s6 =	simm.s32 $0xFB00  }
0x1cd: {  	[tilespmem:s6], [sflag:$0x1] =	stream.indirect_vreg.gather [hbm4b:s2+s3], $0x80, v3, vm0, $0xb8;
	[tilespmem:$0x18300] =	vst v63  }
0x1ce: {  	v3 =	vld [tilespmem:$0x280];
	_ =	sdelay $0x4  }
0x1cf: {  	v62 =	vshll.u32 v3, $0x1  }
0x1d0: {  	v3 =	vand.u32 $0x7, v3;
	v4 =	vand.u32 $0xFFFFFFF0, v62  }
0x1d1: {  	v3 =	vor.u32 v3, v4  }
0x1d2: {  	v4 =	vperm.xlane v3, v0;
	_ =	sdelay $0x1  }
0x1d3: {  	v3 =	vperm.xlane v3, v2;
	v4 =	vadd.s32 v1, v4;
	_ =	sdelay $0x1  }
0x1d4: {  	v3 =	vadd.s32 v1, v3;
	_ =	sdelay $0x1  }
0x1d5: {  	s17 =	simm.s32 $0x10300  }
0x1d6: {  	[tilespmem:s17], [sflag:$0x1] =	stream.indirect_vreg.gather [hbm4b:s2+s3], $0x80, v4, vm0, $0xb8;
	[tilespmem:$0x18300] =	vst v63  }
0x1d7: {  	s18 =	simm.s32 $0x10B00  }
0x1d8: {  	[tilespmem:s18], [sflag:$0x1] =	stream.indirect_vreg.gather [hbm4b:s2+s3], $0x80, v3, vm0, $0xb8;
	[tilespmem:$0x18300] =	vst v63  }
0x1d9: {  	v3 =	vld [tilespmem:$0x290];
	_ =	sdelay $0x4  }
0x1da: {  	v63 =	vshll.u32 v3, $0x1  }
0x1db: {  	v3 =	vand.u32 $0x7, v3;
	v4 =	vand.u32 $0xFFFFFFF0, v63  }
0x1dc: {  	v3 =	vor.u32 v3, v4  }
0x1dd: {  	v4 =	vperm.xlane v3, v0;
	_ =	sdelay $0x1  }
0x1de: {  	v3 =	vperm.xlane v3, v2;
	v4 =	vadd.s32 v1, v4;
	_ =	sdelay $0x1  }
0x1df: {  	v3 =	vadd.s32 v1, v3;
	_ =	sdelay $0x1  }
0x1e0: {  	s6 =	simm.s32 $0x11300  }
0x1e1: {  	[tilespmem:s6], [sflag:$0x1] =	stream.indirect_vreg.gather [hbm4b:s2+s3], $0x80, v4, vm0, $0xb8;
	[tilespmem:$0x18300] =	vst v63  }
0x1e2: {  	s17 =	simm.s32 $0x11B00  }
0x1e3: {  	[tilespmem:s17], [sflag:$0x1] =	stream.indirect_vreg.gather [hbm4b:s2+s3], $0x80, v3, vm0, $0xb8;
	[tilespmem:$0x18300] =	vst v63  }
0x1e4: {  	_ =	swait.ge [sflag:s16], $0x12000  }
0x1e5: {  	p0 =	sne.s32 s4, $0x1;
	[sflag:s16] =	ssyncset.done $0x0  }
.Ltmp0:
0x1e6: {  	s18 =	rddreg [dreg:$0x6];
	[sflag:s16] =	ssyncadd.s32 $0xFFFEE000;
	(pc) =	sbr.rel @p0 .LBB2_1-.Ltmp0, $4  }
0x1e7: {  	[hbm4b:s18+s3] =	stream.linear.scatter [tilespmem:s0], [sflag:$0x2], $0x12000, $0x38;
	[tilespmem:$0x18300] =	vst v63  }
0x1e8: {  	_ =	swait.ge [sflag:s5], $0x12000  }
0x1e9: {  	[sflag:s5] =	ssyncset.done $0x0  }
0x1ea: {  	s4 =	sadd.s32 $0xFFFFFFFF, s4;
	[sflag:s5] =	ssyncadd.s32 $0xFFFEE000  }
0x1eb: {  	_ =	sfence.sel $0x180000  }
0x1ec: {  	[bflag:$0x0] =	sbarrier.arrive $0xFFFF  }
0x1ed: {  	_ =	strace $0x90000047  }
0x1ee: {  	s0 =	stileid.u32;
	[bflag:$0x2] =	sbarrier.arrive $0xFFFF  }
0x1ef: {  	p0 =	sne.s32 s0, $0x0;
	s0 =	rddreg [dreg:$0x2]  }
0x1f0: {  	s0 =	sadd.s32 @!p0 $0x100000, s0  }
0x1f1: {  	[sflag:s0] =	ssyncadd.tile.s32 @!p0 $0x1;
	_ =	shalt  }
.Lfunc_end2:
_tile_overlayer_lowered:
.L_overlay_start_2:
0x1f2: {  	(tag) =	ssettag $0x2  }
0x1f3: {  	s0 =	rddreg [dreg:$0x0];
	s2 =	stileid.u32  }
0x1f4: {  	s1 =	rddreg [dreg:$0x1];
	p0 =	sne.s32 s2, $0x0  }
0x1f5: {  	s3 =	rddreg [dreg:$0x2];
	[bflag:$0x3] =	sbarrier.arrive $0xFFFF;
	s2 =	simm.s32 @!p0 $0x1C02  }
0x1f6: {  	[timem:s3], [sflag:s2] =	dma.local @!p0 [hbm:s0], s1  }
0x1f7: {  	s0 =	simm.s32 @!p0 $0x2  }
0x1f8: {  	_ =	swait.ge @!p0 [sflag:s0], s1  }
0x1f9: {  	s1 =	ssub.s32 @!p0 $0x0, s1;
	[sflag:s0] =	ssyncset.done @!p0 $0x0  }
0x1fa: {  	[sflag:s0] =	ssyncadd.s32 @!p0 s1  }
0x1fb: {  	[bflag:$0x3] =	sbarrier.arrive $0xFFFF  }
0x1fc: {  	_ =	shalt  }

</sc_bundles>
